<compile_context>
chip_gen: v7x
topology: tpu7x:2x2x1
jax: 0.10.2.dev20260603
libtpu: 0.0.44.dev20260713+nightly
codegen_flags: <defaults>
</compile_context>

<pallas_src>
import functools

import jax
import jax.numpy as jnp
from jax import lax
from jax.experimental import pallas as pl
from jax.experimental.pallas import tpu as pltpu
from jax.experimental.pallas import tpu_sc as plsc

N = 320000
D = 128
S = 10000
NC = 2
NS = 16
L = 16

COLS = D // NC
BLK = 128
NBLK = N // BLK
BPT = NBLK // NS
CH = 256
NCH = 78
SEG_PT = S // NS
SEG_CH = 125
NSEG_CH = SEG_PT // SEG_CH
SH = 640


def _body(x_hbm, b2d_hbm, lg_hbm, out_hbm,
          sums_sh, cnt2_sh,
          xbuf, gbuf, idxbuf, hbuf, idrows, cbuf, lgbuf,
          sx0, sx1, si0, si1, so0, so1, sg0, sg1, sc0, sc1):
  c = lax.axis_index("c")
  s = lax.axis_index("s")
  col0 = c * COLS
  base_blk = s * BPT + jnp.minimum(s, 4)
  sx = (sx0, sx1)
  si = (si0, si1)
  so = (so0, so1)
  sg = (sg0, sg1)
  sc = (sc0, sc1)

  pltpu.sync_copy(lg_hbm, lgbuf)
  lamb_v = lgbuf[pl.ds(0, L)]
  gamma_v = lgbuf[pl.ds(L, L)]

  one_v = jnp.full((L,), 1.0, dtype=jnp.float32)
  zero_v = jnp.zeros((L,), dtype=jnp.float32)
  iota_v = lax.iota(jnp.int32, L)

  def init_row(i, carry):
    for cg in range(COLS // L):
      xbuf[0, i, pl.ds(cg * L, L)] = zero_v
    return carry
  lax.fori_loop(0, SEG_CH, init_row, 0)

  def init_hist(i, carry):
    hbuf[i, pl.ds(0, L)] = zero_v
    return carry
  lax.fori_loop(0, SH, init_hist, 0)

  for j in range(SH // BLK):
    for g in range(BLK // L):
      idrows[j, pl.ds(g * L, L)] = j * BLK + g * L + iota_v

  for k in range(NSEG_CH):
    s0 = s * SEG_PT + k * SEG_CH
    pltpu.sync_copy(xbuf.at[0, pl.ds(0, SEG_CH)], sums_sh.at[pl.ds(s0, SEG_CH)])
  pltpu.sync_copy(xbuf.at[0, pl.ds(0, SH // NS), pl.ds(0, L)],
                  cnt2_sh.at[pl.ds(s * (SH // NS), SH // NS)])
  plsc.subcore_barrier()

  def chunk_row0(i):
    return (base_blk + 2 * i) * BLK

  def x_copy(i, b):
    return pltpu.make_async_copy(
        x_hbm.at[pl.ds(chunk_row0(i), CH), pl.ds(col0, COLS)],
        xbuf.at[b], sx[b])

  def idx_copy(i, b):
    return pltpu.make_async_copy(
        b2d_hbm.at[pl.ds(base_blk + 2 * i, CH // BLK)], idxbuf.at[b], si[b])

  def start_scatters(b):
    for j in range(CH // BLK):
      pltpu.async_copy(xbuf.at[b, pl.ds(j * BLK, BLK)],
                       sums_sh.at[idxbuf.at[b, j]], sc[b], add=True)

  def wait_scatters(b):
    for j in range(CH // BLK):
      pltpu.make_async_copy(xbuf.at[b, pl.ds(j * BLK, BLK)],
                            sums_sh.at[idxbuf.at[b, j]], sc[b]).wait()

  def hist_accumulate(b):
    for j in range(CH // BLK):
      for g in range(BLK // L):
        iv = idxbuf[b, j, pl.ds(g * L, L)]
        plsc.addupdate_scatter(
            hbuf, [lax.shift_right_logical(iv, 4), iv & 15], one_v)

  def start_gathers(b):
    for j in range(CH // BLK):
      pltpu.async_copy(sums_sh.at[idxbuf.at[b, j]],
                       gbuf.at[b, pl.ds(j * BLK, BLK)], sg[b])

  def wait_gathers(b):
    for j in range(CH // BLK):
      pltpu.make_async_copy(sums_sh.at[idxbuf.at[b, j]],
                            gbuf.at[b, pl.ds(j * BLK, BLK)], sg[b]).wait()

  def store_copy(i, b):
    return pltpu.make_async_copy(
        gbuf.at[b],
        out_hbm.at[pl.ds(chunk_row0(i), CH), pl.ds(col0, COLS)], so[b])

  x_copy(0, 0).start()
  idx_copy(0, 0).start()

  def body_a(i, b):
    @pl.when(i >= 1)
    def _():
      wait_scatters(1 - b)
    @pl.when(i + 1 < NCH)
    def _():
      x_copy(i + 1, 1 - b).start()
      idx_copy(i + 1, 1 - b).start()
    x_copy(i, b).wait()
    idx_copy(i, b).wait()
    start_scatters(b)
    hist_accumulate(b)

  def outer_a(k, carry):
    for b in range(2):
      body_a(2 * k + b, b)
    return carry
  lax.fori_loop(0, NCH // 2, outer_a, 0)
  wait_scatters(1)

  @pl.when(s < 4)
  def _():
    row0 = (base_blk + 2 * NCH) * BLK
    pltpu.sync_copy(x_hbm.at[pl.ds(row0, BLK), pl.ds(col0, COLS)],
                    xbuf.at[0, pl.ds(0, BLK)])
    pltpu.sync_copy(b2d_hbm.at[pl.ds(base_blk + 2 * NCH, 1)],
                    idxbuf.at[0, pl.ds(0, 1)])
    pltpu.sync_copy(xbuf.at[0, pl.ds(0, BLK)],
                    sums_sh.at[idxbuf.at[0, 0]], add=True)
    for g in range(BLK // L):
      iv = idxbuf[0, 0, pl.ds(g * L, L)]
      plsc.addupdate_scatter(
          hbuf, [lax.shift_right_logical(iv, 4), iv & 15], one_v)

  for j in range(SH // BLK):
    pltpu.sync_copy(hbuf.at[pl.ds(j * BLK, BLK)],
                    cnt2_sh.at[idrows.at[j]], add=True)
  plsc.subcore_barrier()

  r0 = (SEG_PT * s) // L
  pltpu.sync_copy(cnt2_sh.at[pl.ds(r0, SEG_PT // L + 1)], cbuf)
  for k in range(NSEG_CH):
    s0 = s * SEG_PT + k * SEG_CH
    pltpu.sync_copy(sums_sh.at[pl.ds(s0, SEG_CH)], xbuf.at[0, pl.ds(0, SEG_CH)])

    def seg_row(r, carry):
      flat = s + k * SEG_CH + r
      cnt_row = cbuf[lax.shift_right_logical(flat, 4), pl.ds(0, L)]
      lane = jnp.full((L,), flat & 15, dtype=jnp.int32)
      cnt = cnt_row.at[lane].get(mode="promise_in_bounds")
      scale = gamma_v / jnp.maximum(cnt, 1.0)
      for cg in range(COLS // L):
        gbuf[0, r, pl.ds(cg * L, L)] = xbuf[0, r, pl.ds(cg * L, L)] * scale
      return carry
    lax.fori_loop(0, SEG_CH, seg_row, 0)
    pltpu.sync_copy(gbuf.at[0, pl.ds(0, SEG_CH)], sums_sh.at[pl.ds(s0, SEG_CH)])
  plsc.subcore_barrier()

  def elemwise(b, nrows):
    @plsc.parallel_loop(0, nrows, step=1, unroll=2)
    def row_fn(r):
      for cg in range(COLS // L):
        dsl = pl.ds(cg * L, L)
        gbuf[b, r, dsl] = jnp.maximum(
            lamb_v * xbuf[b, r, dsl] + gbuf[b, r, dsl], 0.0)

  x_copy(0, 0).start()
  idx_copy(0, 0).start()
  idx_copy(0, 0).wait()
  start_gathers(0)

  def body_c(i, b):
    @pl.when(i + 1 < NCH)
    def _():
      x_copy(i + 1, 1 - b).start()
      idx_copy(i + 1, 1 - b).start()
    x_copy(i, b).wait()
    wait_gathers(b)
    elemwise(b, CH)
    store_copy(i, b).start()
    @pl.when(i + 1 < NCH)
    def _():
      idx_copy(i + 1, 1 - b).wait()
      @pl.when(i >= 1)
      def _():
        store_copy(0, 1 - b).wait()
      start_gathers(1 - b)

  def outer_c(k, carry):
    for b in range(2):
      body_c(2 * k + b, b)
    return carry
  lax.fori_loop(0, NCH // 2, outer_c, 0)
  store_copy(0, 0).wait()
  store_copy(0, 1).wait()

  @pl.when(s < 4)
  def _():
    row0 = (base_blk + 2 * NCH) * BLK
    pltpu.sync_copy(x_hbm.at[pl.ds(row0, BLK), pl.ds(col0, COLS)],
                    xbuf.at[0, pl.ds(0, BLK)])
    pltpu.sync_copy(b2d_hbm.at[pl.ds(base_blk + 2 * NCH, 1)],
                    idxbuf.at[0, pl.ds(0, 1)])
    pltpu.sync_copy(sums_sh.at[idxbuf.at[0, 0]], gbuf.at[0, pl.ds(0, BLK)])
    elemwise(0, BLK)
    pltpu.sync_copy(gbuf.at[0, pl.ds(0, BLK)],
                    out_hbm.at[pl.ds(row0, BLK), pl.ds(col0, COLS)])


@functools.partial(
    pl.kernel,
    out_type=jax.ShapeDtypeStruct((N, D), jnp.float32),
    mesh=plsc.VectorSubcoreMesh(core_axis_name="c", subcore_axis_name="s",
                                num_cores=NC, num_subcores=NS),
    scratch_types=[
        pltpu.VMEM_SHARED((S, COLS), jnp.float32),
        pltpu.VMEM_SHARED((SH, L), jnp.float32),
        pltpu.VMEM((2, CH, COLS), jnp.float32),
        pltpu.VMEM((2, CH, COLS), jnp.float32),
        pltpu.VMEM((2, CH // BLK, BLK), jnp.int32),
        pltpu.VMEM((SH, L), jnp.float32),
        pltpu.VMEM((SH // BLK, BLK), jnp.int32),
        pltpu.VMEM((SEG_PT // L + 1, L), jnp.float32),
        pltpu.VMEM((2 * L,), jnp.float32),
        pltpu.SemaphoreType.DMA,
        pltpu.SemaphoreType.DMA,
        pltpu.SemaphoreType.DMA,
        pltpu.SemaphoreType.DMA,
        pltpu.SemaphoreType.DMA,
        pltpu.SemaphoreType.DMA,
        pltpu.SemaphoreType.DMA,
        pltpu.SemaphoreType.DMA,
        pltpu.SemaphoreType.DMA,
        pltpu.SemaphoreType.DMA,
    ],
    compiler_params=pltpu.CompilerParams(use_tc_tiling_on_sc=False,
                                         needs_layout_passes=False),
)
def _equivariant_sc(x_hbm, b2d_hbm, lg_hbm, out_hbm, *scratch):
  _body(x_hbm, b2d_hbm, lg_hbm, out_hbm, *scratch)


def kernel(x, batch, lamb, gamma):
  batch = batch.astype(jnp.int32)
  b2d = batch.reshape(NBLK, BLK)
  lg = jnp.concatenate([
      jnp.broadcast_to(lamb.astype(jnp.float32).reshape(()), (L,)),
      jnp.broadcast_to(gamma.astype(jnp.float32).reshape(()), (L,)),
  ])
  return _equivariant_sc(x, b2d, lg)

# --- scband reference (transcript-rebuilt; emitter-appended) ---
"""Pipeline reference for scband-equivariant-layer-9938554323121 (READ-ONLY COPY).

The authoritative reference and input builder live on the scoring server;
editing this copy changes nothing except your own understanding.
"""

import jax, jax.numpy as jnp
import numpy as np

N = 320000
D = 128
NUM_SEGMENTS = 10000

def setup_inputs(seed: int = 0) -> dict:
    key = jax.random.key(seed)
    k1, k2 = jax.random.split(key)
    x = jax.random.normal(k1, (N, D), dtype=jnp.float32)
    batch = jnp.sort(jax.random.randint(k2, (N,), 0, NUM_SEGMENTS, dtype=jnp.int64))
    lamb = jnp.ones((1,), dtype=jnp.float32)
    gamma = jnp.zeros((1,), dtype=jnp.float32)
    return {"x": x, "batch": batch, "lamb": lamb, "gamma": gamma}

def reference(x, batch, lamb, gamma):
    # mean pool over segments
    sums = jax.ops.segment_sum(x, batch, num_segments=NUM_SEGMENTS)
    counts = jax.ops.segment_sum(jnp.ones((x.shape[0],), dtype=x.dtype), batch, num_segments=NUM_SEGMENTS)
    pooled = sums / jnp.maximum(counts, 1.0)[:, None]
    # broadcast pooled back to elements via gather (index_select)
    gathered = jnp.take(pooled, batch, axis=0)
    out = jax.nn.relu(lamb * x + gamma * gathered)
    return out

if __name__ == "__main__":
    import jax
    _d = setup_inputs()
    print(jax.jit(kernel)(*tuple(_d.values())))

</pallas_src>

<mosaic_0001>
#map = affine_map<(d0, d1) -> (0, 0)>
#map1 = affine_map<(d0, d1) -> (0)>
module attributes {stable_mosaic.version = 14 : i64} {
  func.func @_equivariant_sc(%arg0: i32, %arg1: i32, %arg2: memref<320000x128xf32, #tpu.memory_space<hbm>>, %arg3: memref<2500x128xi32, #tpu.memory_space<hbm>>, %arg4: memref<32xf32, #tpu.memory_space<hbm>>, %arg5: memref<320000x128xf32, #tpu.memory_space<hbm>>, %arg6: memref<10000x64xf32, #tpu.memory_space<vmem_shared>>, %arg7: memref<640x16xf32, #tpu.memory_space<vmem_shared>>, %arg8: memref<2x256x64xf32, #tpu.memory_space<vmem>>, %arg9: memref<2x256x64xf32, #tpu.memory_space<vmem>>, %arg10: memref<2x2x128xi32, #tpu.memory_space<vmem>>, %arg11: memref<640x16xf32, #tpu.memory_space<vmem>>, %arg12: memref<5x128xi32, #tpu.memory_space<vmem>>, %arg13: memref<40x16xf32, #tpu.memory_space<vmem>>, %arg14: memref<32xf32, #tpu.memory_space<vmem>>, %arg15: memref<!tpu.dma_semaphore, #tpu.memory_space<semaphore_mem>>, %arg16: memref<!tpu.dma_semaphore, #tpu.memory_space<semaphore_mem>>, %arg17: memref<!tpu.dma_semaphore, #tpu.memory_space<semaphore_mem>>, %arg18: memref<!tpu.dma_semaphore, #tpu.memory_space<semaphore_mem>>, %arg19: memref<!tpu.dma_semaphore, #tpu.memory_space<semaphore_mem>>, %arg20: memref<!tpu.dma_semaphore, #tpu.memory_space<semaphore_mem>>, %arg21: memref<!tpu.dma_semaphore, #tpu.memory_space<semaphore_mem>>, %arg22: memref<!tpu.dma_semaphore, #tpu.memory_space<semaphore_mem>>, %arg23: memref<!tpu.dma_semaphore, #tpu.memory_space<semaphore_mem>>, %arg24: memref<!tpu.dma_semaphore, #tpu.memory_space<semaphore_mem>>) attributes {dimension_semantics = [#tpu.dimension_semantics<core_parallel>, #tpu.dimension_semantics<subcore_parallel>], iteration_bounds = array<i64: 2, 16>, scalar_prefetch = 0 : i64, scratch_operands = 19 : i64, tpu.core_type = #tpu.core_type<sc_vector_subcore>, window_params = [{transform_indices = #map}, {transform_indices = #map}, {transform_indices = #map1}, {transform_indices = #map}]} {
    %mul3A = arith.constant 64 : i32
    %mul3A_0 = arith.muli %arg0, %mul3A : i32
    %mul3A_1 = arith.constant 156 : i32
    %mul3A_2 = arith.muli %arg1, %mul3A_1 : i32
    %min3A = arith.constant 4 : i32
    %min3A_3 = arith.minsi %arg1, %min3A : i32
    %add3A = arith.addi %mul3A_2, %min3A_3 : i32
    "tpu.region"() ({
      %run_scoped3A_586 = tpu.sem_alloc : memref<!tpu.dma_semaphore, #tpu.memory_space<semaphore_mem>>
      tpu.enqueue_dma source(%arg4 : memref<32xf32, #tpu.memory_space<hbm>>) target(%arg14 : memref<32xf32, #tpu.memory_space<vmem>>) target_semaphore(%run_scoped3A_586 : memref<!tpu.dma_semaphore, #tpu.memory_space<semaphore_mem>>)
      tpu.wait_dma2 semaphore(%run_scoped3A_586 : memref<!tpu.dma_semaphore, #tpu.memory_space<semaphore_mem>>) src(%arg4 : memref<32xf32, #tpu.memory_space<hbm>>) dst(%arg14 : memref<32xf32, #tpu.memory_space<vmem>>)
      tpu.yield
    }) : () -> ()
    %get3A = arith.constant 0 : index
    %get3A_4 = tpu.vector_load %arg14[%get3A] {strides = array<i32>} : memref<32xf32, #tpu.memory_space<vmem>>, vector<16xf32>,
    %get3A_5 = arith.constant 16 : index
    %get3A_6 = tpu.vector_load %arg14[%get3A_5] {strides = array<i32>} : memref<32xf32, #tpu.memory_space<vmem>>, vector<16xf32>,
    %broadcast_in_dim3A = arith.constant 1.000000e+00 : f32
    %broadcast_in_dim3A_7 = vector.broadcast %broadcast_in_dim3A : f32 to vector<16xf32>
    %broadcast_in_dim3A_8 = arith.constant 0.000000e+00 : f32
    %broadcast_in_dim3A_9 = vector.broadcast %broadcast_in_dim3A_8 : f32 to vector<16xf32>
    %iota3A = tpu.iota {dimensions = array<i32: 0>} : vector<16xi32>
    %scan3A = arith.constant 0 : i32
    %scan3A_10 = arith.constant 0 : i32
    %scan3A_11 = arith.constant 125 : i32
    %scan3A_12 = arith.addi %scan3A_10, %scan3A_11 : i32
    %scan3A_13 = arith.constant 1 : i32
    scf.for %scan3A_586 = %scan3A_10 to %scan3A_12 step %scan3A_13  : i32 {
      %swap3A_587 = arith.constant 0 : i32
      %swap3A_588 = arith.index_cast %swap3A_587 : i32 to index
      %swap3A_589 = arith.index_cast %scan3A_586 : i32 to index
      %swap3A_590 = arith.constant 0 : index
      %swap3A_591 = tpu.vector_load %arg8[%swap3A_588, %swap3A_589, %swap3A_590] {strides = array<i32>} : memref<2x256x64xf32, #tpu.memory_space<vmem>>, vector<16xf32>,
      tpu.vector_store %arg8[%swap3A_588, %swap3A_589, %swap3A_590], %broadcast_in_dim3A_9 {strides = array<i32>} : memref<2x256x64xf32, #tpu.memory_space<vmem>>, vector<16xf32>,
      %swap3A_592 = arith.constant 0 : i32
      %swap3A_593 = arith.index_cast %swap3A_592 : i32 to index
      %swap3A_594 = arith.index_cast %scan3A_586 : i32 to index
      %swap3A_595 = arith.constant 16 : index
      %swap3A_596 = tpu.vector_load %arg8[%swap3A_593, %swap3A_594, %swap3A_595] {strides = array<i32>} : memref<2x256x64xf32, #tpu.memory_space<vmem>>, vector<16xf32>,
      tpu.vector_store %arg8[%swap3A_593, %swap3A_594, %swap3A_595], %broadcast_in_dim3A_9 {strides = array<i32>} : memref<2x256x64xf32, #tpu.memory_space<vmem>>, vector<16xf32>,
      %swap3A_597 = arith.constant 0 : i32
      %swap3A_598 = arith.index_cast %swap3A_597 : i32 to index
      %swap3A_599 = arith.index_cast %scan3A_586 : i32 to index
      %swap3A_600 = arith.constant 32 : index
      %swap3A_601 = tpu.vector_load %arg8[%swap3A_598, %swap3A_599, %swap3A_600] {strides = array<i32>} : memref<2x256x64xf32, #tpu.memory_space<vmem>>, vector<16xf32>,
      tpu.vector_store %arg8[%swap3A_598, %swap3A_599, %swap3A_600], %broadcast_in_dim3A_9 {strides = array<i32>} : memref<2x256x64xf32, #tpu.memory_space<vmem>>, vector<16xf32>,
      %swap3A_602 = arith.constant 0 : i32
      %swap3A_603 = arith.index_cast %swap3A_602 : i32 to index
      %swap3A_604 = arith.index_cast %scan3A_586 : i32 to index
      %swap3A_605 = arith.constant 48 : index
      %swap3A_606 = tpu.vector_load %arg8[%swap3A_603, %swap3A_604, %swap3A_605] {strides = array<i32>} : memref<2x256x64xf32, #tpu.memory_space<vmem>>, vector<16xf32>,
      tpu.vector_store %arg8[%swap3A_603, %swap3A_604, %swap3A_605], %broadcast_in_dim3A_9 {strides = array<i32>} : memref<2x256x64xf32, #tpu.memory_space<vmem>>, vector<16xf32>,
    }
    %scan3A_14 = arith.constant 125 : i32
    %scan3A_15 = arith.constant 0 : i32
    %scan3A_16 = arith.constant 0 : i32
    %scan3A_17 = arith.constant 640 : i32
    %scan3A_18 = arith.addi %scan3A_16, %scan3A_17 : i32
    %scan3A_19 = arith.constant 1 : i32
    scf.for %scan3A_586 = %scan3A_16 to %scan3A_18 step %scan3A_19  : i32 {
      %swap3A_587 = arith.index_cast %scan3A_586 : i32 to index
      %swap3A_588 = arith.constant 0 : index
      %swap3A_589 = tpu.vector_load %arg11[%swap3A_587, %swap3A_588] {strides = array<i32>} : memref<640x16xf32, #tpu.memory_space<vmem>>, vector<16xf32>,
      tpu.vector_store %arg11[%swap3A_587, %swap3A_588], %broadcast_in_dim3A_9 {strides = array<i32>} : memref<640x16xf32, #tpu.memory_space<vmem>>, vector<16xf32>,
    }
    %scan3A_20 = arith.constant 640 : i32
    %add3A_21 = arith.constant 0 : i32
    %add3A_22 = vector.broadcast %add3A_21 : i32 to vector<16xi32>
    %add3A_23 = arith.addi %add3A_22, %iota3A : vector<16xi32>
    %swap3A = arith.constant 0 : i32
    %swap3A_24 = arith.index_cast %swap3A : i32 to index
    %swap3A_25 = arith.constant 0 : index
    %swap3A_26 = tpu.vector_load %arg12[%swap3A_24, %swap3A_25] {strides = array<i32>} : memref<5x128xi32, #tpu.memory_space<vmem>>, vector<16xi32>,
    tpu.vector_store %arg12[%swap3A_24, %swap3A_25], %add3A_23 {strides = array<i32>} : memref<5x128xi32, #tpu.memory_space<vmem>>, vector<16xi32>,
    %add3A_27 = arith.constant 16 : i32
    %add3A_28 = vector.broadcast %add3A_27 : i32 to vector<16xi32>
    %add3A_29 = arith.addi %add3A_28, %iota3A : vector<16xi32>
    %swap3A_30 = arith.constant 0 : i32
    %swap3A_31 = arith.index_cast %swap3A_30 : i32 to index
    %swap3A_32 = arith.constant 16 : index
    %swap3A_33 = tpu.vector_load %arg12[%swap3A_31, %swap3A_32] {strides = array<i32>} : memref<5x128xi32, #tpu.memory_space<vmem>>, vector<16xi32>,
    tpu.vector_store %arg12[%swap3A_31, %swap3A_32], %add3A_29 {strides = array<i32>} : memref<5x128xi32, #tpu.memory_space<vmem>>, vector<16xi32>,
    %add3A_34 = arith.constant 32 : i32
    %add3A_35 = vector.broadcast %add3A_34 : i32 to vector<16xi32>
    %add3A_36 = arith.addi %add3A_35, %iota3A : vector<16xi32>
    %swap3A_37 = arith.constant 0 : i32
    %swap3A_38 = arith.index_cast %swap3A_37 : i32 to index
    %swap3A_39 = arith.constant 32 : index
    %swap3A_40 = tpu.vector_load %arg12[%swap3A_38, %swap3A_39] {strides = array<i32>} : memref<5x128xi32, #tpu.memory_space<vmem>>, vector<16xi32>,
    tpu.vector_store %arg12[%swap3A_38, %swap3A_39], %add3A_36 {strides = array<i32>} : memref<5x128xi32, #tpu.memory_space<vmem>>, vector<16xi32>,
    %add3A_41 = arith.constant 48 : i32
    %add3A_42 = vector.broadcast %add3A_41 : i32 to vector<16xi32>
    %add3A_43 = arith.addi %add3A_42, %iota3A : vector<16xi32>
    %swap3A_44 = arith.constant 0 : i32
    %swap3A_45 = arith.index_cast %swap3A_44 : i32 to index
    %swap3A_46 = arith.constant 48 : index
    %swap3A_47 = tpu.vector_load %arg12[%swap3A_45, %swap3A_46] {strides = array<i32>} : memref<5x128xi32, #tpu.memory_space<vmem>>, vector<16xi32>,
    tpu.vector_store %arg12[%swap3A_45, %swap3A_46], %add3A_43 {strides = array<i32>} : memref<5x128xi32, #tpu.memory_space<vmem>>, vector<16xi32>,
    %add3A_48 = arith.constant 64 : i32
    %add3A_49 = vector.broadcast %add3A_48 : i32 to vector<16xi32>
    %add3A_50 = arith.addi %add3A_49, %iota3A : vector<16xi32>
    %swap3A_51 = arith.constant 0 : i32
    %swap3A_52 = arith.index_cast %swap3A_51 : i32 to index
    %swap3A_53 = arith.constant 64 : index
    %swap3A_54 = tpu.vector_load %arg12[%swap3A_52, %swap3A_53] {strides = array<i32>} : memref<5x128xi32, #tpu.memory_space<vmem>>, vector<16xi32>,
    tpu.vector_store %arg12[%swap3A_52, %swap3A_53], %add3A_50 {strides = array<i32>} : memref<5x128xi32, #tpu.memory_space<vmem>>, vector<16xi32>,
    %add3A_55 = arith.constant 80 : i32
    %add3A_56 = vector.broadcast %add3A_55 : i32 to vector<16xi32>
    %add3A_57 = arith.addi %add3A_56, %iota3A : vector<16xi32>
    %swap3A_58 = arith.constant 0 : i32
    %swap3A_59 = arith.index_cast %swap3A_58 : i32 to index
    %swap3A_60 = arith.constant 80 : index
    %swap3A_61 = tpu.vector_load %arg12[%swap3A_59, %swap3A_60] {strides = array<i32>} : memref<5x128xi32, #tpu.memory_space<vmem>>, vector<16xi32>,
    tpu.vector_store %arg12[%swap3A_59, %swap3A_60], %add3A_57 {strides = array<i32>} : memref<5x128xi32, #tpu.memory_space<vmem>>, vector<16xi32>,
    %add3A_62 = arith.constant 96 : i32
    %add3A_63 = vector.broadcast %add3A_62 : i32 to vector<16xi32>
    %add3A_64 = arith.addi %add3A_63, %iota3A : vector<16xi32>
    %swap3A_65 = arith.constant 0 : i32
    %swap3A_66 = arith.index_cast %swap3A_65 : i32 to index
    %swap3A_67 = arith.constant 96 : index
    %swap3A_68 = tpu.vector_load %arg12[%swap3A_66, %swap3A_67] {strides = array<i32>} : memref<5x128xi32, #tpu.memory_space<vmem>>, vector<16xi32>,
    tpu.vector_store %arg12[%swap3A_66, %swap3A_67], %add3A_64 {strides = array<i32>} : memref<5x128xi32, #tpu.memory_space<vmem>>, vector<16xi32>,
    %add3A_69 = arith.constant 112 : i32
    %add3A_70 = vector.broadcast %add3A_69 : i32 to vector<16xi32>
    %add3A_71 = arith.addi %add3A_70, %iota3A : vector<16xi32>
    %swap3A_72 = arith.constant 0 : i32
    %swap3A_73 = arith.index_cast %swap3A_72 : i32 to index
    %swap3A_74 = arith.constant 112 : index
    %swap3A_75 = tpu.vector_load %arg12[%swap3A_73, %swap3A_74] {strides = array<i32>} : memref<5x128xi32, #tpu.memory_space<vmem>>, vector<16xi32>,
    tpu.vector_store %arg12[%swap3A_73, %swap3A_74], %add3A_71 {strides = array<i32>} : memref<5x128xi32, #tpu.memory_space<vmem>>, vector<16xi32>,
    %add3A_76 = arith.constant 128 : i32
    %add3A_77 = vector.broadcast %add3A_76 : i32 to vector<16xi32>
    %add3A_78 = arith.addi %add3A_77, %iota3A : vector<16xi32>
    %swap3A_79 = arith.constant 1 : i32
    %swap3A_80 = arith.index_cast %swap3A_79 : i32 to index
    %swap3A_81 = arith.constant 0 : index
    %swap3A_82 = tpu.vector_load %arg12[%swap3A_80, %swap3A_81] {strides = array<i32>} : memref<5x128xi32, #tpu.memory_space<vmem>>, vector<16xi32>,
    tpu.vector_store %arg12[%swap3A_80, %swap3A_81], %add3A_78 {strides = array<i32>} : memref<5x128xi32, #tpu.memory_space<vmem>>, vector<16xi32>,
    %add3A_83 = arith.constant 144 : i32
    %add3A_84 = vector.broadcast %add3A_83 : i32 to vector<16xi32>
    %add3A_85 = arith.addi %add3A_84, %iota3A : vector<16xi32>
    %swap3A_86 = arith.constant 1 : i32
    %swap3A_87 = arith.index_cast %swap3A_86 : i32 to index
    %swap3A_88 = arith.constant 16 : index
    %swap3A_89 = tpu.vector_load %arg12[%swap3A_87, %swap3A_88] {strides = array<i32>} : memref<5x128xi32, #tpu.memory_space<vmem>>, vector<16xi32>,
    tpu.vector_store %arg12[%swap3A_87, %swap3A_88], %add3A_85 {strides = array<i32>} : memref<5x128xi32, #tpu.memory_space<vmem>>, vector<16xi32>,
    %add3A_90 = arith.constant 160 : i32
    %add3A_91 = vector.broadcast %add3A_90 : i32 to vector<16xi32>
    %add3A_92 = arith.addi %add3A_91, %iota3A : vector<16xi32>
    %swap3A_93 = arith.constant 1 : i32
    %swap3A_94 = arith.index_cast %swap3A_93 : i32 to index
    %swap3A_95 = arith.constant 32 : index
    %swap3A_96 = tpu.vector_load %arg12[%swap3A_94, %swap3A_95] {strides = array<i32>} : memref<5x128xi32, #tpu.memory_space<vmem>>, vector<16xi32>,
    tpu.vector_store %arg12[%swap3A_94, %swap3A_95], %add3A_92 {strides = array<i32>} : memref<5x128xi32, #tpu.memory_space<vmem>>, vector<16xi32>,
    %add3A_97 = arith.constant 176 : i32
    %add3A_98 = vector.broadcast %add3A_97 : i32 to vector<16xi32>
    %add3A_99 = arith.addi %add3A_98, %iota3A : vector<16xi32>
    %swap3A_100 = arith.constant 1 : i32
    %swap3A_101 = arith.index_cast %swap3A_100 : i32 to index
    %swap3A_102 = arith.constant 48 : index
    %swap3A_103 = tpu.vector_load %arg12[%swap3A_101, %swap3A_102] {strides = array<i32>} : memref<5x128xi32, #tpu.memory_space<vmem>>, vector<16xi32>,
    tpu.vector_store %arg12[%swap3A_101, %swap3A_102], %add3A_99 {strides = array<i32>} : memref<5x128xi32, #tpu.memory_space<vmem>>, vector<16xi32>,
    %add3A_104 = arith.constant 192 : i32
    %add3A_105 = vector.broadcast %add3A_104 : i32 to vector<16xi32>
    %add3A_106 = arith.addi %add3A_105, %iota3A : vector<16xi32>
    %swap3A_107 = arith.constant 1 : i32
    %swap3A_108 = arith.index_cast %swap3A_107 : i32 to index
    %swap3A_109 = arith.constant 64 : index
    %swap3A_110 = tpu.vector_load %arg12[%swap3A_108, %swap3A_109] {strides = array<i32>} : memref<5x128xi32, #tpu.memory_space<vmem>>, vector<16xi32>,
    tpu.vector_store %arg12[%swap3A_108, %swap3A_109], %add3A_106 {strides = array<i32>} : memref<5x128xi32, #tpu.memory_space<vmem>>, vector<16xi32>,
    %add3A_111 = arith.constant 208 : i32
    %add3A_112 = vector.broadcast %add3A_111 : i32 to vector<16xi32>
    %add3A_113 = arith.addi %add3A_112, %iota3A : vector<16xi32>
    %swap3A_114 = arith.constant 1 : i32
    %swap3A_115 = arith.index_cast %swap3A_114 : i32 to index
    %swap3A_116 = arith.constant 80 : index
    %swap3A_117 = tpu.vector_load %arg12[%swap3A_115, %swap3A_116] {strides = array<i32>} : memref<5x128xi32, #tpu.memory_space<vmem>>, vector<16xi32>,
    tpu.vector_store %arg12[%swap3A_115, %swap3A_116], %add3A_113 {strides = array<i32>} : memref<5x128xi32, #tpu.memory_space<vmem>>, vector<16xi32>,
    %add3A_118 = arith.constant 224 : i32
    %add3A_119 = vector.broadcast %add3A_118 : i32 to vector<16xi32>
    %add3A_120 = arith.addi %add3A_119, %iota3A : vector<16xi32>
    %swap3A_121 = arith.constant 1 : i32
    %swap3A_122 = arith.index_cast %swap3A_121 : i32 to index
    %swap3A_123 = arith.constant 96 : index
    %swap3A_124 = tpu.vector_load %arg12[%swap3A_122, %swap3A_123] {strides = array<i32>} : memref<5x128xi32, #tpu.memory_space<vmem>>, vector<16xi32>,
    tpu.vector_store %arg12[%swap3A_122, %swap3A_123], %add3A_120 {strides = array<i32>} : memref<5x128xi32, #tpu.memory_space<vmem>>, vector<16xi32>,
    %add3A_125 = arith.constant 240 : i32
    %add3A_126 = vector.broadcast %add3A_125 : i32 to vector<16xi32>
    %add3A_127 = arith.addi %add3A_126, %iota3A : vector<16xi32>
    %swap3A_128 = arith.constant 1 : i32
    %swap3A_129 = arith.index_cast %swap3A_128 : i32 to index
    %swap3A_130 = arith.constant 112 : index
    %swap3A_131 = tpu.vector_load %arg12[%swap3A_129, %swap3A_130] {strides = array<i32>} : memref<5x128xi32, #tpu.memory_space<vmem>>, vector<16xi32>,
    tpu.vector_store %arg12[%swap3A_129, %swap3A_130], %add3A_127 {strides = array<i32>} : memref<5x128xi32, #tpu.memory_space<vmem>>, vector<16xi32>,
    %add3A_132 = arith.constant 256 : i32
    %add3A_133 = vector.broadcast %add3A_132 : i32 to vector<16xi32>
    %add3A_134 = arith.addi %add3A_133, %iota3A : vector<16xi32>
    %swap3A_135 = arith.constant 2 : i32
    %swap3A_136 = arith.index_cast %swap3A_135 : i32 to index
    %swap3A_137 = arith.constant 0 : index
    %swap3A_138 = tpu.vector_load %arg12[%swap3A_136, %swap3A_137] {strides = array<i32>} : memref<5x128xi32, #tpu.memory_space<vmem>>, vector<16xi32>,
    tpu.vector_store %arg12[%swap3A_136, %swap3A_137], %add3A_134 {strides = array<i32>} : memref<5x128xi32, #tpu.memory_space<vmem>>, vector<16xi32>,
    %add3A_139 = arith.constant 272 : i32
    %add3A_140 = vector.broadcast %add3A_139 : i32 to vector<16xi32>
    %add3A_141 = arith.addi %add3A_140, %iota3A : vector<16xi32>
    %swap3A_142 = arith.constant 2 : i32
    %swap3A_143 = arith.index_cast %swap3A_142 : i32 to index
    %swap3A_144 = arith.constant 16 : index
    %swap3A_145 = tpu.vector_load %arg12[%swap3A_143, %swap3A_144] {strides = array<i32>} : memref<5x128xi32, #tpu.memory_space<vmem>>, vector<16xi32>,
    tpu.vector_store %arg12[%swap3A_143, %swap3A_144], %add3A_141 {strides = array<i32>} : memref<5x128xi32, #tpu.memory_space<vmem>>, vector<16xi32>,
    %add3A_146 = arith.constant 288 : i32
    %add3A_147 = vector.broadcast %add3A_146 : i32 to vector<16xi32>
    %add3A_148 = arith.addi %add3A_147, %iota3A : vector<16xi32>
    %swap3A_149 = arith.constant 2 : i32
    %swap3A_150 = arith.index_cast %swap3A_149 : i32 to index
    %swap3A_151 = arith.constant 32 : index
    %swap3A_152 = tpu.vector_load %arg12[%swap3A_150, %swap3A_151] {strides = array<i32>} : memref<5x128xi32, #tpu.memory_space<vmem>>, vector<16xi32>,
    tpu.vector_store %arg12[%swap3A_150, %swap3A_151], %add3A_148 {strides = array<i32>} : memref<5x128xi32, #tpu.memory_space<vmem>>, vector<16xi32>,
    %add3A_153 = arith.constant 304 : i32
    %add3A_154 = vector.broadcast %add3A_153 : i32 to vector<16xi32>
    %add3A_155 = arith.addi %add3A_154, %iota3A : vector<16xi32>
    %swap3A_156 = arith.constant 2 : i32
    %swap3A_157 = arith.index_cast %swap3A_156 : i32 to index
    %swap3A_158 = arith.constant 48 : index
    %swap3A_159 = tpu.vector_load %arg12[%swap3A_157, %swap3A_158] {strides = array<i32>} : memref<5x128xi32, #tpu.memory_space<vmem>>, vector<16xi32>,
    tpu.vector_store %arg12[%swap3A_157, %swap3A_158], %add3A_155 {strides = array<i32>} : memref<5x128xi32, #tpu.memory_space<vmem>>, vector<16xi32>,
    %add3A_160 = arith.constant 320 : i32
    %add3A_161 = vector.broadcast %add3A_160 : i32 to vector<16xi32>
    %add3A_162 = arith.addi %add3A_161, %iota3A : vector<16xi32>
    %swap3A_163 = arith.constant 2 : i32
    %swap3A_164 = arith.index_cast %swap3A_163 : i32 to index
    %swap3A_165 = arith.constant 64 : index
    %swap3A_166 = tpu.vector_load %arg12[%swap3A_164, %swap3A_165] {strides = array<i32>} : memref<5x128xi32, #tpu.memory_space<vmem>>, vector<16xi32>,
    tpu.vector_store %arg12[%swap3A_164, %swap3A_165], %add3A_162 {strides = array<i32>} : memref<5x128xi32, #tpu.memory_space<vmem>>, vector<16xi32>,
    %add3A_167 = arith.constant 336 : i32
    %add3A_168 = vector.broadcast %add3A_167 : i32 to vector<16xi32>
    %add3A_169 = arith.addi %add3A_168, %iota3A : vector<16xi32>
    %swap3A_170 = arith.constant 2 : i32
    %swap3A_171 = arith.index_cast %swap3A_170 : i32 to index
    %swap3A_172 = arith.constant 80 : index
    %swap3A_173 = tpu.vector_load %arg12[%swap3A_171, %swap3A_172] {strides = array<i32>} : memref<5x128xi32, #tpu.memory_space<vmem>>, vector<16xi32>,
    tpu.vector_store %arg12[%swap3A_171, %swap3A_172], %add3A_169 {strides = array<i32>} : memref<5x128xi32, #tpu.memory_space<vmem>>, vector<16xi32>,
    %add3A_174 = arith.constant 352 : i32
    %add3A_175 = vector.broadcast %add3A_174 : i32 to vector<16xi32>
    %add3A_176 = arith.addi %add3A_175, %iota3A : vector<16xi32>
    %swap3A_177 = arith.constant 2 : i32
    %swap3A_178 = arith.index_cast %swap3A_177 : i32 to index
    %swap3A_179 = arith.constant 96 : index
    %swap3A_180 = tpu.vector_load %arg12[%swap3A_178, %swap3A_179] {strides = array<i32>} : memref<5x128xi32, #tpu.memory_space<vmem>>, vector<16xi32>,
    tpu.vector_store %arg12[%swap3A_178, %swap3A_179], %add3A_176 {strides = array<i32>} : memref<5x128xi32, #tpu.memory_space<vmem>>, vector<16xi32>,
    %add3A_181 = arith.constant 368 : i32
    %add3A_182 = vector.broadcast %add3A_181 : i32 to vector<16xi32>
    %add3A_183 = arith.addi %add3A_182, %iota3A : vector<16xi32>
    %swap3A_184 = arith.constant 2 : i32
    %swap3A_185 = arith.index_cast %swap3A_184 : i32 to index
    %swap3A_186 = arith.constant 112 : index
    %swap3A_187 = tpu.vector_load %arg12[%swap3A_185, %swap3A_186] {strides = array<i32>} : memref<5x128xi32, #tpu.memory_space<vmem>>, vector<16xi32>,
    tpu.vector_store %arg12[%swap3A_185, %swap3A_186], %add3A_183 {strides = array<i32>} : memref<5x128xi32, #tpu.memory_space<vmem>>, vector<16xi32>,
    %add3A_188 = arith.constant 384 : i32
    %add3A_189 = vector.broadcast %add3A_188 : i32 to vector<16xi32>
    %add3A_190 = arith.addi %add3A_189, %iota3A : vector<16xi32>
    %swap3A_191 = arith.constant 3 : i32
    %swap3A_192 = arith.index_cast %swap3A_191 : i32 to index
    %swap3A_193 = arith.constant 0 : index
    %swap3A_194 = tpu.vector_load %arg12[%swap3A_192, %swap3A_193] {strides = array<i32>} : memref<5x128xi32, #tpu.memory_space<vmem>>, vector<16xi32>,
    tpu.vector_store %arg12[%swap3A_192, %swap3A_193], %add3A_190 {strides = array<i32>} : memref<5x128xi32, #tpu.memory_space<vmem>>, vector<16xi32>,
    %add3A_195 = arith.constant 400 : i32
    %add3A_196 = vector.broadcast %add3A_195 : i32 to vector<16xi32>
    %add3A_197 = arith.addi %add3A_196, %iota3A : vector<16xi32>
    %swap3A_198 = arith.constant 3 : i32
    %swap3A_199 = arith.index_cast %swap3A_198 : i32 to index
    %swap3A_200 = arith.constant 16 : index
    %swap3A_201 = tpu.vector_load %arg12[%swap3A_199, %swap3A_200] {strides = array<i32>} : memref<5x128xi32, #tpu.memory_space<vmem>>, vector<16xi32>,
    tpu.vector_store %arg12[%swap3A_199, %swap3A_200], %add3A_197 {strides = array<i32>} : memref<5x128xi32, #tpu.memory_space<vmem>>, vector<16xi32>,
    %add3A_202 = arith.constant 416 : i32
    %add3A_203 = vector.broadcast %add3A_202 : i32 to vector<16xi32>
    %add3A_204 = arith.addi %add3A_203, %iota3A : vector<16xi32>
    %swap3A_205 = arith.constant 3 : i32
    %swap3A_206 = arith.index_cast %swap3A_205 : i32 to index
    %swap3A_207 = arith.constant 32 : index
    %swap3A_208 = tpu.vector_load %arg12[%swap3A_206, %swap3A_207] {strides = array<i32>} : memref<5x128xi32, #tpu.memory_space<vmem>>, vector<16xi32>,
    tpu.vector_store %arg12[%swap3A_206, %swap3A_207], %add3A_204 {strides = array<i32>} : memref<5x128xi32, #tpu.memory_space<vmem>>, vector<16xi32>,
    %add3A_209 = arith.constant 432 : i32
    %add3A_210 = vector.broadcast %add3A_209 : i32 to vector<16xi32>
    %add3A_211 = arith.addi %add3A_210, %iota3A : vector<16xi32>
    %swap3A_212 = arith.constant 3 : i32
    %swap3A_213 = arith.index_cast %swap3A_212 : i32 to index
    %swap3A_214 = arith.constant 48 : index
    %swap3A_215 = tpu.vector_load %arg12[%swap3A_213, %swap3A_214] {strides = array<i32>} : memref<5x128xi32, #tpu.memory_space<vmem>>, vector<16xi32>,
    tpu.vector_store %arg12[%swap3A_213, %swap3A_214], %add3A_211 {strides = array<i32>} : memref<5x128xi32, #tpu.memory_space<vmem>>, vector<16xi32>,
    %add3A_216 = arith.constant 448 : i32
    %add3A_217 = vector.broadcast %add3A_216 : i32 to vector<16xi32>
    %add3A_218 = arith.addi %add3A_217, %iota3A : vector<16xi32>
    %swap3A_219 = arith.constant 3 : i32
    %swap3A_220 = arith.index_cast %swap3A_219 : i32 to index
    %swap3A_221 = arith.constant 64 : index
    %swap3A_222 = tpu.vector_load %arg12[%swap3A_220, %swap3A_221] {strides = array<i32>} : memref<5x128xi32, #tpu.memory_space<vmem>>, vector<16xi32>,
    tpu.vector_store %arg12[%swap3A_220, %swap3A_221], %add3A_218 {strides = array<i32>} : memref<5x128xi32, #tpu.memory_space<vmem>>, vector<16xi32>,
    %add3A_223 = arith.constant 464 : i32
    %add3A_224 = vector.broadcast %add3A_223 : i32 to vector<16xi32>
    %add3A_225 = arith.addi %add3A_224, %iota3A : vector<16xi32>
    %swap3A_226 = arith.constant 3 : i32
    %swap3A_227 = arith.index_cast %swap3A_226 : i32 to index
    %swap3A_228 = arith.constant 80 : index
    %swap3A_229 = tpu.vector_load %arg12[%swap3A_227, %swap3A_228] {strides = array<i32>} : memref<5x128xi32, #tpu.memory_space<vmem>>, vector<16xi32>,
    tpu.vector_store %arg12[%swap3A_227, %swap3A_228], %add3A_225 {strides = array<i32>} : memref<5x128xi32, #tpu.memory_space<vmem>>, vector<16xi32>,
    %add3A_230 = arith.constant 480 : i32
    %add3A_231 = vector.broadcast %add3A_230 : i32 to vector<16xi32>
    %add3A_232 = arith.addi %add3A_231, %iota3A : vector<16xi32>
    %swap3A_233 = arith.constant 3 : i32
    %swap3A_234 = arith.index_cast %swap3A_233 : i32 to index
    %swap3A_235 = arith.constant 96 : index
    %swap3A_236 = tpu.vector_load %arg12[%swap3A_234, %swap3A_235] {strides = array<i32>} : memref<5x128xi32, #tpu.memory_space<vmem>>, vector<16xi32>,
    tpu.vector_store %arg12[%swap3A_234, %swap3A_235], %add3A_232 {strides = array<i32>} : memref<5x128xi32, #tpu.memory_space<vmem>>, vector<16xi32>,
    %add3A_237 = arith.constant 496 : i32
    %add3A_238 = vector.broadcast %add3A_237 : i32 to vector<16xi32>
    %add3A_239 = arith.addi %add3A_238, %iota3A : vector<16xi32>
    %swap3A_240 = arith.constant 3 : i32
    %swap3A_241 = arith.index_cast %swap3A_240 : i32 to index
    %swap3A_242 = arith.constant 112 : index
    %swap3A_243 = tpu.vector_load %arg12[%swap3A_241, %swap3A_242] {strides = array<i32>} : memref<5x128xi32, #tpu.memory_space<vmem>>, vector<16xi32>,
    tpu.vector_store %arg12[%swap3A_241, %swap3A_242], %add3A_239 {strides = array<i32>} : memref<5x128xi32, #tpu.memory_space<vmem>>, vector<16xi32>,
    %add3A_244 = arith.constant 512 : i32
    %add3A_245 = vector.broadcast %add3A_244 : i32 to vector<16xi32>
    %add3A_246 = arith.addi %add3A_245, %iota3A : vector<16xi32>
    %swap3A_247 = arith.constant 4 : i32
    %swap3A_248 = arith.index_cast %swap3A_247 : i32 to index
    %swap3A_249 = arith.constant 0 : index
    %swap3A_250 = tpu.vector_load %arg12[%swap3A_248, %swap3A_249] {strides = array<i32>} : memref<5x128xi32, #tpu.memory_space<vmem>>, vector<16xi32>,
    tpu.vector_store %arg12[%swap3A_248, %swap3A_249], %add3A_246 {strides = array<i32>} : memref<5x128xi32, #tpu.memory_space<vmem>>, vector<16xi32>,
    %add3A_251 = arith.constant 528 : i32
    %add3A_252 = vector.broadcast %add3A_251 : i32 to vector<16xi32>
    %add3A_253 = arith.addi %add3A_252, %iota3A : vector<16xi32>
    %swap3A_254 = arith.constant 4 : i32
    %swap3A_255 = arith.index_cast %swap3A_254 : i32 to index
    %swap3A_256 = arith.constant 16 : index
    %swap3A_257 = tpu.vector_load %arg12[%swap3A_255, %swap3A_256] {strides = array<i32>} : memref<5x128xi32, #tpu.memory_space<vmem>>, vector<16xi32>,
    tpu.vector_store %arg12[%swap3A_255, %swap3A_256], %add3A_253 {strides = array<i32>} : memref<5x128xi32, #tpu.memory_space<vmem>>, vector<16xi32>,
    %add3A_258 = arith.constant 544 : i32
    %add3A_259 = vector.broadcast %add3A_258 : i32 to vector<16xi32>
    %add3A_260 = arith.addi %add3A_259, %iota3A : vector<16xi32>
    %swap3A_261 = arith.constant 4 : i32
    %swap3A_262 = arith.index_cast %swap3A_261 : i32 to index
    %swap3A_263 = arith.constant 32 : index
    %swap3A_264 = tpu.vector_load %arg12[%swap3A_262, %swap3A_263] {strides = array<i32>} : memref<5x128xi32, #tpu.memory_space<vmem>>, vector<16xi32>,
    tpu.vector_store %arg12[%swap3A_262, %swap3A_263], %add3A_260 {strides = array<i32>} : memref<5x128xi32, #tpu.memory_space<vmem>>, vector<16xi32>,
    %add3A_265 = arith.constant 560 : i32
    %add3A_266 = vector.broadcast %add3A_265 : i32 to vector<16xi32>
    %add3A_267 = arith.addi %add3A_266, %iota3A : vector<16xi32>
    %swap3A_268 = arith.constant 4 : i32
    %swap3A_269 = arith.index_cast %swap3A_268 : i32 to index
    %swap3A_270 = arith.constant 48 : index
    %swap3A_271 = tpu.vector_load %arg12[%swap3A_269, %swap3A_270] {strides = array<i32>} : memref<5x128xi32, #tpu.memory_space<vmem>>, vector<16xi32>,
    tpu.vector_store %arg12[%swap3A_269, %swap3A_270], %add3A_267 {strides = array<i32>} : memref<5x128xi32, #tpu.memory_space<vmem>>, vector<16xi32>,
    %add3A_272 = arith.constant 576 : i32
    %add3A_273 = vector.broadcast %add3A_272 : i32 to vector<16xi32>
    %add3A_274 = arith.addi %add3A_273, %iota3A : vector<16xi32>
    %swap3A_275 = arith.constant 4 : i32
    %swap3A_276 = arith.index_cast %swap3A_275 : i32 to index
    %swap3A_277 = arith.constant 64 : index
    %swap3A_278 = tpu.vector_load %arg12[%swap3A_276, %swap3A_277] {strides = array<i32>} : memref<5x128xi32, #tpu.memory_space<vmem>>, vector<16xi32>,
    tpu.vector_store %arg12[%swap3A_276, %swap3A_277], %add3A_274 {strides = array<i32>} : memref<5x128xi32, #tpu.memory_space<vmem>>, vector<16xi32>,
    %add3A_279 = arith.constant 592 : i32
    %add3A_280 = vector.broadcast %add3A_279 : i32 to vector<16xi32>
    %add3A_281 = arith.addi %add3A_280, %iota3A : vector<16xi32>
    %swap3A_282 = arith.constant 4 : i32
    %swap3A_283 = arith.index_cast %swap3A_282 : i32 to index
    %swap3A_284 = arith.constant 80 : index
    %swap3A_285 = tpu.vector_load %arg12[%swap3A_283, %swap3A_284] {strides = array<i32>} : memref<5x128xi32, #tpu.memory_space<vmem>>, vector<16xi32>,
    tpu.vector_store %arg12[%swap3A_283, %swap3A_284], %add3A_281 {strides = array<i32>} : memref<5x128xi32, #tpu.memory_space<vmem>>, vector<16xi32>,
    %add3A_286 = arith.constant 608 : i32
    %add3A_287 = vector.broadcast %add3A_286 : i32 to vector<16xi32>
    %add3A_288 = arith.addi %add3A_287, %iota3A : vector<16xi32>
    %swap3A_289 = arith.constant 4 : i32
    %swap3A_290 = arith.index_cast %swap3A_289 : i32 to index
    %swap3A_291 = arith.constant 96 : index
    %swap3A_292 = tpu.vector_load %arg12[%swap3A_290, %swap3A_291] {strides = array<i32>} : memref<5x128xi32, #tpu.memory_space<vmem>>, vector<16xi32>,
    tpu.vector_store %arg12[%swap3A_290, %swap3A_291], %add3A_288 {strides = array<i32>} : memref<5x128xi32, #tpu.memory_space<vmem>>, vector<16xi32>,
    %add3A_293 = arith.constant 624 : i32
    %add3A_294 = vector.broadcast %add3A_293 : i32 to vector<16xi32>
    %add3A_295 = arith.addi %add3A_294, %iota3A : vector<16xi32>
    %swap3A_296 = arith.constant 4 : i32
    %swap3A_297 = arith.index_cast %swap3A_296 : i32 to index
    %swap3A_298 = arith.constant 112 : index
    %swap3A_299 = tpu.vector_load %arg12[%swap3A_297, %swap3A_298] {strides = array<i32>} : memref<5x128xi32, #tpu.memory_space<vmem>>, vector<16xi32>,
    tpu.vector_store %arg12[%swap3A_297, %swap3A_298], %add3A_295 {strides = array<i32>} : memref<5x128xi32, #tpu.memory_space<vmem>>, vector<16xi32>,
    %mul3A_300 = arith.constant 625 : i32
    %mul3A_301 = arith.muli %arg1, %mul3A_300 : i32
    %add3A_302 = arith.constant 0 : i32
    %add3A_303 = arith.addi %mul3A_301, %add3A_302 : i32
    %run_scoped3A = arith.constant 0 : i32
    "tpu.region"() ({
      %run_scoped3A_586 = tpu.sem_alloc : memref<!tpu.dma_semaphore, #tpu.memory_space<semaphore_mem>>
      %dma_start3A_587 = arith.constant 0 : i32
      %dma_start3A_588 = arith.constant 0 : i32
      %dma_start3A_589 = tpu.memref_slice %arg8[%run_scoped3A, %dma_start3A_587, %dma_start3A_588] : memref<2x256x64xf32, #tpu.memory_space<vmem>> -> memref<1x125x64xf32, #tpu.memory_space<vmem>>
      %dma_start3A_590 = tpu.memref_squeeze %dma_start3A_589 : memref<1x125x64xf32, #tpu.memory_space<vmem>> -> memref<125x64xf32, #tpu.memory_space<vmem>>
      %dma_start3A_591 = arith.constant 0 : i32
      %dma_start3A_592 = tpu.memref_slice %arg6[%add3A_303, %dma_start3A_591] : memref<10000x64xf32, #tpu.memory_space<vmem_shared>> -> memref<125x64xf32, #tpu.memory_space<vmem_shared>>
      %dma_start3A_593 = arith.constant 0 : i32
      %dma_start3A_594 = tpu.memref_slice %arg6[%add3A_303, %dma_start3A_593] : memref<10000x64xf32, #tpu.memory_space<vmem_shared>> -> memref<125x64xf32, #tpu.memory_space<vmem_shared>>
      %dma_start3A_595 = arith.constant 0 : i32
      %dma_start3A_596 = arith.constant 0 : i32
      %dma_start3A_597 = tpu.memref_slice %arg8[%run_scoped3A, %dma_start3A_595, %dma_start3A_596] : memref<2x256x64xf32, #tpu.memory_space<vmem>> -> memref<1x125x64xf32, #tpu.memory_space<vmem>>
      %dma_start3A_598 = tpu.memref_squeeze %dma_start3A_597 : memref<1x125x64xf32, #tpu.memory_space<vmem>> -> memref<125x64xf32, #tpu.memory_space<vmem>>
      tpu.enqueue_dma source(%dma_start3A_598 : memref<125x64xf32, #tpu.memory_space<vmem>>) target(%dma_start3A_594 : memref<125x64xf32, #tpu.memory_space<vmem_shared>>) target_semaphore(%run_scoped3A_586 : memref<!tpu.dma_semaphore, #tpu.memory_space<semaphore_mem>>)
      %dma_wait3A_599 = arith.constant 0 : i32
      %dma_wait3A_600 = arith.constant 0 : i32
      %dma_wait3A_601 = tpu.memref_slice %arg8[%run_scoped3A, %dma_wait3A_599, %dma_wait3A_600] : memref<2x256x64xf32, #tpu.memory_space<vmem>> -> memref<1x125x64xf32, #tpu.memory_space<vmem>>
      %dma_wait3A_602 = tpu.memref_squeeze %dma_wait3A_601 : memref<1x125x64xf32, #tpu.memory_space<vmem>> -> memref<125x64xf32, #tpu.memory_space<vmem>>
      %dma_wait3A_603 = arith.constant 0 : i32
      %dma_wait3A_604 = tpu.memref_slice %arg6[%add3A_303, %dma_wait3A_603] : memref<10000x64xf32, #tpu.memory_space<vmem_shared>> -> memref<125x64xf32, #tpu.memory_space<vmem_shared>>
      %dma_wait3A_605 = arith.constant 0 : i32
      %dma_wait3A_606 = tpu.memref_slice %arg6[%add3A_303, %dma_wait3A_605] : memref<10000x64xf32, #tpu.memory_space<vmem_shared>> -> memref<125x64xf32, #tpu.memory_space<vmem_shared>>
      %dma_wait3A_607 = arith.constant 0 : i32
      %dma_wait3A_608 = arith.constant 0 : i32
      %dma_wait3A_609 = tpu.memref_slice %arg8[%run_scoped3A, %dma_wait3A_607, %dma_wait3A_608] : memref<2x256x64xf32, #tpu.memory_space<vmem>> -> memref<1x125x64xf32, #tpu.memory_space<vmem>>
      %dma_wait3A_610 = tpu.memref_squeeze %dma_wait3A_609 : memref<1x125x64xf32, #tpu.memory_space<vmem>> -> memref<125x64xf32, #tpu.memory_space<vmem>>
      tpu.wait_dma2 semaphore(%run_scoped3A_586 : memref<!tpu.dma_semaphore, #tpu.memory_space<semaphore_mem>>) src(%dma_wait3A_610 : memref<125x64xf32, #tpu.memory_space<vmem>>) dst(%dma_wait3A_606 : memref<125x64xf32, #tpu.memory_space<vmem_shared>>)
      tpu.yield
    }) : () -> ()
    %mul3A_304 = arith.constant 625 : i32
    %mul3A_305 = arith.muli %arg1, %mul3A_304 : i32
    %add3A_306 = arith.constant 125 : i32
    %add3A_307 = arith.addi %mul3A_305, %add3A_306 : i32
    %run_scoped3A_308 = arith.constant 0 : i32
    "tpu.region"() ({
      %run_scoped3A_586 = tpu.sem_alloc : memref<!tpu.dma_semaphore, #tpu.memory_space<semaphore_mem>>
      %dma_start3A_587 = arith.constant 0 : i32
      %dma_start3A_588 = arith.constant 0 : i32
      %dma_start3A_589 = tpu.memref_slice %arg8[%run_scoped3A_308, %dma_start3A_587, %dma_start3A_588] : memref<2x256x64xf32, #tpu.memory_space<vmem>> -> memref<1x125x64xf32, #tpu.memory_space<vmem>>
      %dma_start3A_590 = tpu.memref_squeeze %dma_start3A_589 : memref<1x125x64xf32, #tpu.memory_space<vmem>> -> memref<125x64xf32, #tpu.memory_space<vmem>>
      %dma_start3A_591 = arith.constant 0 : i32
      %dma_start3A_592 = tpu.memref_slice %arg6[%add3A_307, %dma_start3A_591] : memref<10000x64xf32, #tpu.memory_space<vmem_shared>> -> memref<125x64xf32, #tpu.memory_space<vmem_shared>>
      %dma_start3A_593 = arith.constant 0 : i32
      %dma_start3A_594 = tpu.memref_slice %arg6[%add3A_307, %dma_start3A_593] : memref<10000x64xf32, #tpu.memory_space<vmem_shared>> -> memref<125x64xf32, #tpu.memory_space<vmem_shared>>
      %dma_start3A_595 = arith.constant 0 : i32
      %dma_start3A_596 = arith.constant 0 : i32
      %dma_start3A_597 = tpu.memref_slice %arg8[%run_scoped3A_308, %dma_start3A_595, %dma_start3A_596] : memref<2x256x64xf32, #tpu.memory_space<vmem>> -> memref<1x125x64xf32, #tpu.memory_space<vmem>>
      %dma_start3A_598 = tpu.memref_squeeze %dma_start3A_597 : memref<1x125x64xf32, #tpu.memory_space<vmem>> -> memref<125x64xf32, #tpu.memory_space<vmem>>
      tpu.enqueue_dma source(%dma_start3A_598 : memref<125x64xf32, #tpu.memory_space<vmem>>) target(%dma_start3A_594 : memref<125x64xf32, #tpu.memory_space<vmem_shared>>) target_semaphore(%run_scoped3A_586 : memref<!tpu.dma_semaphore, #tpu.memory_space<semaphore_mem>>)
      %dma_wait3A_599 = arith.constant 0 : i32
      %dma_wait3A_600 = arith.constant 0 : i32
      %dma_wait3A_601 = tpu.memref_slice %arg8[%run_scoped3A_308, %dma_wait3A_599, %dma_wait3A_600] : memref<2x256x64xf32, #tpu.memory_space<vmem>> -> memref<1x125x64xf32, #tpu.memory_space<vmem>>
      %dma_wait3A_602 = tpu.memref_squeeze %dma_wait3A_601 : memref<1x125x64xf32, #tpu.memory_space<vmem>> -> memref<125x64xf32, #tpu.memory_space<vmem>>
      %dma_wait3A_603 = arith.constant 0 : i32
      %dma_wait3A_604 = tpu.memref_slice %arg6[%add3A_307, %dma_wait3A_603] : memref<10000x64xf32, #tpu.memory_space<vmem_shared>> -> memref<125x64xf32, #tpu.memory_space<vmem_shared>>
      %dma_wait3A_605 = arith.constant 0 : i32
      %dma_wait3A_606 = tpu.memref_slice %arg6[%add3A_307, %dma_wait3A_605] : memref<10000x64xf32, #tpu.memory_space<vmem_shared>> -> memref<125x64xf32, #tpu.memory_space<vmem_shared>>
      %dma_wait3A_607 = arith.constant 0 : i32
      %dma_wait3A_608 = arith.constant 0 : i32
      %dma_wait3A_609 = tpu.memref_slice %arg8[%run_scoped3A_308, %dma_wait3A_607, %dma_wait3A_608] : memref<2x256x64xf32, #tpu.memory_space<vmem>> -> memref<1x125x64xf32, #tpu.memory_space<vmem>>
      %dma_wait3A_610 = tpu.memref_squeeze %dma_wait3A_609 : memref<1x125x64xf32, #tpu.memory_space<vmem>> -> memref<125x64xf32, #tpu.memory_space<vmem>>
      tpu.wait_dma2 semaphore(%run_scoped3A_586 : memref<!tpu.dma_semaphore, #tpu.memory_space<semaphore_mem>>) src(%dma_wait3A_610 : memref<125x64xf32, #tpu.memory_space<vmem>>) dst(%dma_wait3A_606 : memref<125x64xf32, #tpu.memory_space<vmem_shared>>)
      tpu.yield
    }) : () -> ()
    %mul3A_309 = arith.constant 625 : i32
    %mul3A_310 = arith.muli %arg1, %mul3A_309 : i32
    %add3A_311 = arith.constant 250 : i32
    %add3A_312 = arith.addi %mul3A_310, %add3A_311 : i32
    %run_scoped3A_313 = arith.constant 0 : i32
    "tpu.region"() ({
      %run_scoped3A_586 = tpu.sem_alloc : memref<!tpu.dma_semaphore, #tpu.memory_space<semaphore_mem>>
      %dma_start3A_587 = arith.constant 0 : i32
      %dma_start3A_588 = arith.constant 0 : i32
      %dma_start3A_589 = tpu.memref_slice %arg8[%run_scoped3A_313, %dma_start3A_587, %dma_start3A_588] : memref<2x256x64xf32, #tpu.memory_space<vmem>> -> memref<1x125x64xf32, #tpu.memory_space<vmem>>
      %dma_start3A_590 = tpu.memref_squeeze %dma_start3A_589 : memref<1x125x64xf32, #tpu.memory_space<vmem>> -> memref<125x64xf32, #tpu.memory_space<vmem>>
      %dma_start3A_591 = arith.constant 0 : i32
      %dma_start3A_592 = tpu.memref_slice %arg6[%add3A_312, %dma_start3A_591] : memref<10000x64xf32, #tpu.memory_space<vmem_shared>> -> memref<125x64xf32, #tpu.memory_space<vmem_shared>>
      %dma_start3A_593 = arith.constant 0 : i32
      %dma_start3A_594 = tpu.memref_slice %arg6[%add3A_312, %dma_start3A_593] : memref<10000x64xf32, #tpu.memory_space<vmem_shared>> -> memref<125x64xf32, #tpu.memory_space<vmem_shared>>
      %dma_start3A_595 = arith.constant 0 : i32
      %dma_start3A_596 = arith.constant 0 : i32
      %dma_start3A_597 = tpu.memref_slice %arg8[%run_scoped3A_313, %dma_start3A_595, %dma_start3A_596] : memref<2x256x64xf32, #tpu.memory_space<vmem>> -> memref<1x125x64xf32, #tpu.memory_space<vmem>>
      %dma_start3A_598 = tpu.memref_squeeze %dma_start3A_597 : memref<1x125x64xf32, #tpu.memory_space<vmem>> -> memref<125x64xf32, #tpu.memory_space<vmem>>
      tpu.enqueue_dma source(%dma_start3A_598 : memref<125x64xf32, #tpu.memory_space<vmem>>) target(%dma_start3A_594 : memref<125x64xf32, #tpu.memory_space<vmem_shared>>) target_semaphore(%run_scoped3A_586 : memref<!tpu.dma_semaphore, #tpu.memory_space<semaphore_mem>>)
      %dma_wait3A_599 = arith.constant 0 : i32
      %dma_wait3A_600 = arith.constant 0 : i32
      %dma_wait3A_601 = tpu.memref_slice %arg8[%run_scoped3A_313, %dma_wait3A_599, %dma_wait3A_600] : memref<2x256x64xf32, #tpu.memory_space<vmem>> -> memref<1x125x64xf32, #tpu.memory_space<vmem>>
      %dma_wait3A_602 = tpu.memref_squeeze %dma_wait3A_601 : memref<1x125x64xf32, #tpu.memory_space<vmem>> -> memref<125x64xf32, #tpu.memory_space<vmem>>
      %dma_wait3A_603 = arith.constant 0 : i32
      %dma_wait3A_604 = tpu.memref_slice %arg6[%add3A_312, %dma_wait3A_603] : memref<10000x64xf32, #tpu.memory_space<vmem_shared>> -> memref<125x64xf32, #tpu.memory_space<vmem_shared>>
      %dma_wait3A_605 = arith.constant 0 : i32
      %dma_wait3A_606 = tpu.memref_slice %arg6[%add3A_312, %dma_wait3A_605] : memref<10000x64xf32, #tpu.memory_space<vmem_shared>> -> memref<125x64xf32, #tpu.memory_space<vmem_shared>>
      %dma_wait3A_607 = arith.constant 0 : i32
      %dma_wait3A_608 = arith.constant 0 : i32
      %dma_wait3A_609 = tpu.memref_slice %arg8[%run_scoped3A_313, %dma_wait3A_607, %dma_wait3A_608] : memref<2x256x64xf32, #tpu.memory_space<vmem>> -> memref<1x125x64xf32, #tpu.memory_space<vmem>>
      %dma_wait3A_610 = tpu.memref_squeeze %dma_wait3A_609 : memref<1x125x64xf32, #tpu.memory_space<vmem>> -> memref<125x64xf32, #tpu.memory_space<vmem>>
      tpu.wait_dma2 semaphore(%run_scoped3A_586 : memref<!tpu.dma_semaphore, #tpu.memory_space<semaphore_mem>>) src(%dma_wait3A_610 : memref<125x64xf32, #tpu.memory_space<vmem>>) dst(%dma_wait3A_606 : memref<125x64xf32, #tpu.memory_space<vmem_shared>>)
      tpu.yield
    }) : () -> ()
    %mul3A_314 = arith.constant 625 : i32
    %mul3A_315 = arith.muli %arg1, %mul3A_314 : i32
    %add3A_316 = arith.constant 375 : i32
    %add3A_317 = arith.addi %mul3A_315, %add3A_316 : i32
    %run_scoped3A_318 = arith.constant 0 : i32
    "tpu.region"() ({
      %run_scoped3A_586 = tpu.sem_alloc : memref<!tpu.dma_semaphore, #tpu.memory_space<semaphore_mem>>
      %dma_start3A_587 = arith.constant 0 : i32
      %dma_start3A_588 = arith.constant 0 : i32
      %dma_start3A_589 = tpu.memref_slice %arg8[%run_scoped3A_318, %dma_start3A_587, %dma_start3A_588] : memref<2x256x64xf32, #tpu.memory_space<vmem>> -> memref<1x125x64xf32, #tpu.memory_space<vmem>>
      %dma_start3A_590 = tpu.memref_squeeze %dma_start3A_589 : memref<1x125x64xf32, #tpu.memory_space<vmem>> -> memref<125x64xf32, #tpu.memory_space<vmem>>
      %dma_start3A_591 = arith.constant 0 : i32
      %dma_start3A_592 = tpu.memref_slice %arg6[%add3A_317, %dma_start3A_591] : memref<10000x64xf32, #tpu.memory_space<vmem_shared>> -> memref<125x64xf32, #tpu.memory_space<vmem_shared>>
      %dma_start3A_593 = arith.constant 0 : i32
      %dma_start3A_594 = tpu.memref_slice %arg6[%add3A_317, %dma_start3A_593] : memref<10000x64xf32, #tpu.memory_space<vmem_shared>> -> memref<125x64xf32, #tpu.memory_space<vmem_shared>>
      %dma_start3A_595 = arith.constant 0 : i32
      %dma_start3A_596 = arith.constant 0 : i32
      %dma_start3A_597 = tpu.memref_slice %arg8[%run_scoped3A_318, %dma_start3A_595, %dma_start3A_596] : memref<2x256x64xf32, #tpu.memory_space<vmem>> -> memref<1x125x64xf32, #tpu.memory_space<vmem>>
      %dma_start3A_598 = tpu.memref_squeeze %dma_start3A_597 : memref<1x125x64xf32, #tpu.memory_space<vmem>> -> memref<125x64xf32, #tpu.memory_space<vmem>>
      tpu.enqueue_dma source(%dma_start3A_598 : memref<125x64xf32, #tpu.memory_space<vmem>>) target(%dma_start3A_594 : memref<125x64xf32, #tpu.memory_space<vmem_shared>>) target_semaphore(%run_scoped3A_586 : memref<!tpu.dma_semaphore, #tpu.memory_space<semaphore_mem>>)
      %dma_wait3A_599 = arith.constant 0 : i32
      %dma_wait3A_600 = arith.constant 0 : i32
      %dma_wait3A_601 = tpu.memref_slice %arg8[%run_scoped3A_318, %dma_wait3A_599, %dma_wait3A_600] : memref<2x256x64xf32, #tpu.memory_space<vmem>> -> memref<1x125x64xf32, #tpu.memory_space<vmem>>
      %dma_wait3A_602 = tpu.memref_squeeze %dma_wait3A_601 : memref<1x125x64xf32, #tpu.memory_space<vmem>> -> memref<125x64xf32, #tpu.memory_space<vmem>>
      %dma_wait3A_603 = arith.constant 0 : i32
      %dma_wait3A_604 = tpu.memref_slice %arg6[%add3A_317, %dma_wait3A_603] : memref<10000x64xf32, #tpu.memory_space<vmem_shared>> -> memref<125x64xf32, #tpu.memory_space<vmem_shared>>
      %dma_wait3A_605 = arith.constant 0 : i32
      %dma_wait3A_606 = tpu.memref_slice %arg6[%add3A_317, %dma_wait3A_605] : memref<10000x64xf32, #tpu.memory_space<vmem_shared>> -> memref<125x64xf32, #tpu.memory_space<vmem_shared>>
      %dma_wait3A_607 = arith.constant 0 : i32
      %dma_wait3A_608 = arith.constant 0 : i32
      %dma_wait3A_609 = tpu.memref_slice %arg8[%run_scoped3A_318, %dma_wait3A_607, %dma_wait3A_608] : memref<2x256x64xf32, #tpu.memory_space<vmem>> -> memref<1x125x64xf32, #tpu.memory_space<vmem>>
      %dma_wait3A_610 = tpu.memref_squeeze %dma_wait3A_609 : memref<1x125x64xf32, #tpu.memory_space<vmem>> -> memref<125x64xf32, #tpu.memory_space<vmem>>
      tpu.wait_dma2 semaphore(%run_scoped3A_586 : memref<!tpu.dma_semaphore, #tpu.memory_space<semaphore_mem>>) src(%dma_wait3A_610 : memref<125x64xf32, #tpu.memory_space<vmem>>) dst(%dma_wait3A_606 : memref<125x64xf32, #tpu.memory_space<vmem_shared>>)
      tpu.yield
    }) : () -> ()
    %mul3A_319 = arith.constant 625 : i32
    %mul3A_320 = arith.muli %arg1, %mul3A_319 : i32
    %add3A_321 = arith.constant 500 : i32
    %add3A_322 = arith.addi %mul3A_320, %add3A_321 : i32
    %run_scoped3A_323 = arith.constant 0 : i32
    "tpu.region"() ({
      %run_scoped3A_586 = tpu.sem_alloc : memref<!tpu.dma_semaphore, #tpu.memory_space<semaphore_mem>>
      %dma_start3A_587 = arith.constant 0 : i32
      %dma_start3A_588 = arith.constant 0 : i32
      %dma_start3A_589 = tpu.memref_slice %arg8[%run_scoped3A_323, %dma_start3A_587, %dma_start3A_588] : memref<2x256x64xf32, #tpu.memory_space<vmem>> -> memref<1x125x64xf32, #tpu.memory_space<vmem>>
      %dma_start3A_590 = tpu.memref_squeeze %dma_start3A_589 : memref<1x125x64xf32, #tpu.memory_space<vmem>> -> memref<125x64xf32, #tpu.memory_space<vmem>>
      %dma_start3A_591 = arith.constant 0 : i32
      %dma_start3A_592 = tpu.memref_slice %arg6[%add3A_322, %dma_start3A_591] : memref<10000x64xf32, #tpu.memory_space<vmem_shared>> -> memref<125x64xf32, #tpu.memory_space<vmem_shared>>
      %dma_start3A_593 = arith.constant 0 : i32
      %dma_start3A_594 = tpu.memref_slice %arg6[%add3A_322, %dma_start3A_593] : memref<10000x64xf32, #tpu.memory_space<vmem_shared>> -> memref<125x64xf32, #tpu.memory_space<vmem_shared>>
      %dma_start3A_595 = arith.constant 0 : i32
      %dma_start3A_596 = arith.constant 0 : i32
      %dma_start3A_597 = tpu.memref_slice %arg8[%run_scoped3A_323, %dma_start3A_595, %dma_start3A_596] : memref<2x256x64xf32, #tpu.memory_space<vmem>> -> memref<1x125x64xf32, #tpu.memory_space<vmem>>
      %dma_start3A_598 = tpu.memref_squeeze %dma_start3A_597 : memref<1x125x64xf32, #tpu.memory_space<vmem>> -> memref<125x64xf32, #tpu.memory_space<vmem>>
      tpu.enqueue_dma source(%dma_start3A_598 : memref<125x64xf32, #tpu.memory_space<vmem>>) target(%dma_start3A_594 : memref<125x64xf32, #tpu.memory_space<vmem_shared>>) target_semaphore(%run_scoped3A_586 : memref<!tpu.dma_semaphore, #tpu.memory_space<semaphore_mem>>)
      %dma_wait3A_599 = arith.constant 0 : i32
      %dma_wait3A_600 = arith.constant 0 : i32
      %dma_wait3A_601 = tpu.memref_slice %arg8[%run_scoped3A_323, %dma_wait3A_599, %dma_wait3A_600] : memref<2x256x64xf32, #tpu.memory_space<vmem>> -> memref<1x125x64xf32, #tpu.memory_space<vmem>>
      %dma_wait3A_602 = tpu.memref_squeeze %dma_wait3A_601 : memref<1x125x64xf32, #tpu.memory_space<vmem>> -> memref<125x64xf32, #tpu.memory_space<vmem>>
      %dma_wait3A_603 = arith.constant 0 : i32
      %dma_wait3A_604 = tpu.memref_slice %arg6[%add3A_322, %dma_wait3A_603] : memref<10000x64xf32, #tpu.memory_space<vmem_shared>> -> memref<125x64xf32, #tpu.memory_space<vmem_shared>>
      %dma_wait3A_605 = arith.constant 0 : i32
      %dma_wait3A_606 = tpu.memref_slice %arg6[%add3A_322, %dma_wait3A_605] : memref<10000x64xf32, #tpu.memory_space<vmem_shared>> -> memref<125x64xf32, #tpu.memory_space<vmem_shared>>
      %dma_wait3A_607 = arith.constant 0 : i32
      %dma_wait3A_608 = arith.constant 0 : i32
      %dma_wait3A_609 = tpu.memref_slice %arg8[%run_scoped3A_323, %dma_wait3A_607, %dma_wait3A_608] : memref<2x256x64xf32, #tpu.memory_space<vmem>> -> memref<1x125x64xf32, #tpu.memory_space<vmem>>
      %dma_wait3A_610 = tpu.memref_squeeze %dma_wait3A_609 : memref<1x125x64xf32, #tpu.memory_space<vmem>> -> memref<125x64xf32, #tpu.memory_space<vmem>>
      tpu.wait_dma2 semaphore(%run_scoped3A_586 : memref<!tpu.dma_semaphore, #tpu.memory_space<semaphore_mem>>) src(%dma_wait3A_610 : memref<125x64xf32, #tpu.memory_space<vmem>>) dst(%dma_wait3A_606 : memref<125x64xf32, #tpu.memory_space<vmem_shared>>)
      tpu.yield
    }) : () -> ()
    %mul3A_324 = arith.constant 40 : i32
    %mul3A_325 = arith.muli %arg1, %mul3A_324 : i32
    %run_scoped3A_326 = arith.constant 0 : i32
    "tpu.region"() ({
      %run_scoped3A_586 = tpu.sem_alloc : memref<!tpu.dma_semaphore, #tpu.memory_space<semaphore_mem>>
      %dma_start3A_587 = arith.constant 0 : i32
      %dma_start3A_588 = arith.constant 0 : i32
      %dma_start3A_589 = tpu.memref_slice %arg8[%run_scoped3A_326, %dma_start3A_587, %dma_start3A_588] : memref<2x256x64xf32, #tpu.memory_space<vmem>> -> memref<1x40x16xf32, #tpu.memory_space<vmem>>
      %dma_start3A_590 = tpu.memref_squeeze %dma_start3A_589 : memref<1x40x16xf32, #tpu.memory_space<vmem>> -> memref<40x16xf32, #tpu.memory_space<vmem>>
      %dma_start3A_591 = arith.constant 0 : i32
      %dma_start3A_592 = tpu.memref_slice %arg7[%mul3A_325, %dma_start3A_591] : memref<640x16xf32, #tpu.memory_space<vmem_shared>> -> memref<40x16xf32, #tpu.memory_space<vmem_shared>>
      %dma_start3A_593 = arith.constant 0 : i32
      %dma_start3A_594 = tpu.memref_slice %arg7[%mul3A_325, %dma_start3A_593] : memref<640x16xf32, #tpu.memory_space<vmem_shared>> -> memref<40x16xf32, #tpu.memory_space<vmem_shared>>
      %dma_start3A_595 = arith.constant 0 : i32
      %dma_start3A_596 = arith.constant 0 : i32
      %dma_start3A_597 = tpu.memref_slice %arg8[%run_scoped3A_326, %dma_start3A_595, %dma_start3A_596] : memref<2x256x64xf32, #tpu.memory_space<vmem>> -> memref<1x40x16xf32, #tpu.memory_space<vmem>>
      %dma_start3A_598 = tpu.memref_squeeze %dma_start3A_597 : memref<1x40x16xf32, #tpu.memory_space<vmem>> -> memref<40x16xf32, #tpu.memory_space<vmem>>
      tpu.enqueue_dma source(%dma_start3A_598 : memref<40x16xf32, #tpu.memory_space<vmem>>) target(%dma_start3A_594 : memref<40x16xf32, #tpu.memory_space<vmem_shared>>) target_semaphore(%run_scoped3A_586 : memref<!tpu.dma_semaphore, #tpu.memory_space<semaphore_mem>>)
      %dma_wait3A_599 = arith.constant 0 : i32
      %dma_wait3A_600 = arith.constant 0 : i32
      %dma_wait3A_601 = tpu.memref_slice %arg8[%run_scoped3A_326, %dma_wait3A_599, %dma_wait3A_600] : memref<2x256x64xf32, #tpu.memory_space<vmem>> -> memref<1x40x16xf32, #tpu.memory_space<vmem>>
      %dma_wait3A_602 = tpu.memref_squeeze %dma_wait3A_601 : memref<1x40x16xf32, #tpu.memory_space<vmem>> -> memref<40x16xf32, #tpu.memory_space<vmem>>
      %dma_wait3A_603 = arith.constant 0 : i32
      %dma_wait3A_604 = tpu.memref_slice %arg7[%mul3A_325, %dma_wait3A_603] : memref<640x16xf32, #tpu.memory_space<vmem_shared>> -> memref<40x16xf32, #tpu.memory_space<vmem_shared>>
      %dma_wait3A_605 = arith.constant 0 : i32
      %dma_wait3A_606 = tpu.memref_slice %arg7[%mul3A_325, %dma_wait3A_605] : memref<640x16xf32, #tpu.memory_space<vmem_shared>> -> memref<40x16xf32, #tpu.memory_space<vmem_shared>>
      %dma_wait3A_607 = arith.constant 0 : i32
      %dma_wait3A_608 = arith.constant 0 : i32
      %dma_wait3A_609 = tpu.memref_slice %arg8[%run_scoped3A_326, %dma_wait3A_607, %dma_wait3A_608] : memref<2x256x64xf32, #tpu.memory_space<vmem>> -> memref<1x40x16xf32, #tpu.memory_space<vmem>>
      %dma_wait3A_610 = tpu.memref_squeeze %dma_wait3A_609 : memref<1x40x16xf32, #tpu.memory_space<vmem>> -> memref<40x16xf32, #tpu.memory_space<vmem>>
      tpu.wait_dma2 semaphore(%run_scoped3A_586 : memref<!tpu.dma_semaphore, #tpu.memory_space<semaphore_mem>>) src(%dma_wait3A_610 : memref<40x16xf32, #tpu.memory_space<vmem>>) dst(%dma_wait3A_606 : memref<40x16xf32, #tpu.memory_space<vmem_shared>>)
      tpu.yield
    }) : () -> ()
    %barrier3A = arith.constant 0 : index
    tpu.barrier barrier_id(%barrier3A)
    %add3A_327 = arith.constant 0 : i32
    %add3A_328 = arith.addi %add3A, %add3A_327 : i32
    %mul3A_329 = arith.constant 128 : i32
    %mul3A_330 = arith.muli %add3A_328, %mul3A_329 : i32
    %dma_start3A = arith.constant 0 : i32
    %dma_start3A_331 = arith.constant 0 : i32
    %dma_start3A_332 = arith.constant 0 : i32
    %dma_start3A_333 = tpu.memref_slice %arg8[%dma_start3A, %dma_start3A_331, %dma_start3A_332] : memref<2x256x64xf32, #tpu.memory_space<vmem>> -> memref<1x256x64xf32, #tpu.memory_space<vmem>>
    %dma_start3A_334 = tpu.memref_squeeze %dma_start3A_333 : memref<1x256x64xf32, #tpu.memory_space<vmem>> -> memref<256x64xf32, #tpu.memory_space<vmem>>
    %dma_start3A_335 = tpu.memref_slice %arg2[%mul3A_330, %mul3A_0] : memref<320000x128xf32, #tpu.memory_space<hbm>> -> memref<256x64xf32, #tpu.memory_space<hbm>>
    %dma_start3A_336 = arith.constant 0 : i32
    %dma_start3A_337 = arith.constant 0 : i32
    %dma_start3A_338 = tpu.memref_slice %arg8[%dma_start3A, %dma_start3A_336, %dma_start3A_337] : memref<2x256x64xf32, #tpu.memory_space<vmem>> -> memref<1x256x64xf32, #tpu.memory_space<vmem>>
    %dma_start3A_339 = tpu.memref_squeeze %dma_start3A_338 : memref<1x256x64xf32, #tpu.memory_space<vmem>> -> memref<256x64xf32, #tpu.memory_space<vmem>>
    %dma_start3A_340 = tpu.memref_slice %arg2[%mul3A_330, %mul3A_0] : memref<320000x128xf32, #tpu.memory_space<hbm>> -> memref<256x64xf32, #tpu.memory_space<hbm>>
    tpu.enqueue_dma source(%dma_start3A_340 : memref<256x64xf32, #tpu.memory_space<hbm>>) target(%dma_start3A_339 : memref<256x64xf32, #tpu.memory_space<vmem>>) target_semaphore(%arg15 : memref<!tpu.dma_semaphore, #tpu.memory_space<semaphore_mem>>)
    %add3A_341 = arith.constant 0 : i32
    %add3A_342 = arith.addi %add3A, %add3A_341 : i32
    %dma_start3A_343 = arith.constant 0 : i32
    %dma_start3A_344 = arith.constant 0 : i32
    %dma_start3A_345 = arith.constant 0 : i32
    %dma_start3A_346 = tpu.memref_slice %arg10[%dma_start3A_343, %dma_start3A_344, %dma_start3A_345] : memref<2x2x128xi32, #tpu.memory_space<vmem>> -> memref<1x2x128xi32, #tpu.memory_space<vmem>>
    %dma_start3A_347 = tpu.memref_squeeze %dma_start3A_346 : memref<1x2x128xi32, #tpu.memory_space<vmem>> -> memref<2x128xi32, #tpu.memory_space<vmem>>
    %dma_start3A_348 = arith.constant 0 : i32
    %dma_start3A_349 = tpu.memref_slice %arg3[%add3A_342, %dma_start3A_348] : memref<2500x128xi32, #tpu.memory_space<hbm>> -> memref<2x128xi32, #tpu.memory_space<hbm>>
    %dma_start3A_350 = arith.constant 0 : i32
    %dma_start3A_351 = arith.constant 0 : i32
    %dma_start3A_352 = tpu.memref_slice %arg10[%dma_start3A_343, %dma_start3A_350, %dma_start3A_351] : memref<2x2x128xi32, #tpu.memory_space<vmem>> -> memref<1x2x128xi32, #tpu.memory_space<vmem>>
    %dma_start3A_353 = tpu.memref_squeeze %dma_start3A_352 : memref<1x2x128xi32, #tpu.memory_space<vmem>> -> memref<2x128xi32, #tpu.memory_space<vmem>>
    %dma_start3A_354 = arith.constant 0 : i32
    %dma_start3A_355 = tpu.memref_slice %arg3[%add3A_342, %dma_start3A_354] : memref<2500x128xi32, #tpu.memory_space<hbm>> -> memref<2x128xi32, #tpu.memory_space<hbm>>
    tpu.enqueue_dma source(%dma_start3A_355 : memref<2x128xi32, #tpu.memory_space<hbm>>) target(%dma_start3A_353 : memref<2x128xi32, #tpu.memory_space<vmem>>) target_semaphore(%arg17 : memref<!tpu.dma_semaphore, #tpu.memory_space<semaphore_mem>>)
    %scan3A_356 = arith.constant 0 : i32
    %scan3A_357 = arith.constant 0 : i32
    %scan3A_358 = arith.constant 39 : i32
    %scan3A_359 = arith.addi %scan3A_357, %scan3A_358 : i32
    %scan3A_360 = arith.constant 1 : i32
    scf.for %scan3A_586 = %scan3A_357 to %scan3A_359 step %scan3A_360  : i32 {
      %mul3A_587 = arith.constant 2 : i32
      %mul3A_588 = arith.muli %mul3A_587, %scan3A_586 : i32
      %add3A_589 = arith.constant 0 : i32
      %add3A_590 = arith.addi %mul3A_588, %add3A_589 : i32
      %ge3A = arith.constant 1 : i32
      %ge3A_591 = arith.cmpi sge, %add3A_590, %ge3A : i32
      %convert_element_type3A_592 = arith.extui %ge3A_591 : i1 to i32
      %cond3A_593 = arith.constant 0 : i32
      %cond3A_594 = arith.cmpi ne, %convert_element_type3A_592, %cond3A_593 : i32
      scf.if %cond3A_594 {
        %dma_wait3A_1117 = arith.constant 1 : i32
        %dma_wait3A_1118 = arith.constant 1 : i32
        %dma_wait3A_1119 = arith.constant 0 : i32
        %dma_wait3A_1120 = arith.constant 0 : i32
        %dma_wait3A_1121 = arith.constant 0 : i32
        %dma_wait3A_1122 = tpu.memref_slice %arg8[%dma_wait3A_1117, %dma_wait3A_1120, %dma_wait3A_1121] : memref<2x256x64xf32, #tpu.memory_space<vmem>> -> memref<1x128x64xf32, #tpu.memory_space<vmem>>
        %dma_wait3A_1123 = tpu.memref_squeeze %dma_wait3A_1122 : memref<1x128x64xf32, #tpu.memory_space<vmem>> -> memref<128x64xf32, #tpu.memory_space<vmem>>
        %dma_wait3A_1124 = arith.constant 0 : i32
        %dma_wait3A_1125 = tpu.memref_slice %arg10[%dma_wait3A_1118, %dma_wait3A_1119, %dma_wait3A_1124] : memref<2x2x128xi32, #tpu.memory_space<vmem>> -> memref<1x1x128xi32, #tpu.memory_space<vmem>>
        %dma_wait3A_1126 = tpu.memref_squeeze %dma_wait3A_1125 : memref<1x1x128xi32, #tpu.memory_space<vmem>> -> memref<128xi32, #tpu.memory_space<vmem>>
        %dma_wait3A_1127 = arith.constant 0 : i32
        %dma_wait3A_1128 = arith.constant 0 : i32
        %dma_wait3A_1129 = tpu.memref_slice %arg6[%dma_wait3A_1127, %dma_wait3A_1128] : memref<10000x64xf32, #tpu.memory_space<vmem_shared>> -> memref<10000x64xf32, #tpu.memory_space<vmem_shared>>
        tpu.wait_indirect_dma semaphore(%arg24 : memref<!tpu.dma_semaphore, #tpu.memory_space<semaphore_mem>>) src(%dma_wait3A_1123 : memref<128x64xf32, #tpu.memory_space<vmem>>) dst(%dma_wait3A_1129 : memref<10000x64xf32, #tpu.memory_space<vmem_shared>>)
        %dma_wait3A_1130 = arith.constant 1 : i32
        %dma_wait3A_1131 = arith.constant 1 : i32
        %dma_wait3A_1132 = arith.constant 1 : i32
        %dma_wait3A_1133 = arith.constant 128 : i32
        %dma_wait3A_1134 = arith.constant 0 : i32
        %dma_wait3A_1135 = tpu.memref_slice %arg8[%dma_wait3A_1130, %dma_wait3A_1133, %dma_wait3A_1134] : memref<2x256x64xf32, #tpu.memory_space<vmem>> -> memref<1x128x64xf32, #tpu.memory_space<vmem>>
        %dma_wait3A_1136 = tpu.memref_squeeze %dma_wait3A_1135 : memref<1x128x64xf32, #tpu.memory_space<vmem>> -> memref<128x64xf32, #tpu.memory_space<vmem>>
        %dma_wait3A_1137 = arith.constant 0 : i32
        %dma_wait3A_1138 = tpu.memref_slice %arg10[%dma_wait3A_1131, %dma_wait3A_1132, %dma_wait3A_1137] : memref<2x2x128xi32, #tpu.memory_space<vmem>> -> memref<1x1x128xi32, #tpu.memory_space<vmem>>
        %dma_wait3A_1139 = tpu.memref_squeeze %dma_wait3A_1138 : memref<1x1x128xi32, #tpu.memory_space<vmem>> -> memref<128xi32, #tpu.memory_space<vmem>>
        %dma_wait3A_1140 = arith.constant 0 : i32
        %dma_wait3A_1141 = arith.constant 0 : i32
        %dma_wait3A_1142 = tpu.memref_slice %arg6[%dma_wait3A_1140, %dma_wait3A_1141] : memref<10000x64xf32, #tpu.memory_space<vmem_shared>> -> memref<10000x64xf32, #tpu.memory_space<vmem_shared>>
        tpu.wait_indirect_dma semaphore(%arg24 : memref<!tpu.dma_semaphore, #tpu.memory_space<semaphore_mem>>) src(%dma_wait3A_1136 : memref<128x64xf32, #tpu.memory_space<vmem>>) dst(%dma_wait3A_1142 : memref<10000x64xf32, #tpu.memory_space<vmem_shared>>)
      } else {
      }
      %add3A_595 = arith.constant 1 : i32
      %add3A_596 = arith.addi %add3A_590, %add3A_595 : i32
      %lt3A_597 = arith.constant 78 : i32
      %lt3A_598 = arith.cmpi slt, %add3A_596, %lt3A_597 : i32
      %convert_element_type3A_599 = arith.extui %lt3A_598 : i1 to i32
      %cond3A_600 = arith.constant 0 : i32
      %cond3A_601 = arith.cmpi ne, %convert_element_type3A_599, %cond3A_600 : i32
      scf.if %cond3A_601 {
        %add3A_1117 = arith.constant 1 : i32
        %add3A_1118 = arith.addi %add3A_590, %add3A_1117 : i32
        %mul3A_1119 = arith.constant 2 : i32
        %mul3A_1120 = arith.muli %mul3A_1119, %add3A_1118 : i32
        %add3A_1121 = arith.addi %add3A, %mul3A_1120 : i32
        %mul3A_1122 = arith.constant 128 : i32
        %mul3A_1123 = arith.muli %add3A_1121, %mul3A_1122 : i32
        %dma_start3A_1124 = arith.constant 1 : i32
        %dma_start3A_1125 = arith.constant 0 : i32
        %dma_start3A_1126 = arith.constant 0 : i32
        %dma_start3A_1127 = tpu.memref_slice %arg8[%dma_start3A_1124, %dma_start3A_1125, %dma_start3A_1126] : memref<2x256x64xf32, #tpu.memory_space<vmem>> -> memref<1x256x64xf32, #tpu.memory_space<vmem>>
        %dma_start3A_1128 = tpu.memref_squeeze %dma_start3A_1127 : memref<1x256x64xf32, #tpu.memory_space<vmem>> -> memref<256x64xf32, #tpu.memory_space<vmem>>
        %dma_start3A_1129 = tpu.memref_slice %arg2[%mul3A_1123, %mul3A_0] : memref<320000x128xf32, #tpu.memory_space<hbm>> -> memref<256x64xf32, #tpu.memory_space<hbm>>
        %dma_start3A_1130 = arith.constant 0 : i32
        %dma_start3A_1131 = arith.constant 0 : i32
        %dma_start3A_1132 = tpu.memref_slice %arg8[%dma_start3A_1124, %dma_start3A_1130, %dma_start3A_1131] : memref<2x256x64xf32, #tpu.memory_space<vmem>> -> memref<1x256x64xf32, #tpu.memory_space<vmem>>
        %dma_start3A_1133 = tpu.memref_squeeze %dma_start3A_1132 : memref<1x256x64xf32, #tpu.memory_space<vmem>> -> memref<256x64xf32, #tpu.memory_space<vmem>>
        %dma_start3A_1134 = tpu.memref_slice %arg2[%mul3A_1123, %mul3A_0] : memref<320000x128xf32, #tpu.memory_space<hbm>> -> memref<256x64xf32, #tpu.memory_space<hbm>>
        tpu.enqueue_dma source(%dma_start3A_1134 : memref<256x64xf32, #tpu.memory_space<hbm>>) target(%dma_start3A_1133 : memref<256x64xf32, #tpu.memory_space<vmem>>) target_semaphore(%arg16 : memref<!tpu.dma_semaphore, #tpu.memory_space<semaphore_mem>>)
        %add3A_1135 = arith.constant 1 : i32
        %add3A_1136 = arith.addi %add3A_590, %add3A_1135 : i32
        %mul3A_1137 = arith.constant 2 : i32
        %mul3A_1138 = arith.muli %mul3A_1137, %add3A_1136 : i32
        %add3A_1139 = arith.addi %add3A, %mul3A_1138 : i32
        %dma_start3A_1140 = arith.constant 1 : i32
        %dma_start3A_1141 = arith.constant 0 : i32
        %dma_start3A_1142 = arith.constant 0 : i32
        %dma_start3A_1143 = tpu.memref_slice %arg10[%dma_start3A_1140, %dma_start3A_1141, %dma_start3A_1142] : memref<2x2x128xi32, #tpu.memory_space<vmem>> -> memref<1x2x128xi32, #tpu.memory_space<vmem>>
        %dma_start3A_1144 = tpu.memref_squeeze %dma_start3A_1143 : memref<1x2x128xi32, #tpu.memory_space<vmem>> -> memref<2x128xi32, #tpu.memory_space<vmem>>
        %dma_start3A_1145 = arith.constant 0 : i32
        %dma_start3A_1146 = tpu.memref_slice %arg3[%add3A_1139, %dma_start3A_1145] : memref<2500x128xi32, #tpu.memory_space<hbm>> -> memref<2x128xi32, #tpu.memory_space<hbm>>
        %dma_start3A_1147 = arith.constant 0 : i32
        %dma_start3A_1148 = arith.constant 0 : i32
        %dma_start3A_1149 = tpu.memref_slice %arg10[%dma_start3A_1140, %dma_start3A_1147, %dma_start3A_1148] : memref<2x2x128xi32, #tpu.memory_space<vmem>> -> memref<1x2x128xi32, #tpu.memory_space<vmem>>
        %dma_start3A_1150 = tpu.memref_squeeze %dma_start3A_1149 : memref<1x2x128xi32, #tpu.memory_space<vmem>> -> memref<2x128xi32, #tpu.memory_space<vmem>>
        %dma_start3A_1151 = arith.constant 0 : i32
        %dma_start3A_1152 = tpu.memref_slice %arg3[%add3A_1139, %dma_start3A_1151] : memref<2500x128xi32, #tpu.memory_space<hbm>> -> memref<2x128xi32, #tpu.memory_space<hbm>>
        tpu.enqueue_dma source(%dma_start3A_1152 : memref<2x128xi32, #tpu.memory_space<hbm>>) target(%dma_start3A_1150 : memref<2x128xi32, #tpu.memory_space<vmem>>) target_semaphore(%arg18 : memref<!tpu.dma_semaphore, #tpu.memory_space<semaphore_mem>>)
      } else {
      }
      %mul3A_602 = arith.constant 2 : i32
      %mul3A_603 = arith.muli %mul3A_602, %add3A_590 : i32
      %add3A_604 = arith.addi %add3A, %mul3A_603 : i32
      %mul3A_605 = arith.constant 128 : i32
      %mul3A_606 = arith.muli %add3A_604, %mul3A_605 : i32
      %dma_wait3A_607 = arith.constant 0 : i32
      %dma_wait3A_608 = arith.constant 0 : i32
      %dma_wait3A_609 = arith.constant 0 : i32
      %dma_wait3A_610 = tpu.memref_slice %arg8[%dma_wait3A_607, %dma_wait3A_608, %dma_wait3A_609] : memref<2x256x64xf32, #tpu.memory_space<vmem>> -> memref<1x256x64xf32, #tpu.memory_space<vmem>>
      %dma_wait3A_611 = tpu.memref_squeeze %dma_wait3A_610 : memref<1x256x64xf32, #tpu.memory_space<vmem>> -> memref<256x64xf32, #tpu.memory_space<vmem>>
      %dma_wait3A_612 = tpu.memref_slice %arg2[%mul3A_606, %mul3A_0] : memref<320000x128xf32, #tpu.memory_space<hbm>> -> memref<256x64xf32, #tpu.memory_space<hbm>>
      %dma_wait3A_613 = arith.constant 0 : i32
      %dma_wait3A_614 = arith.constant 0 : i32
      %dma_wait3A_615 = tpu.memref_slice %arg8[%dma_wait3A_607, %dma_wait3A_613, %dma_wait3A_614] : memref<2x256x64xf32, #tpu.memory_space<vmem>> -> memref<1x256x64xf32, #tpu.memory_space<vmem>>
      %dma_wait3A_616 = tpu.memref_squeeze %dma_wait3A_615 : memref<1x256x64xf32, #tpu.memory_space<vmem>> -> memref<256x64xf32, #tpu.memory_space<vmem>>
      %dma_wait3A_617 = tpu.memref_slice %arg2[%mul3A_606, %mul3A_0] : memref<320000x128xf32, #tpu.memory_space<hbm>> -> memref<256x64xf32, #tpu.memory_space<hbm>>
      tpu.wait_dma2 semaphore(%arg15 : memref<!tpu.dma_semaphore, #tpu.memory_space<semaphore_mem>>) src(%dma_wait3A_617 : memref<256x64xf32, #tpu.memory_space<hbm>>) dst(%dma_wait3A_616 : memref<256x64xf32, #tpu.memory_space<vmem>>)
      %mul3A_618 = arith.constant 2 : i32
      %mul3A_619 = arith.muli %mul3A_618, %add3A_590 : i32
      %add3A_620 = arith.addi %add3A, %mul3A_619 : i32
      %dma_wait3A_621 = arith.constant 0 : i32
      %dma_wait3A_622 = arith.constant 0 : i32
      %dma_wait3A_623 = arith.constant 0 : i32
      %dma_wait3A_624 = tpu.memref_slice %arg10[%dma_wait3A_621, %dma_wait3A_622, %dma_wait3A_623] : memref<2x2x128xi32, #tpu.memory_space<vmem>> -> memref<1x2x128xi32, #tpu.memory_space<vmem>>
      %dma_wait3A_625 = tpu.memref_squeeze %dma_wait3A_624 : memref<1x2x128xi32, #tpu.memory_space<vmem>> -> memref<2x128xi32, #tpu.memory_space<vmem>>
      %dma_wait3A_626 = arith.constant 0 : i32
      %dma_wait3A_627 = tpu.memref_slice %arg3[%add3A_620, %dma_wait3A_626] : memref<2500x128xi32, #tpu.memory_space<hbm>> -> memref<2x128xi32, #tpu.memory_space<hbm>>
      %dma_wait3A_628 = arith.constant 0 : i32
      %dma_wait3A_629 = arith.constant 0 : i32
      %dma_wait3A_630 = tpu.memref_slice %arg10[%dma_wait3A_621, %dma_wait3A_628, %dma_wait3A_629] : memref<2x2x128xi32, #tpu.memory_space<vmem>> -> memref<1x2x128xi32, #tpu.memory_space<vmem>>
      %dma_wait3A_631 = tpu.memref_squeeze %dma_wait3A_630 : memref<1x2x128xi32, #tpu.memory_space<vmem>> -> memref<2x128xi32, #tpu.memory_space<vmem>>
      %dma_wait3A_632 = arith.constant 0 : i32
      %dma_wait3A_633 = tpu.memref_slice %arg3[%add3A_620, %dma_wait3A_632] : memref<2500x128xi32, #tpu.memory_space<hbm>> -> memref<2x128xi32, #tpu.memory_space<hbm>>
      tpu.wait_dma2 semaphore(%arg17 : memref<!tpu.dma_semaphore, #tpu.memory_space<semaphore_mem>>) src(%dma_wait3A_633 : memref<2x128xi32, #tpu.memory_space<hbm>>) dst(%dma_wait3A_631 : memref<2x128xi32, #tpu.memory_space<vmem>>)
      %dma_start3A_634 = arith.constant 0 : i32
      %dma_start3A_635 = arith.constant 0 : i32
      %dma_start3A_636 = arith.constant 0 : i32
      %dma_start3A_637 = arith.constant 0 : i32
      %dma_start3A_638 = arith.constant 0 : i32
      %dma_start3A_639 = tpu.memref_slice %arg8[%dma_start3A_634, %dma_start3A_637, %dma_start3A_638] : memref<2x256x64xf32, #tpu.memory_space<vmem>> -> memref<1x128x64xf32, #tpu.memory_space<vmem>>
      %dma_start3A_640 = tpu.memref_squeeze %dma_start3A_639 : memref<1x128x64xf32, #tpu.memory_space<vmem>> -> memref<128x64xf32, #tpu.memory_space<vmem>>
      %dma_start3A_641 = arith.constant 0 : i32
      %dma_start3A_642 = tpu.memref_slice %arg10[%dma_start3A_635, %dma_start3A_636, %dma_start3A_641] : memref<2x2x128xi32, #tpu.memory_space<vmem>> -> memref<1x1x128xi32, #tpu.memory_space<vmem>>
      %dma_start3A_643 = tpu.memref_squeeze %dma_start3A_642 : memref<1x1x128xi32, #tpu.memory_space<vmem>> -> memref<128xi32, #tpu.memory_space<vmem>>
      %dma_start3A_644 = arith.constant 0 : i32
      %dma_start3A_645 = arith.constant 0 : i32
      %dma_start3A_646 = tpu.memref_slice %arg6[%dma_start3A_644, %dma_start3A_645] : memref<10000x64xf32, #tpu.memory_space<vmem_shared>> -> memref<10000x64xf32, #tpu.memory_space<vmem_shared>>
      tpu.enqueue_indirect_dma source(%dma_start3A_640 : memref<128x64xf32, #tpu.memory_space<vmem>>) target(%dma_start3A_646 : memref<10000x64xf32, #tpu.memory_space<vmem_shared>>) offsets(%dma_start3A_643 : memref<128xi32, #tpu.memory_space<vmem>>) semaphore(%arg23 : memref<!tpu.dma_semaphore, #tpu.memory_space<semaphore_mem>>) {add = true}
      %dma_start3A_647 = arith.constant 0 : i32
      %dma_start3A_648 = arith.constant 0 : i32
      %dma_start3A_649 = arith.constant 1 : i32
      %dma_start3A_650 = arith.constant 128 : i32
      %dma_start3A_651 = arith.constant 0 : i32
      %dma_start3A_652 = tpu.memref_slice %arg8[%dma_start3A_647, %dma_start3A_650, %dma_start3A_651] : memref<2x256x64xf32, #tpu.memory_space<vmem>> -> memref<1x128x64xf32, #tpu.memory_space<vmem>>
      %dma_start3A_653 = tpu.memref_squeeze %dma_start3A_652 : memref<1x128x64xf32, #tpu.memory_space<vmem>> -> memref<128x64xf32, #tpu.memory_space<vmem>>
      %dma_start3A_654 = arith.constant 0 : i32
      %dma_start3A_655 = tpu.memref_slice %arg10[%dma_start3A_648, %dma_start3A_649, %dma_start3A_654] : memref<2x2x128xi32, #tpu.memory_space<vmem>> -> memref<1x1x128xi32, #tpu.memory_space<vmem>>
      %dma_start3A_656 = tpu.memref_squeeze %dma_start3A_655 : memref<1x1x128xi32, #tpu.memory_space<vmem>> -> memref<128xi32, #tpu.memory_space<vmem>>
      %dma_start3A_657 = arith.constant 0 : i32
      %dma_start3A_658 = arith.constant 0 : i32
      %dma_start3A_659 = tpu.memref_slice %arg6[%dma_start3A_657, %dma_start3A_658] : memref<10000x64xf32, #tpu.memory_space<vmem_shared>> -> memref<10000x64xf32, #tpu.memory_space<vmem_shared>>
      tpu.enqueue_indirect_dma source(%dma_start3A_653 : memref<128x64xf32, #tpu.memory_space<vmem>>) target(%dma_start3A_659 : memref<10000x64xf32, #tpu.memory_space<vmem_shared>>) offsets(%dma_start3A_656 : memref<128xi32, #tpu.memory_space<vmem>>) semaphore(%arg23 : memref<!tpu.dma_semaphore, #tpu.memory_space<semaphore_mem>>) {add = true}
      %get3A_660 = arith.constant 0 : i32
      %get3A_661 = arith.constant 0 : i32
      %get3A_662 = arith.index_cast %get3A_660 : i32 to index
      %get3A_663 = arith.index_cast %get3A_661 : i32 to index
      %get3A_664 = arith.constant 0 : index
      %get3A_665 = tpu.vector_load %arg10[%get3A_662, %get3A_663, %get3A_664] {strides = array<i32>} : memref<2x2x128xi32, #tpu.memory_space<vmem>>, vector<16xi32>,
      %shift_right_logical3A = arith.constant 4 : i32
      %shift_right_logical3A_666 = vector.broadcast %shift_right_logical3A : i32 to vector<16xi32>
      %shift_right_logical3A_667 = arith.shrui %get3A_665, %shift_right_logical3A_666 : vector<16xi32>
      %and3A_668 = arith.constant 15 : i32
      %and3A_669 = vector.broadcast %and3A_668 : i32 to vector<16xi32>
      %and3A_670 = arith.andi %get3A_665, %and3A_669 : vector<16xi32>
      tpu.vector_store_idx %arg11[%shift_right_logical3A_667, %and3A_670], %broadcast_in_dim3A_7 {add = true} : memref<640x16xf32, #tpu.memory_space<vmem>>[vector<16xi32>, vector<16xi32>], vector<16xf32>,
      %get3A_671 = arith.constant 0 : i32
      %get3A_672 = arith.constant 0 : i32
      %get3A_673 = arith.index_cast %get3A_671 : i32 to index
      %get3A_674 = arith.index_cast %get3A_672 : i32 to index
      %get3A_675 = arith.constant 16 : index
      %get3A_676 = tpu.vector_load %arg10[%get3A_673, %get3A_674, %get3A_675] {strides = array<i32>} : memref<2x2x128xi32, #tpu.memory_space<vmem>>, vector<16xi32>,
      %shift_right_logical3A_677 = arith.constant 4 : i32
      %shift_right_logical3A_678 = vector.broadcast %shift_right_logical3A_677 : i32 to vector<16xi32>
      %shift_right_logical3A_679 = arith.shrui %get3A_676, %shift_right_logical3A_678 : vector<16xi32>
      %and3A_680 = arith.constant 15 : i32
      %and3A_681 = vector.broadcast %and3A_680 : i32 to vector<16xi32>
      %and3A_682 = arith.andi %get3A_676, %and3A_681 : vector<16xi32>
      tpu.vector_store_idx %arg11[%shift_right_logical3A_679, %and3A_682], %broadcast_in_dim3A_7 {add = true} : memref<640x16xf32, #tpu.memory_space<vmem>>[vector<16xi32>, vector<16xi32>], vector<16xf32>,
      %get3A_683 = arith.constant 0 : i32
      %get3A_684 = arith.constant 0 : i32
      %get3A_685 = arith.index_cast %get3A_683 : i32 to index
      %get3A_686 = arith.index_cast %get3A_684 : i32 to index
      %get3A_687 = arith.constant 32 : index
      %get3A_688 = tpu.vector_load %arg10[%get3A_685, %get3A_686, %get3A_687] {strides = array<i32>} : memref<2x2x128xi32, #tpu.memory_space<vmem>>, vector<16xi32>,
      %shift_right_logical3A_689 = arith.constant 4 : i32
      %shift_right_logical3A_690 = vector.broadcast %shift_right_logical3A_689 : i32 to vector<16xi32>
      %shift_right_logical3A_691 = arith.shrui %get3A_688, %shift_right_logical3A_690 : vector<16xi32>
      %and3A_692 = arith.constant 15 : i32
      %and3A_693 = vector.broadcast %and3A_692 : i32 to vector<16xi32>
      %and3A_694 = arith.andi %get3A_688, %and3A_693 : vector<16xi32>
      tpu.vector_store_idx %arg11[%shift_right_logical3A_691, %and3A_694], %broadcast_in_dim3A_7 {add = true} : memref<640x16xf32, #tpu.memory_space<vmem>>[vector<16xi32>, vector<16xi32>], vector<16xf32>,
      %get3A_695 = arith.constant 0 : i32
      %get3A_696 = arith.constant 0 : i32
      %get3A_697 = arith.index_cast %get3A_695 : i32 to index
      %get3A_698 = arith.index_cast %get3A_696 : i32 to index
      %get3A_699 = arith.constant 48 : index
      %get3A_700 = tpu.vector_load %arg10[%get3A_697, %get3A_698, %get3A_699] {strides = array<i32>} : memref<2x2x128xi32, #tpu.memory_space<vmem>>, vector<16xi32>,
      %shift_right_logical3A_701 = arith.constant 4 : i32
      %shift_right_logical3A_702 = vector.broadcast %shift_right_logical3A_701 : i32 to vector<16xi32>
      %shift_right_logical3A_703 = arith.shrui %get3A_700, %shift_right_logical3A_702 : vector<16xi32>
      %and3A_704 = arith.constant 15 : i32
      %and3A_705 = vector.broadcast %and3A_704 : i32 to vector<16xi32>
      %and3A_706 = arith.andi %get3A_700, %and3A_705 : vector<16xi32>
      tpu.vector_store_idx %arg11[%shift_right_logical3A_703, %and3A_706], %broadcast_in_dim3A_7 {add = true} : memref<640x16xf32, #tpu.memory_space<vmem>>[vector<16xi32>, vector<16xi32>], vector<16xf32>,
      %get3A_707 = arith.constant 0 : i32
      %get3A_708 = arith.constant 0 : i32
      %get3A_709 = arith.index_cast %get3A_707 : i32 to index
      %get3A_710 = arith.index_cast %get3A_708 : i32 to index
      %get3A_711 = arith.constant 64 : index
      %get3A_712 = tpu.vector_load %arg10[%get3A_709, %get3A_710, %get3A_711] {strides = array<i32>} : memref<2x2x128xi32, #tpu.memory_space<vmem>>, vector<16xi32>,
      %shift_right_logical3A_713 = arith.constant 4 : i32
      %shift_right_logical3A_714 = vector.broadcast %shift_right_logical3A_713 : i32 to vector<16xi32>
      %shift_right_logical3A_715 = arith.shrui %get3A_712, %shift_right_logical3A_714 : vector<16xi32>
      %and3A_716 = arith.constant 15 : i32
      %and3A_717 = vector.broadcast %and3A_716 : i32 to vector<16xi32>
      %and3A_718 = arith.andi %get3A_712, %and3A_717 : vector<16xi32>
      tpu.vector_store_idx %arg11[%shift_right_logical3A_715, %and3A_718], %broadcast_in_dim3A_7 {add = true} : memref<640x16xf32, #tpu.memory_space<vmem>>[vector<16xi32>, vector<16xi32>], vector<16xf32>,
      %get3A_719 = arith.constant 0 : i32
      %get3A_720 = arith.constant 0 : i32
      %get3A_721 = arith.index_cast %get3A_719 : i32 to index
      %get3A_722 = arith.index_cast %get3A_720 : i32 to index
      %get3A_723 = arith.constant 80 : index
      %get3A_724 = tpu.vector_load %arg10[%get3A_721, %get3A_722, %get3A_723] {strides = array<i32>} : memref<2x2x128xi32, #tpu.memory_space<vmem>>, vector<16xi32>,
      %shift_right_logical3A_725 = arith.constant 4 : i32
      %shift_right_logical3A_726 = vector.broadcast %shift_right_logical3A_725 : i32 to vector<16xi32>
      %shift_right_logical3A_727 = arith.shrui %get3A_724, %shift_right_logical3A_726 : vector<16xi32>
      %and3A_728 = arith.constant 15 : i32
      %and3A_729 = vector.broadcast %and3A_728 : i32 to vector<16xi32>
      %and3A_730 = arith.andi %get3A_724, %and3A_729 : vector<16xi32>
      tpu.vector_store_idx %arg11[%shift_right_logical3A_727, %and3A_730], %broadcast_in_dim3A_7 {add = true} : memref<640x16xf32, #tpu.memory_space<vmem>>[vector<16xi32>, vector<16xi32>], vector<16xf32>,
      %get3A_731 = arith.constant 0 : i32
      %get3A_732 = arith.constant 0 : i32
      %get3A_733 = arith.index_cast %get3A_731 : i32 to index
      %get3A_734 = arith.index_cast %get3A_732 : i32 to index
      %get3A_735 = arith.constant 96 : index
      %get3A_736 = tpu.vector_load %arg10[%get3A_733, %get3A_734, %get3A_735] {strides = array<i32>} : memref<2x2x128xi32, #tpu.memory_space<vmem>>, vector<16xi32>,
      %shift_right_logical3A_737 = arith.constant 4 : i32
      %shift_right_logical3A_738 = vector.broadcast %shift_right_logical3A_737 : i32 to vector<16xi32>
      %shift_right_logical3A_739 = arith.shrui %get3A_736, %shift_right_logical3A_738 : vector<16xi32>
      %and3A_740 = arith.constant 15 : i32
      %and3A_741 = vector.broadcast %and3A_740 : i32 to vector<16xi32>
      %and3A_742 = arith.andi %get3A_736, %and3A_741 : vector<16xi32>
      tpu.vector_store_idx %arg11[%shift_right_logical3A_739, %and3A_742], %broadcast_in_dim3A_7 {add = true} : memref<640x16xf32, #tpu.memory_space<vmem>>[vector<16xi32>, vector<16xi32>], vector<16xf32>,
      %get3A_743 = arith.constant 0 : i32
      %get3A_744 = arith.constant 0 : i32
      %get3A_745 = arith.index_cast %get3A_743 : i32 to index
      %get3A_746 = arith.index_cast %get3A_744 : i32 to index
      %get3A_747 = arith.constant 112 : index
      %get3A_748 = tpu.vector_load %arg10[%get3A_745, %get3A_746, %get3A_747] {strides = array<i32>} : memref<2x2x128xi32, #tpu.memory_space<vmem>>, vector<16xi32>,
      %shift_right_logical3A_749 = arith.constant 4 : i32
      %shift_right_logical3A_750 = vector.broadcast %shift_right_logical3A_749 : i32 to vector<16xi32>
      %shift_right_logical3A_751 = arith.shrui %get3A_748, %shift_right_logical3A_750 : vector<16xi32>
      %and3A_752 = arith.constant 15 : i32
      %and3A_753 = vector.broadcast %and3A_752 : i32 to vector<16xi32>
      %and3A_754 = arith.andi %get3A_748, %and3A_753 : vector<16xi32>
      tpu.vector_store_idx %arg11[%shift_right_logical3A_751, %and3A_754], %broadcast_in_dim3A_7 {add = true} : memref<640x16xf32, #tpu.memory_space<vmem>>[vector<16xi32>, vector<16xi32>], vector<16xf32>,
      %get3A_755 = arith.constant 0 : i32
      %get3A_756 = arith.constant 1 : i32
      %get3A_757 = arith.index_cast %get3A_755 : i32 to index
      %get3A_758 = arith.index_cast %get3A_756 : i32 to index
      %get3A_759 = arith.constant 0 : index
      %get3A_760 = tpu.vector_load %arg10[%get3A_757, %get3A_758, %get3A_759] {strides = array<i32>} : memref<2x2x128xi32, #tpu.memory_space<vmem>>, vector<16xi32>,
      %shift_right_logical3A_761 = arith.constant 4 : i32
      %shift_right_logical3A_762 = vector.broadcast %shift_right_logical3A_761 : i32 to vector<16xi32>
      %shift_right_logical3A_763 = arith.shrui %get3A_760, %shift_right_logical3A_762 : vector<16xi32>
      %and3A_764 = arith.constant 15 : i32
      %and3A_765 = vector.broadcast %and3A_764 : i32 to vector<16xi32>
      %and3A_766 = arith.andi %get3A_760, %and3A_765 : vector<16xi32>
      tpu.vector_store_idx %arg11[%shift_right_logical3A_763, %and3A_766], %broadcast_in_dim3A_7 {add = true} : memref<640x16xf32, #tpu.memory_space<vmem>>[vector<16xi32>, vector<16xi32>], vector<16xf32>,
      %get3A_767 = arith.constant 0 : i32
      %get3A_768 = arith.constant 1 : i32
      %get3A_769 = arith.index_cast %get3A_767 : i32 to index
      %get3A_770 = arith.index_cast %get3A_768 : i32 to index
      %get3A_771 = arith.constant 16 : index
      %get3A_772 = tpu.vector_load %arg10[%get3A_769, %get3A_770, %get3A_771] {strides = array<i32>} : memref<2x2x128xi32, #tpu.memory_space<vmem>>, vector<16xi32>,
      %shift_right_logical3A_773 = arith.constant 4 : i32
      %shift_right_logical3A_774 = vector.broadcast %shift_right_logical3A_773 : i32 to vector<16xi32>
      %shift_right_logical3A_775 = arith.shrui %get3A_772, %shift_right_logical3A_774 : vector<16xi32>
      %and3A_776 = arith.constant 15 : i32
      %and3A_777 = vector.broadcast %and3A_776 : i32 to vector<16xi32>
      %and3A_778 = arith.andi %get3A_772, %and3A_777 : vector<16xi32>
      tpu.vector_store_idx %arg11[%shift_right_logical3A_775, %and3A_778], %broadcast_in_dim3A_7 {add = true} : memref<640x16xf32, #tpu.memory_space<vmem>>[vector<16xi32>, vector<16xi32>], vector<16xf32>,
      %get3A_779 = arith.constant 0 : i32
      %get3A_780 = arith.constant 1 : i32
      %get3A_781 = arith.index_cast %get3A_779 : i32 to index
      %get3A_782 = arith.index_cast %get3A_780 : i32 to index
      %get3A_783 = arith.constant 32 : index
      %get3A_784 = tpu.vector_load %arg10[%get3A_781, %get3A_782, %get3A_783] {strides = array<i32>} : memref<2x2x128xi32, #tpu.memory_space<vmem>>, vector<16xi32>,
      %shift_right_logical3A_785 = arith.constant 4 : i32
      %shift_right_logical3A_786 = vector.broadcast %shift_right_logical3A_785 : i32 to vector<16xi32>
      %shift_right_logical3A_787 = arith.shrui %get3A_784, %shift_right_logical3A_786 : vector<16xi32>
      %and3A_788 = arith.constant 15 : i32
      %and3A_789 = vector.broadcast %and3A_788 : i32 to vector<16xi32>
      %and3A_790 = arith.andi %get3A_784, %and3A_789 : vector<16xi32>
      tpu.vector_store_idx %arg11[%shift_right_logical3A_787, %and3A_790], %broadcast_in_dim3A_7 {add = true} : memref<640x16xf32, #tpu.memory_space<vmem>>[vector<16xi32>, vector<16xi32>], vector<16xf32>,
      %get3A_791 = arith.constant 0 : i32
      %get3A_792 = arith.constant 1 : i32
      %get3A_793 = arith.index_cast %get3A_791 : i32 to index
      %get3A_794 = arith.index_cast %get3A_792 : i32 to index
      %get3A_795 = arith.constant 48 : index
      %get3A_796 = tpu.vector_load %arg10[%get3A_793, %get3A_794, %get3A_795] {strides = array<i32>} : memref<2x2x128xi32, #tpu.memory_space<vmem>>, vector<16xi32>,
      %shift_right_logical3A_797 = arith.constant 4 : i32
      %shift_right_logical3A_798 = vector.broadcast %shift_right_logical3A_797 : i32 to vector<16xi32>
      %shift_right_logical3A_799 = arith.shrui %get3A_796, %shift_right_logical3A_798 : vector<16xi32>
      %and3A_800 = arith.constant 15 : i32
      %and3A_801 = vector.broadcast %and3A_800 : i32 to vector<16xi32>
      %and3A_802 = arith.andi %get3A_796, %and3A_801 : vector<16xi32>
      tpu.vector_store_idx %arg11[%shift_right_logical3A_799, %and3A_802], %broadcast_in_dim3A_7 {add = true} : memref<640x16xf32, #tpu.memory_space<vmem>>[vector<16xi32>, vector<16xi32>], vector<16xf32>,
      %get3A_803 = arith.constant 0 : i32
      %get3A_804 = arith.constant 1 : i32
      %get3A_805 = arith.index_cast %get3A_803 : i32 to index
      %get3A_806 = arith.index_cast %get3A_804 : i32 to index
      %get3A_807 = arith.constant 64 : index
      %get3A_808 = tpu.vector_load %arg10[%get3A_805, %get3A_806, %get3A_807] {strides = array<i32>} : memref<2x2x128xi32, #tpu.memory_space<vmem>>, vector<16xi32>,
      %shift_right_logical3A_809 = arith.constant 4 : i32
      %shift_right_logical3A_810 = vector.broadcast %shift_right_logical3A_809 : i32 to vector<16xi32>
      %shift_right_logical3A_811 = arith.shrui %get3A_808, %shift_right_logical3A_810 : vector<16xi32>
      %and3A_812 = arith.constant 15 : i32
      %and3A_813 = vector.broadcast %and3A_812 : i32 to vector<16xi32>
      %and3A_814 = arith.andi %get3A_808, %and3A_813 : vector<16xi32>
      tpu.vector_store_idx %arg11[%shift_right_logical3A_811, %and3A_814], %broadcast_in_dim3A_7 {add = true} : memref<640x16xf32, #tpu.memory_space<vmem>>[vector<16xi32>, vector<16xi32>], vector<16xf32>,
      %get3A_815 = arith.constant 0 : i32
      %get3A_816 = arith.constant 1 : i32
      %get3A_817 = arith.index_cast %get3A_815 : i32 to index
      %get3A_818 = arith.index_cast %get3A_816 : i32 to index
      %get3A_819 = arith.constant 80 : index
      %get3A_820 = tpu.vector_load %arg10[%get3A_817, %get3A_818, %get3A_819] {strides = array<i32>} : memref<2x2x128xi32, #tpu.memory_space<vmem>>, vector<16xi32>,
      %shift_right_logical3A_821 = arith.constant 4 : i32
      %shift_right_logical3A_822 = vector.broadcast %shift_right_logical3A_821 : i32 to vector<16xi32>
      %shift_right_logical3A_823 = arith.shrui %get3A_820, %shift_right_logical3A_822 : vector<16xi32>
      %and3A_824 = arith.constant 15 : i32
      %and3A_825 = vector.broadcast %and3A_824 : i32 to vector<16xi32>
      %and3A_826 = arith.andi %get3A_820, %and3A_825 : vector<16xi32>
      tpu.vector_store_idx %arg11[%shift_right_logical3A_823, %and3A_826], %broadcast_in_dim3A_7 {add = true} : memref<640x16xf32, #tpu.memory_space<vmem>>[vector<16xi32>, vector<16xi32>], vector<16xf32>,
      %get3A_827 = arith.constant 0 : i32
      %get3A_828 = arith.constant 1 : i32
      %get3A_829 = arith.index_cast %get3A_827 : i32 to index
      %get3A_830 = arith.index_cast %get3A_828 : i32 to index
      %get3A_831 = arith.constant 96 : index
      %get3A_832 = tpu.vector_load %arg10[%get3A_829, %get3A_830, %get3A_831] {strides = array<i32>} : memref<2x2x128xi32, #tpu.memory_space<vmem>>, vector<16xi32>,
      %shift_right_logical3A_833 = arith.constant 4 : i32
      %shift_right_logical3A_834 = vector.broadcast %shift_right_logical3A_833 : i32 to vector<16xi32>
      %shift_right_logical3A_835 = arith.shrui %get3A_832, %shift_right_logical3A_834 : vector<16xi32>
      %and3A_836 = arith.constant 15 : i32
      %and3A_837 = vector.broadcast %and3A_836 : i32 to vector<16xi32>
      %and3A_838 = arith.andi %get3A_832, %and3A_837 : vector<16xi32>
      tpu.vector_store_idx %arg11[%shift_right_logical3A_835, %and3A_838], %broadcast_in_dim3A_7 {add = true} : memref<640x16xf32, #tpu.memory_space<vmem>>[vector<16xi32>, vector<16xi32>], vector<16xf32>,
      %get3A_839 = arith.constant 0 : i32
      %get3A_840 = arith.constant 1 : i32
      %get3A_841 = arith.index_cast %get3A_839 : i32 to index
      %get3A_842 = arith.index_cast %get3A_840 : i32 to index
      %get3A_843 = arith.constant 112 : index
      %get3A_844 = tpu.vector_load %arg10[%get3A_841, %get3A_842, %get3A_843] {strides = array<i32>} : memref<2x2x128xi32, #tpu.memory_space<vmem>>, vector<16xi32>,
      %shift_right_logical3A_845 = arith.constant 4 : i32
      %shift_right_logical3A_846 = vector.broadcast %shift_right_logical3A_845 : i32 to vector<16xi32>
      %shift_right_logical3A_847 = arith.shrui %get3A_844, %shift_right_logical3A_846 : vector<16xi32>
      %and3A_848 = arith.constant 15 : i32
      %and3A_849 = vector.broadcast %and3A_848 : i32 to vector<16xi32>
      %and3A_850 = arith.andi %get3A_844, %and3A_849 : vector<16xi32>
      tpu.vector_store_idx %arg11[%shift_right_logical3A_847, %and3A_850], %broadcast_in_dim3A_7 {add = true} : memref<640x16xf32, #tpu.memory_space<vmem>>[vector<16xi32>, vector<16xi32>], vector<16xf32>,
      %mul3A_851 = arith.constant 2 : i32
      %mul3A_852 = arith.muli %mul3A_851, %scan3A_586 : i32
      %add3A_853 = arith.constant 1 : i32
      %add3A_854 = arith.addi %mul3A_852, %add3A_853 : i32
      %ge3A_855 = arith.constant 1 : i32
      %ge3A_856 = arith.cmpi sge, %add3A_854, %ge3A_855 : i32
      %convert_element_type3A_857 = arith.extui %ge3A_856 : i1 to i32
      %cond3A_858 = arith.constant 0 : i32
      %cond3A_859 = arith.cmpi ne, %convert_element_type3A_857, %cond3A_858 : i32
      scf.if %cond3A_859 {
        %dma_wait3A_1117 = arith.constant 0 : i32
        %dma_wait3A_1118 = arith.constant 0 : i32
        %dma_wait3A_1119 = arith.constant 0 : i32
        %dma_wait3A_1120 = arith.constant 0 : i32
        %dma_wait3A_1121 = arith.constant 0 : i32
        %dma_wait3A_1122 = tpu.memref_slice %arg8[%dma_wait3A_1117, %dma_wait3A_1120, %dma_wait3A_1121] : memref<2x256x64xf32, #tpu.memory_space<vmem>> -> memref<1x128x64xf32, #tpu.memory_space<vmem>>
        %dma_wait3A_1123 = tpu.memref_squeeze %dma_wait3A_1122 : memref<1x128x64xf32, #tpu.memory_space<vmem>> -> memref<128x64xf32, #tpu.memory_space<vmem>>
        %dma_wait3A_1124 = arith.constant 0 : i32
        %dma_wait3A_1125 = tpu.memref_slice %arg10[%dma_wait3A_1118, %dma_wait3A_1119, %dma_wait3A_1124] : memref<2x2x128xi32, #tpu.memory_space<vmem>> -> memref<1x1x128xi32, #tpu.memory_space<vmem>>
        %dma_wait3A_1126 = tpu.memref_squeeze %dma_wait3A_1125 : memref<1x1x128xi32, #tpu.memory_space<vmem>> -> memref<128xi32, #tpu.memory_space<vmem>>
        %dma_wait3A_1127 = arith.constant 0 : i32
        %dma_wait3A_1128 = arith.constant 0 : i32
        %dma_wait3A_1129 = tpu.memref_slice %arg6[%dma_wait3A_1127, %dma_wait3A_1128] : memref<10000x64xf32, #tpu.memory_space<vmem_shared>> -> memref<10000x64xf32, #tpu.memory_space<vmem_shared>>
        tpu.wait_indirect_dma semaphore(%arg23 : memref<!tpu.dma_semaphore, #tpu.memory_space<semaphore_mem>>) src(%dma_wait3A_1123 : memref<128x64xf32, #tpu.memory_space<vmem>>) dst(%dma_wait3A_1129 : memref<10000x64xf32, #tpu.memory_space<vmem_shared>>)
        %dma_wait3A_1130 = arith.constant 0 : i32
        %dma_wait3A_1131 = arith.constant 0 : i32
        %dma_wait3A_1132 = arith.constant 1 : i32
        %dma_wait3A_1133 = arith.constant 128 : i32
        %dma_wait3A_1134 = arith.constant 0 : i32
        %dma_wait3A_1135 = tpu.memref_slice %arg8[%dma_wait3A_1130, %dma_wait3A_1133, %dma_wait3A_1134] : memref<2x256x64xf32, #tpu.memory_space<vmem>> -> memref<1x128x64xf32, #tpu.memory_space<vmem>>
        %dma_wait3A_1136 = tpu.memref_squeeze %dma_wait3A_1135 : memref<1x128x64xf32, #tpu.memory_space<vmem>> -> memref<128x64xf32, #tpu.memory_space<vmem>>
        %dma_wait3A_1137 = arith.constant 0 : i32
        %dma_wait3A_1138 = tpu.memref_slice %arg10[%dma_wait3A_1131, %dma_wait3A_1132, %dma_wait3A_1137] : memref<2x2x128xi32, #tpu.memory_space<vmem>> -> memref<1x1x128xi32, #tpu.memory_space<vmem>>
        %dma_wait3A_1139 = tpu.memref_squeeze %dma_wait3A_1138 : memref<1x1x128xi32, #tpu.memory_space<vmem>> -> memref<128xi32, #tpu.memory_space<vmem>>
        %dma_wait3A_1140 = arith.constant 0 : i32
        %dma_wait3A_1141 = arith.constant 0 : i32
        %dma_wait3A_1142 = tpu.memref_slice %arg6[%dma_wait3A_1140, %dma_wait3A_1141] : memref<10000x64xf32, #tpu.memory_space<vmem_shared>> -> memref<10000x64xf32, #tpu.memory_space<vmem_shared>>
        tpu.wait_indirect_dma semaphore(%arg23 : memref<!tpu.dma_semaphore, #tpu.memory_space<semaphore_mem>>) src(%dma_wait3A_1136 : memref<128x64xf32, #tpu.memory_space<vmem>>) dst(%dma_wait3A_1142 : memref<10000x64xf32, #tpu.memory_space<vmem_shared>>)
      } else {
      }
      %add3A_860 = arith.constant 1 : i32
      %add3A_861 = arith.addi %add3A_854, %add3A_860 : i32
      %lt3A_862 = arith.constant 78 : i32
      %lt3A_863 = arith.cmpi slt, %add3A_861, %lt3A_862 : i32
      %convert_element_type3A_864 = arith.extui %lt3A_863 : i1 to i32
      %cond3A_865 = arith.constant 0 : i32
      %cond3A_866 = arith.cmpi ne, %convert_element_type3A_864, %cond3A_865 : i32
      scf.if %cond3A_866 {
        %add3A_1117 = arith.constant 1 : i32
        %add3A_1118 = arith.addi %add3A_854, %add3A_1117 : i32
        %mul3A_1119 = arith.constant 2 : i32
        %mul3A_1120 = arith.muli %mul3A_1119, %add3A_1118 : i32
        %add3A_1121 = arith.addi %add3A, %mul3A_1120 : i32
        %mul3A_1122 = arith.constant 128 : i32
        %mul3A_1123 = arith.muli %add3A_1121, %mul3A_1122 : i32
        %dma_start3A_1124 = arith.constant 0 : i32
        %dma_start3A_1125 = arith.constant 0 : i32
        %dma_start3A_1126 = arith.constant 0 : i32
        %dma_start3A_1127 = tpu.memref_slice %arg8[%dma_start3A_1124, %dma_start3A_1125, %dma_start3A_1126] : memref<2x256x64xf32, #tpu.memory_space<vmem>> -> memref<1x256x64xf32, #tpu.memory_space<vmem>>
        %dma_start3A_1128 = tpu.memref_squeeze %dma_start3A_1127 : memref<1x256x64xf32, #tpu.memory_space<vmem>> -> memref<256x64xf32, #tpu.memory_space<vmem>>
        %dma_start3A_1129 = tpu.memref_slice %arg2[%mul3A_1123, %mul3A_0] : memref<320000x128xf32, #tpu.memory_space<hbm>> -> memref<256x64xf32, #tpu.memory_space<hbm>>
        %dma_start3A_1130 = arith.constant 0 : i32
        %dma_start3A_1131 = arith.constant 0 : i32
        %dma_start3A_1132 = tpu.memref_slice %arg8[%dma_start3A_1124, %dma_start3A_1130, %dma_start3A_1131] : memref<2x256x64xf32, #tpu.memory_space<vmem>> -> memref<1x256x64xf32, #tpu.memory_space<vmem>>
        %dma_start3A_1133 = tpu.memref_squeeze %dma_start3A_1132 : memref<1x256x64xf32, #tpu.memory_space<vmem>> -> memref<256x64xf32, #tpu.memory_space<vmem>>
        %dma_start3A_1134 = tpu.memref_slice %arg2[%mul3A_1123, %mul3A_0] : memref<320000x128xf32, #tpu.memory_space<hbm>> -> memref<256x64xf32, #tpu.memory_space<hbm>>
        tpu.enqueue_dma source(%dma_start3A_1134 : memref<256x64xf32, #tpu.memory_space<hbm>>) target(%dma_start3A_1133 : memref<256x64xf32, #tpu.memory_space<vmem>>) target_semaphore(%arg15 : memref<!tpu.dma_semaphore, #tpu.memory_space<semaphore_mem>>)
        %add3A_1135 = arith.constant 1 : i32
        %add3A_1136 = arith.addi %add3A_854, %add3A_1135 : i32
        %mul3A_1137 = arith.constant 2 : i32
        %mul3A_1138 = arith.muli %mul3A_1137, %add3A_1136 : i32
        %add3A_1139 = arith.addi %add3A, %mul3A_1138 : i32
        %dma_start3A_1140 = arith.constant 0 : i32
        %dma_start3A_1141 = arith.constant 0 : i32
        %dma_start3A_1142 = arith.constant 0 : i32
        %dma_start3A_1143 = tpu.memref_slice %arg10[%dma_start3A_1140, %dma_start3A_1141, %dma_start3A_1142] : memref<2x2x128xi32, #tpu.memory_space<vmem>> -> memref<1x2x128xi32, #tpu.memory_space<vmem>>
        %dma_start3A_1144 = tpu.memref_squeeze %dma_start3A_1143 : memref<1x2x128xi32, #tpu.memory_space<vmem>> -> memref<2x128xi32, #tpu.memory_space<vmem>>
        %dma_start3A_1145 = arith.constant 0 : i32
        %dma_start3A_1146 = tpu.memref_slice %arg3[%add3A_1139, %dma_start3A_1145] : memref<2500x128xi32, #tpu.memory_space<hbm>> -> memref<2x128xi32, #tpu.memory_space<hbm>>
        %dma_start3A_1147 = arith.constant 0 : i32
        %dma_start3A_1148 = arith.constant 0 : i32
        %dma_start3A_1149 = tpu.memref_slice %arg10[%dma_start3A_1140, %dma_start3A_1147, %dma_start3A_1148] : memref<2x2x128xi32, #tpu.memory_space<vmem>> -> memref<1x2x128xi32, #tpu.memory_space<vmem>>
        %dma_start3A_1150 = tpu.memref_squeeze %dma_start3A_1149 : memref<1x2x128xi32, #tpu.memory_space<vmem>> -> memref<2x128xi32, #tpu.memory_space<vmem>>
        %dma_start3A_1151 = arith.constant 0 : i32
        %dma_start3A_1152 = tpu.memref_slice %arg3[%add3A_1139, %dma_start3A_1151] : memref<2500x128xi32, #tpu.memory_space<hbm>> -> memref<2x128xi32, #tpu.memory_space<hbm>>
        tpu.enqueue_dma source(%dma_start3A_1152 : memref<2x128xi32, #tpu.memory_space<hbm>>) target(%dma_start3A_1150 : memref<2x128xi32, #tpu.memory_space<vmem>>) target_semaphore(%arg17 : memref<!tpu.dma_semaphore, #tpu.memory_space<semaphore_mem>>)
      } else {
      }
      %mul3A_867 = arith.constant 2 : i32
      %mul3A_868 = arith.muli %mul3A_867, %add3A_854 : i32
      %add3A_869 = arith.addi %add3A, %mul3A_868 : i32
      %mul3A_870 = arith.constant 128 : i32
      %mul3A_871 = arith.muli %add3A_869, %mul3A_870 : i32
      %dma_wait3A_872 = arith.constant 1 : i32
      %dma_wait3A_873 = arith.constant 0 : i32
      %dma_wait3A_874 = arith.constant 0 : i32
      %dma_wait3A_875 = tpu.memref_slice %arg8[%dma_wait3A_872, %dma_wait3A_873, %dma_wait3A_874] : memref<2x256x64xf32, #tpu.memory_space<vmem>> -> memref<1x256x64xf32, #tpu.memory_space<vmem>>
      %dma_wait3A_876 = tpu.memref_squeeze %dma_wait3A_875 : memref<1x256x64xf32, #tpu.memory_space<vmem>> -> memref<256x64xf32, #tpu.memory_space<vmem>>
      %dma_wait3A_877 = tpu.memref_slice %arg2[%mul3A_871, %mul3A_0] : memref<320000x128xf32, #tpu.memory_space<hbm>> -> memref<256x64xf32, #tpu.memory_space<hbm>>
      %dma_wait3A_878 = arith.constant 0 : i32
      %dma_wait3A_879 = arith.constant 0 : i32
      %dma_wait3A_880 = tpu.memref_slice %arg8[%dma_wait3A_872, %dma_wait3A_878, %dma_wait3A_879] : memref<2x256x64xf32, #tpu.memory_space<vmem>> -> memref<1x256x64xf32, #tpu.memory_space<vmem>>
      %dma_wait3A_881 = tpu.memref_squeeze %dma_wait3A_880 : memref<1x256x64xf32, #tpu.memory_space<vmem>> -> memref<256x64xf32, #tpu.memory_space<vmem>>
      %dma_wait3A_882 = tpu.memref_slice %arg2[%mul3A_871, %mul3A_0] : memref<320000x128xf32, #tpu.memory_space<hbm>> -> memref<256x64xf32, #tpu.memory_space<hbm>>
      tpu.wait_dma2 semaphore(%arg16 : memref<!tpu.dma_semaphore, #tpu.memory_space<semaphore_mem>>) src(%dma_wait3A_882 : memref<256x64xf32, #tpu.memory_space<hbm>>) dst(%dma_wait3A_881 : memref<256x64xf32, #tpu.memory_space<vmem>>)
      %mul3A_883 = arith.constant 2 : i32
      %mul3A_884 = arith.muli %mul3A_883, %add3A_854 : i32
      %add3A_885 = arith.addi %add3A, %mul3A_884 : i32
      %dma_wait3A_886 = arith.constant 1 : i32
      %dma_wait3A_887 = arith.constant 0 : i32
      %dma_wait3A_888 = arith.constant 0 : i32
      %dma_wait3A_889 = tpu.memref_slice %arg10[%dma_wait3A_886, %dma_wait3A_887, %dma_wait3A_888] : memref<2x2x128xi32, #tpu.memory_space<vmem>> -> memref<1x2x128xi32, #tpu.memory_space<vmem>>
      %dma_wait3A_890 = tpu.memref_squeeze %dma_wait3A_889 : memref<1x2x128xi32, #tpu.memory_space<vmem>> -> memref<2x128xi32, #tpu.memory_space<vmem>>
      %dma_wait3A_891 = arith.constant 0 : i32
      %dma_wait3A_892 = tpu.memref_slice %arg3[%add3A_885, %dma_wait3A_891] : memref<2500x128xi32, #tpu.memory_space<hbm>> -> memref<2x128xi32, #tpu.memory_space<hbm>>
      %dma_wait3A_893 = arith.constant 0 : i32
      %dma_wait3A_894 = arith.constant 0 : i32
      %dma_wait3A_895 = tpu.memref_slice %arg10[%dma_wait3A_886, %dma_wait3A_893, %dma_wait3A_894] : memref<2x2x128xi32, #tpu.memory_space<vmem>> -> memref<1x2x128xi32, #tpu.memory_space<vmem>>
      %dma_wait3A_896 = tpu.memref_squeeze %dma_wait3A_895 : memref<1x2x128xi32, #tpu.memory_space<vmem>> -> memref<2x128xi32, #tpu.memory_space<vmem>>
      %dma_wait3A_897 = arith.constant 0 : i32
      %dma_wait3A_898 = tpu.memref_slice %arg3[%add3A_885, %dma_wait3A_897] : memref<2500x128xi32, #tpu.memory_space<hbm>> -> memref<2x128xi32, #tpu.memory_space<hbm>>
      tpu.wait_dma2 semaphore(%arg18 : memref<!tpu.dma_semaphore, #tpu.memory_space<semaphore_mem>>) src(%dma_wait3A_898 : memref<2x128xi32, #tpu.memory_space<hbm>>) dst(%dma_wait3A_896 : memref<2x128xi32, #tpu.memory_space<vmem>>)
      %dma_start3A_899 = arith.constant 1 : i32
      %dma_start3A_900 = arith.constant 1 : i32
      %dma_start3A_901 = arith.constant 0 : i32
      %dma_start3A_902 = arith.constant 0 : i32
      %dma_start3A_903 = arith.constant 0 : i32
      %dma_start3A_904 = tpu.memref_slice %arg8[%dma_start3A_899, %dma_start3A_902, %dma_start3A_903] : memref<2x256x64xf32, #tpu.memory_space<vmem>> -> memref<1x128x64xf32, #tpu.memory_space<vmem>>
      %dma_start3A_905 = tpu.memref_squeeze %dma_start3A_904 : memref<1x128x64xf32, #tpu.memory_space<vmem>> -> memref<128x64xf32, #tpu.memory_space<vmem>>
      %dma_start3A_906 = arith.constant 0 : i32
      %dma_start3A_907 = tpu.memref_slice %arg10[%dma_start3A_900, %dma_start3A_901, %dma_start3A_906] : memref<2x2x128xi32, #tpu.memory_space<vmem>> -> memref<1x1x128xi32, #tpu.memory_space<vmem>>
      %dma_start3A_908 = tpu.memref_squeeze %dma_start3A_907 : memref<1x1x128xi32, #tpu.memory_space<vmem>> -> memref<128xi32, #tpu.memory_space<vmem>>
      %dma_start3A_909 = arith.constant 0 : i32
      %dma_start3A_910 = arith.constant 0 : i32
      %dma_start3A_911 = tpu.memref_slice %arg6[%dma_start3A_909, %dma_start3A_910] : memref<10000x64xf32, #tpu.memory_space<vmem_shared>> -> memref<10000x64xf32, #tpu.memory_space<vmem_shared>>
      tpu.enqueue_indirect_dma source(%dma_start3A_905 : memref<128x64xf32, #tpu.memory_space<vmem>>) target(%dma_start3A_911 : memref<10000x64xf32, #tpu.memory_space<vmem_shared>>) offsets(%dma_start3A_908 : memref<128xi32, #tpu.memory_space<vmem>>) semaphore(%arg24 : memref<!tpu.dma_semaphore, #tpu.memory_space<semaphore_mem>>) {add = true}
      %dma_start3A_912 = arith.constant 1 : i32
      %dma_start3A_913 = arith.constant 1 : i32
      %dma_start3A_914 = arith.constant 1 : i32
      %dma_start3A_915 = arith.constant 128 : i32
      %dma_start3A_916 = arith.constant 0 : i32
      %dma_start3A_917 = tpu.memref_slice %arg8[%dma_start3A_912, %dma_start3A_915, %dma_start3A_916] : memref<2x256x64xf32, #tpu.memory_space<vmem>> -> memref<1x128x64xf32, #tpu.memory_space<vmem>>
      %dma_start3A_918 = tpu.memref_squeeze %dma_start3A_917 : memref<1x128x64xf32, #tpu.memory_space<vmem>> -> memref<128x64xf32, #tpu.memory_space<vmem>>
      %dma_start3A_919 = arith.constant 0 : i32
      %dma_start3A_920 = tpu.memref_slice %arg10[%dma_start3A_913, %dma_start3A_914, %dma_start3A_919] : memref<2x2x128xi32, #tpu.memory_space<vmem>> -> memref<1x1x128xi32, #tpu.memory_space<vmem>>
      %dma_start3A_921 = tpu.memref_squeeze %dma_start3A_920 : memref<1x1x128xi32, #tpu.memory_space<vmem>> -> memref<128xi32, #tpu.memory_space<vmem>>
      %dma_start3A_922 = arith.constant 0 : i32
      %dma_start3A_923 = arith.constant 0 : i32
      %dma_start3A_924 = tpu.memref_slice %arg6[%dma_start3A_922, %dma_start3A_923] : memref<10000x64xf32, #tpu.memory_space<vmem_shared>> -> memref<10000x64xf32, #tpu.memory_space<vmem_shared>>
      tpu.enqueue_indirect_dma source(%dma_start3A_918 : memref<128x64xf32, #tpu.memory_space<vmem>>) target(%dma_start3A_924 : memref<10000x64xf32, #tpu.memory_space<vmem_shared>>) offsets(%dma_start3A_921 : memref<128xi32, #tpu.memory_space<vmem>>) semaphore(%arg24 : memref<!tpu.dma_semaphore, #tpu.memory_space<semaphore_mem>>) {add = true}
      %get3A_925 = arith.constant 1 : i32
      %get3A_926 = arith.constant 0 : i32
      %get3A_927 = arith.index_cast %get3A_925 : i32 to index
      %get3A_928 = arith.index_cast %get3A_926 : i32 to index
      %get3A_929 = arith.constant 0 : index
      %get3A_930 = tpu.vector_load %arg10[%get3A_927, %get3A_928, %get3A_929] {strides = array<i32>} : memref<2x2x128xi32, #tpu.memory_space<vmem>>, vector<16xi32>,
      %shift_right_logical3A_931 = arith.constant 4 : i32
      %shift_right_logical3A_932 = vector.broadcast %shift_right_logical3A_931 : i32 to vector<16xi32>
      %shift_right_logical3A_933 = arith.shrui %get3A_930, %shift_right_logical3A_932 : vector<16xi32>
      %and3A_934 = arith.constant 15 : i32
      %and3A_935 = vector.broadcast %and3A_934 : i32 to vector<16xi32>
      %and3A_936 = arith.andi %get3A_930, %and3A_935 : vector<16xi32>
      tpu.vector_store_idx %arg11[%shift_right_logical3A_933, %and3A_936], %broadcast_in_dim3A_7 {add = true} : memref<640x16xf32, #tpu.memory_space<vmem>>[vector<16xi32>, vector<16xi32>], vector<16xf32>,
      %get3A_937 = arith.constant 1 : i32
      %get3A_938 = arith.constant 0 : i32
      %get3A_939 = arith.index_cast %get3A_937 : i32 to index
      %get3A_940 = arith.index_cast %get3A_938 : i32 to index
      %get3A_941 = arith.constant 16 : index
      %get3A_942 = tpu.vector_load %arg10[%get3A_939, %get3A_940, %get3A_941] {strides = array<i32>} : memref<2x2x128xi32, #tpu.memory_space<vmem>>, vector<16xi32>,
      %shift_right_logical3A_943 = arith.constant 4 : i32
      %shift_right_logical3A_944 = vector.broadcast %shift_right_logical3A_943 : i32 to vector<16xi32>
      %shift_right_logical3A_945 = arith.shrui %get3A_942, %shift_right_logical3A_944 : vector<16xi32>
      %and3A_946 = arith.constant 15 : i32
      %and3A_947 = vector.broadcast %and3A_946 : i32 to vector<16xi32>
      %and3A_948 = arith.andi %get3A_942, %and3A_947 : vector<16xi32>
      tpu.vector_store_idx %arg11[%shift_right_logical3A_945, %and3A_948], %broadcast_in_dim3A_7 {add = true} : memref<640x16xf32, #tpu.memory_space<vmem>>[vector<16xi32>, vector<16xi32>], vector<16xf32>,
      %get3A_949 = arith.constant 1 : i32
      %get3A_950 = arith.constant 0 : i32
      %get3A_951 = arith.index_cast %get3A_949 : i32 to index
      %get3A_952 = arith.index_cast %get3A_950 : i32 to index
      %get3A_953 = arith.constant 32 : index
      %get3A_954 = tpu.vector_load %arg10[%get3A_951, %get3A_952, %get3A_953] {strides = array<i32>} : memref<2x2x128xi32, #tpu.memory_space<vmem>>, vector<16xi32>,
      %shift_right_logical3A_955 = arith.constant 4 : i32
      %shift_right_logical3A_956 = vector.broadcast %shift_right_logical3A_955 : i32 to vector<16xi32>
      %shift_right_logical3A_957 = arith.shrui %get3A_954, %shift_right_logical3A_956 : vector<16xi32>
      %and3A_958 = arith.constant 15 : i32
      %and3A_959 = vector.broadcast %and3A_958 : i32 to vector<16xi32>
      %and3A_960 = arith.andi %get3A_954, %and3A_959 : vector<16xi32>
      tpu.vector_store_idx %arg11[%shift_right_logical3A_957, %and3A_960], %broadcast_in_dim3A_7 {add = true} : memref<640x16xf32, #tpu.memory_space<vmem>>[vector<16xi32>, vector<16xi32>], vector<16xf32>,
      %get3A_961 = arith.constant 1 : i32
      %get3A_962 = arith.constant 0 : i32
      %get3A_963 = arith.index_cast %get3A_961 : i32 to index
      %get3A_964 = arith.index_cast %get3A_962 : i32 to index
      %get3A_965 = arith.constant 48 : index
      %get3A_966 = tpu.vector_load %arg10[%get3A_963, %get3A_964, %get3A_965] {strides = array<i32>} : memref<2x2x128xi32, #tpu.memory_space<vmem>>, vector<16xi32>,
      %shift_right_logical3A_967 = arith.constant 4 : i32
      %shift_right_logical3A_968 = vector.broadcast %shift_right_logical3A_967 : i32 to vector<16xi32>
      %shift_right_logical3A_969 = arith.shrui %get3A_966, %shift_right_logical3A_968 : vector<16xi32>
      %and3A_970 = arith.constant 15 : i32
      %and3A_971 = vector.broadcast %and3A_970 : i32 to vector<16xi32>
      %and3A_972 = arith.andi %get3A_966, %and3A_971 : vector<16xi32>
      tpu.vector_store_idx %arg11[%shift_right_logical3A_969, %and3A_972], %broadcast_in_dim3A_7 {add = true} : memref<640x16xf32, #tpu.memory_space<vmem>>[vector<16xi32>, vector<16xi32>], vector<16xf32>,
      %get3A_973 = arith.constant 1 : i32
      %get3A_974 = arith.constant 0 : i32
      %get3A_975 = arith.index_cast %get3A_973 : i32 to index
      %get3A_976 = arith.index_cast %get3A_974 : i32 to index
      %get3A_977 = arith.constant 64 : index
      %get3A_978 = tpu.vector_load %arg10[%get3A_975, %get3A_976, %get3A_977] {strides = array<i32>} : memref<2x2x128xi32, #tpu.memory_space<vmem>>, vector<16xi32>,
      %shift_right_logical3A_979 = arith.constant 4 : i32
      %shift_right_logical3A_980 = vector.broadcast %shift_right_logical3A_979 : i32 to vector<16xi32>
      %shift_right_logical3A_981 = arith.shrui %get3A_978, %shift_right_logical3A_980 : vector<16xi32>
      %and3A_982 = arith.constant 15 : i32
      %and3A_983 = vector.broadcast %and3A_982 : i32 to vector<16xi32>
      %and3A_984 = arith.andi %get3A_978, %and3A_983 : vector<16xi32>
      tpu.vector_store_idx %arg11[%shift_right_logical3A_981, %and3A_984], %broadcast_in_dim3A_7 {add = true} : memref<640x16xf32, #tpu.memory_space<vmem>>[vector<16xi32>, vector<16xi32>], vector<16xf32>,
      %get3A_985 = arith.constant 1 : i32
      %get3A_986 = arith.constant 0 : i32
      %get3A_987 = arith.index_cast %get3A_985 : i32 to index
      %get3A_988 = arith.index_cast %get3A_986 : i32 to index
      %get3A_989 = arith.constant 80 : index
      %get3A_990 = tpu.vector_load %arg10[%get3A_987, %get3A_988, %get3A_989] {strides = array<i32>} : memref<2x2x128xi32, #tpu.memory_space<vmem>>, vector<16xi32>,
      %shift_right_logical3A_991 = arith.constant 4 : i32
      %shift_right_logical3A_992 = vector.broadcast %shift_right_logical3A_991 : i32 to vector<16xi32>
      %shift_right_logical3A_993 = arith.shrui %get3A_990, %shift_right_logical3A_992 : vector<16xi32>
      %and3A_994 = arith.constant 15 : i32
      %and3A_995 = vector.broadcast %and3A_994 : i32 to vector<16xi32>
      %and3A_996 = arith.andi %get3A_990, %and3A_995 : vector<16xi32>
      tpu.vector_store_idx %arg11[%shift_right_logical3A_993, %and3A_996], %broadcast_in_dim3A_7 {add = true} : memref<640x16xf32, #tpu.memory_space<vmem>>[vector<16xi32>, vector<16xi32>], vector<16xf32>,
      %get3A_997 = arith.constant 1 : i32
      %get3A_998 = arith.constant 0 : i32
      %get3A_999 = arith.index_cast %get3A_997 : i32 to index
      %get3A_1000 = arith.index_cast %get3A_998 : i32 to index
      %get3A_1001 = arith.constant 96 : index
      %get3A_1002 = tpu.vector_load %arg10[%get3A_999, %get3A_1000, %get3A_1001] {strides = array<i32>} : memref<2x2x128xi32, #tpu.memory_space<vmem>>, vector<16xi32>,
      %shift_right_logical3A_1003 = arith.constant 4 : i32
      %shift_right_logical3A_1004 = vector.broadcast %shift_right_logical3A_1003 : i32 to vector<16xi32>
      %shift_right_logical3A_1005 = arith.shrui %get3A_1002, %shift_right_logical3A_1004 : vector<16xi32>
      %and3A_1006 = arith.constant 15 : i32
      %and3A_1007 = vector.broadcast %and3A_1006 : i32 to vector<16xi32>
      %and3A_1008 = arith.andi %get3A_1002, %and3A_1007 : vector<16xi32>
      tpu.vector_store_idx %arg11[%shift_right_logical3A_1005, %and3A_1008], %broadcast_in_dim3A_7 {add = true} : memref<640x16xf32, #tpu.memory_space<vmem>>[vector<16xi32>, vector<16xi32>], vector<16xf32>,
      %get3A_1009 = arith.constant 1 : i32
      %get3A_1010 = arith.constant 0 : i32
      %get3A_1011 = arith.index_cast %get3A_1009 : i32 to index
      %get3A_1012 = arith.index_cast %get3A_1010 : i32 to index
      %get3A_1013 = arith.constant 112 : index
      %get3A_1014 = tpu.vector_load %arg10[%get3A_1011, %get3A_1012, %get3A_1013] {strides = array<i32>} : memref<2x2x128xi32, #tpu.memory_space<vmem>>, vector<16xi32>,
      %shift_right_logical3A_1015 = arith.constant 4 : i32
      %shift_right_logical3A_1016 = vector.broadcast %shift_right_logical3A_1015 : i32 to vector<16xi32>
      %shift_right_logical3A_1017 = arith.shrui %get3A_1014, %shift_right_logical3A_1016 : vector<16xi32>
      %and3A_1018 = arith.constant 15 : i32
      %and3A_1019 = vector.broadcast %and3A_1018 : i32 to vector<16xi32>
      %and3A_1020 = arith.andi %get3A_1014, %and3A_1019 : vector<16xi32>
      tpu.vector_store_idx %arg11[%shift_right_logical3A_1017, %and3A_1020], %broadcast_in_dim3A_7 {add = true} : memref<640x16xf32, #tpu.memory_space<vmem>>[vector<16xi32>, vector<16xi32>], vector<16xf32>,
      %get3A_1021 = arith.constant 1 : i32
      %get3A_1022 = arith.constant 1 : i32
      %get3A_1023 = arith.index_cast %get3A_1021 : i32 to index
      %get3A_1024 = arith.index_cast %get3A_1022 : i32 to index
      %get3A_1025 = arith.constant 0 : index
      %get3A_1026 = tpu.vector_load %arg10[%get3A_1023, %get3A_1024, %get3A_1025] {strides = array<i32>} : memref<2x2x128xi32, #tpu.memory_space<vmem>>, vector<16xi32>,
      %shift_right_logical3A_1027 = arith.constant 4 : i32
      %shift_right_logical3A_1028 = vector.broadcast %shift_right_logical3A_1027 : i32 to vector<16xi32>
      %shift_right_logical3A_1029 = arith.shrui %get3A_1026, %shift_right_logical3A_1028 : vector<16xi32>
      %and3A_1030 = arith.constant 15 : i32
      %and3A_1031 = vector.broadcast %and3A_1030 : i32 to vector<16xi32>
      %and3A_1032 = arith.andi %get3A_1026, %and3A_1031 : vector<16xi32>
      tpu.vector_store_idx %arg11[%shift_right_logical3A_1029, %and3A_1032], %broadcast_in_dim3A_7 {add = true} : memref<640x16xf32, #tpu.memory_space<vmem>>[vector<16xi32>, vector<16xi32>], vector<16xf32>,
      %get3A_1033 = arith.constant 1 : i32
      %get3A_1034 = arith.constant 1 : i32
      %get3A_1035 = arith.index_cast %get3A_1033 : i32 to index
      %get3A_1036 = arith.index_cast %get3A_1034 : i32 to index
      %get3A_1037 = arith.constant 16 : index
      %get3A_1038 = tpu.vector_load %arg10[%get3A_1035, %get3A_1036, %get3A_1037] {strides = array<i32>} : memref<2x2x128xi32, #tpu.memory_space<vmem>>, vector<16xi32>,
      %shift_right_logical3A_1039 = arith.constant 4 : i32
      %shift_right_logical3A_1040 = vector.broadcast %shift_right_logical3A_1039 : i32 to vector<16xi32>
      %shift_right_logical3A_1041 = arith.shrui %get3A_1038, %shift_right_logical3A_1040 : vector<16xi32>
      %and3A_1042 = arith.constant 15 : i32
      %and3A_1043 = vector.broadcast %and3A_1042 : i32 to vector<16xi32>
      %and3A_1044 = arith.andi %get3A_1038, %and3A_1043 : vector<16xi32>
      tpu.vector_store_idx %arg11[%shift_right_logical3A_1041, %and3A_1044], %broadcast_in_dim3A_7 {add = true} : memref<640x16xf32, #tpu.memory_space<vmem>>[vector<16xi32>, vector<16xi32>], vector<16xf32>,
      %get3A_1045 = arith.constant 1 : i32
      %get3A_1046 = arith.constant 1 : i32
      %get3A_1047 = arith.index_cast %get3A_1045 : i32 to index
      %get3A_1048 = arith.index_cast %get3A_1046 : i32 to index
      %get3A_1049 = arith.constant 32 : index
      %get3A_1050 = tpu.vector_load %arg10[%get3A_1047, %get3A_1048, %get3A_1049] {strides = array<i32>} : memref<2x2x128xi32, #tpu.memory_space<vmem>>, vector<16xi32>,
      %shift_right_logical3A_1051 = arith.constant 4 : i32
      %shift_right_logical3A_1052 = vector.broadcast %shift_right_logical3A_1051 : i32 to vector<16xi32>
      %shift_right_logical3A_1053 = arith.shrui %get3A_1050, %shift_right_logical3A_1052 : vector<16xi32>
      %and3A_1054 = arith.constant 15 : i32
      %and3A_1055 = vector.broadcast %and3A_1054 : i32 to vector<16xi32>
      %and3A_1056 = arith.andi %get3A_1050, %and3A_1055 : vector<16xi32>
      tpu.vector_store_idx %arg11[%shift_right_logical3A_1053, %and3A_1056], %broadcast_in_dim3A_7 {add = true} : memref<640x16xf32, #tpu.memory_space<vmem>>[vector<16xi32>, vector<16xi32>], vector<16xf32>,
      %get3A_1057 = arith.constant 1 : i32
      %get3A_1058 = arith.constant 1 : i32
      %get3A_1059 = arith.index_cast %get3A_1057 : i32 to index
      %get3A_1060 = arith.index_cast %get3A_1058 : i32 to index
      %get3A_1061 = arith.constant 48 : index
      %get3A_1062 = tpu.vector_load %arg10[%get3A_1059, %get3A_1060, %get3A_1061] {strides = array<i32>} : memref<2x2x128xi32, #tpu.memory_space<vmem>>, vector<16xi32>,
      %shift_right_logical3A_1063 = arith.constant 4 : i32
      %shift_right_logical3A_1064 = vector.broadcast %shift_right_logical3A_1063 : i32 to vector<16xi32>
      %shift_right_logical3A_1065 = arith.shrui %get3A_1062, %shift_right_logical3A_1064 : vector<16xi32>
      %and3A_1066 = arith.constant 15 : i32
      %and3A_1067 = vector.broadcast %and3A_1066 : i32 to vector<16xi32>
      %and3A_1068 = arith.andi %get3A_1062, %and3A_1067 : vector<16xi32>
      tpu.vector_store_idx %arg11[%shift_right_logical3A_1065, %and3A_1068], %broadcast_in_dim3A_7 {add = true} : memref<640x16xf32, #tpu.memory_space<vmem>>[vector<16xi32>, vector<16xi32>], vector<16xf32>,
      %get3A_1069 = arith.constant 1 : i32
      %get3A_1070 = arith.constant 1 : i32
      %get3A_1071 = arith.index_cast %get3A_1069 : i32 to index
      %get3A_1072 = arith.index_cast %get3A_1070 : i32 to index
      %get3A_1073 = arith.constant 64 : index
      %get3A_1074 = tpu.vector_load %arg10[%get3A_1071, %get3A_1072, %get3A_1073] {strides = array<i32>} : memref<2x2x128xi32, #tpu.memory_space<vmem>>, vector<16xi32>,
      %shift_right_logical3A_1075 = arith.constant 4 : i32
      %shift_right_logical3A_1076 = vector.broadcast %shift_right_logical3A_1075 : i32 to vector<16xi32>
      %shift_right_logical3A_1077 = arith.shrui %get3A_1074, %shift_right_logical3A_1076 : vector<16xi32>
      %and3A_1078 = arith.constant 15 : i32
      %and3A_1079 = vector.broadcast %and3A_1078 : i32 to vector<16xi32>
      %and3A_1080 = arith.andi %get3A_1074, %and3A_1079 : vector<16xi32>
      tpu.vector_store_idx %arg11[%shift_right_logical3A_1077, %and3A_1080], %broadcast_in_dim3A_7 {add = true} : memref<640x16xf32, #tpu.memory_space<vmem>>[vector<16xi32>, vector<16xi32>], vector<16xf32>,
      %get3A_1081 = arith.constant 1 : i32
      %get3A_1082 = arith.constant 1 : i32
      %get3A_1083 = arith.index_cast %get3A_1081 : i32 to index
      %get3A_1084 = arith.index_cast %get3A_1082 : i32 to index
      %get3A_1085 = arith.constant 80 : index
      %get3A_1086 = tpu.vector_load %arg10[%get3A_1083, %get3A_1084, %get3A_1085] {strides = array<i32>} : memref<2x2x128xi32, #tpu.memory_space<vmem>>, vector<16xi32>,
      %shift_right_logical3A_1087 = arith.constant 4 : i32
      %shift_right_logical3A_1088 = vector.broadcast %shift_right_logical3A_1087 : i32 to vector<16xi32>
      %shift_right_logical3A_1089 = arith.shrui %get3A_1086, %shift_right_logical3A_1088 : vector<16xi32>
      %and3A_1090 = arith.constant 15 : i32
      %and3A_1091 = vector.broadcast %and3A_1090 : i32 to vector<16xi32>
      %and3A_1092 = arith.andi %get3A_1086, %and3A_1091 : vector<16xi32>
      tpu.vector_store_idx %arg11[%shift_right_logical3A_1089, %and3A_1092], %broadcast_in_dim3A_7 {add = true} : memref<640x16xf32, #tpu.memory_space<vmem>>[vector<16xi32>, vector<16xi32>], vector<16xf32>,
      %get3A_1093 = arith.constant 1 : i32
      %get3A_1094 = arith.constant 1 : i32
      %get3A_1095 = arith.index_cast %get3A_1093 : i32 to index
      %get3A_1096 = arith.index_cast %get3A_1094 : i32 to index
      %get3A_1097 = arith.constant 96 : index
      %get3A_1098 = tpu.vector_load %arg10[%get3A_1095, %get3A_1096, %get3A_1097] {strides = array<i32>} : memref<2x2x128xi32, #tpu.memory_space<vmem>>, vector<16xi32>,
      %shift_right_logical3A_1099 = arith.constant 4 : i32
      %shift_right_logical3A_1100 = vector.broadcast %shift_right_logical3A_1099 : i32 to vector<16xi32>
      %shift_right_logical3A_1101 = arith.shrui %get3A_1098, %shift_right_logical3A_1100 : vector<16xi32>
      %and3A_1102 = arith.constant 15 : i32
      %and3A_1103 = vector.broadcast %and3A_1102 : i32 to vector<16xi32>
      %and3A_1104 = arith.andi %get3A_1098, %and3A_1103 : vector<16xi32>
      tpu.vector_store_idx %arg11[%shift_right_logical3A_1101, %and3A_1104], %broadcast_in_dim3A_7 {add = true} : memref<640x16xf32, #tpu.memory_space<vmem>>[vector<16xi32>, vector<16xi32>], vector<16xf32>,
      %get3A_1105 = arith.constant 1 : i32
      %get3A_1106 = arith.constant 1 : i32
      %get3A_1107 = arith.index_cast %get3A_1105 : i32 to index
      %get3A_1108 = arith.index_cast %get3A_1106 : i32 to index
      %get3A_1109 = arith.constant 112 : index
      %get3A_1110 = tpu.vector_load %arg10[%get3A_1107, %get3A_1108, %get3A_1109] {strides = array<i32>} : memref<2x2x128xi32, #tpu.memory_space<vmem>>, vector<16xi32>,
      %shift_right_logical3A_1111 = arith.constant 4 : i32
      %shift_right_logical3A_1112 = vector.broadcast %shift_right_logical3A_1111 : i32 to vector<16xi32>
      %shift_right_logical3A_1113 = arith.shrui %get3A_1110, %shift_right_logical3A_1112 : vector<16xi32>
      %and3A_1114 = arith.constant 15 : i32
      %and3A_1115 = vector.broadcast %and3A_1114 : i32 to vector<16xi32>
      %and3A_1116 = arith.andi %get3A_1110, %and3A_1115 : vector<16xi32>
      tpu.vector_store_idx %arg11[%shift_right_logical3A_1113, %and3A_1116], %broadcast_in_dim3A_7 {add = true} : memref<640x16xf32, #tpu.memory_space<vmem>>[vector<16xi32>, vector<16xi32>], vector<16xf32>,
    }
    %scan3A_361 = arith.constant 39 : i32
    %dma_wait3A = arith.constant 1 : i32
    %dma_wait3A_362 = arith.constant 1 : i32
    %dma_wait3A_363 = arith.constant 0 : i32
    %dma_wait3A_364 = arith.constant 0 : i32
    %dma_wait3A_365 = arith.constant 0 : i32
    %dma_wait3A_366 = tpu.memref_slice %arg8[%dma_wait3A, %dma_wait3A_364, %dma_wait3A_365] : memref<2x256x64xf32, #tpu.memory_space<vmem>> -> memref<1x128x64xf32, #tpu.memory_space<vmem>>
    %dma_wait3A_367 = tpu.memref_squeeze %dma_wait3A_366 : memref<1x128x64xf32, #tpu.memory_space<vmem>> -> memref<128x64xf32, #tpu.memory_space<vmem>>
    %dma_wait3A_368 = arith.constant 0 : i32
    %dma_wait3A_369 = tpu.memref_slice %arg10[%dma_wait3A_362, %dma_wait3A_363, %dma_wait3A_368] : memref<2x2x128xi32, #tpu.memory_space<vmem>> -> memref<1x1x128xi32, #tpu.memory_space<vmem>>
    %dma_wait3A_370 = tpu.memref_squeeze %dma_wait3A_369 : memref<1x1x128xi32, #tpu.memory_space<vmem>> -> memref<128xi32, #tpu.memory_space<vmem>>
    %dma_wait3A_371 = arith.constant 0 : i32
    %dma_wait3A_372 = arith.constant 0 : i32
    %dma_wait3A_373 = tpu.memref_slice %arg6[%dma_wait3A_371, %dma_wait3A_372] : memref<10000x64xf32, #tpu.memory_space<vmem_shared>> -> memref<10000x64xf32, #tpu.memory_space<vmem_shared>>
    tpu.wait_indirect_dma semaphore(%arg24 : memref<!tpu.dma_semaphore, #tpu.memory_space<semaphore_mem>>) src(%dma_wait3A_367 : memref<128x64xf32, #tpu.memory_space<vmem>>) dst(%dma_wait3A_373 : memref<10000x64xf32, #tpu.memory_space<vmem_shared>>)
    %dma_wait3A_374 = arith.constant 1 : i32
    %dma_wait3A_375 = arith.constant 1 : i32
    %dma_wait3A_376 = arith.constant 1 : i32
    %dma_wait3A_377 = arith.constant 128 : i32
    %dma_wait3A_378 = arith.constant 0 : i32
    %dma_wait3A_379 = tpu.memref_slice %arg8[%dma_wait3A_374, %dma_wait3A_377, %dma_wait3A_378] : memref<2x256x64xf32, #tpu.memory_space<vmem>> -> memref<1x128x64xf32, #tpu.memory_space<vmem>>
    %dma_wait3A_380 = tpu.memref_squeeze %dma_wait3A_379 : memref<1x128x64xf32, #tpu.memory_space<vmem>> -> memref<128x64xf32, #tpu.memory_space<vmem>>
    %dma_wait3A_381 = arith.constant 0 : i32
    %dma_wait3A_382 = tpu.memref_slice %arg10[%dma_wait3A_375, %dma_wait3A_376, %dma_wait3A_381] : memref<2x2x128xi32, #tpu.memory_space<vmem>> -> memref<1x1x128xi32, #tpu.memory_space<vmem>>
    %dma_wait3A_383 = tpu.memref_squeeze %dma_wait3A_382 : memref<1x1x128xi32, #tpu.memory_space<vmem>> -> memref<128xi32, #tpu.memory_space<vmem>>
    %dma_wait3A_384 = arith.constant 0 : i32
    %dma_wait3A_385 = arith.constant 0 : i32
    %dma_wait3A_386 = tpu.memref_slice %arg6[%dma_wait3A_384, %dma_wait3A_385] : memref<10000x64xf32, #tpu.memory_space<vmem_shared>> -> memref<10000x64xf32, #tpu.memory_space<vmem_shared>>
    tpu.wait_indirect_dma semaphore(%arg24 : memref<!tpu.dma_semaphore, #tpu.memory_space<semaphore_mem>>) src(%dma_wait3A_380 : memref<128x64xf32, #tpu.memory_space<vmem>>) dst(%dma_wait3A_386 : memref<10000x64xf32, #tpu.memory_space<vmem_shared>>)
    %lt3A = arith.constant 4 : i32
    %lt3A_387 = arith.cmpi slt, %arg1, %lt3A : i32
    %convert_element_type3A = arith.extui %lt3A_387 : i1 to i32
    %cond3A = arith.constant 0 : i32
    %cond3A_388 = arith.cmpi ne, %convert_element_type3A, %cond3A : i32
    scf.if %cond3A_388 {
      %add3A_586 = arith.constant 156 : i32
      %add3A_587 = arith.addi %add3A, %add3A_586 : i32
      %mul3A_588 = arith.constant 128 : i32
      %mul3A_589 = arith.muli %add3A_587, %mul3A_588 : i32
      %run_scoped3A_590 = arith.constant 0 : i32
      "tpu.region"() ({
        %run_scoped3A_692 = tpu.sem_alloc : memref<!tpu.dma_semaphore, #tpu.memory_space<semaphore_mem>>
        %dma_start3A_693 = arith.constant 0 : i32
        %dma_start3A_694 = arith.constant 0 : i32
        %dma_start3A_695 = tpu.memref_slice %arg8[%run_scoped3A_590, %dma_start3A_693, %dma_start3A_694] : memref<2x256x64xf32, #tpu.memory_space<vmem>> -> memref<1x128x64xf32, #tpu.memory_space<vmem>>
        %dma_start3A_696 = tpu.memref_squeeze %dma_start3A_695 : memref<1x128x64xf32, #tpu.memory_space<vmem>> -> memref<128x64xf32, #tpu.memory_space<vmem>>
        %dma_start3A_697 = tpu.memref_slice %arg2[%mul3A_589, %mul3A_0] : memref<320000x128xf32, #tpu.memory_space<hbm>> -> memref<128x64xf32, #tpu.memory_space<hbm>>
        %dma_start3A_698 = arith.constant 0 : i32
        %dma_start3A_699 = arith.constant 0 : i32
        %dma_start3A_700 = tpu.memref_slice %arg8[%run_scoped3A_590, %dma_start3A_698, %dma_start3A_699] : memref<2x256x64xf32, #tpu.memory_space<vmem>> -> memref<1x128x64xf32, #tpu.memory_space<vmem>>
        %dma_start3A_701 = tpu.memref_squeeze %dma_start3A_700 : memref<1x128x64xf32, #tpu.memory_space<vmem>> -> memref<128x64xf32, #tpu.memory_space<vmem>>
        %dma_start3A_702 = tpu.memref_slice %arg2[%mul3A_589, %mul3A_0] : memref<320000x128xf32, #tpu.memory_space<hbm>> -> memref<128x64xf32, #tpu.memory_space<hbm>>
        tpu.enqueue_dma source(%dma_start3A_702 : memref<128x64xf32, #tpu.memory_space<hbm>>) target(%dma_start3A_701 : memref<128x64xf32, #tpu.memory_space<vmem>>) target_semaphore(%run_scoped3A_692 : memref<!tpu.dma_semaphore, #tpu.memory_space<semaphore_mem>>)
        %dma_wait3A_703 = arith.constant 0 : i32
        %dma_wait3A_704 = arith.constant 0 : i32
        %dma_wait3A_705 = tpu.memref_slice %arg8[%run_scoped3A_590, %dma_wait3A_703, %dma_wait3A_704] : memref<2x256x64xf32, #tpu.memory_space<vmem>> -> memref<1x128x64xf32, #tpu.memory_space<vmem>>
        %dma_wait3A_706 = tpu.memref_squeeze %dma_wait3A_705 : memref<1x128x64xf32, #tpu.memory_space<vmem>> -> memref<128x64xf32, #tpu.memory_space<vmem>>
        %dma_wait3A_707 = tpu.memref_slice %arg2[%mul3A_589, %mul3A_0] : memref<320000x128xf32, #tpu.memory_space<hbm>> -> memref<128x64xf32, #tpu.memory_space<hbm>>
        %dma_wait3A_708 = arith.constant 0 : i32
        %dma_wait3A_709 = arith.constant 0 : i32
        %dma_wait3A_710 = tpu.memref_slice %arg8[%run_scoped3A_590, %dma_wait3A_708, %dma_wait3A_709] : memref<2x256x64xf32, #tpu.memory_space<vmem>> -> memref<1x128x64xf32, #tpu.memory_space<vmem>>
        %dma_wait3A_711 = tpu.memref_squeeze %dma_wait3A_710 : memref<1x128x64xf32, #tpu.memory_space<vmem>> -> memref<128x64xf32, #tpu.memory_space<vmem>>
        %dma_wait3A_712 = tpu.memref_slice %arg2[%mul3A_589, %mul3A_0] : memref<320000x128xf32, #tpu.memory_space<hbm>> -> memref<128x64xf32, #tpu.memory_space<hbm>>
        tpu.wait_dma2 semaphore(%run_scoped3A_692 : memref<!tpu.dma_semaphore, #tpu.memory_space<semaphore_mem>>) src(%dma_wait3A_712 : memref<128x64xf32, #tpu.memory_space<hbm>>) dst(%dma_wait3A_711 : memref<128x64xf32, #tpu.memory_space<vmem>>)
        tpu.yield
      }) : () -> ()
      %add3A_591 = arith.constant 156 : i32
      %add3A_592 = arith.addi %add3A, %add3A_591 : i32
      %run_scoped3A_593 = arith.constant 0 : i32
      "tpu.region"() ({
        %run_scoped3A_692 = tpu.sem_alloc : memref<!tpu.dma_semaphore, #tpu.memory_space<semaphore_mem>>
        %dma_start3A_693 = arith.constant 0 : i32
        %dma_start3A_694 = arith.constant 0 : i32
        %dma_start3A_695 = tpu.memref_slice %arg10[%run_scoped3A_593, %dma_start3A_693, %dma_start3A_694] : memref<2x2x128xi32, #tpu.memory_space<vmem>> -> memref<1x1x128xi32, #tpu.memory_space<vmem>>
        %dma_start3A_696 = tpu.memref_squeeze %dma_start3A_695 : memref<1x1x128xi32, #tpu.memory_space<vmem>> -> memref<1x128xi32, #tpu.memory_space<vmem>>
        %dma_start3A_697 = arith.constant 0 : i32
        %dma_start3A_698 = tpu.memref_slice %arg3[%add3A_592, %dma_start3A_697] : memref<2500x128xi32, #tpu.memory_space<hbm>> -> memref<1x128xi32, #tpu.memory_space<hbm>>
        %dma_start3A_699 = arith.constant 0 : i32
        %dma_start3A_700 = arith.constant 0 : i32
        %dma_start3A_701 = tpu.memref_slice %arg10[%run_scoped3A_593, %dma_start3A_699, %dma_start3A_700] : memref<2x2x128xi32, #tpu.memory_space<vmem>> -> memref<1x1x128xi32, #tpu.memory_space<vmem>>
        %dma_start3A_702 = tpu.memref_squeeze %dma_start3A_701 : memref<1x1x128xi32, #tpu.memory_space<vmem>> -> memref<1x128xi32, #tpu.memory_space<vmem>>
        %dma_start3A_703 = arith.constant 0 : i32
        %dma_start3A_704 = tpu.memref_slice %arg3[%add3A_592, %dma_start3A_703] : memref<2500x128xi32, #tpu.memory_space<hbm>> -> memref<1x128xi32, #tpu.memory_space<hbm>>
        tpu.enqueue_dma source(%dma_start3A_704 : memref<1x128xi32, #tpu.memory_space<hbm>>) target(%dma_start3A_702 : memref<1x128xi32, #tpu.memory_space<vmem>>) target_semaphore(%run_scoped3A_692 : memref<!tpu.dma_semaphore, #tpu.memory_space<semaphore_mem>>)
        %dma_wait3A_705 = arith.constant 0 : i32
        %dma_wait3A_706 = arith.constant 0 : i32
        %dma_wait3A_707 = tpu.memref_slice %arg10[%run_scoped3A_593, %dma_wait3A_705, %dma_wait3A_706] : memref<2x2x128xi32, #tpu.memory_space<vmem>> -> memref<1x1x128xi32, #tpu.memory_space<vmem>>
        %dma_wait3A_708 = tpu.memref_squeeze %dma_wait3A_707 : memref<1x1x128xi32, #tpu.memory_space<vmem>> -> memref<1x128xi32, #tpu.memory_space<vmem>>
        %dma_wait3A_709 = arith.constant 0 : i32
        %dma_wait3A_710 = tpu.memref_slice %arg3[%add3A_592, %dma_wait3A_709] : memref<2500x128xi32, #tpu.memory_space<hbm>> -> memref<1x128xi32, #tpu.memory_space<hbm>>
        %dma_wait3A_711 = arith.constant 0 : i32
        %dma_wait3A_712 = arith.constant 0 : i32
        %dma_wait3A_713 = tpu.memref_slice %arg10[%run_scoped3A_593, %dma_wait3A_711, %dma_wait3A_712] : memref<2x2x128xi32, #tpu.memory_space<vmem>> -> memref<1x1x128xi32, #tpu.memory_space<vmem>>
        %dma_wait3A_714 = tpu.memref_squeeze %dma_wait3A_713 : memref<1x1x128xi32, #tpu.memory_space<vmem>> -> memref<1x128xi32, #tpu.memory_space<vmem>>
        %dma_wait3A_715 = arith.constant 0 : i32
        %dma_wait3A_716 = tpu.memref_slice %arg3[%add3A_592, %dma_wait3A_715] : memref<2500x128xi32, #tpu.memory_space<hbm>> -> memref<1x128xi32, #tpu.memory_space<hbm>>
        tpu.wait_dma2 semaphore(%run_scoped3A_692 : memref<!tpu.dma_semaphore, #tpu.memory_space<semaphore_mem>>) src(%dma_wait3A_716 : memref<1x128xi32, #tpu.memory_space<hbm>>) dst(%dma_wait3A_714 : memref<1x128xi32, #tpu.memory_space<vmem>>)
        tpu.yield
      }) : () -> ()
      %run_scoped3A_594 = arith.constant 0 : i32
      %run_scoped3A_595 = arith.constant 0 : i32
      %run_scoped3A_596 = arith.constant 0 : i32
      "tpu.region"() ({
        %run_scoped3A_692 = tpu.sem_alloc : memref<!tpu.dma_semaphore, #tpu.memory_space<semaphore_mem>>
        %dma_start3A_693 = arith.constant 0 : i32
        %dma_start3A_694 = arith.constant 0 : i32
        %dma_start3A_695 = tpu.memref_slice %arg8[%run_scoped3A_594, %dma_start3A_693, %dma_start3A_694] : memref<2x256x64xf32, #tpu.memory_space<vmem>> -> memref<1x128x64xf32, #tpu.memory_space<vmem>>
        %dma_start3A_696 = tpu.memref_squeeze %dma_start3A_695 : memref<1x128x64xf32, #tpu.memory_space<vmem>> -> memref<128x64xf32, #tpu.memory_space<vmem>>
        %dma_start3A_697 = arith.constant 0 : i32
        %dma_start3A_698 = tpu.memref_slice %arg10[%run_scoped3A_595, %run_scoped3A_596, %dma_start3A_697] : memref<2x2x128xi32, #tpu.memory_space<vmem>> -> memref<1x1x128xi32, #tpu.memory_space<vmem>>
        %dma_start3A_699 = tpu.memref_squeeze %dma_start3A_698 : memref<1x1x128xi32, #tpu.memory_space<vmem>> -> memref<128xi32, #tpu.memory_space<vmem>>
        %dma_start3A_700 = arith.constant 0 : i32
        %dma_start3A_701 = arith.constant 0 : i32
        %dma_start3A_702 = tpu.memref_slice %arg6[%dma_start3A_700, %dma_start3A_701] : memref<10000x64xf32, #tpu.memory_space<vmem_shared>> -> memref<10000x64xf32, #tpu.memory_space<vmem_shared>>
        tpu.enqueue_indirect_dma source(%dma_start3A_696 : memref<128x64xf32, #tpu.memory_space<vmem>>) target(%dma_start3A_702 : memref<10000x64xf32, #tpu.memory_space<vmem_shared>>) offsets(%dma_start3A_699 : memref<128xi32, #tpu.memory_space<vmem>>) semaphore(%run_scoped3A_692 : memref<!tpu.dma_semaphore, #tpu.memory_space<semaphore_mem>>) {add = true}
        %dma_wait3A_703 = arith.constant 0 : i32
        %dma_wait3A_704 = arith.constant 0 : i32
        %dma_wait3A_705 = tpu.memref_slice %arg8[%run_scoped3A_594, %dma_wait3A_703, %dma_wait3A_704] : memref<2x256x64xf32, #tpu.memory_space<vmem>> -> memref<1x128x64xf32, #tpu.memory_space<vmem>>
        %dma_wait3A_706 = tpu.memref_squeeze %dma_wait3A_705 : memref<1x128x64xf32, #tpu.memory_space<vmem>> -> memref<128x64xf32, #tpu.memory_space<vmem>>
        %dma_wait3A_707 = arith.constant 0 : i32
        %dma_wait3A_708 = tpu.memref_slice %arg10[%run_scoped3A_595, %run_scoped3A_596, %dma_wait3A_707] : memref<2x2x128xi32, #tpu.memory_space<vmem>> -> memref<1x1x128xi32, #tpu.memory_space<vmem>>
        %dma_wait3A_709 = tpu.memref_squeeze %dma_wait3A_708 : memref<1x1x128xi32, #tpu.memory_space<vmem>> -> memref<128xi32, #tpu.memory_space<vmem>>
        %dma_wait3A_710 = arith.constant 0 : i32
        %dma_wait3A_711 = arith.constant 0 : i32
        %dma_wait3A_712 = tpu.memref_slice %arg6[%dma_wait3A_710, %dma_wait3A_711] : memref<10000x64xf32, #tpu.memory_space<vmem_shared>> -> memref<10000x64xf32, #tpu.memory_space<vmem_shared>>
        tpu.wait_indirect_dma semaphore(%run_scoped3A_692 : memref<!tpu.dma_semaphore, #tpu.memory_space<semaphore_mem>>) src(%dma_wait3A_706 : memref<128x64xf32, #tpu.memory_space<vmem>>) dst(%dma_wait3A_712 : memref<10000x64xf32, #tpu.memory_space<vmem_shared>>)
        tpu.yield
      }) : () -> ()
      %get3A_597 = arith.constant 0 : i32
      %get3A_598 = arith.constant 0 : i32
      %get3A_599 = arith.index_cast %get3A_597 : i32 to index
      %get3A_600 = arith.index_cast %get3A_598 : i32 to index
      %get3A_601 = arith.constant 0 : index
      %get3A_602 = tpu.vector_load %arg10[%get3A_599, %get3A_600, %get3A_601] {strides = array<i32>} : memref<2x2x128xi32, #tpu.memory_space<vmem>>, vector<16xi32>,
      %shift_right_logical3A = arith.constant 4 : i32
      %shift_right_logical3A_603 = vector.broadcast %shift_right_logical3A : i32 to vector<16xi32>
      %shift_right_logical3A_604 = arith.shrui %get3A_602, %shift_right_logical3A_603 : vector<16xi32>
      %and3A_605 = arith.constant 15 : i32
      %and3A_606 = vector.broadcast %and3A_605 : i32 to vector<16xi32>
      %and3A_607 = arith.andi %get3A_602, %and3A_606 : vector<16xi32>
      tpu.vector_store_idx %arg11[%shift_right_logical3A_604, %and3A_607], %broadcast_in_dim3A_7 {add = true} : memref<640x16xf32, #tpu.memory_space<vmem>>[vector<16xi32>, vector<16xi32>], vector<16xf32>,
      %get3A_608 = arith.constant 0 : i32
      %get3A_609 = arith.constant 0 : i32
      %get3A_610 = arith.index_cast %get3A_608 : i32 to index
      %get3A_611 = arith.index_cast %get3A_609 : i32 to index
      %get3A_612 = arith.constant 16 : index
      %get3A_613 = tpu.vector_load %arg10[%get3A_610, %get3A_611, %get3A_612] {strides = array<i32>} : memref<2x2x128xi32, #tpu.memory_space<vmem>>, vector<16xi32>,
      %shift_right_logical3A_614 = arith.constant 4 : i32
      %shift_right_logical3A_615 = vector.broadcast %shift_right_logical3A_614 : i32 to vector<16xi32>
      %shift_right_logical3A_616 = arith.shrui %get3A_613, %shift_right_logical3A_615 : vector<16xi32>
      %and3A_617 = arith.constant 15 : i32
      %and3A_618 = vector.broadcast %and3A_617 : i32 to vector<16xi32>
      %and3A_619 = arith.andi %get3A_613, %and3A_618 : vector<16xi32>
      tpu.vector_store_idx %arg11[%shift_right_logical3A_616, %and3A_619], %broadcast_in_dim3A_7 {add = true} : memref<640x16xf32, #tpu.memory_space<vmem>>[vector<16xi32>, vector<16xi32>], vector<16xf32>,
      %get3A_620 = arith.constant 0 : i32
      %get3A_621 = arith.constant 0 : i32
      %get3A_622 = arith.index_cast %get3A_620 : i32 to index
      %get3A_623 = arith.index_cast %get3A_621 : i32 to index
      %get3A_624 = arith.constant 32 : index
      %get3A_625 = tpu.vector_load %arg10[%get3A_622, %get3A_623, %get3A_624] {strides = array<i32>} : memref<2x2x128xi32, #tpu.memory_space<vmem>>, vector<16xi32>,
      %shift_right_logical3A_626 = arith.constant 4 : i32
      %shift_right_logical3A_627 = vector.broadcast %shift_right_logical3A_626 : i32 to vector<16xi32>
      %shift_right_logical3A_628 = arith.shrui %get3A_625, %shift_right_logical3A_627 : vector<16xi32>
      %and3A_629 = arith.constant 15 : i32
      %and3A_630 = vector.broadcast %and3A_629 : i32 to vector<16xi32>
      %and3A_631 = arith.andi %get3A_625, %and3A_630 : vector<16xi32>
      tpu.vector_store_idx %arg11[%shift_right_logical3A_628, %and3A_631], %broadcast_in_dim3A_7 {add = true} : memref<640x16xf32, #tpu.memory_space<vmem>>[vector<16xi32>, vector<16xi32>], vector<16xf32>,
      %get3A_632 = arith.constant 0 : i32
      %get3A_633 = arith.constant 0 : i32
      %get3A_634 = arith.index_cast %get3A_632 : i32 to index
      %get3A_635 = arith.index_cast %get3A_633 : i32 to index
      %get3A_636 = arith.constant 48 : index
      %get3A_637 = tpu.vector_load %arg10[%get3A_634, %get3A_635, %get3A_636] {strides = array<i32>} : memref<2x2x128xi32, #tpu.memory_space<vmem>>, vector<16xi32>,
      %shift_right_logical3A_638 = arith.constant 4 : i32
      %shift_right_logical3A_639 = vector.broadcast %shift_right_logical3A_638 : i32 to vector<16xi32>
      %shift_right_logical3A_640 = arith.shrui %get3A_637, %shift_right_logical3A_639 : vector<16xi32>
      %and3A_641 = arith.constant 15 : i32
      %and3A_642 = vector.broadcast %and3A_641 : i32 to vector<16xi32>
      %and3A_643 = arith.andi %get3A_637, %and3A_642 : vector<16xi32>
      tpu.vector_store_idx %arg11[%shift_right_logical3A_640, %and3A_643], %broadcast_in_dim3A_7 {add = true} : memref<640x16xf32, #tpu.memory_space<vmem>>[vector<16xi32>, vector<16xi32>], vector<16xf32>,
      %get3A_644 = arith.constant 0 : i32
      %get3A_645 = arith.constant 0 : i32
      %get3A_646 = arith.index_cast %get3A_644 : i32 to index
      %get3A_647 = arith.index_cast %get3A_645 : i32 to index
      %get3A_648 = arith.constant 64 : index
      %get3A_649 = tpu.vector_load %arg10[%get3A_646, %get3A_647, %get3A_648] {strides = array<i32>} : memref<2x2x128xi32, #tpu.memory_space<vmem>>, vector<16xi32>,
      %shift_right_logical3A_650 = arith.constant 4 : i32
      %shift_right_logical3A_651 = vector.broadcast %shift_right_logical3A_650 : i32 to vector<16xi32>
      %shift_right_logical3A_652 = arith.shrui %get3A_649, %shift_right_logical3A_651 : vector<16xi32>
      %and3A_653 = arith.constant 15 : i32
      %and3A_654 = vector.broadcast %and3A_653 : i32 to vector<16xi32>
      %and3A_655 = arith.andi %get3A_649, %and3A_654 : vector<16xi32>
      tpu.vector_store_idx %arg11[%shift_right_logical3A_652, %and3A_655], %broadcast_in_dim3A_7 {add = true} : memref<640x16xf32, #tpu.memory_space<vmem>>[vector<16xi32>, vector<16xi32>], vector<16xf32>,
      %get3A_656 = arith.constant 0 : i32
      %get3A_657 = arith.constant 0 : i32
      %get3A_658 = arith.index_cast %get3A_656 : i32 to index
      %get3A_659 = arith.index_cast %get3A_657 : i32 to index
      %get3A_660 = arith.constant 80 : index
      %get3A_661 = tpu.vector_load %arg10[%get3A_658, %get3A_659, %get3A_660] {strides = array<i32>} : memref<2x2x128xi32, #tpu.memory_space<vmem>>, vector<16xi32>,
      %shift_right_logical3A_662 = arith.constant 4 : i32
      %shift_right_logical3A_663 = vector.broadcast %shift_right_logical3A_662 : i32 to vector<16xi32>
      %shift_right_logical3A_664 = arith.shrui %get3A_661, %shift_right_logical3A_663 : vector<16xi32>
      %and3A_665 = arith.constant 15 : i32
      %and3A_666 = vector.broadcast %and3A_665 : i32 to vector<16xi32>
      %and3A_667 = arith.andi %get3A_661, %and3A_666 : vector<16xi32>
      tpu.vector_store_idx %arg11[%shift_right_logical3A_664, %and3A_667], %broadcast_in_dim3A_7 {add = true} : memref<640x16xf32, #tpu.memory_space<vmem>>[vector<16xi32>, vector<16xi32>], vector<16xf32>,
      %get3A_668 = arith.constant 0 : i32
      %get3A_669 = arith.constant 0 : i32
      %get3A_670 = arith.index_cast %get3A_668 : i32 to index
      %get3A_671 = arith.index_cast %get3A_669 : i32 to index
      %get3A_672 = arith.constant 96 : index
      %get3A_673 = tpu.vector_load %arg10[%get3A_670, %get3A_671, %get3A_672] {strides = array<i32>} : memref<2x2x128xi32, #tpu.memory_space<vmem>>, vector<16xi32>,
      %shift_right_logical3A_674 = arith.constant 4 : i32
      %shift_right_logical3A_675 = vector.broadcast %shift_right_logical3A_674 : i32 to vector<16xi32>
      %shift_right_logical3A_676 = arith.shrui %get3A_673, %shift_right_logical3A_675 : vector<16xi32>
      %and3A_677 = arith.constant 15 : i32
      %and3A_678 = vector.broadcast %and3A_677 : i32 to vector<16xi32>
      %and3A_679 = arith.andi %get3A_673, %and3A_678 : vector<16xi32>
      tpu.vector_store_idx %arg11[%shift_right_logical3A_676, %and3A_679], %broadcast_in_dim3A_7 {add = true} : memref<640x16xf32, #tpu.memory_space<vmem>>[vector<16xi32>, vector<16xi32>], vector<16xf32>,
      %get3A_680 = arith.constant 0 : i32
      %get3A_681 = arith.constant 0 : i32
      %get3A_682 = arith.index_cast %get3A_680 : i32 to index
      %get3A_683 = arith.index_cast %get3A_681 : i32 to index
      %get3A_684 = arith.constant 112 : index
      %get3A_685 = tpu.vector_load %arg10[%get3A_682, %get3A_683, %get3A_684] {strides = array<i32>} : memref<2x2x128xi32, #tpu.memory_space<vmem>>, vector<16xi32>,
      %shift_right_logical3A_686 = arith.constant 4 : i32
      %shift_right_logical3A_687 = vector.broadcast %shift_right_logical3A_686 : i32 to vector<16xi32>
      %shift_right_logical3A_688 = arith.shrui %get3A_685, %shift_right_logical3A_687 : vector<16xi32>
      %and3A_689 = arith.constant 15 : i32
      %and3A_690 = vector.broadcast %and3A_689 : i32 to vector<16xi32>
      %and3A_691 = arith.andi %get3A_685, %and3A_690 : vector<16xi32>
      tpu.vector_store_idx %arg11[%shift_right_logical3A_688, %and3A_691], %broadcast_in_dim3A_7 {add = true} : memref<640x16xf32, #tpu.memory_space<vmem>>[vector<16xi32>, vector<16xi32>], vector<16xf32>,
    } else {
    }
    %run_scoped3A_389 = arith.constant 0 : i32
    "tpu.region"() ({
      %run_scoped3A_586 = tpu.sem_alloc : memref<!tpu.dma_semaphore, #tpu.memory_space<semaphore_mem>>
      %dma_start3A_587 = arith.constant 0 : i32
      %dma_start3A_588 = arith.constant 0 : i32
      %dma_start3A_589 = tpu.memref_slice %arg11[%dma_start3A_587, %dma_start3A_588] : memref<640x16xf32, #tpu.memory_space<vmem>> -> memref<128x16xf32, #tpu.memory_space<vmem>>
      %dma_start3A_590 = arith.constant 0 : i32
      %dma_start3A_591 = tpu.memref_slice %arg12[%run_scoped3A_389, %dma_start3A_590] : memref<5x128xi32, #tpu.memory_space<vmem>> -> memref<1x128xi32, #tpu.memory_space<vmem>>
      %dma_start3A_592 = tpu.memref_squeeze %dma_start3A_591 : memref<1x128xi32, #tpu.memory_space<vmem>> -> memref<128xi32, #tpu.memory_space<vmem>>
      %dma_start3A_593 = arith.constant 0 : i32
      %dma_start3A_594 = arith.constant 0 : i32
      %dma_start3A_595 = tpu.memref_slice %arg7[%dma_start3A_593, %dma_start3A_594] : memref<640x16xf32, #tpu.memory_space<vmem_shared>> -> memref<640x16xf32, #tpu.memory_space<vmem_shared>>
      tpu.enqueue_indirect_dma source(%dma_start3A_589 : memref<128x16xf32, #tpu.memory_space<vmem>>) target(%dma_start3A_595 : memref<640x16xf32, #tpu.memory_space<vmem_shared>>) offsets(%dma_start3A_592 : memref<128xi32, #tpu.memory_space<vmem>>) semaphore(%run_scoped3A_586 : memref<!tpu.dma_semaphore, #tpu.memory_space<semaphore_mem>>) {add = true}
      %dma_wait3A_596 = arith.constant 0 : i32
      %dma_wait3A_597 = arith.constant 0 : i32
      %dma_wait3A_598 = tpu.memref_slice %arg11[%dma_wait3A_596, %dma_wait3A_597] : memref<640x16xf32, #tpu.memory_space<vmem>> -> memref<128x16xf32, #tpu.memory_space<vmem>>
      %dma_wait3A_599 = arith.constant 0 : i32
      %dma_wait3A_600 = tpu.memref_slice %arg12[%run_scoped3A_389, %dma_wait3A_599] : memref<5x128xi32, #tpu.memory_space<vmem>> -> memref<1x128xi32, #tpu.memory_space<vmem>>
      %dma_wait3A_601 = tpu.memref_squeeze %dma_wait3A_600 : memref<1x128xi32, #tpu.memory_space<vmem>> -> memref<128xi32, #tpu.memory_space<vmem>>
      %dma_wait3A_602 = arith.constant 0 : i32
      %dma_wait3A_603 = arith.constant 0 : i32
      %dma_wait3A_604 = tpu.memref_slice %arg7[%dma_wait3A_602, %dma_wait3A_603] : memref<640x16xf32, #tpu.memory_space<vmem_shared>> -> memref<640x16xf32, #tpu.memory_space<vmem_shared>>
      tpu.wait_indirect_dma semaphore(%run_scoped3A_586 : memref<!tpu.dma_semaphore, #tpu.memory_space<semaphore_mem>>) src(%dma_wait3A_598 : memref<128x16xf32, #tpu.memory_space<vmem>>) dst(%dma_wait3A_604 : memref<640x16xf32, #tpu.memory_space<vmem_shared>>)
      tpu.yield
    }) : () -> ()
    %run_scoped3A_390 = arith.constant 1 : i32
    "tpu.region"() ({
      %run_scoped3A_586 = tpu.sem_alloc : memref<!tpu.dma_semaphore, #tpu.memory_space<semaphore_mem>>
      %dma_start3A_587 = arith.constant 128 : i32
      %dma_start3A_588 = arith.constant 0 : i32
      %dma_start3A_589 = tpu.memref_slice %arg11[%dma_start3A_587, %dma_start3A_588] : memref<640x16xf32, #tpu.memory_space<vmem>> -> memref<128x16xf32, #tpu.memory_space<vmem>>
      %dma_start3A_590 = arith.constant 0 : i32
      %dma_start3A_591 = tpu.memref_slice %arg12[%run_scoped3A_390, %dma_start3A_590] : memref<5x128xi32, #tpu.memory_space<vmem>> -> memref<1x128xi32, #tpu.memory_space<vmem>>
      %dma_start3A_592 = tpu.memref_squeeze %dma_start3A_591 : memref<1x128xi32, #tpu.memory_space<vmem>> -> memref<128xi32, #tpu.memory_space<vmem>>
      %dma_start3A_593 = arith.constant 0 : i32
      %dma_start3A_594 = arith.constant 0 : i32
      %dma_start3A_595 = tpu.memref_slice %arg7[%dma_start3A_593, %dma_start3A_594] : memref<640x16xf32, #tpu.memory_space<vmem_shared>> -> memref<640x16xf32, #tpu.memory_space<vmem_shared>>
      tpu.enqueue_indirect_dma source(%dma_start3A_589 : memref<128x16xf32, #tpu.memory_space<vmem>>) target(%dma_start3A_595 : memref<640x16xf32, #tpu.memory_space<vmem_shared>>) offsets(%dma_start3A_592 : memref<128xi32, #tpu.memory_space<vmem>>) semaphore(%run_scoped3A_586 : memref<!tpu.dma_semaphore, #tpu.memory_space<semaphore_mem>>) {add = true}
      %dma_wait3A_596 = arith.constant 128 : i32
      %dma_wait3A_597 = arith.constant 0 : i32
      %dma_wait3A_598 = tpu.memref_slice %arg11[%dma_wait3A_596, %dma_wait3A_597] : memref<640x16xf32, #tpu.memory_space<vmem>> -> memref<128x16xf32, #tpu.memory_space<vmem>>
      %dma_wait3A_599 = arith.constant 0 : i32
      %dma_wait3A_600 = tpu.memref_slice %arg12[%run_scoped3A_390, %dma_wait3A_599] : memref<5x128xi32, #tpu.memory_space<vmem>> -> memref<1x128xi32, #tpu.memory_space<vmem>>
      %dma_wait3A_601 = tpu.memref_squeeze %dma_wait3A_600 : memref<1x128xi32, #tpu.memory_space<vmem>> -> memref<128xi32, #tpu.memory_space<vmem>>
      %dma_wait3A_602 = arith.constant 0 : i32
      %dma_wait3A_603 = arith.constant 0 : i32
      %dma_wait3A_604 = tpu.memref_slice %arg7[%dma_wait3A_602, %dma_wait3A_603] : memref<640x16xf32, #tpu.memory_space<vmem_shared>> -> memref<640x16xf32, #tpu.memory_space<vmem_shared>>
      tpu.wait_indirect_dma semaphore(%run_scoped3A_586 : memref<!tpu.dma_semaphore, #tpu.memory_space<semaphore_mem>>) src(%dma_wait3A_598 : memref<128x16xf32, #tpu.memory_space<vmem>>) dst(%dma_wait3A_604 : memref<640x16xf32, #tpu.memory_space<vmem_shared>>)
      tpu.yield
    }) : () -> ()
    %run_scoped3A_391 = arith.constant 2 : i32
    "tpu.region"() ({
      %run_scoped3A_586 = tpu.sem_alloc : memref<!tpu.dma_semaphore, #tpu.memory_space<semaphore_mem>>
      %dma_start3A_587 = arith.constant 256 : i32
      %dma_start3A_588 = arith.constant 0 : i32
      %dma_start3A_589 = tpu.memref_slice %arg11[%dma_start3A_587, %dma_start3A_588] : memref<640x16xf32, #tpu.memory_space<vmem>> -> memref<128x16xf32, #tpu.memory_space<vmem>>
      %dma_start3A_590 = arith.constant 0 : i32
      %dma_start3A_591 = tpu.memref_slice %arg12[%run_scoped3A_391, %dma_start3A_590] : memref<5x128xi32, #tpu.memory_space<vmem>> -> memref<1x128xi32, #tpu.memory_space<vmem>>
      %dma_start3A_592 = tpu.memref_squeeze %dma_start3A_591 : memref<1x128xi32, #tpu.memory_space<vmem>> -> memref<128xi32, #tpu.memory_space<vmem>>
      %dma_start3A_593 = arith.constant 0 : i32
      %dma_start3A_594 = arith.constant 0 : i32
      %dma_start3A_595 = tpu.memref_slice %arg7[%dma_start3A_593, %dma_start3A_594] : memref<640x16xf32, #tpu.memory_space<vmem_shared>> -> memref<640x16xf32, #tpu.memory_space<vmem_shared>>
      tpu.enqueue_indirect_dma source(%dma_start3A_589 : memref<128x16xf32, #tpu.memory_space<vmem>>) target(%dma_start3A_595 : memref<640x16xf32, #tpu.memory_space<vmem_shared>>) offsets(%dma_start3A_592 : memref<128xi32, #tpu.memory_space<vmem>>) semaphore(%run_scoped3A_586 : memref<!tpu.dma_semaphore, #tpu.memory_space<semaphore_mem>>) {add = true}
      %dma_wait3A_596 = arith.constant 256 : i32
      %dma_wait3A_597 = arith.constant 0 : i32
      %dma_wait3A_598 = tpu.memref_slice %arg11[%dma_wait3A_596, %dma_wait3A_597] : memref<640x16xf32, #tpu.memory_space<vmem>> -> memref<128x16xf32, #tpu.memory_space<vmem>>
      %dma_wait3A_599 = arith.constant 0 : i32
      %dma_wait3A_600 = tpu.memref_slice %arg12[%run_scoped3A_391, %dma_wait3A_599] : memref<5x128xi32, #tpu.memory_space<vmem>> -> memref<1x128xi32, #tpu.memory_space<vmem>>
      %dma_wait3A_601 = tpu.memref_squeeze %dma_wait3A_600 : memref<1x128xi32, #tpu.memory_space<vmem>> -> memref<128xi32, #tpu.memory_space<vmem>>
      %dma_wait3A_602 = arith.constant 0 : i32
      %dma_wait3A_603 = arith.constant 0 : i32
      %dma_wait3A_604 = tpu.memref_slice %arg7[%dma_wait3A_602, %dma_wait3A_603] : memref<640x16xf32, #tpu.memory_space<vmem_shared>> -> memref<640x16xf32, #tpu.memory_space<vmem_shared>>
      tpu.wait_indirect_dma semaphore(%run_scoped3A_586 : memref<!tpu.dma_semaphore, #tpu.memory_space<semaphore_mem>>) src(%dma_wait3A_598 : memref<128x16xf32, #tpu.memory_space<vmem>>) dst(%dma_wait3A_604 : memref<640x16xf32, #tpu.memory_space<vmem_shared>>)
      tpu.yield
    }) : () -> ()
    %run_scoped3A_392 = arith.constant 3 : i32
    "tpu.region"() ({
      %run_scoped3A_586 = tpu.sem_alloc : memref<!tpu.dma_semaphore, #tpu.memory_space<semaphore_mem>>
      %dma_start3A_587 = arith.constant 384 : i32
      %dma_start3A_588 = arith.constant 0 : i32
      %dma_start3A_589 = tpu.memref_slice %arg11[%dma_start3A_587, %dma_start3A_588] : memref<640x16xf32, #tpu.memory_space<vmem>> -> memref<128x16xf32, #tpu.memory_space<vmem>>
      %dma_start3A_590 = arith.constant 0 : i32
      %dma_start3A_591 = tpu.memref_slice %arg12[%run_scoped3A_392, %dma_start3A_590] : memref<5x128xi32, #tpu.memory_space<vmem>> -> memref<1x128xi32, #tpu.memory_space<vmem>>
      %dma_start3A_592 = tpu.memref_squeeze %dma_start3A_591 : memref<1x128xi32, #tpu.memory_space<vmem>> -> memref<128xi32, #tpu.memory_space<vmem>>
      %dma_start3A_593 = arith.constant 0 : i32
      %dma_start3A_594 = arith.constant 0 : i32
      %dma_start3A_595 = tpu.memref_slice %arg7[%dma_start3A_593, %dma_start3A_594] : memref<640x16xf32, #tpu.memory_space<vmem_shared>> -> memref<640x16xf32, #tpu.memory_space<vmem_shared>>
      tpu.enqueue_indirect_dma source(%dma_start3A_589 : memref<128x16xf32, #tpu.memory_space<vmem>>) target(%dma_start3A_595 : memref<640x16xf32, #tpu.memory_space<vmem_shared>>) offsets(%dma_start3A_592 : memref<128xi32, #tpu.memory_space<vmem>>) semaphore(%run_scoped3A_586 : memref<!tpu.dma_semaphore, #tpu.memory_space<semaphore_mem>>) {add = true}
      %dma_wait3A_596 = arith.constant 384 : i32
      %dma_wait3A_597 = arith.constant 0 : i32
      %dma_wait3A_598 = tpu.memref_slice %arg11[%dma_wait3A_596, %dma_wait3A_597] : memref<640x16xf32, #tpu.memory_space<vmem>> -> memref<128x16xf32, #tpu.memory_space<vmem>>
      %dma_wait3A_599 = arith.constant 0 : i32
      %dma_wait3A_600 = tpu.memref_slice %arg12[%run_scoped3A_392, %dma_wait3A_599] : memref<5x128xi32, #tpu.memory_space<vmem>> -> memref<1x128xi32, #tpu.memory_space<vmem>>
      %dma_wait3A_601 = tpu.memref_squeeze %dma_wait3A_600 : memref<1x128xi32, #tpu.memory_space<vmem>> -> memref<128xi32, #tpu.memory_space<vmem>>
      %dma_wait3A_602 = arith.constant 0 : i32
      %dma_wait3A_603 = arith.constant 0 : i32
      %dma_wait3A_604 = tpu.memref_slice %arg7[%dma_wait3A_602, %dma_wait3A_603] : memref<640x16xf32, #tpu.memory_space<vmem_shared>> -> memref<640x16xf32, #tpu.memory_space<vmem_shared>>
      tpu.wait_indirect_dma semaphore(%run_scoped3A_586 : memref<!tpu.dma_semaphore, #tpu.memory_space<semaphore_mem>>) src(%dma_wait3A_598 : memref<128x16xf32, #tpu.memory_space<vmem>>) dst(%dma_wait3A_604 : memref<640x16xf32, #tpu.memory_space<vmem_shared>>)
      tpu.yield
    }) : () -> ()
    %run_scoped3A_393 = arith.constant 4 : i32
    "tpu.region"() ({
      %run_scoped3A_586 = tpu.sem_alloc : memref<!tpu.dma_semaphore, #tpu.memory_space<semaphore_mem>>
      %dma_start3A_587 = arith.constant 512 : i32
      %dma_start3A_588 = arith.constant 0 : i32
      %dma_start3A_589 = tpu.memref_slice %arg11[%dma_start3A_587, %dma_start3A_588] : memref<640x16xf32, #tpu.memory_space<vmem>> -> memref<128x16xf32, #tpu.memory_space<vmem>>
      %dma_start3A_590 = arith.constant 0 : i32
      %dma_start3A_591 = tpu.memref_slice %arg12[%run_scoped3A_393, %dma_start3A_590] : memref<5x128xi32, #tpu.memory_space<vmem>> -> memref<1x128xi32, #tpu.memory_space<vmem>>
      %dma_start3A_592 = tpu.memref_squeeze %dma_start3A_591 : memref<1x128xi32, #tpu.memory_space<vmem>> -> memref<128xi32, #tpu.memory_space<vmem>>
      %dma_start3A_593 = arith.constant 0 : i32
      %dma_start3A_594 = arith.constant 0 : i32
      %dma_start3A_595 = tpu.memref_slice %arg7[%dma_start3A_593, %dma_start3A_594] : memref<640x16xf32, #tpu.memory_space<vmem_shared>> -> memref<640x16xf32, #tpu.memory_space<vmem_shared>>
      tpu.enqueue_indirect_dma source(%dma_start3A_589 : memref<128x16xf32, #tpu.memory_space<vmem>>) target(%dma_start3A_595 : memref<640x16xf32, #tpu.memory_space<vmem_shared>>) offsets(%dma_start3A_592 : memref<128xi32, #tpu.memory_space<vmem>>) semaphore(%run_scoped3A_586 : memref<!tpu.dma_semaphore, #tpu.memory_space<semaphore_mem>>) {add = true}
      %dma_wait3A_596 = arith.constant 512 : i32
      %dma_wait3A_597 = arith.constant 0 : i32
      %dma_wait3A_598 = tpu.memref_slice %arg11[%dma_wait3A_596, %dma_wait3A_597] : memref<640x16xf32, #tpu.memory_space<vmem>> -> memref<128x16xf32, #tpu.memory_space<vmem>>
      %dma_wait3A_599 = arith.constant 0 : i32
      %dma_wait3A_600 = tpu.memref_slice %arg12[%run_scoped3A_393, %dma_wait3A_599] : memref<5x128xi32, #tpu.memory_space<vmem>> -> memref<1x128xi32, #tpu.memory_space<vmem>>
      %dma_wait3A_601 = tpu.memref_squeeze %dma_wait3A_600 : memref<1x128xi32, #tpu.memory_space<vmem>> -> memref<128xi32, #tpu.memory_space<vmem>>
      %dma_wait3A_602 = arith.constant 0 : i32
      %dma_wait3A_603 = arith.constant 0 : i32
      %dma_wait3A_604 = tpu.memref_slice %arg7[%dma_wait3A_602, %dma_wait3A_603] : memref<640x16xf32, #tpu.memory_space<vmem_shared>> -> memref<640x16xf32, #tpu.memory_space<vmem_shared>>
      tpu.wait_indirect_dma semaphore(%run_scoped3A_586 : memref<!tpu.dma_semaphore, #tpu.memory_space<semaphore_mem>>) src(%dma_wait3A_598 : memref<128x16xf32, #tpu.memory_space<vmem>>) dst(%dma_wait3A_604 : memref<640x16xf32, #tpu.memory_space<vmem_shared>>)
      tpu.yield
    }) : () -> ()
    %barrier3A_394 = arith.constant 0 : index
    tpu.barrier barrier_id(%barrier3A_394)
    %mul3A_395 = arith.constant 625 : i32
    %mul3A_396 = arith.muli %mul3A_395, %arg1 : i32
    %jit3A = arith.constant 16 : i32
    %div3A = arith.divsi %mul3A_396, %jit3A : i32
    %sign3A = arith.constant 0 : i32
    %sign3A_397 = arith.cmpi sgt, %mul3A_396, %sign3A : i32
    %sign3A_398 = arith.extui %sign3A_397 : i1 to i32
    %sign3A_399 = arith.constant 0 : i32
    %sign3A_400 = arith.cmpi slt, %mul3A_396, %sign3A_399 : i32
    %sign3A_401 = arith.extui %sign3A_400 : i1 to i32
    %sign3A_402 = arith.subi %sign3A_398, %sign3A_401 : i32
    %sign3A_403 = arith.constant 0 : i32
    %sign3A_404 = arith.cmpi sgt, %jit3A, %sign3A_403 : i32
    %sign3A_405 = arith.extui %sign3A_404 : i1 to i32
    %sign3A_406 = arith.constant 0 : i32
    %sign3A_407 = arith.cmpi slt, %jit3A, %sign3A_406 : i32
    %sign3A_408 = arith.extui %sign3A_407 : i1 to i32
    %sign3A_409 = arith.subi %sign3A_405, %sign3A_408 : i32
    %ne3A = arith.cmpi ne, %sign3A_402, %sign3A_409 : i32
    %rem3A = arith.remsi %mul3A_396, %jit3A : i32
    %ne3A_410 = arith.constant 0 : i32
    %ne3A_411 = arith.cmpi ne, %rem3A, %ne3A_410 : i32
    %and3A = arith.andi %ne3A, %ne3A_411 : i1
    %sub3A = arith.constant 1 : i32
    %sub3A_412 = arith.subi %div3A, %sub3A : i32
    %select_n3A = arith.select %and3A, %sub3A_412, %div3A : i32
    "tpu.region"() ({
      %run_scoped3A_586 = tpu.sem_alloc : memref<!tpu.dma_semaphore, #tpu.memory_space<semaphore_mem>>
      %dma_start3A_587 = arith.constant 0 : i32
      %dma_start3A_588 = tpu.memref_slice %arg7[%select_n3A, %dma_start3A_587] : memref<640x16xf32, #tpu.memory_space<vmem_shared>> -> memref<40x16xf32, #tpu.memory_space<vmem_shared>>
      %dma_start3A_589 = arith.constant 0 : i32
      %dma_start3A_590 = tpu.memref_slice %arg7[%select_n3A, %dma_start3A_589] : memref<640x16xf32, #tpu.memory_space<vmem_shared>> -> memref<40x16xf32, #tpu.memory_space<vmem_shared>>
      tpu.enqueue_dma source(%dma_start3A_590 : memref<40x16xf32, #tpu.memory_space<vmem_shared>>) target(%arg13 : memref<40x16xf32, #tpu.memory_space<vmem>>) target_semaphore(%run_scoped3A_586 : memref<!tpu.dma_semaphore, #tpu.memory_space<semaphore_mem>>)
      %dma_wait3A_591 = arith.constant 0 : i32
      %dma_wait3A_592 = tpu.memref_slice %arg7[%select_n3A, %dma_wait3A_591] : memref<640x16xf32, #tpu.memory_space<vmem_shared>> -> memref<40x16xf32, #tpu.memory_space<vmem_shared>>
      %dma_wait3A_593 = arith.constant 0 : i32
      %dma_wait3A_594 = tpu.memref_slice %arg7[%select_n3A, %dma_wait3A_593] : memref<640x16xf32, #tpu.memory_space<vmem_shared>> -> memref<40x16xf32, #tpu.memory_space<vmem_shared>>
      tpu.wait_dma2 semaphore(%run_scoped3A_586 : memref<!tpu.dma_semaphore, #tpu.memory_space<semaphore_mem>>) src(%dma_wait3A_594 : memref<40x16xf32, #tpu.memory_space<vmem_shared>>) dst(%arg13 : memref<40x16xf32, #tpu.memory_space<vmem>>)
      tpu.yield
    }) : () -> ()
    %mul3A_413 = arith.constant 625 : i32
    %mul3A_414 = arith.muli %arg1, %mul3A_413 : i32
    %add3A_415 = arith.constant 0 : i32
    %add3A_416 = arith.addi %mul3A_414, %add3A_415 : i32
    %run_scoped3A_417 = arith.constant 0 : i32
    "tpu.region"() ({
      %run_scoped3A_586 = tpu.sem_alloc : memref<!tpu.dma_semaphore, #tpu.memory_space<semaphore_mem>>
      %dma_start3A_587 = arith.constant 0 : i32
      %dma_start3A_588 = arith.constant 0 : i32
      %dma_start3A_589 = tpu.memref_slice %arg8[%run_scoped3A_417, %dma_start3A_587, %dma_start3A_588] : memref<2x256x64xf32, #tpu.memory_space<vmem>> -> memref<1x125x64xf32, #tpu.memory_space<vmem>>
      %dma_start3A_590 = tpu.memref_squeeze %dma_start3A_589 : memref<1x125x64xf32, #tpu.memory_space<vmem>> -> memref<125x64xf32, #tpu.memory_space<vmem>>
      %dma_start3A_591 = arith.constant 0 : i32
      %dma_start3A_592 = tpu.memref_slice %arg6[%add3A_416, %dma_start3A_591] : memref<10000x64xf32, #tpu.memory_space<vmem_shared>> -> memref<125x64xf32, #tpu.memory_space<vmem_shared>>
      %dma_start3A_593 = arith.constant 0 : i32
      %dma_start3A_594 = arith.constant 0 : i32
      %dma_start3A_595 = tpu.memref_slice %arg8[%run_scoped3A_417, %dma_start3A_593, %dma_start3A_594] : memref<2x256x64xf32, #tpu.memory_space<vmem>> -> memref<1x125x64xf32, #tpu.memory_space<vmem>>
      %dma_start3A_596 = tpu.memref_squeeze %dma_start3A_595 : memref<1x125x64xf32, #tpu.memory_space<vmem>> -> memref<125x64xf32, #tpu.memory_space<vmem>>
      %dma_start3A_597 = arith.constant 0 : i32
      %dma_start3A_598 = tpu.memref_slice %arg6[%add3A_416, %dma_start3A_597] : memref<10000x64xf32, #tpu.memory_space<vmem_shared>> -> memref<125x64xf32, #tpu.memory_space<vmem_shared>>
      tpu.enqueue_dma source(%dma_start3A_598 : memref<125x64xf32, #tpu.memory_space<vmem_shared>>) target(%dma_start3A_596 : memref<125x64xf32, #tpu.memory_space<vmem>>) target_semaphore(%run_scoped3A_586 : memref<!tpu.dma_semaphore, #tpu.memory_space<semaphore_mem>>)
      %dma_wait3A_599 = arith.constant 0 : i32
      %dma_wait3A_600 = arith.constant 0 : i32
      %dma_wait3A_601 = tpu.memref_slice %arg8[%run_scoped3A_417, %dma_wait3A_599, %dma_wait3A_600] : memref<2x256x64xf32, #tpu.memory_space<vmem>> -> memref<1x125x64xf32, #tpu.memory_space<vmem>>
      %dma_wait3A_602 = tpu.memref_squeeze %dma_wait3A_601 : memref<1x125x64xf32, #tpu.memory_space<vmem>> -> memref<125x64xf32, #tpu.memory_space<vmem>>
      %dma_wait3A_603 = arith.constant 0 : i32
      %dma_wait3A_604 = tpu.memref_slice %arg6[%add3A_416, %dma_wait3A_603] : memref<10000x64xf32, #tpu.memory_space<vmem_shared>> -> memref<125x64xf32, #tpu.memory_space<vmem_shared>>
      %dma_wait3A_605 = arith.constant 0 : i32
      %dma_wait3A_606 = arith.constant 0 : i32
      %dma_wait3A_607 = tpu.memref_slice %arg8[%run_scoped3A_417, %dma_wait3A_605, %dma_wait3A_606] : memref<2x256x64xf32, #tpu.memory_space<vmem>> -> memref<1x125x64xf32, #tpu.memory_space<vmem>>
      %dma_wait3A_608 = tpu.memref_squeeze %dma_wait3A_607 : memref<1x125x64xf32, #tpu.memory_space<vmem>> -> memref<125x64xf32, #tpu.memory_space<vmem>>
      %dma_wait3A_609 = arith.constant 0 : i32
      %dma_wait3A_610 = tpu.memref_slice %arg6[%add3A_416, %dma_wait3A_609] : memref<10000x64xf32, #tpu.memory_space<vmem_shared>> -> memref<125x64xf32, #tpu.memory_space<vmem_shared>>
      tpu.wait_dma2 semaphore(%run_scoped3A_586 : memref<!tpu.dma_semaphore, #tpu.memory_space<semaphore_mem>>) src(%dma_wait3A_610 : memref<125x64xf32, #tpu.memory_space<vmem_shared>>) dst(%dma_wait3A_608 : memref<125x64xf32, #tpu.memory_space<vmem>>)
      tpu.yield
    }) : () -> ()
    %scan3A_418 = arith.constant 0 : i32
    %scan3A_419 = arith.constant 0 : i32
    %scan3A_420 = arith.constant 125 : i32
    %scan3A_421 = arith.addi %scan3A_419, %scan3A_420 : i32
    %scan3A_422 = arith.constant 1 : i32
    scf.for %scan3A_586 = %scan3A_419 to %scan3A_421 step %scan3A_422  : i32 {
      %add3A_587 = arith.constant 0 : i32
      %add3A_588 = arith.addi %arg1, %add3A_587 : i32
      %add3A_589 = arith.addi %add3A_588, %scan3A_586 : i32
      %shift_right_logical3A = arith.constant 4 : i32
      %shift_right_logical3A_590 = arith.shrui %add3A_589, %shift_right_logical3A : i32
      %get3A_591 = arith.index_cast %shift_right_logical3A_590 : i32 to index
      %get3A_592 = arith.constant 0 : index
      %get3A_593 = tpu.vector_load %arg13[%get3A_591, %get3A_592] {strides = array<i32>} : memref<40x16xf32, #tpu.memory_space<vmem>>, vector<16xf32>,
      %and3A_594 = arith.constant 15 : i32
      %and3A_595 = arith.andi %add3A_589, %and3A_594 : i32
      %broadcast_in_dim3A_596 = vector.broadcast %and3A_595 : i32 to vector<16xi32>
      %lt3A_597 = arith.constant 0 : i32
      %lt3A_598 = vector.broadcast %lt3A_597 : i32 to vector<16xi32>
      %lt3A_599 = arith.cmpi slt, %broadcast_in_dim3A_596, %lt3A_598 : vector<16xi32>
      %add3A_600 = arith.constant 16 : i32
      %add3A_601 = vector.broadcast %add3A_600 : i32 to vector<16xi32>
      %add3A_602 = arith.addi %broadcast_in_dim3A_596, %add3A_601 : vector<16xi32>
      %select_n3A_603 = arith.select %lt3A_599, %add3A_602, %broadcast_in_dim3A_596 : vector<16xi1>, vector<16xi32>
      %broadcast_in_dim3A_604 = vector.shape_cast %select_n3A_603 : vector<16xi32> to vector<16x1xi32>
      %gather3A = vector.shape_cast %broadcast_in_dim3A_604 : vector<16x1xi32> to vector<16xi32>
      %gather3A_605 = tpu.dynamic_gather %get3A_593[%gather3A] in [0] : vector<16xf32>, vector<16xi32> -> vector<16xf32>
      %max3A = arith.constant 1.000000e+00 : f32
      %max3A_606 = vector.broadcast %max3A : f32 to vector<16xf32>
      %max3A_607 = arith.maximumf %gather3A_605, %max3A_606 : vector<16xf32>
      %div3A_608 = arith.divf %get3A_6, %max3A_607 : vector<16xf32>
      %get3A_609 = arith.constant 0 : i32
      %get3A_610 = arith.index_cast %get3A_609 : i32 to index
      %get3A_611 = arith.index_cast %scan3A_586 : i32 to index
      %get3A_612 = arith.constant 0 : index
      %get3A_613 = tpu.vector_load %arg8[%get3A_610, %get3A_611, %get3A_612] {strides = array<i32>} : memref<2x256x64xf32, #tpu.memory_space<vmem>>, vector<16xf32>,
      %mul3A_614 = arith.mulf %get3A_613, %div3A_608 : vector<16xf32>
      %swap3A_615 = arith.constant 0 : i32
      %swap3A_616 = arith.index_cast %swap3A_615 : i32 to index
      %swap3A_617 = arith.index_cast %scan3A_586 : i32 to index
      %swap3A_618 = arith.constant 0 : index
      %swap3A_619 = tpu.vector_load %arg9[%swap3A_616, %swap3A_617, %swap3A_618] {strides = array<i32>} : memref<2x256x64xf32, #tpu.memory_space<vmem>>, vector<16xf32>,
      tpu.vector_store %arg9[%swap3A_616, %swap3A_617, %swap3A_618], %mul3A_614 {strides = array<i32>} : memref<2x256x64xf32, #tpu.memory_space<vmem>>, vector<16xf32>,
      %get3A_620 = arith.constant 0 : i32
      %get3A_621 = arith.index_cast %get3A_620 : i32 to index
      %get3A_622 = arith.index_cast %scan3A_586 : i32 to index
      %get3A_623 = arith.constant 16 : index
      %get3A_624 = tpu.vector_load %arg8[%get3A_621, %get3A_622, %get3A_623] {strides = array<i32>} : memref<2x256x64xf32, #tpu.memory_space<vmem>>, vector<16xf32>,
      %mul3A_625 = arith.mulf %get3A_624, %div3A_608 : vector<16xf32>
      %swap3A_626 = arith.constant 0 : i32
      %swap3A_627 = arith.index_cast %swap3A_626 : i32 to index
      %swap3A_628 = arith.index_cast %scan3A_586 : i32 to index
      %swap3A_629 = arith.constant 16 : index
      %swap3A_630 = tpu.vector_load %arg9[%swap3A_627, %swap3A_628, %swap3A_629] {strides = array<i32>} : memref<2x256x64xf32, #tpu.memory_space<vmem>>, vector<16xf32>,
      tpu.vector_store %arg9[%swap3A_627, %swap3A_628, %swap3A_629], %mul3A_625 {strides = array<i32>} : memref<2x256x64xf32, #tpu.memory_space<vmem>>, vector<16xf32>,
      %get3A_631 = arith.constant 0 : i32
      %get3A_632 = arith.index_cast %get3A_631 : i32 to index
      %get3A_633 = arith.index_cast %scan3A_586 : i32 to index
      %get3A_634 = arith.constant 32 : index
      %get3A_635 = tpu.vector_load %arg8[%get3A_632, %get3A_633, %get3A_634] {strides = array<i32>} : memref<2x256x64xf32, #tpu.memory_space<vmem>>, vector<16xf32>,
      %mul3A_636 = arith.mulf %get3A_635, %div3A_608 : vector<16xf32>
      %swap3A_637 = arith.constant 0 : i32
      %swap3A_638 = arith.index_cast %swap3A_637 : i32 to index
      %swap3A_639 = arith.index_cast %scan3A_586 : i32 to index
      %swap3A_640 = arith.constant 32 : index
      %swap3A_641 = tpu.vector_load %arg9[%swap3A_638, %swap3A_639, %swap3A_640] {strides = array<i32>} : memref<2x256x64xf32, #tpu.memory_space<vmem>>, vector<16xf32>,
      tpu.vector_store %arg9[%swap3A_638, %swap3A_639, %swap3A_640], %mul3A_636 {strides = array<i32>} : memref<2x256x64xf32, #tpu.memory_space<vmem>>, vector<16xf32>,
      %get3A_642 = arith.constant 0 : i32
      %get3A_643 = arith.index_cast %get3A_642 : i32 to index
      %get3A_644 = arith.index_cast %scan3A_586 : i32 to index
      %get3A_645 = arith.constant 48 : index
      %get3A_646 = tpu.vector_load %arg8[%get3A_643, %get3A_644, %get3A_645] {strides = array<i32>} : memref<2x256x64xf32, #tpu.memory_space<vmem>>, vector<16xf32>,
      %mul3A_647 = arith.mulf %get3A_646, %div3A_608 : vector<16xf32>
      %swap3A_648 = arith.constant 0 : i32
      %swap3A_649 = arith.index_cast %swap3A_648 : i32 to index
      %swap3A_650 = arith.index_cast %scan3A_586 : i32 to index
      %swap3A_651 = arith.constant 48 : index
      %swap3A_652 = tpu.vector_load %arg9[%swap3A_649, %swap3A_650, %swap3A_651] {strides = array<i32>} : memref<2x256x64xf32, #tpu.memory_space<vmem>>, vector<16xf32>,
      tpu.vector_store %arg9[%swap3A_649, %swap3A_650, %swap3A_651], %mul3A_647 {strides = array<i32>} : memref<2x256x64xf32, #tpu.memory_space<vmem>>, vector<16xf32>,
    }
    %scan3A_423 = arith.constant 125 : i32
    %run_scoped3A_424 = arith.constant 0 : i32
    "tpu.region"() ({
      %run_scoped3A_586 = tpu.sem_alloc : memref<!tpu.dma_semaphore, #tpu.memory_space<semaphore_mem>>
      %dma_start3A_587 = arith.constant 0 : i32
      %dma_start3A_588 = arith.constant 0 : i32
      %dma_start3A_589 = tpu.memref_slice %arg9[%run_scoped3A_424, %dma_start3A_587, %dma_start3A_588] : memref<2x256x64xf32, #tpu.memory_space<vmem>> -> memref<1x125x64xf32, #tpu.memory_space<vmem>>
      %dma_start3A_590 = tpu.memref_squeeze %dma_start3A_589 : memref<1x125x64xf32, #tpu.memory_space<vmem>> -> memref<125x64xf32, #tpu.memory_space<vmem>>
      %dma_start3A_591 = arith.constant 0 : i32
      %dma_start3A_592 = tpu.memref_slice %arg6[%add3A_416, %dma_start3A_591] : memref<10000x64xf32, #tpu.memory_space<vmem_shared>> -> memref<125x64xf32, #tpu.memory_space<vmem_shared>>
      %dma_start3A_593 = arith.constant 0 : i32
      %dma_start3A_594 = tpu.memref_slice %arg6[%add3A_416, %dma_start3A_593] : memref<10000x64xf32, #tpu.memory_space<vmem_shared>> -> memref<125x64xf32, #tpu.memory_space<vmem_shared>>
      %dma_start3A_595 = arith.constant 0 : i32
      %dma_start3A_596 = arith.constant 0 : i32
      %dma_start3A_597 = tpu.memref_slice %arg9[%run_scoped3A_424, %dma_start3A_595, %dma_start3A_596] : memref<2x256x64xf32, #tpu.memory_space<vmem>> -> memref<1x125x64xf32, #tpu.memory_space<vmem>>
      %dma_start3A_598 = tpu.memref_squeeze %dma_start3A_597 : memref<1x125x64xf32, #tpu.memory_space<vmem>> -> memref<125x64xf32, #tpu.memory_space<vmem>>
      tpu.enqueue_dma source(%dma_start3A_598 : memref<125x64xf32, #tpu.memory_space<vmem>>) target(%dma_start3A_594 : memref<125x64xf32, #tpu.memory_space<vmem_shared>>) target_semaphore(%run_scoped3A_586 : memref<!tpu.dma_semaphore, #tpu.memory_space<semaphore_mem>>)
      %dma_wait3A_599 = arith.constant 0 : i32
      %dma_wait3A_600 = arith.constant 0 : i32
      %dma_wait3A_601 = tpu.memref_slice %arg9[%run_scoped3A_424, %dma_wait3A_599, %dma_wait3A_600] : memref<2x256x64xf32, #tpu.memory_space<vmem>> -> memref<1x125x64xf32, #tpu.memory_space<vmem>>
      %dma_wait3A_602 = tpu.memref_squeeze %dma_wait3A_601 : memref<1x125x64xf32, #tpu.memory_space<vmem>> -> memref<125x64xf32, #tpu.memory_space<vmem>>
      %dma_wait3A_603 = arith.constant 0 : i32
      %dma_wait3A_604 = tpu.memref_slice %arg6[%add3A_416, %dma_wait3A_603] : memref<10000x64xf32, #tpu.memory_space<vmem_shared>> -> memref<125x64xf32, #tpu.memory_space<vmem_shared>>
      %dma_wait3A_605 = arith.constant 0 : i32
      %dma_wait3A_606 = tpu.memref_slice %arg6[%add3A_416, %dma_wait3A_605] : memref<10000x64xf32, #tpu.memory_space<vmem_shared>> -> memref<125x64xf32, #tpu.memory_space<vmem_shared>>
      %dma_wait3A_607 = arith.constant 0 : i32
      %dma_wait3A_608 = arith.constant 0 : i32
      %dma_wait3A_609 = tpu.memref_slice %arg9[%run_scoped3A_424, %dma_wait3A_607, %dma_wait3A_608] : memref<2x256x64xf32, #tpu.memory_space<vmem>> -> memref<1x125x64xf32, #tpu.memory_space<vmem>>
      %dma_wait3A_610 = tpu.memref_squeeze %dma_wait3A_609 : memref<1x125x64xf32, #tpu.memory_space<vmem>> -> memref<125x64xf32, #tpu.memory_space<vmem>>
      tpu.wait_dma2 semaphore(%run_scoped3A_586 : memref<!tpu.dma_semaphore, #tpu.memory_space<semaphore_mem>>) src(%dma_wait3A_610 : memref<125x64xf32, #tpu.memory_space<vmem>>) dst(%dma_wait3A_606 : memref<125x64xf32, #tpu.memory_space<vmem_shared>>)
      tpu.yield
    }) : () -> ()
    %mul3A_425 = arith.constant 625 : i32
    %mul3A_426 = arith.muli %arg1, %mul3A_425 : i32
    %add3A_427 = arith.constant 125 : i32
    %add3A_428 = arith.addi %mul3A_426, %add3A_427 : i32
    %run_scoped3A_429 = arith.constant 0 : i32
    "tpu.region"() ({
      %run_scoped3A_586 = tpu.sem_alloc : memref<!tpu.dma_semaphore, #tpu.memory_space<semaphore_mem>>
      %dma_start3A_587 = arith.constant 0 : i32
      %dma_start3A_588 = arith.constant 0 : i32
      %dma_start3A_589 = tpu.memref_slice %arg8[%run_scoped3A_429, %dma_start3A_587, %dma_start3A_588] : memref<2x256x64xf32, #tpu.memory_space<vmem>> -> memref<1x125x64xf32, #tpu.memory_space<vmem>>
      %dma_start3A_590 = tpu.memref_squeeze %dma_start3A_589 : memref<1x125x64xf32, #tpu.memory_space<vmem>> -> memref<125x64xf32, #tpu.memory_space<vmem>>
      %dma_start3A_591 = arith.constant 0 : i32
      %dma_start3A_592 = tpu.memref_slice %arg6[%add3A_428, %dma_start3A_591] : memref<10000x64xf32, #tpu.memory_space<vmem_shared>> -> memref<125x64xf32, #tpu.memory_space<vmem_shared>>
      %dma_start3A_593 = arith.constant 0 : i32
      %dma_start3A_594 = arith.constant 0 : i32
      %dma_start3A_595 = tpu.memref_slice %arg8[%run_scoped3A_429, %dma_start3A_593, %dma_start3A_594] : memref<2x256x64xf32, #tpu.memory_space<vmem>> -> memref<1x125x64xf32, #tpu.memory_space<vmem>>
      %dma_start3A_596 = tpu.memref_squeeze %dma_start3A_595 : memref<1x125x64xf32, #tpu.memory_space<vmem>> -> memref<125x64xf32, #tpu.memory_space<vmem>>
      %dma_start3A_597 = arith.constant 0 : i32
      %dma_start3A_598 = tpu.memref_slice %arg6[%add3A_428, %dma_start3A_597] : memref<10000x64xf32, #tpu.memory_space<vmem_shared>> -> memref<125x64xf32, #tpu.memory_space<vmem_shared>>
      tpu.enqueue_dma source(%dma_start3A_598 : memref<125x64xf32, #tpu.memory_space<vmem_shared>>) target(%dma_start3A_596 : memref<125x64xf32, #tpu.memory_space<vmem>>) target_semaphore(%run_scoped3A_586 : memref<!tpu.dma_semaphore, #tpu.memory_space<semaphore_mem>>)
      %dma_wait3A_599 = arith.constant 0 : i32
      %dma_wait3A_600 = arith.constant 0 : i32
      %dma_wait3A_601 = tpu.memref_slice %arg8[%run_scoped3A_429, %dma_wait3A_599, %dma_wait3A_600] : memref<2x256x64xf32, #tpu.memory_space<vmem>> -> memref<1x125x64xf32, #tpu.memory_space<vmem>>
      %dma_wait3A_602 = tpu.memref_squeeze %dma_wait3A_601 : memref<1x125x64xf32, #tpu.memory_space<vmem>> -> memref<125x64xf32, #tpu.memory_space<vmem>>
      %dma_wait3A_603 = arith.constant 0 : i32
      %dma_wait3A_604 = tpu.memref_slice %arg6[%add3A_428, %dma_wait3A_603] : memref<10000x64xf32, #tpu.memory_space<vmem_shared>> -> memref<125x64xf32, #tpu.memory_space<vmem_shared>>
      %dma_wait3A_605 = arith.constant 0 : i32
      %dma_wait3A_606 = arith.constant 0 : i32
      %dma_wait3A_607 = tpu.memref_slice %arg8[%run_scoped3A_429, %dma_wait3A_605, %dma_wait3A_606] : memref<2x256x64xf32, #tpu.memory_space<vmem>> -> memref<1x125x64xf32, #tpu.memory_space<vmem>>
      %dma_wait3A_608 = tpu.memref_squeeze %dma_wait3A_607 : memref<1x125x64xf32, #tpu.memory_space<vmem>> -> memref<125x64xf32, #tpu.memory_space<vmem>>
      %dma_wait3A_609 = arith.constant 0 : i32
      %dma_wait3A_610 = tpu.memref_slice %arg6[%add3A_428, %dma_wait3A_609] : memref<10000x64xf32, #tpu.memory_space<vmem_shared>> -> memref<125x64xf32, #tpu.memory_space<vmem_shared>>
      tpu.wait_dma2 semaphore(%run_scoped3A_586 : memref<!tpu.dma_semaphore, #tpu.memory_space<semaphore_mem>>) src(%dma_wait3A_610 : memref<125x64xf32, #tpu.memory_space<vmem_shared>>) dst(%dma_wait3A_608 : memref<125x64xf32, #tpu.memory_space<vmem>>)
      tpu.yield
    }) : () -> ()
    %scan3A_430 = arith.constant 0 : i32
    %scan3A_431 = arith.constant 0 : i32
    %scan3A_432 = arith.constant 125 : i32
    %scan3A_433 = arith.addi %scan3A_431, %scan3A_432 : i32
    %scan3A_434 = arith.constant 1 : i32
    scf.for %scan3A_586 = %scan3A_431 to %scan3A_433 step %scan3A_434  : i32 {
      %add3A_587 = arith.constant 125 : i32
      %add3A_588 = arith.addi %arg1, %add3A_587 : i32
      %add3A_589 = arith.addi %add3A_588, %scan3A_586 : i32
      %shift_right_logical3A = arith.constant 4 : i32
      %shift_right_logical3A_590 = arith.shrui %add3A_589, %shift_right_logical3A : i32
      %get3A_591 = arith.index_cast %shift_right_logical3A_590 : i32 to index
      %get3A_592 = arith.constant 0 : index
      %get3A_593 = tpu.vector_load %arg13[%get3A_591, %get3A_592] {strides = array<i32>} : memref<40x16xf32, #tpu.memory_space<vmem>>, vector<16xf32>,
      %and3A_594 = arith.constant 15 : i32
      %and3A_595 = arith.andi %add3A_589, %and3A_594 : i32
      %broadcast_in_dim3A_596 = vector.broadcast %and3A_595 : i32 to vector<16xi32>
      %lt3A_597 = arith.constant 0 : i32
      %lt3A_598 = vector.broadcast %lt3A_597 : i32 to vector<16xi32>
      %lt3A_599 = arith.cmpi slt, %broadcast_in_dim3A_596, %lt3A_598 : vector<16xi32>
      %add3A_600 = arith.constant 16 : i32
      %add3A_601 = vector.broadcast %add3A_600 : i32 to vector<16xi32>
      %add3A_602 = arith.addi %broadcast_in_dim3A_596, %add3A_601 : vector<16xi32>
      %select_n3A_603 = arith.select %lt3A_599, %add3A_602, %broadcast_in_dim3A_596 : vector<16xi1>, vector<16xi32>
      %broadcast_in_dim3A_604 = vector.shape_cast %select_n3A_603 : vector<16xi32> to vector<16x1xi32>
      %gather3A = vector.shape_cast %broadcast_in_dim3A_604 : vector<16x1xi32> to vector<16xi32>
      %gather3A_605 = tpu.dynamic_gather %get3A_593[%gather3A] in [0] : vector<16xf32>, vector<16xi32> -> vector<16xf32>
      %max3A = arith.constant 1.000000e+00 : f32
      %max3A_606 = vector.broadcast %max3A : f32 to vector<16xf32>
      %max3A_607 = arith.maximumf %gather3A_605, %max3A_606 : vector<16xf32>
      %div3A_608 = arith.divf %get3A_6, %max3A_607 : vector<16xf32>
      %get3A_609 = arith.constant 0 : i32
      %get3A_610 = arith.index_cast %get3A_609 : i32 to index
      %get3A_611 = arith.index_cast %scan3A_586 : i32 to index
      %get3A_612 = arith.constant 0 : index
      %get3A_613 = tpu.vector_load %arg8[%get3A_610, %get3A_611, %get3A_612] {strides = array<i32>} : memref<2x256x64xf32, #tpu.memory_space<vmem>>, vector<16xf32>,
      %mul3A_614 = arith.mulf %get3A_613, %div3A_608 : vector<16xf32>
      %swap3A_615 = arith.constant 0 : i32
      %swap3A_616 = arith.index_cast %swap3A_615 : i32 to index
      %swap3A_617 = arith.index_cast %scan3A_586 : i32 to index
      %swap3A_618 = arith.constant 0 : index
      %swap3A_619 = tpu.vector_load %arg9[%swap3A_616, %swap3A_617, %swap3A_618] {strides = array<i32>} : memref<2x256x64xf32, #tpu.memory_space<vmem>>, vector<16xf32>,
      tpu.vector_store %arg9[%swap3A_616, %swap3A_617, %swap3A_618], %mul3A_614 {strides = array<i32>} : memref<2x256x64xf32, #tpu.memory_space<vmem>>, vector<16xf32>,
      %get3A_620 = arith.constant 0 : i32
      %get3A_621 = arith.index_cast %get3A_620 : i32 to index
      %get3A_622 = arith.index_cast %scan3A_586 : i32 to index
      %get3A_623 = arith.constant 16 : index
      %get3A_624 = tpu.vector_load %arg8[%get3A_621, %get3A_622, %get3A_623] {strides = array<i32>} : memref<2x256x64xf32, #tpu.memory_space<vmem>>, vector<16xf32>,
      %mul3A_625 = arith.mulf %get3A_624, %div3A_608 : vector<16xf32>
      %swap3A_626 = arith.constant 0 : i32
      %swap3A_627 = arith.index_cast %swap3A_626 : i32 to index
      %swap3A_628 = arith.index_cast %scan3A_586 : i32 to index
      %swap3A_629 = arith.constant 16 : index
      %swap3A_630 = tpu.vector_load %arg9[%swap3A_627, %swap3A_628, %swap3A_629] {strides = array<i32>} : memref<2x256x64xf32, #tpu.memory_space<vmem>>, vector<16xf32>,
      tpu.vector_store %arg9[%swap3A_627, %swap3A_628, %swap3A_629], %mul3A_625 {strides = array<i32>} : memref<2x256x64xf32, #tpu.memory_space<vmem>>, vector<16xf32>,
      %get3A_631 = arith.constant 0 : i32
      %get3A_632 = arith.index_cast %get3A_631 : i32 to index
      %get3A_633 = arith.index_cast %scan3A_586 : i32 to index
      %get3A_634 = arith.constant 32 : index
      %get3A_635 = tpu.vector_load %arg8[%get3A_632, %get3A_633, %get3A_634] {strides = array<i32>} : memref<2x256x64xf32, #tpu.memory_space<vmem>>, vector<16xf32>,
      %mul3A_636 = arith.mulf %get3A_635, %div3A_608 : vector<16xf32>
      %swap3A_637 = arith.constant 0 : i32
      %swap3A_638 = arith.index_cast %swap3A_637 : i32 to index
      %swap3A_639 = arith.index_cast %scan3A_586 : i32 to index
      %swap3A_640 = arith.constant 32 : index
      %swap3A_641 = tpu.vector_load %arg9[%swap3A_638, %swap3A_639, %swap3A_640] {strides = array<i32>} : memref<2x256x64xf32, #tpu.memory_space<vmem>>, vector<16xf32>,
      tpu.vector_store %arg9[%swap3A_638, %swap3A_639, %swap3A_640], %mul3A_636 {strides = array<i32>} : memref<2x256x64xf32, #tpu.memory_space<vmem>>, vector<16xf32>,
      %get3A_642 = arith.constant 0 : i32
      %get3A_643 = arith.index_cast %get3A_642 : i32 to index
      %get3A_644 = arith.index_cast %scan3A_586 : i32 to index
      %get3A_645 = arith.constant 48 : index
      %get3A_646 = tpu.vector_load %arg8[%get3A_643, %get3A_644, %get3A_645] {strides = array<i32>} : memref<2x256x64xf32, #tpu.memory_space<vmem>>, vector<16xf32>,
      %mul3A_647 = arith.mulf %get3A_646, %div3A_608 : vector<16xf32>
      %swap3A_648 = arith.constant 0 : i32
      %swap3A_649 = arith.index_cast %swap3A_648 : i32 to index
      %swap3A_650 = arith.index_cast %scan3A_586 : i32 to index
      %swap3A_651 = arith.constant 48 : index
      %swap3A_652 = tpu.vector_load %arg9[%swap3A_649, %swap3A_650, %swap3A_651] {strides = array<i32>} : memref<2x256x64xf32, #tpu.memory_space<vmem>>, vector<16xf32>,
      tpu.vector_store %arg9[%swap3A_649, %swap3A_650, %swap3A_651], %mul3A_647 {strides = array<i32>} : memref<2x256x64xf32, #tpu.memory_space<vmem>>, vector<16xf32>,
    }
    %scan3A_435 = arith.constant 125 : i32
    %run_scoped3A_436 = arith.constant 0 : i32
    "tpu.region"() ({
      %run_scoped3A_586 = tpu.sem_alloc : memref<!tpu.dma_semaphore, #tpu.memory_space<semaphore_mem>>
      %dma_start3A_587 = arith.constant 0 : i32
      %dma_start3A_588 = arith.constant 0 : i32
      %dma_start3A_589 = tpu.memref_slice %arg9[%run_scoped3A_436, %dma_start3A_587, %dma_start3A_588] : memref<2x256x64xf32, #tpu.memory_space<vmem>> -> memref<1x125x64xf32, #tpu.memory_space<vmem>>
      %dma_start3A_590 = tpu.memref_squeeze %dma_start3A_589 : memref<1x125x64xf32, #tpu.memory_space<vmem>> -> memref<125x64xf32, #tpu.memory_space<vmem>>
      %dma_start3A_591 = arith.constant 0 : i32
      %dma_start3A_592 = tpu.memref_slice %arg6[%add3A_428, %dma_start3A_591] : memref<10000x64xf32, #tpu.memory_space<vmem_shared>> -> memref<125x64xf32, #tpu.memory_space<vmem_shared>>
      %dma_start3A_593 = arith.constant 0 : i32
      %dma_start3A_594 = tpu.memref_slice %arg6[%add3A_428, %dma_start3A_593] : memref<10000x64xf32, #tpu.memory_space<vmem_shared>> -> memref<125x64xf32, #tpu.memory_space<vmem_shared>>
      %dma_start3A_595 = arith.constant 0 : i32
      %dma_start3A_596 = arith.constant 0 : i32
      %dma_start3A_597 = tpu.memref_slice %arg9[%run_scoped3A_436, %dma_start3A_595, %dma_start3A_596] : memref<2x256x64xf32, #tpu.memory_space<vmem>> -> memref<1x125x64xf32, #tpu.memory_space<vmem>>
      %dma_start3A_598 = tpu.memref_squeeze %dma_start3A_597 : memref<1x125x64xf32, #tpu.memory_space<vmem>> -> memref<125x64xf32, #tpu.memory_space<vmem>>
      tpu.enqueue_dma source(%dma_start3A_598 : memref<125x64xf32, #tpu.memory_space<vmem>>) target(%dma_start3A_594 : memref<125x64xf32, #tpu.memory_space<vmem_shared>>) target_semaphore(%run_scoped3A_586 : memref<!tpu.dma_semaphore, #tpu.memory_space<semaphore_mem>>)
      %dma_wait3A_599 = arith.constant 0 : i32
      %dma_wait3A_600 = arith.constant 0 : i32
      %dma_wait3A_601 = tpu.memref_slice %arg9[%run_scoped3A_436, %dma_wait3A_599, %dma_wait3A_600] : memref<2x256x64xf32, #tpu.memory_space<vmem>> -> memref<1x125x64xf32, #tpu.memory_space<vmem>>
      %dma_wait3A_602 = tpu.memref_squeeze %dma_wait3A_601 : memref<1x125x64xf32, #tpu.memory_space<vmem>> -> memref<125x64xf32, #tpu.memory_space<vmem>>
      %dma_wait3A_603 = arith.constant 0 : i32
      %dma_wait3A_604 = tpu.memref_slice %arg6[%add3A_428, %dma_wait3A_603] : memref<10000x64xf32, #tpu.memory_space<vmem_shared>> -> memref<125x64xf32, #tpu.memory_space<vmem_shared>>
      %dma_wait3A_605 = arith.constant 0 : i32
      %dma_wait3A_606 = tpu.memref_slice %arg6[%add3A_428, %dma_wait3A_605] : memref<10000x64xf32, #tpu.memory_space<vmem_shared>> -> memref<125x64xf32, #tpu.memory_space<vmem_shared>>
      %dma_wait3A_607 = arith.constant 0 : i32
      %dma_wait3A_608 = arith.constant 0 : i32
      %dma_wait3A_609 = tpu.memref_slice %arg9[%run_scoped3A_436, %dma_wait3A_607, %dma_wait3A_608] : memref<2x256x64xf32, #tpu.memory_space<vmem>> -> memref<1x125x64xf32, #tpu.memory_space<vmem>>
      %dma_wait3A_610 = tpu.memref_squeeze %dma_wait3A_609 : memref<1x125x64xf32, #tpu.memory_space<vmem>> -> memref<125x64xf32, #tpu.memory_space<vmem>>
      tpu.wait_dma2 semaphore(%run_scoped3A_586 : memref<!tpu.dma_semaphore, #tpu.memory_space<semaphore_mem>>) src(%dma_wait3A_610 : memref<125x64xf32, #tpu.memory_space<vmem>>) dst(%dma_wait3A_606 : memref<125x64xf32, #tpu.memory_space<vmem_shared>>)
      tpu.yield
    }) : () -> ()
    %mul3A_437 = arith.constant 625 : i32
    %mul3A_438 = arith.muli %arg1, %mul3A_437 : i32
    %add3A_439 = arith.constant 250 : i32
    %add3A_440 = arith.addi %mul3A_438, %add3A_439 : i32
    %run_scoped3A_441 = arith.constant 0 : i32
    "tpu.region"() ({
      %run_scoped3A_586 = tpu.sem_alloc : memref<!tpu.dma_semaphore, #tpu.memory_space<semaphore_mem>>
      %dma_start3A_587 = arith.constant 0 : i32
      %dma_start3A_588 = arith.constant 0 : i32
      %dma_start3A_589 = tpu.memref_slice %arg8[%run_scoped3A_441, %dma_start3A_587, %dma_start3A_588] : memref<2x256x64xf32, #tpu.memory_space<vmem>> -> memref<1x125x64xf32, #tpu.memory_space<vmem>>
      %dma_start3A_590 = tpu.memref_squeeze %dma_start3A_589 : memref<1x125x64xf32, #tpu.memory_space<vmem>> -> memref<125x64xf32, #tpu.memory_space<vmem>>
      %dma_start3A_591 = arith.constant 0 : i32
      %dma_start3A_592 = tpu.memref_slice %arg6[%add3A_440, %dma_start3A_591] : memref<10000x64xf32, #tpu.memory_space<vmem_shared>> -> memref<125x64xf32, #tpu.memory_space<vmem_shared>>
      %dma_start3A_593 = arith.constant 0 : i32
      %dma_start3A_594 = arith.constant 0 : i32
      %dma_start3A_595 = tpu.memref_slice %arg8[%run_scoped3A_441, %dma_start3A_593, %dma_start3A_594] : memref<2x256x64xf32, #tpu.memory_space<vmem>> -> memref<1x125x64xf32, #tpu.memory_space<vmem>>
      %dma_start3A_596 = tpu.memref_squeeze %dma_start3A_595 : memref<1x125x64xf32, #tpu.memory_space<vmem>> -> memref<125x64xf32, #tpu.memory_space<vmem>>
      %dma_start3A_597 = arith.constant 0 : i32
      %dma_start3A_598 = tpu.memref_slice %arg6[%add3A_440, %dma_start3A_597] : memref<10000x64xf32, #tpu.memory_space<vmem_shared>> -> memref<125x64xf32, #tpu.memory_space<vmem_shared>>
      tpu.enqueue_dma source(%dma_start3A_598 : memref<125x64xf32, #tpu.memory_space<vmem_shared>>) target(%dma_start3A_596 : memref<125x64xf32, #tpu.memory_space<vmem>>) target_semaphore(%run_scoped3A_586 : memref<!tpu.dma_semaphore, #tpu.memory_space<semaphore_mem>>)
      %dma_wait3A_599 = arith.constant 0 : i32
      %dma_wait3A_600 = arith.constant 0 : i32
      %dma_wait3A_601 = tpu.memref_slice %arg8[%run_scoped3A_441, %dma_wait3A_599, %dma_wait3A_600] : memref<2x256x64xf32, #tpu.memory_space<vmem>> -> memref<1x125x64xf32, #tpu.memory_space<vmem>>
      %dma_wait3A_602 = tpu.memref_squeeze %dma_wait3A_601 : memref<1x125x64xf32, #tpu.memory_space<vmem>> -> memref<125x64xf32, #tpu.memory_space<vmem>>
      %dma_wait3A_603 = arith.constant 0 : i32
      %dma_wait3A_604 = tpu.memref_slice %arg6[%add3A_440, %dma_wait3A_603] : memref<10000x64xf32, #tpu.memory_space<vmem_shared>> -> memref<125x64xf32, #tpu.memory_space<vmem_shared>>
      %dma_wait3A_605 = arith.constant 0 : i32
      %dma_wait3A_606 = arith.constant 0 : i32
      %dma_wait3A_607 = tpu.memref_slice %arg8[%run_scoped3A_441, %dma_wait3A_605, %dma_wait3A_606] : memref<2x256x64xf32, #tpu.memory_space<vmem>> -> memref<1x125x64xf32, #tpu.memory_space<vmem>>
      %dma_wait3A_608 = tpu.memref_squeeze %dma_wait3A_607 : memref<1x125x64xf32, #tpu.memory_space<vmem>> -> memref<125x64xf32, #tpu.memory_space<vmem>>
      %dma_wait3A_609 = arith.constant 0 : i32
      %dma_wait3A_610 = tpu.memref_slice %arg6[%add3A_440, %dma_wait3A_609] : memref<10000x64xf32, #tpu.memory_space<vmem_shared>> -> memref<125x64xf32, #tpu.memory_space<vmem_shared>>
      tpu.wait_dma2 semaphore(%run_scoped3A_586 : memref<!tpu.dma_semaphore, #tpu.memory_space<semaphore_mem>>) src(%dma_wait3A_610 : memref<125x64xf32, #tpu.memory_space<vmem_shared>>) dst(%dma_wait3A_608 : memref<125x64xf32, #tpu.memory_space<vmem>>)
      tpu.yield
    }) : () -> ()
    %scan3A_442 = arith.constant 0 : i32
    %scan3A_443 = arith.constant 0 : i32
    %scan3A_444 = arith.constant 125 : i32
    %scan3A_445 = arith.addi %scan3A_443, %scan3A_444 : i32
    %scan3A_446 = arith.constant 1 : i32
    scf.for %scan3A_586 = %scan3A_443 to %scan3A_445 step %scan3A_446  : i32 {
      %add3A_587 = arith.constant 250 : i32
      %add3A_588 = arith.addi %arg1, %add3A_587 : i32
      %add3A_589 = arith.addi %add3A_588, %scan3A_586 : i32
      %shift_right_logical3A = arith.constant 4 : i32
      %shift_right_logical3A_590 = arith.shrui %add3A_589, %shift_right_logical3A : i32
      %get3A_591 = arith.index_cast %shift_right_logical3A_590 : i32 to index
      %get3A_592 = arith.constant 0 : index
      %get3A_593 = tpu.vector_load %arg13[%get3A_591, %get3A_592] {strides = array<i32>} : memref<40x16xf32, #tpu.memory_space<vmem>>, vector<16xf32>,
      %and3A_594 = arith.constant 15 : i32
      %and3A_595 = arith.andi %add3A_589, %and3A_594 : i32
      %broadcast_in_dim3A_596 = vector.broadcast %and3A_595 : i32 to vector<16xi32>
      %lt3A_597 = arith.constant 0 : i32
      %lt3A_598 = vector.broadcast %lt3A_597 : i32 to vector<16xi32>
      %lt3A_599 = arith.cmpi slt, %broadcast_in_dim3A_596, %lt3A_598 : vector<16xi32>
      %add3A_600 = arith.constant 16 : i32
      %add3A_601 = vector.broadcast %add3A_600 : i32 to vector<16xi32>
      %add3A_602 = arith.addi %broadcast_in_dim3A_596, %add3A_601 : vector<16xi32>
      %select_n3A_603 = arith.select %lt3A_599, %add3A_602, %broadcast_in_dim3A_596 : vector<16xi1>, vector<16xi32>
      %broadcast_in_dim3A_604 = vector.shape_cast %select_n3A_603 : vector<16xi32> to vector<16x1xi32>
      %gather3A = vector.shape_cast %broadcast_in_dim3A_604 : vector<16x1xi32> to vector<16xi32>
      %gather3A_605 = tpu.dynamic_gather %get3A_593[%gather3A] in [0] : vector<16xf32>, vector<16xi32> -> vector<16xf32>
      %max3A = arith.constant 1.000000e+00 : f32
      %max3A_606 = vector.broadcast %max3A : f32 to vector<16xf32>
      %max3A_607 = arith.maximumf %gather3A_605, %max3A_606 : vector<16xf32>
      %div3A_608 = arith.divf %get3A_6, %max3A_607 : vector<16xf32>
      %get3A_609 = arith.constant 0 : i32
      %get3A_610 = arith.index_cast %get3A_609 : i32 to index
      %get3A_611 = arith.index_cast %scan3A_586 : i32 to index
      %get3A_612 = arith.constant 0 : index
      %get3A_613 = tpu.vector_load %arg8[%get3A_610, %get3A_611, %get3A_612] {strides = array<i32>} : memref<2x256x64xf32, #tpu.memory_space<vmem>>, vector<16xf32>,
      %mul3A_614 = arith.mulf %get3A_613, %div3A_608 : vector<16xf32>
      %swap3A_615 = arith.constant 0 : i32
      %swap3A_616 = arith.index_cast %swap3A_615 : i32 to index
      %swap3A_617 = arith.index_cast %scan3A_586 : i32 to index
      %swap3A_618 = arith.constant 0 : index
      %swap3A_619 = tpu.vector_load %arg9[%swap3A_616, %swap3A_617, %swap3A_618] {strides = array<i32>} : memref<2x256x64xf32, #tpu.memory_space<vmem>>, vector<16xf32>,
      tpu.vector_store %arg9[%swap3A_616, %swap3A_617, %swap3A_618], %mul3A_614 {strides = array<i32>} : memref<2x256x64xf32, #tpu.memory_space<vmem>>, vector<16xf32>,
      %get3A_620 = arith.constant 0 : i32
      %get3A_621 = arith.index_cast %get3A_620 : i32 to index
      %get3A_622 = arith.index_cast %scan3A_586 : i32 to index
      %get3A_623 = arith.constant 16 : index
      %get3A_624 = tpu.vector_load %arg8[%get3A_621, %get3A_622, %get3A_623] {strides = array<i32>} : memref<2x256x64xf32, #tpu.memory_space<vmem>>, vector<16xf32>,
      %mul3A_625 = arith.mulf %get3A_624, %div3A_608 : vector<16xf32>
      %swap3A_626 = arith.constant 0 : i32
      %swap3A_627 = arith.index_cast %swap3A_626 : i32 to index
      %swap3A_628 = arith.index_cast %scan3A_586 : i32 to index
      %swap3A_629 = arith.constant 16 : index
      %swap3A_630 = tpu.vector_load %arg9[%swap3A_627, %swap3A_628, %swap3A_629] {strides = array<i32>} : memref<2x256x64xf32, #tpu.memory_space<vmem>>, vector<16xf32>,
      tpu.vector_store %arg9[%swap3A_627, %swap3A_628, %swap3A_629], %mul3A_625 {strides = array<i32>} : memref<2x256x64xf32, #tpu.memory_space<vmem>>, vector<16xf32>,
      %get3A_631 = arith.constant 0 : i32
      %get3A_632 = arith.index_cast %get3A_631 : i32 to index
      %get3A_633 = arith.index_cast %scan3A_586 : i32 to index
      %get3A_634 = arith.constant 32 : index
      %get3A_635 = tpu.vector_load %arg8[%get3A_632, %get3A_633, %get3A_634] {strides = array<i32>} : memref<2x256x64xf32, #tpu.memory_space<vmem>>, vector<16xf32>,
      %mul3A_636 = arith.mulf %get3A_635, %div3A_608 : vector<16xf32>
      %swap3A_637 = arith.constant 0 : i32
      %swap3A_638 = arith.index_cast %swap3A_637 : i32 to index
      %swap3A_639 = arith.index_cast %scan3A_586 : i32 to index
      %swap3A_640 = arith.constant 32 : index
      %swap3A_641 = tpu.vector_load %arg9[%swap3A_638, %swap3A_639, %swap3A_640] {strides = array<i32>} : memref<2x256x64xf32, #tpu.memory_space<vmem>>, vector<16xf32>,
      tpu.vector_store %arg9[%swap3A_638, %swap3A_639, %swap3A_640], %mul3A_636 {strides = array<i32>} : memref<2x256x64xf32, #tpu.memory_space<vmem>>, vector<16xf32>,
      %get3A_642 = arith.constant 0 : i32
      %get3A_643 = arith.index_cast %get3A_642 : i32 to index
      %get3A_644 = arith.index_cast %scan3A_586 : i32 to index
      %get3A_645 = arith.constant 48 : index
      %get3A_646 = tpu.vector_load %arg8[%get3A_643, %get3A_644, %get3A_645] {strides = array<i32>} : memref<2x256x64xf32, #tpu.memory_space<vmem>>, vector<16xf32>,
      %mul3A_647 = arith.mulf %get3A_646, %div3A_608 : vector<16xf32>
      %swap3A_648 = arith.constant 0 : i32
      %swap3A_649 = arith.index_cast %swap3A_648 : i32 to index
      %swap3A_650 = arith.index_cast %scan3A_586 : i32 to index
      %swap3A_651 = arith.constant 48 : index
      %swap3A_652 = tpu.vector_load %arg9[%swap3A_649, %swap3A_650, %swap3A_651] {strides = array<i32>} : memref<2x256x64xf32, #tpu.memory_space<vmem>>, vector<16xf32>,
      tpu.vector_store %arg9[%swap3A_649, %swap3A_650, %swap3A_651], %mul3A_647 {strides = array<i32>} : memref<2x256x64xf32, #tpu.memory_space<vmem>>, vector<16xf32>,
    }
    %scan3A_447 = arith.constant 125 : i32
    %run_scoped3A_448 = arith.constant 0 : i32
    "tpu.region"() ({
      %run_scoped3A_586 = tpu.sem_alloc : memref<!tpu.dma_semaphore, #tpu.memory_space<semaphore_mem>>
      %dma_start3A_587 = arith.constant 0 : i32
      %dma_start3A_588 = arith.constant 0 : i32
      %dma_start3A_589 = tpu.memref_slice %arg9[%run_scoped3A_448, %dma_start3A_587, %dma_start3A_588] : memref<2x256x64xf32, #tpu.memory_space<vmem>> -> memref<1x125x64xf32, #tpu.memory_space<vmem>>
      %dma_start3A_590 = tpu.memref_squeeze %dma_start3A_589 : memref<1x125x64xf32, #tpu.memory_space<vmem>> -> memref<125x64xf32, #tpu.memory_space<vmem>>
      %dma_start3A_591 = arith.constant 0 : i32
      %dma_start3A_592 = tpu.memref_slice %arg6[%add3A_440, %dma_start3A_591] : memref<10000x64xf32, #tpu.memory_space<vmem_shared>> -> memref<125x64xf32, #tpu.memory_space<vmem_shared>>
      %dma_start3A_593 = arith.constant 0 : i32
      %dma_start3A_594 = tpu.memref_slice %arg6[%add3A_440, %dma_start3A_593] : memref<10000x64xf32, #tpu.memory_space<vmem_shared>> -> memref<125x64xf32, #tpu.memory_space<vmem_shared>>
      %dma_start3A_595 = arith.constant 0 : i32
      %dma_start3A_596 = arith.constant 0 : i32
      %dma_start3A_597 = tpu.memref_slice %arg9[%run_scoped3A_448, %dma_start3A_595, %dma_start3A_596] : memref<2x256x64xf32, #tpu.memory_space<vmem>> -> memref<1x125x64xf32, #tpu.memory_space<vmem>>
      %dma_start3A_598 = tpu.memref_squeeze %dma_start3A_597 : memref<1x125x64xf32, #tpu.memory_space<vmem>> -> memref<125x64xf32, #tpu.memory_space<vmem>>
      tpu.enqueue_dma source(%dma_start3A_598 : memref<125x64xf32, #tpu.memory_space<vmem>>) target(%dma_start3A_594 : memref<125x64xf32, #tpu.memory_space<vmem_shared>>) target_semaphore(%run_scoped3A_586 : memref<!tpu.dma_semaphore, #tpu.memory_space<semaphore_mem>>)
      %dma_wait3A_599 = arith.constant 0 : i32
      %dma_wait3A_600 = arith.constant 0 : i32
      %dma_wait3A_601 = tpu.memref_slice %arg9[%run_scoped3A_448, %dma_wait3A_599, %dma_wait3A_600] : memref<2x256x64xf32, #tpu.memory_space<vmem>> -> memref<1x125x64xf32, #tpu.memory_space<vmem>>
      %dma_wait3A_602 = tpu.memref_squeeze %dma_wait3A_601 : memref<1x125x64xf32, #tpu.memory_space<vmem>> -> memref<125x64xf32, #tpu.memory_space<vmem>>
      %dma_wait3A_603 = arith.constant 0 : i32
      %dma_wait3A_604 = tpu.memref_slice %arg6[%add3A_440, %dma_wait3A_603] : memref<10000x64xf32, #tpu.memory_space<vmem_shared>> -> memref<125x64xf32, #tpu.memory_space<vmem_shared>>
      %dma_wait3A_605 = arith.constant 0 : i32
      %dma_wait3A_606 = tpu.memref_slice %arg6[%add3A_440, %dma_wait3A_605] : memref<10000x64xf32, #tpu.memory_space<vmem_shared>> -> memref<125x64xf32, #tpu.memory_space<vmem_shared>>
      %dma_wait3A_607 = arith.constant 0 : i32
      %dma_wait3A_608 = arith.constant 0 : i32
      %dma_wait3A_609 = tpu.memref_slice %arg9[%run_scoped3A_448, %dma_wait3A_607, %dma_wait3A_608] : memref<2x256x64xf32, #tpu.memory_space<vmem>> -> memref<1x125x64xf32, #tpu.memory_space<vmem>>
      %dma_wait3A_610 = tpu.memref_squeeze %dma_wait3A_609 : memref<1x125x64xf32, #tpu.memory_space<vmem>> -> memref<125x64xf32, #tpu.memory_space<vmem>>
      tpu.wait_dma2 semaphore(%run_scoped3A_586 : memref<!tpu.dma_semaphore, #tpu.memory_space<semaphore_mem>>) src(%dma_wait3A_610 : memref<125x64xf32, #tpu.memory_space<vmem>>) dst(%dma_wait3A_606 : memref<125x64xf32, #tpu.memory_space<vmem_shared>>)
      tpu.yield
    }) : () -> ()
    %mul3A_449 = arith.constant 625 : i32
    %mul3A_450 = arith.muli %arg1, %mul3A_449 : i32
    %add3A_451 = arith.constant 375 : i32
    %add3A_452 = arith.addi %mul3A_450, %add3A_451 : i32
    %run_scoped3A_453 = arith.constant 0 : i32
    "tpu.region"() ({
      %run_scoped3A_586 = tpu.sem_alloc : memref<!tpu.dma_semaphore, #tpu.memory_space<semaphore_mem>>
      %dma_start3A_587 = arith.constant 0 : i32
      %dma_start3A_588 = arith.constant 0 : i32
      %dma_start3A_589 = tpu.memref_slice %arg8[%run_scoped3A_453, %dma_start3A_587, %dma_start3A_588] : memref<2x256x64xf32, #tpu.memory_space<vmem>> -> memref<1x125x64xf32, #tpu.memory_space<vmem>>
      %dma_start3A_590 = tpu.memref_squeeze %dma_start3A_589 : memref<1x125x64xf32, #tpu.memory_space<vmem>> -> memref<125x64xf32, #tpu.memory_space<vmem>>
      %dma_start3A_591 = arith.constant 0 : i32
      %dma_start3A_592 = tpu.memref_slice %arg6[%add3A_452, %dma_start3A_591] : memref<10000x64xf32, #tpu.memory_space<vmem_shared>> -> memref<125x64xf32, #tpu.memory_space<vmem_shared>>
      %dma_start3A_593 = arith.constant 0 : i32
      %dma_start3A_594 = arith.constant 0 : i32
      %dma_start3A_595 = tpu.memref_slice %arg8[%run_scoped3A_453, %dma_start3A_593, %dma_start3A_594] : memref<2x256x64xf32, #tpu.memory_space<vmem>> -> memref<1x125x64xf32, #tpu.memory_space<vmem>>
      %dma_start3A_596 = tpu.memref_squeeze %dma_start3A_595 : memref<1x125x64xf32, #tpu.memory_space<vmem>> -> memref<125x64xf32, #tpu.memory_space<vmem>>
      %dma_start3A_597 = arith.constant 0 : i32
      %dma_start3A_598 = tpu.memref_slice %arg6[%add3A_452, %dma_start3A_597] : memref<10000x64xf32, #tpu.memory_space<vmem_shared>> -> memref<125x64xf32, #tpu.memory_space<vmem_shared>>
      tpu.enqueue_dma source(%dma_start3A_598 : memref<125x64xf32, #tpu.memory_space<vmem_shared>>) target(%dma_start3A_596 : memref<125x64xf32, #tpu.memory_space<vmem>>) target_semaphore(%run_scoped3A_586 : memref<!tpu.dma_semaphore, #tpu.memory_space<semaphore_mem>>)
      %dma_wait3A_599 = arith.constant 0 : i32
      %dma_wait3A_600 = arith.constant 0 : i32
      %dma_wait3A_601 = tpu.memref_slice %arg8[%run_scoped3A_453, %dma_wait3A_599, %dma_wait3A_600] : memref<2x256x64xf32, #tpu.memory_space<vmem>> -> memref<1x125x64xf32, #tpu.memory_space<vmem>>
      %dma_wait3A_602 = tpu.memref_squeeze %dma_wait3A_601 : memref<1x125x64xf32, #tpu.memory_space<vmem>> -> memref<125x64xf32, #tpu.memory_space<vmem>>
      %dma_wait3A_603 = arith.constant 0 : i32
      %dma_wait3A_604 = tpu.memref_slice %arg6[%add3A_452, %dma_wait3A_603] : memref<10000x64xf32, #tpu.memory_space<vmem_shared>> -> memref<125x64xf32, #tpu.memory_space<vmem_shared>>
      %dma_wait3A_605 = arith.constant 0 : i32
      %dma_wait3A_606 = arith.constant 0 : i32
      %dma_wait3A_607 = tpu.memref_slice %arg8[%run_scoped3A_453, %dma_wait3A_605, %dma_wait3A_606] : memref<2x256x64xf32, #tpu.memory_space<vmem>> -> memref<1x125x64xf32, #tpu.memory_space<vmem>>
      %dma_wait3A_608 = tpu.memref_squeeze %dma_wait3A_607 : memref<1x125x64xf32, #tpu.memory_space<vmem>> -> memref<125x64xf32, #tpu.memory_space<vmem>>
      %dma_wait3A_609 = arith.constant 0 : i32
      %dma_wait3A_610 = tpu.memref_slice %arg6[%add3A_452, %dma_wait3A_609] : memref<10000x64xf32, #tpu.memory_space<vmem_shared>> -> memref<125x64xf32, #tpu.memory_space<vmem_shared>>
      tpu.wait_dma2 semaphore(%run_scoped3A_586 : memref<!tpu.dma_semaphore, #tpu.memory_space<semaphore_mem>>) src(%dma_wait3A_610 : memref<125x64xf32, #tpu.memory_space<vmem_shared>>) dst(%dma_wait3A_608 : memref<125x64xf32, #tpu.memory_space<vmem>>)
      tpu.yield
    }) : () -> ()
    %scan3A_454 = arith.constant 0 : i32
    %scan3A_455 = arith.constant 0 : i32
    %scan3A_456 = arith.constant 125 : i32
    %scan3A_457 = arith.addi %scan3A_455, %scan3A_456 : i32
    %scan3A_458 = arith.constant 1 : i32
    scf.for %scan3A_586 = %scan3A_455 to %scan3A_457 step %scan3A_458  : i32 {
      %add3A_587 = arith.constant 375 : i32
      %add3A_588 = arith.addi %arg1, %add3A_587 : i32
      %add3A_589 = arith.addi %add3A_588, %scan3A_586 : i32
      %shift_right_logical3A = arith.constant 4 : i32
      %shift_right_logical3A_590 = arith.shrui %add3A_589, %shift_right_logical3A : i32
      %get3A_591 = arith.index_cast %shift_right_logical3A_590 : i32 to index
      %get3A_592 = arith.constant 0 : index
      %get3A_593 = tpu.vector_load %arg13[%get3A_591, %get3A_592] {strides = array<i32>} : memref<40x16xf32, #tpu.memory_space<vmem>>, vector<16xf32>,
      %and3A_594 = arith.constant 15 : i32
      %and3A_595 = arith.andi %add3A_589, %and3A_594 : i32
      %broadcast_in_dim3A_596 = vector.broadcast %and3A_595 : i32 to vector<16xi32>
      %lt3A_597 = arith.constant 0 : i32
      %lt3A_598 = vector.broadcast %lt3A_597 : i32 to vector<16xi32>
      %lt3A_599 = arith.cmpi slt, %broadcast_in_dim3A_596, %lt3A_598 : vector<16xi32>
      %add3A_600 = arith.constant 16 : i32
      %add3A_601 = vector.broadcast %add3A_600 : i32 to vector<16xi32>
      %add3A_602 = arith.addi %broadcast_in_dim3A_596, %add3A_601 : vector<16xi32>
      %select_n3A_603 = arith.select %lt3A_599, %add3A_602, %broadcast_in_dim3A_596 : vector<16xi1>, vector<16xi32>
      %broadcast_in_dim3A_604 = vector.shape_cast %select_n3A_603 : vector<16xi32> to vector<16x1xi32>
      %gather3A = vector.shape_cast %broadcast_in_dim3A_604 : vector<16x1xi32> to vector<16xi32>
      %gather3A_605 = tpu.dynamic_gather %get3A_593[%gather3A] in [0] : vector<16xf32>, vector<16xi32> -> vector<16xf32>
      %max3A = arith.constant 1.000000e+00 : f32
      %max3A_606 = vector.broadcast %max3A : f32 to vector<16xf32>
      %max3A_607 = arith.maximumf %gather3A_605, %max3A_606 : vector<16xf32>
      %div3A_608 = arith.divf %get3A_6, %max3A_607 : vector<16xf32>
      %get3A_609 = arith.constant 0 : i32
      %get3A_610 = arith.index_cast %get3A_609 : i32 to index
      %get3A_611 = arith.index_cast %scan3A_586 : i32 to index
      %get3A_612 = arith.constant 0 : index
      %get3A_613 = tpu.vector_load %arg8[%get3A_610, %get3A_611, %get3A_612] {strides = array<i32>} : memref<2x256x64xf32, #tpu.memory_space<vmem>>, vector<16xf32>,
      %mul3A_614 = arith.mulf %get3A_613, %div3A_608 : vector<16xf32>
      %swap3A_615 = arith.constant 0 : i32
      %swap3A_616 = arith.index_cast %swap3A_615 : i32 to index
      %swap3A_617 = arith.index_cast %scan3A_586 : i32 to index
      %swap3A_618 = arith.constant 0 : index
      %swap3A_619 = tpu.vector_load %arg9[%swap3A_616, %swap3A_617, %swap3A_618] {strides = array<i32>} : memref<2x256x64xf32, #tpu.memory_space<vmem>>, vector<16xf32>,
      tpu.vector_store %arg9[%swap3A_616, %swap3A_617, %swap3A_618], %mul3A_614 {strides = array<i32>} : memref<2x256x64xf32, #tpu.memory_space<vmem>>, vector<16xf32>,
      %get3A_620 = arith.constant 0 : i32
      %get3A_621 = arith.index_cast %get3A_620 : i32 to index
      %get3A_622 = arith.index_cast %scan3A_586 : i32 to index
      %get3A_623 = arith.constant 16 : index
      %get3A_624 = tpu.vector_load %arg8[%get3A_621, %get3A_622, %get3A_623] {strides = array<i32>} : memref<2x256x64xf32, #tpu.memory_space<vmem>>, vector<16xf32>,
      %mul3A_625 = arith.mulf %get3A_624, %div3A_608 : vector<16xf32>
      %swap3A_626 = arith.constant 0 : i32
      %swap3A_627 = arith.index_cast %swap3A_626 : i32 to index
      %swap3A_628 = arith.index_cast %scan3A_586 : i32 to index
      %swap3A_629 = arith.constant 16 : index
      %swap3A_630 = tpu.vector_load %arg9[%swap3A_627, %swap3A_628, %swap3A_629] {strides = array<i32>} : memref<2x256x64xf32, #tpu.memory_space<vmem>>, vector<16xf32>,
      tpu.vector_store %arg9[%swap3A_627, %swap3A_628, %swap3A_629], %mul3A_625 {strides = array<i32>} : memref<2x256x64xf32, #tpu.memory_space<vmem>>, vector<16xf32>,
      %get3A_631 = arith.constant 0 : i32
      %get3A_632 = arith.index_cast %get3A_631 : i32 to index
      %get3A_633 = arith.index_cast %scan3A_586 : i32 to index
      %get3A_634 = arith.constant 32 : index
      %get3A_635 = tpu.vector_load %arg8[%get3A_632, %get3A_633, %get3A_634] {strides = array<i32>} : memref<2x256x64xf32, #tpu.memory_space<vmem>>, vector<16xf32>,
      %mul3A_636 = arith.mulf %get3A_635, %div3A_608 : vector<16xf32>
      %swap3A_637 = arith.constant 0 : i32
      %swap3A_638 = arith.index_cast %swap3A_637 : i32 to index
      %swap3A_639 = arith.index_cast %scan3A_586 : i32 to index
      %swap3A_640 = arith.constant 32 : index
      %swap3A_641 = tpu.vector_load %arg9[%swap3A_638, %swap3A_639, %swap3A_640] {strides = array<i32>} : memref<2x256x64xf32, #tpu.memory_space<vmem>>, vector<16xf32>,
      tpu.vector_store %arg9[%swap3A_638, %swap3A_639, %swap3A_640], %mul3A_636 {strides = array<i32>} : memref<2x256x64xf32, #tpu.memory_space<vmem>>, vector<16xf32>,
      %get3A_642 = arith.constant 0 : i32
      %get3A_643 = arith.index_cast %get3A_642 : i32 to index
      %get3A_644 = arith.index_cast %scan3A_586 : i32 to index
      %get3A_645 = arith.constant 48 : index
      %get3A_646 = tpu.vector_load %arg8[%get3A_643, %get3A_644, %get3A_645] {strides = array<i32>} : memref<2x256x64xf32, #tpu.memory_space<vmem>>, vector<16xf32>,
      %mul3A_647 = arith.mulf %get3A_646, %div3A_608 : vector<16xf32>
      %swap3A_648 = arith.constant 0 : i32
      %swap3A_649 = arith.index_cast %swap3A_648 : i32 to index
      %swap3A_650 = arith.index_cast %scan3A_586 : i32 to index
      %swap3A_651 = arith.constant 48 : index
      %swap3A_652 = tpu.vector_load %arg9[%swap3A_649, %swap3A_650, %swap3A_651] {strides = array<i32>} : memref<2x256x64xf32, #tpu.memory_space<vmem>>, vector<16xf32>,
      tpu.vector_store %arg9[%swap3A_649, %swap3A_650, %swap3A_651], %mul3A_647 {strides = array<i32>} : memref<2x256x64xf32, #tpu.memory_space<vmem>>, vector<16xf32>,
    }
    %scan3A_459 = arith.constant 125 : i32
    %run_scoped3A_460 = arith.constant 0 : i32
    "tpu.region"() ({
      %run_scoped3A_586 = tpu.sem_alloc : memref<!tpu.dma_semaphore, #tpu.memory_space<semaphore_mem>>
      %dma_start3A_587 = arith.constant 0 : i32
      %dma_start3A_588 = arith.constant 0 : i32
      %dma_start3A_589 = tpu.memref_slice %arg9[%run_scoped3A_460, %dma_start3A_587, %dma_start3A_588] : memref<2x256x64xf32, #tpu.memory_space<vmem>> -> memref<1x125x64xf32, #tpu.memory_space<vmem>>
      %dma_start3A_590 = tpu.memref_squeeze %dma_start3A_589 : memref<1x125x64xf32, #tpu.memory_space<vmem>> -> memref<125x64xf32, #tpu.memory_space<vmem>>
      %dma_start3A_591 = arith.constant 0 : i32
      %dma_start3A_592 = tpu.memref_slice %arg6[%add3A_452, %dma_start3A_591] : memref<10000x64xf32, #tpu.memory_space<vmem_shared>> -> memref<125x64xf32, #tpu.memory_space<vmem_shared>>
      %dma_start3A_593 = arith.constant 0 : i32
      %dma_start3A_594 = tpu.memref_slice %arg6[%add3A_452, %dma_start3A_593] : memref<10000x64xf32, #tpu.memory_space<vmem_shared>> -> memref<125x64xf32, #tpu.memory_space<vmem_shared>>
      %dma_start3A_595 = arith.constant 0 : i32
      %dma_start3A_596 = arith.constant 0 : i32
      %dma_start3A_597 = tpu.memref_slice %arg9[%run_scoped3A_460, %dma_start3A_595, %dma_start3A_596] : memref<2x256x64xf32, #tpu.memory_space<vmem>> -> memref<1x125x64xf32, #tpu.memory_space<vmem>>
      %dma_start3A_598 = tpu.memref_squeeze %dma_start3A_597 : memref<1x125x64xf32, #tpu.memory_space<vmem>> -> memref<125x64xf32, #tpu.memory_space<vmem>>
      tpu.enqueue_dma source(%dma_start3A_598 : memref<125x64xf32, #tpu.memory_space<vmem>>) target(%dma_start3A_594 : memref<125x64xf32, #tpu.memory_space<vmem_shared>>) target_semaphore(%run_scoped3A_586 : memref<!tpu.dma_semaphore, #tpu.memory_space<semaphore_mem>>)
      %dma_wait3A_599 = arith.constant 0 : i32
      %dma_wait3A_600 = arith.constant 0 : i32
      %dma_wait3A_601 = tpu.memref_slice %arg9[%run_scoped3A_460, %dma_wait3A_599, %dma_wait3A_600] : memref<2x256x64xf32, #tpu.memory_space<vmem>> -> memref<1x125x64xf32, #tpu.memory_space<vmem>>
      %dma_wait3A_602 = tpu.memref_squeeze %dma_wait3A_601 : memref<1x125x64xf32, #tpu.memory_space<vmem>> -> memref<125x64xf32, #tpu.memory_space<vmem>>
      %dma_wait3A_603 = arith.constant 0 : i32
      %dma_wait3A_604 = tpu.memref_slice %arg6[%add3A_452, %dma_wait3A_603] : memref<10000x64xf32, #tpu.memory_space<vmem_shared>> -> memref<125x64xf32, #tpu.memory_space<vmem_shared>>
      %dma_wait3A_605 = arith.constant 0 : i32
      %dma_wait3A_606 = tpu.memref_slice %arg6[%add3A_452, %dma_wait3A_605] : memref<10000x64xf32, #tpu.memory_space<vmem_shared>> -> memref<125x64xf32, #tpu.memory_space<vmem_shared>>
      %dma_wait3A_607 = arith.constant 0 : i32
      %dma_wait3A_608 = arith.constant 0 : i32
      %dma_wait3A_609 = tpu.memref_slice %arg9[%run_scoped3A_460, %dma_wait3A_607, %dma_wait3A_608] : memref<2x256x64xf32, #tpu.memory_space<vmem>> -> memref<1x125x64xf32, #tpu.memory_space<vmem>>
      %dma_wait3A_610 = tpu.memref_squeeze %dma_wait3A_609 : memref<1x125x64xf32, #tpu.memory_space<vmem>> -> memref<125x64xf32, #tpu.memory_space<vmem>>
      tpu.wait_dma2 semaphore(%run_scoped3A_586 : memref<!tpu.dma_semaphore, #tpu.memory_space<semaphore_mem>>) src(%dma_wait3A_610 : memref<125x64xf32, #tpu.memory_space<vmem>>) dst(%dma_wait3A_606 : memref<125x64xf32, #tpu.memory_space<vmem_shared>>)
      tpu.yield
    }) : () -> ()
    %mul3A_461 = arith.constant 625 : i32
    %mul3A_462 = arith.muli %arg1, %mul3A_461 : i32
    %add3A_463 = arith.constant 500 : i32
    %add3A_464 = arith.addi %mul3A_462, %add3A_463 : i32
    %run_scoped3A_465 = arith.constant 0 : i32
    "tpu.region"() ({
      %run_scoped3A_586 = tpu.sem_alloc : memref<!tpu.dma_semaphore, #tpu.memory_space<semaphore_mem>>
      %dma_start3A_587 = arith.constant 0 : i32
      %dma_start3A_588 = arith.constant 0 : i32
      %dma_start3A_589 = tpu.memref_slice %arg8[%run_scoped3A_465, %dma_start3A_587, %dma_start3A_588] : memref<2x256x64xf32, #tpu.memory_space<vmem>> -> memref<1x125x64xf32, #tpu.memory_space<vmem>>
      %dma_start3A_590 = tpu.memref_squeeze %dma_start3A_589 : memref<1x125x64xf32, #tpu.memory_space<vmem>> -> memref<125x64xf32, #tpu.memory_space<vmem>>
      %dma_start3A_591 = arith.constant 0 : i32
      %dma_start3A_592 = tpu.memref_slice %arg6[%add3A_464, %dma_start3A_591] : memref<10000x64xf32, #tpu.memory_space<vmem_shared>> -> memref<125x64xf32, #tpu.memory_space<vmem_shared>>
      %dma_start3A_593 = arith.constant 0 : i32
      %dma_start3A_594 = arith.constant 0 : i32
      %dma_start3A_595 = tpu.memref_slice %arg8[%run_scoped3A_465, %dma_start3A_593, %dma_start3A_594] : memref<2x256x64xf32, #tpu.memory_space<vmem>> -> memref<1x125x64xf32, #tpu.memory_space<vmem>>
      %dma_start3A_596 = tpu.memref_squeeze %dma_start3A_595 : memref<1x125x64xf32, #tpu.memory_space<vmem>> -> memref<125x64xf32, #tpu.memory_space<vmem>>
      %dma_start3A_597 = arith.constant 0 : i32
      %dma_start3A_598 = tpu.memref_slice %arg6[%add3A_464, %dma_start3A_597] : memref<10000x64xf32, #tpu.memory_space<vmem_shared>> -> memref<125x64xf32, #tpu.memory_space<vmem_shared>>
      tpu.enqueue_dma source(%dma_start3A_598 : memref<125x64xf32, #tpu.memory_space<vmem_shared>>) target(%dma_start3A_596 : memref<125x64xf32, #tpu.memory_space<vmem>>) target_semaphore(%run_scoped3A_586 : memref<!tpu.dma_semaphore, #tpu.memory_space<semaphore_mem>>)
      %dma_wait3A_599 = arith.constant 0 : i32
      %dma_wait3A_600 = arith.constant 0 : i32
      %dma_wait3A_601 = tpu.memref_slice %arg8[%run_scoped3A_465, %dma_wait3A_599, %dma_wait3A_600] : memref<2x256x64xf32, #tpu.memory_space<vmem>> -> memref<1x125x64xf32, #tpu.memory_space<vmem>>
      %dma_wait3A_602 = tpu.memref_squeeze %dma_wait3A_601 : memref<1x125x64xf32, #tpu.memory_space<vmem>> -> memref<125x64xf32, #tpu.memory_space<vmem>>
      %dma_wait3A_603 = arith.constant 0 : i32
      %dma_wait3A_604 = tpu.memref_slice %arg6[%add3A_464, %dma_wait3A_603] : memref<10000x64xf32, #tpu.memory_space<vmem_shared>> -> memref<125x64xf32, #tpu.memory_space<vmem_shared>>
      %dma_wait3A_605 = arith.constant 0 : i32
      %dma_wait3A_606 = arith.constant 0 : i32
      %dma_wait3A_607 = tpu.memref_slice %arg8[%run_scoped3A_465, %dma_wait3A_605, %dma_wait3A_606] : memref<2x256x64xf32, #tpu.memory_space<vmem>> -> memref<1x125x64xf32, #tpu.memory_space<vmem>>
      %dma_wait3A_608 = tpu.memref_squeeze %dma_wait3A_607 : memref<1x125x64xf32, #tpu.memory_space<vmem>> -> memref<125x64xf32, #tpu.memory_space<vmem>>
      %dma_wait3A_609 = arith.constant 0 : i32
      %dma_wait3A_610 = tpu.memref_slice %arg6[%add3A_464, %dma_wait3A_609] : memref<10000x64xf32, #tpu.memory_space<vmem_shared>> -> memref<125x64xf32, #tpu.memory_space<vmem_shared>>
      tpu.wait_dma2 semaphore(%run_scoped3A_586 : memref<!tpu.dma_semaphore, #tpu.memory_space<semaphore_mem>>) src(%dma_wait3A_610 : memref<125x64xf32, #tpu.memory_space<vmem_shared>>) dst(%dma_wait3A_608 : memref<125x64xf32, #tpu.memory_space<vmem>>)
      tpu.yield
    }) : () -> ()
    %scan3A_466 = arith.constant 0 : i32
    %scan3A_467 = arith.constant 0 : i32
    %scan3A_468 = arith.constant 125 : i32
    %scan3A_469 = arith.addi %scan3A_467, %scan3A_468 : i32
    %scan3A_470 = arith.constant 1 : i32
    scf.for %scan3A_586 = %scan3A_467 to %scan3A_469 step %scan3A_470  : i32 {
      %add3A_587 = arith.constant 500 : i32
      %add3A_588 = arith.addi %arg1, %add3A_587 : i32
      %add3A_589 = arith.addi %add3A_588, %scan3A_586 : i32
      %shift_right_logical3A = arith.constant 4 : i32
      %shift_right_logical3A_590 = arith.shrui %add3A_589, %shift_right_logical3A : i32
      %get3A_591 = arith.index_cast %shift_right_logical3A_590 : i32 to index
      %get3A_592 = arith.constant 0 : index
      %get3A_593 = tpu.vector_load %arg13[%get3A_591, %get3A_592] {strides = array<i32>} : memref<40x16xf32, #tpu.memory_space<vmem>>, vector<16xf32>,
      %and3A_594 = arith.constant 15 : i32
      %and3A_595 = arith.andi %add3A_589, %and3A_594 : i32
      %broadcast_in_dim3A_596 = vector.broadcast %and3A_595 : i32 to vector<16xi32>
      %lt3A_597 = arith.constant 0 : i32
      %lt3A_598 = vector.broadcast %lt3A_597 : i32 to vector<16xi32>
      %lt3A_599 = arith.cmpi slt, %broadcast_in_dim3A_596, %lt3A_598 : vector<16xi32>
      %add3A_600 = arith.constant 16 : i32
      %add3A_601 = vector.broadcast %add3A_600 : i32 to vector<16xi32>
      %add3A_602 = arith.addi %broadcast_in_dim3A_596, %add3A_601 : vector<16xi32>
      %select_n3A_603 = arith.select %lt3A_599, %add3A_602, %broadcast_in_dim3A_596 : vector<16xi1>, vector<16xi32>
      %broadcast_in_dim3A_604 = vector.shape_cast %select_n3A_603 : vector<16xi32> to vector<16x1xi32>
      %gather3A = vector.shape_cast %broadcast_in_dim3A_604 : vector<16x1xi32> to vector<16xi32>
      %gather3A_605 = tpu.dynamic_gather %get3A_593[%gather3A] in [0] : vector<16xf32>, vector<16xi32> -> vector<16xf32>
      %max3A = arith.constant 1.000000e+00 : f32
      %max3A_606 = vector.broadcast %max3A : f32 to vector<16xf32>
      %max3A_607 = arith.maximumf %gather3A_605, %max3A_606 : vector<16xf32>
      %div3A_608 = arith.divf %get3A_6, %max3A_607 : vector<16xf32>
      %get3A_609 = arith.constant 0 : i32
      %get3A_610 = arith.index_cast %get3A_609 : i32 to index
      %get3A_611 = arith.index_cast %scan3A_586 : i32 to index
      %get3A_612 = arith.constant 0 : index
      %get3A_613 = tpu.vector_load %arg8[%get3A_610, %get3A_611, %get3A_612] {strides = array<i32>} : memref<2x256x64xf32, #tpu.memory_space<vmem>>, vector<16xf32>,
      %mul3A_614 = arith.mulf %get3A_613, %div3A_608 : vector<16xf32>
      %swap3A_615 = arith.constant 0 : i32
      %swap3A_616 = arith.index_cast %swap3A_615 : i32 to index
      %swap3A_617 = arith.index_cast %scan3A_586 : i32 to index
      %swap3A_618 = arith.constant 0 : index
      %swap3A_619 = tpu.vector_load %arg9[%swap3A_616, %swap3A_617, %swap3A_618] {strides = array<i32>} : memref<2x256x64xf32, #tpu.memory_space<vmem>>, vector<16xf32>,
      tpu.vector_store %arg9[%swap3A_616, %swap3A_617, %swap3A_618], %mul3A_614 {strides = array<i32>} : memref<2x256x64xf32, #tpu.memory_space<vmem>>, vector<16xf32>,
      %get3A_620 = arith.constant 0 : i32
      %get3A_621 = arith.index_cast %get3A_620 : i32 to index
      %get3A_622 = arith.index_cast %scan3A_586 : i32 to index
      %get3A_623 = arith.constant 16 : index
      %get3A_624 = tpu.vector_load %arg8[%get3A_621, %get3A_622, %get3A_623] {strides = array<i32>} : memref<2x256x64xf32, #tpu.memory_space<vmem>>, vector<16xf32>,
      %mul3A_625 = arith.mulf %get3A_624, %div3A_608 : vector<16xf32>
      %swap3A_626 = arith.constant 0 : i32
      %swap3A_627 = arith.index_cast %swap3A_626 : i32 to index
      %swap3A_628 = arith.index_cast %scan3A_586 : i32 to index
      %swap3A_629 = arith.constant 16 : index
      %swap3A_630 = tpu.vector_load %arg9[%swap3A_627, %swap3A_628, %swap3A_629] {strides = array<i32>} : memref<2x256x64xf32, #tpu.memory_space<vmem>>, vector<16xf32>,
      tpu.vector_store %arg9[%swap3A_627, %swap3A_628, %swap3A_629], %mul3A_625 {strides = array<i32>} : memref<2x256x64xf32, #tpu.memory_space<vmem>>, vector<16xf32>,
      %get3A_631 = arith.constant 0 : i32
      %get3A_632 = arith.index_cast %get3A_631 : i32 to index
      %get3A_633 = arith.index_cast %scan3A_586 : i32 to index
      %get3A_634 = arith.constant 32 : index
      %get3A_635 = tpu.vector_load %arg8[%get3A_632, %get3A_633, %get3A_634] {strides = array<i32>} : memref<2x256x64xf32, #tpu.memory_space<vmem>>, vector<16xf32>,
      %mul3A_636 = arith.mulf %get3A_635, %div3A_608 : vector<16xf32>
      %swap3A_637 = arith.constant 0 : i32
      %swap3A_638 = arith.index_cast %swap3A_637 : i32 to index
      %swap3A_639 = arith.index_cast %scan3A_586 : i32 to index
      %swap3A_640 = arith.constant 32 : index
      %swap3A_641 = tpu.vector_load %arg9[%swap3A_638, %swap3A_639, %swap3A_640] {strides = array<i32>} : memref<2x256x64xf32, #tpu.memory_space<vmem>>, vector<16xf32>,
      tpu.vector_store %arg9[%swap3A_638, %swap3A_639, %swap3A_640], %mul3A_636 {strides = array<i32>} : memref<2x256x64xf32, #tpu.memory_space<vmem>>, vector<16xf32>,
      %get3A_642 = arith.constant 0 : i32
      %get3A_643 = arith.index_cast %get3A_642 : i32 to index
      %get3A_644 = arith.index_cast %scan3A_586 : i32 to index
      %get3A_645 = arith.constant 48 : index
      %get3A_646 = tpu.vector_load %arg8[%get3A_643, %get3A_644, %get3A_645] {strides = array<i32>} : memref<2x256x64xf32, #tpu.memory_space<vmem>>, vector<16xf32>,
      %mul3A_647 = arith.mulf %get3A_646, %div3A_608 : vector<16xf32>
      %swap3A_648 = arith.constant 0 : i32
      %swap3A_649 = arith.index_cast %swap3A_648 : i32 to index
      %swap3A_650 = arith.index_cast %scan3A_586 : i32 to index
      %swap3A_651 = arith.constant 48 : index
      %swap3A_652 = tpu.vector_load %arg9[%swap3A_649, %swap3A_650, %swap3A_651] {strides = array<i32>} : memref<2x256x64xf32, #tpu.memory_space<vmem>>, vector<16xf32>,
      tpu.vector_store %arg9[%swap3A_649, %swap3A_650, %swap3A_651], %mul3A_647 {strides = array<i32>} : memref<2x256x64xf32, #tpu.memory_space<vmem>>, vector<16xf32>,
    }
    %scan3A_471 = arith.constant 125 : i32
    %run_scoped3A_472 = arith.constant 0 : i32
    "tpu.region"() ({
      %run_scoped3A_586 = tpu.sem_alloc : memref<!tpu.dma_semaphore, #tpu.memory_space<semaphore_mem>>
      %dma_start3A_587 = arith.constant 0 : i32
      %dma_start3A_588 = arith.constant 0 : i32
      %dma_start3A_589 = tpu.memref_slice %arg9[%run_scoped3A_472, %dma_start3A_587, %dma_start3A_588] : memref<2x256x64xf32, #tpu.memory_space<vmem>> -> memref<1x125x64xf32, #tpu.memory_space<vmem>>
      %dma_start3A_590 = tpu.memref_squeeze %dma_start3A_589 : memref<1x125x64xf32, #tpu.memory_space<vmem>> -> memref<125x64xf32, #tpu.memory_space<vmem>>
      %dma_start3A_591 = arith.constant 0 : i32
      %dma_start3A_592 = tpu.memref_slice %arg6[%add3A_464, %dma_start3A_591] : memref<10000x64xf32, #tpu.memory_space<vmem_shared>> -> memref<125x64xf32, #tpu.memory_space<vmem_shared>>
      %dma_start3A_593 = arith.constant 0 : i32
      %dma_start3A_594 = tpu.memref_slice %arg6[%add3A_464, %dma_start3A_593] : memref<10000x64xf32, #tpu.memory_space<vmem_shared>> -> memref<125x64xf32, #tpu.memory_space<vmem_shared>>
      %dma_start3A_595 = arith.constant 0 : i32
      %dma_start3A_596 = arith.constant 0 : i32
      %dma_start3A_597 = tpu.memref_slice %arg9[%run_scoped3A_472, %dma_start3A_595, %dma_start3A_596] : memref<2x256x64xf32, #tpu.memory_space<vmem>> -> memref<1x125x64xf32, #tpu.memory_space<vmem>>
      %dma_start3A_598 = tpu.memref_squeeze %dma_start3A_597 : memref<1x125x64xf32, #tpu.memory_space<vmem>> -> memref<125x64xf32, #tpu.memory_space<vmem>>
      tpu.enqueue_dma source(%dma_start3A_598 : memref<125x64xf32, #tpu.memory_space<vmem>>) target(%dma_start3A_594 : memref<125x64xf32, #tpu.memory_space<vmem_shared>>) target_semaphore(%run_scoped3A_586 : memref<!tpu.dma_semaphore, #tpu.memory_space<semaphore_mem>>)
      %dma_wait3A_599 = arith.constant 0 : i32
      %dma_wait3A_600 = arith.constant 0 : i32
      %dma_wait3A_601 = tpu.memref_slice %arg9[%run_scoped3A_472, %dma_wait3A_599, %dma_wait3A_600] : memref<2x256x64xf32, #tpu.memory_space<vmem>> -> memref<1x125x64xf32, #tpu.memory_space<vmem>>
      %dma_wait3A_602 = tpu.memref_squeeze %dma_wait3A_601 : memref<1x125x64xf32, #tpu.memory_space<vmem>> -> memref<125x64xf32, #tpu.memory_space<vmem>>
      %dma_wait3A_603 = arith.constant 0 : i32
      %dma_wait3A_604 = tpu.memref_slice %arg6[%add3A_464, %dma_wait3A_603] : memref<10000x64xf32, #tpu.memory_space<vmem_shared>> -> memref<125x64xf32, #tpu.memory_space<vmem_shared>>
      %dma_wait3A_605 = arith.constant 0 : i32
      %dma_wait3A_606 = tpu.memref_slice %arg6[%add3A_464, %dma_wait3A_605] : memref<10000x64xf32, #tpu.memory_space<vmem_shared>> -> memref<125x64xf32, #tpu.memory_space<vmem_shared>>
      %dma_wait3A_607 = arith.constant 0 : i32
      %dma_wait3A_608 = arith.constant 0 : i32
      %dma_wait3A_609 = tpu.memref_slice %arg9[%run_scoped3A_472, %dma_wait3A_607, %dma_wait3A_608] : memref<2x256x64xf32, #tpu.memory_space<vmem>> -> memref<1x125x64xf32, #tpu.memory_space<vmem>>
      %dma_wait3A_610 = tpu.memref_squeeze %dma_wait3A_609 : memref<1x125x64xf32, #tpu.memory_space<vmem>> -> memref<125x64xf32, #tpu.memory_space<vmem>>
      tpu.wait_dma2 semaphore(%run_scoped3A_586 : memref<!tpu.dma_semaphore, #tpu.memory_space<semaphore_mem>>) src(%dma_wait3A_610 : memref<125x64xf32, #tpu.memory_space<vmem>>) dst(%dma_wait3A_606 : memref<125x64xf32, #tpu.memory_space<vmem_shared>>)
      tpu.yield
    }) : () -> ()
    %barrier3A_473 = arith.constant 0 : index
    tpu.barrier barrier_id(%barrier3A_473)
    %add3A_474 = arith.constant 0 : i32
    %add3A_475 = arith.addi %add3A, %add3A_474 : i32
    %mul3A_476 = arith.constant 128 : i32
    %mul3A_477 = arith.muli %add3A_475, %mul3A_476 : i32
    %dma_start3A_478 = arith.constant 0 : i32
    %dma_start3A_479 = arith.constant 0 : i32
    %dma_start3A_480 = arith.constant 0 : i32
    %dma_start3A_481 = tpu.memref_slice %arg8[%dma_start3A_478, %dma_start3A_479, %dma_start3A_480] : memref<2x256x64xf32, #tpu.memory_space<vmem>> -> memref<1x256x64xf32, #tpu.memory_space<vmem>>
    %dma_start3A_482 = tpu.memref_squeeze %dma_start3A_481 : memref<1x256x64xf32, #tpu.memory_space<vmem>> -> memref<256x64xf32, #tpu.memory_space<vmem>>
    %dma_start3A_483 = tpu.memref_slice %arg2[%mul3A_477, %mul3A_0] : memref<320000x128xf32, #tpu.memory_space<hbm>> -> memref<256x64xf32, #tpu.memory_space<hbm>>
    %dma_start3A_484 = arith.constant 0 : i32
    %dma_start3A_485 = arith.constant 0 : i32
    %dma_start3A_486 = tpu.memref_slice %arg8[%dma_start3A_478, %dma_start3A_484, %dma_start3A_485] : memref<2x256x64xf32, #tpu.memory_space<vmem>> -> memref<1x256x64xf32, #tpu.memory_space<vmem>>
    %dma_start3A_487 = tpu.memref_squeeze %dma_start3A_486 : memref<1x256x64xf32, #tpu.memory_space<vmem>> -> memref<256x64xf32, #tpu.memory_space<vmem>>
    %dma_start3A_488 = tpu.memref_slice %arg2[%mul3A_477, %mul3A_0] : memref<320000x128xf32, #tpu.memory_space<hbm>> -> memref<256x64xf32, #tpu.memory_space<hbm>>
    tpu.enqueue_dma source(%dma_start3A_488 : memref<256x64xf32, #tpu.memory_space<hbm>>) target(%dma_start3A_487 : memref<256x64xf32, #tpu.memory_space<vmem>>) target_semaphore(%arg15 : memref<!tpu.dma_semaphore, #tpu.memory_space<semaphore_mem>>)
    %add3A_489 = arith.constant 0 : i32
    %add3A_490 = arith.addi %add3A, %add3A_489 : i32
    %dma_start3A_491 = arith.constant 0 : i32
    %dma_start3A_492 = arith.constant 0 : i32
    %dma_start3A_493 = arith.constant 0 : i32
    %dma_start3A_494 = tpu.memref_slice %arg10[%dma_start3A_491, %dma_start3A_492, %dma_start3A_493] : memref<2x2x128xi32, #tpu.memory_space<vmem>> -> memref<1x2x128xi32, #tpu.memory_space<vmem>>
    %dma_start3A_495 = tpu.memref_squeeze %dma_start3A_494 : memref<1x2x128xi32, #tpu.memory_space<vmem>> -> memref<2x128xi32, #tpu.memory_space<vmem>>
    %dma_start3A_496 = arith.constant 0 : i32
    %dma_start3A_497 = tpu.memref_slice %arg3[%add3A_490, %dma_start3A_496] : memref<2500x128xi32, #tpu.memory_space<hbm>> -> memref<2x128xi32, #tpu.memory_space<hbm>>
    %dma_start3A_498 = arith.constant 0 : i32
    %dma_start3A_499 = arith.constant 0 : i32
    %dma_start3A_500 = tpu.memref_slice %arg10[%dma_start3A_491, %dma_start3A_498, %dma_start3A_499] : memref<2x2x128xi32, #tpu.memory_space<vmem>> -> memref<1x2x128xi32, #tpu.memory_space<vmem>>
    %dma_start3A_501 = tpu.memref_squeeze %dma_start3A_500 : memref<1x2x128xi32, #tpu.memory_space<vmem>> -> memref<2x128xi32, #tpu.memory_space<vmem>>
    %dma_start3A_502 = arith.constant 0 : i32
    %dma_start3A_503 = tpu.memref_slice %arg3[%add3A_490, %dma_start3A_502] : memref<2500x128xi32, #tpu.memory_space<hbm>> -> memref<2x128xi32, #tpu.memory_space<hbm>>
    tpu.enqueue_dma source(%dma_start3A_503 : memref<2x128xi32, #tpu.memory_space<hbm>>) target(%dma_start3A_501 : memref<2x128xi32, #tpu.memory_space<vmem>>) target_semaphore(%arg17 : memref<!tpu.dma_semaphore, #tpu.memory_space<semaphore_mem>>)
    %add3A_504 = arith.constant 0 : i32
    %add3A_505 = arith.addi %add3A, %add3A_504 : i32
    %dma_wait3A_506 = arith.constant 0 : i32
    %dma_wait3A_507 = arith.constant 0 : i32
    %dma_wait3A_508 = arith.constant 0 : i32
    %dma_wait3A_509 = tpu.memref_slice %arg10[%dma_wait3A_506, %dma_wait3A_507, %dma_wait3A_508] : memref<2x2x128xi32, #tpu.memory_space<vmem>> -> memref<1x2x128xi32, #tpu.memory_space<vmem>>
    %dma_wait3A_510 = tpu.memref_squeeze %dma_wait3A_509 : memref<1x2x128xi32, #tpu.memory_space<vmem>> -> memref<2x128xi32, #tpu.memory_space<vmem>>
    %dma_wait3A_511 = arith.constant 0 : i32
    %dma_wait3A_512 = tpu.memref_slice %arg3[%add3A_505, %dma_wait3A_511] : memref<2500x128xi32, #tpu.memory_space<hbm>> -> memref<2x128xi32, #tpu.memory_space<hbm>>
    %dma_wait3A_513 = arith.constant 0 : i32
    %dma_wait3A_514 = arith.constant 0 : i32
    %dma_wait3A_515 = tpu.memref_slice %arg10[%dma_wait3A_506, %dma_wait3A_513, %dma_wait3A_514] : memref<2x2x128xi32, #tpu.memory_space<vmem>> -> memref<1x2x128xi32, #tpu.memory_space<vmem>>
    %dma_wait3A_516 = tpu.memref_squeeze %dma_wait3A_515 : memref<1x2x128xi32, #tpu.memory_space<vmem>> -> memref<2x128xi32, #tpu.memory_space<vmem>>
    %dma_wait3A_517 = arith.constant 0 : i32
    %dma_wait3A_518 = tpu.memref_slice %arg3[%add3A_505, %dma_wait3A_517] : memref<2500x128xi32, #tpu.memory_space<hbm>> -> memref<2x128xi32, #tpu.memory_space<hbm>>
    tpu.wait_dma2 semaphore(%arg17 : memref<!tpu.dma_semaphore, #tpu.memory_space<semaphore_mem>>) src(%dma_wait3A_518 : memref<2x128xi32, #tpu.memory_space<hbm>>) dst(%dma_wait3A_516 : memref<2x128xi32, #tpu.memory_space<vmem>>)
    %dma_start3A_519 = arith.constant 0 : i32
    %dma_start3A_520 = arith.constant 0 : i32
    %dma_start3A_521 = arith.constant 0 : i32
    %dma_start3A_522 = arith.constant 0 : i32
    %dma_start3A_523 = arith.constant 0 : i32
    %dma_start3A_524 = tpu.memref_slice %arg9[%dma_start3A_521, %dma_start3A_522, %dma_start3A_523] : memref<2x256x64xf32, #tpu.memory_space<vmem>> -> memref<1x128x64xf32, #tpu.memory_space<vmem>>
    %dma_start3A_525 = tpu.memref_squeeze %dma_start3A_524 : memref<1x128x64xf32, #tpu.memory_space<vmem>> -> memref<128x64xf32, #tpu.memory_space<vmem>>
    %dma_start3A_526 = arith.constant 0 : i32
    %dma_start3A_527 = tpu.memref_slice %arg10[%dma_start3A_519, %dma_start3A_520, %dma_start3A_526] : memref<2x2x128xi32, #tpu.memory_space<vmem>> -> memref<1x1x128xi32, #tpu.memory_space<vmem>>
    %dma_start3A_528 = tpu.memref_squeeze %dma_start3A_527 : memref<1x1x128xi32, #tpu.memory_space<vmem>> -> memref<128xi32, #tpu.memory_space<vmem>>
    %dma_start3A_529 = arith.constant 0 : i32
    %dma_start3A_530 = arith.constant 0 : i32
    %dma_start3A_531 = tpu.memref_slice %arg6[%dma_start3A_529, %dma_start3A_530] : memref<10000x64xf32, #tpu.memory_space<vmem_shared>> -> memref<10000x64xf32, #tpu.memory_space<vmem_shared>>
    tpu.enqueue_indirect_dma source(%dma_start3A_531 : memref<10000x64xf32, #tpu.memory_space<vmem_shared>>) target(%dma_start3A_525 : memref<128x64xf32, #tpu.memory_space<vmem>>) offsets(%dma_start3A_528 : memref<128xi32, #tpu.memory_space<vmem>>) semaphore(%arg21 : memref<!tpu.dma_semaphore, #tpu.memory_space<semaphore_mem>>)
    %dma_start3A_532 = arith.constant 0 : i32
    %dma_start3A_533 = arith.constant 1 : i32
    %dma_start3A_534 = arith.constant 0 : i32
    %dma_start3A_535 = arith.constant 128 : i32
    %dma_start3A_536 = arith.constant 0 : i32
    %dma_start3A_537 = tpu.memref_slice %arg9[%dma_start3A_534, %dma_start3A_535, %dma_start3A_536] : memref<2x256x64xf32, #tpu.memory_space<vmem>> -> memref<1x128x64xf32, #tpu.memory_space<vmem>>
    %dma_start3A_538 = tpu.memref_squeeze %dma_start3A_537 : memref<1x128x64xf32, #tpu.memory_space<vmem>> -> memref<128x64xf32, #tpu.memory_space<vmem>>
    %dma_start3A_539 = arith.constant 0 : i32
    %dma_start3A_540 = tpu.memref_slice %arg10[%dma_start3A_532, %dma_start3A_533, %dma_start3A_539] : memref<2x2x128xi32, #tpu.memory_space<vmem>> -> memref<1x1x128xi32, #tpu.memory_space<vmem>>
    %dma_start3A_541 = tpu.memref_squeeze %dma_start3A_540 : memref<1x1x128xi32, #tpu.memory_space<vmem>> -> memref<128xi32, #tpu.memory_space<vmem>>
    %dma_start3A_542 = arith.constant 0 : i32
    %dma_start3A_543 = arith.constant 0 : i32
    %dma_start3A_544 = tpu.memref_slice %arg6[%dma_start3A_542, %dma_start3A_543] : memref<10000x64xf32, #tpu.memory_space<vmem_shared>> -> memref<10000x64xf32, #tpu.memory_space<vmem_shared>>
    tpu.enqueue_indirect_dma source(%dma_start3A_544 : memref<10000x64xf32, #tpu.memory_space<vmem_shared>>) target(%dma_start3A_538 : memref<128x64xf32, #tpu.memory_space<vmem>>) offsets(%dma_start3A_541 : memref<128xi32, #tpu.memory_space<vmem>>) semaphore(%arg21 : memref<!tpu.dma_semaphore, #tpu.memory_space<semaphore_mem>>)
    %scan3A_545 = arith.constant 0 : i32
    %scan3A_546 = arith.constant 0 : i32
    %scan3A_547 = arith.constant 39 : i32
    %scan3A_548 = arith.addi %scan3A_546, %scan3A_547 : i32
    %scan3A_549 = arith.constant 1 : i32
    scf.for %scan3A_586 = %scan3A_546 to %scan3A_548 step %scan3A_549  : i32 {
      %mul3A_587 = arith.constant 2 : i32
      %mul3A_588 = arith.muli %mul3A_587, %scan3A_586 : i32
      %add3A_589 = arith.constant 0 : i32
      %add3A_590 = arith.addi %mul3A_588, %add3A_589 : i32
      %add3A_591 = arith.constant 1 : i32
      %add3A_592 = arith.addi %add3A_590, %add3A_591 : i32
      %lt3A_593 = arith.constant 78 : i32
      %lt3A_594 = arith.cmpi slt, %add3A_592, %lt3A_593 : i32
      %convert_element_type3A_595 = arith.extui %lt3A_594 : i1 to i32
      %cond3A_596 = arith.constant 0 : i32
      %cond3A_597 = arith.cmpi ne, %convert_element_type3A_595, %cond3A_596 : i32
      scf.if %cond3A_597 {
        %add3A_744 = arith.constant 1 : i32
        %add3A_745 = arith.addi %add3A_590, %add3A_744 : i32
        %mul3A_746 = arith.constant 2 : i32
        %mul3A_747 = arith.muli %mul3A_746, %add3A_745 : i32
        %add3A_748 = arith.addi %add3A, %mul3A_747 : i32
        %mul3A_749 = arith.constant 128 : i32
        %mul3A_750 = arith.muli %add3A_748, %mul3A_749 : i32
        %dma_start3A_751 = arith.constant 1 : i32
        %dma_start3A_752 = arith.constant 0 : i32
        %dma_start3A_753 = arith.constant 0 : i32
        %dma_start3A_754 = tpu.memref_slice %arg8[%dma_start3A_751, %dma_start3A_752, %dma_start3A_753] : memref<2x256x64xf32, #tpu.memory_space<vmem>> -> memref<1x256x64xf32, #tpu.memory_space<vmem>>
        %dma_start3A_755 = tpu.memref_squeeze %dma_start3A_754 : memref<1x256x64xf32, #tpu.memory_space<vmem>> -> memref<256x64xf32, #tpu.memory_space<vmem>>
        %dma_start3A_756 = tpu.memref_slice %arg2[%mul3A_750, %mul3A_0] : memref<320000x128xf32, #tpu.memory_space<hbm>> -> memref<256x64xf32, #tpu.memory_space<hbm>>
        %dma_start3A_757 = arith.constant 0 : i32
        %dma_start3A_758 = arith.constant 0 : i32
        %dma_start3A_759 = tpu.memref_slice %arg8[%dma_start3A_751, %dma_start3A_757, %dma_start3A_758] : memref<2x256x64xf32, #tpu.memory_space<vmem>> -> memref<1x256x64xf32, #tpu.memory_space<vmem>>
        %dma_start3A_760 = tpu.memref_squeeze %dma_start3A_759 : memref<1x256x64xf32, #tpu.memory_space<vmem>> -> memref<256x64xf32, #tpu.memory_space<vmem>>
        %dma_start3A_761 = tpu.memref_slice %arg2[%mul3A_750, %mul3A_0] : memref<320000x128xf32, #tpu.memory_space<hbm>> -> memref<256x64xf32, #tpu.memory_space<hbm>>
        tpu.enqueue_dma source(%dma_start3A_761 : memref<256x64xf32, #tpu.memory_space<hbm>>) target(%dma_start3A_760 : memref<256x64xf32, #tpu.memory_space<vmem>>) target_semaphore(%arg16 : memref<!tpu.dma_semaphore, #tpu.memory_space<semaphore_mem>>)
        %add3A_762 = arith.constant 1 : i32
        %add3A_763 = arith.addi %add3A_590, %add3A_762 : i32
        %mul3A_764 = arith.constant 2 : i32
        %mul3A_765 = arith.muli %mul3A_764, %add3A_763 : i32
        %add3A_766 = arith.addi %add3A, %mul3A_765 : i32
        %dma_start3A_767 = arith.constant 1 : i32
        %dma_start3A_768 = arith.constant 0 : i32
        %dma_start3A_769 = arith.constant 0 : i32
        %dma_start3A_770 = tpu.memref_slice %arg10[%dma_start3A_767, %dma_start3A_768, %dma_start3A_769] : memref<2x2x128xi32, #tpu.memory_space<vmem>> -> memref<1x2x128xi32, #tpu.memory_space<vmem>>
        %dma_start3A_771 = tpu.memref_squeeze %dma_start3A_770 : memref<1x2x128xi32, #tpu.memory_space<vmem>> -> memref<2x128xi32, #tpu.memory_space<vmem>>
        %dma_start3A_772 = arith.constant 0 : i32
        %dma_start3A_773 = tpu.memref_slice %arg3[%add3A_766, %dma_start3A_772] : memref<2500x128xi32, #tpu.memory_space<hbm>> -> memref<2x128xi32, #tpu.memory_space<hbm>>
        %dma_start3A_774 = arith.constant 0 : i32
        %dma_start3A_775 = arith.constant 0 : i32
        %dma_start3A_776 = tpu.memref_slice %arg10[%dma_start3A_767, %dma_start3A_774, %dma_start3A_775] : memref<2x2x128xi32, #tpu.memory_space<vmem>> -> memref<1x2x128xi32, #tpu.memory_space<vmem>>
        %dma_start3A_777 = tpu.memref_squeeze %dma_start3A_776 : memref<1x2x128xi32, #tpu.memory_space<vmem>> -> memref<2x128xi32, #tpu.memory_space<vmem>>
        %dma_start3A_778 = arith.constant 0 : i32
        %dma_start3A_779 = tpu.memref_slice %arg3[%add3A_766, %dma_start3A_778] : memref<2500x128xi32, #tpu.memory_space<hbm>> -> memref<2x128xi32, #tpu.memory_space<hbm>>
        tpu.enqueue_dma source(%dma_start3A_779 : memref<2x128xi32, #tpu.memory_space<hbm>>) target(%dma_start3A_777 : memref<2x128xi32, #tpu.memory_space<vmem>>) target_semaphore(%arg18 : memref<!tpu.dma_semaphore, #tpu.memory_space<semaphore_mem>>)
      } else {
      }
      %mul3A_598 = arith.constant 2 : i32
      %mul3A_599 = arith.muli %mul3A_598, %add3A_590 : i32
      %add3A_600 = arith.addi %add3A, %mul3A_599 : i32
      %mul3A_601 = arith.constant 128 : i32
      %mul3A_602 = arith.muli %add3A_600, %mul3A_601 : i32
      %dma_wait3A_603 = arith.constant 0 : i32
      %dma_wait3A_604 = arith.constant 0 : i32
      %dma_wait3A_605 = arith.constant 0 : i32
      %dma_wait3A_606 = tpu.memref_slice %arg8[%dma_wait3A_603, %dma_wait3A_604, %dma_wait3A_605] : memref<2x256x64xf32, #tpu.memory_space<vmem>> -> memref<1x256x64xf32, #tpu.memory_space<vmem>>
      %dma_wait3A_607 = tpu.memref_squeeze %dma_wait3A_606 : memref<1x256x64xf32, #tpu.memory_space<vmem>> -> memref<256x64xf32, #tpu.memory_space<vmem>>
      %dma_wait3A_608 = tpu.memref_slice %arg2[%mul3A_602, %mul3A_0] : memref<320000x128xf32, #tpu.memory_space<hbm>> -> memref<256x64xf32, #tpu.memory_space<hbm>>
      %dma_wait3A_609 = arith.constant 0 : i32
      %dma_wait3A_610 = arith.constant 0 : i32
      %dma_wait3A_611 = tpu.memref_slice %arg8[%dma_wait3A_603, %dma_wait3A_609, %dma_wait3A_610] : memref<2x256x64xf32, #tpu.memory_space<vmem>> -> memref<1x256x64xf32, #tpu.memory_space<vmem>>
      %dma_wait3A_612 = tpu.memref_squeeze %dma_wait3A_611 : memref<1x256x64xf32, #tpu.memory_space<vmem>> -> memref<256x64xf32, #tpu.memory_space<vmem>>
      %dma_wait3A_613 = tpu.memref_slice %arg2[%mul3A_602, %mul3A_0] : memref<320000x128xf32, #tpu.memory_space<hbm>> -> memref<256x64xf32, #tpu.memory_space<hbm>>
      tpu.wait_dma2 semaphore(%arg15 : memref<!tpu.dma_semaphore, #tpu.memory_space<semaphore_mem>>) src(%dma_wait3A_613 : memref<256x64xf32, #tpu.memory_space<hbm>>) dst(%dma_wait3A_612 : memref<256x64xf32, #tpu.memory_space<vmem>>)
      %dma_wait3A_614 = arith.constant 0 : i32
      %dma_wait3A_615 = arith.constant 0 : i32
      %dma_wait3A_616 = arith.constant 0 : i32
      %dma_wait3A_617 = arith.constant 0 : i32
      %dma_wait3A_618 = arith.constant 0 : i32
      %dma_wait3A_619 = tpu.memref_slice %arg9[%dma_wait3A_616, %dma_wait3A_617, %dma_wait3A_618] : memref<2x256x64xf32, #tpu.memory_space<vmem>> -> memref<1x128x64xf32, #tpu.memory_space<vmem>>
      %dma_wait3A_620 = tpu.memref_squeeze %dma_wait3A_619 : memref<1x128x64xf32, #tpu.memory_space<vmem>> -> memref<128x64xf32, #tpu.memory_space<vmem>>
      %dma_wait3A_621 = arith.constant 0 : i32
      %dma_wait3A_622 = tpu.memref_slice %arg10[%dma_wait3A_614, %dma_wait3A_615, %dma_wait3A_621] : memref<2x2x128xi32, #tpu.memory_space<vmem>> -> memref<1x1x128xi32, #tpu.memory_space<vmem>>
      %dma_wait3A_623 = tpu.memref_squeeze %dma_wait3A_622 : memref<1x1x128xi32, #tpu.memory_space<vmem>> -> memref<128xi32, #tpu.memory_space<vmem>>
      %dma_wait3A_624 = arith.constant 0 : i32
      %dma_wait3A_625 = arith.constant 0 : i32
      %dma_wait3A_626 = tpu.memref_slice %arg6[%dma_wait3A_624, %dma_wait3A_625] : memref<10000x64xf32, #tpu.memory_space<vmem_shared>> -> memref<10000x64xf32, #tpu.memory_space<vmem_shared>>
      tpu.wait_indirect_dma semaphore(%arg21 : memref<!tpu.dma_semaphore, #tpu.memory_space<semaphore_mem>>) src(%dma_wait3A_626 : memref<10000x64xf32, #tpu.memory_space<vmem_shared>>) dst(%dma_wait3A_620 : memref<128x64xf32, #tpu.memory_space<vmem>>)
      %dma_wait3A_627 = arith.constant 0 : i32
      %dma_wait3A_628 = arith.constant 1 : i32
      %dma_wait3A_629 = arith.constant 0 : i32
      %dma_wait3A_630 = arith.constant 128 : i32
      %dma_wait3A_631 = arith.constant 0 : i32
      %dma_wait3A_632 = tpu.memref_slice %arg9[%dma_wait3A_629, %dma_wait3A_630, %dma_wait3A_631] : memref<2x256x64xf32, #tpu.memory_space<vmem>> -> memref<1x128x64xf32, #tpu.memory_space<vmem>>
      %dma_wait3A_633 = tpu.memref_squeeze %dma_wait3A_632 : memref<1x128x64xf32, #tpu.memory_space<vmem>> -> memref<128x64xf32, #tpu.memory_space<vmem>>
      %dma_wait3A_634 = arith.constant 0 : i32
      %dma_wait3A_635 = tpu.memref_slice %arg10[%dma_wait3A_627, %dma_wait3A_628, %dma_wait3A_634] : memref<2x2x128xi32, #tpu.memory_space<vmem>> -> memref<1x1x128xi32, #tpu.memory_space<vmem>>
      %dma_wait3A_636 = tpu.memref_squeeze %dma_wait3A_635 : memref<1x1x128xi32, #tpu.memory_space<vmem>> -> memref<128xi32, #tpu.memory_space<vmem>>
      %dma_wait3A_637 = arith.constant 0 : i32
      %dma_wait3A_638 = arith.constant 0 : i32
      %dma_wait3A_639 = tpu.memref_slice %arg6[%dma_wait3A_637, %dma_wait3A_638] : memref<10000x64xf32, #tpu.memory_space<vmem_shared>> -> memref<10000x64xf32, #tpu.memory_space<vmem_shared>>
      tpu.wait_indirect_dma semaphore(%arg21 : memref<!tpu.dma_semaphore, #tpu.memory_space<semaphore_mem>>) src(%dma_wait3A_639 : memref<10000x64xf32, #tpu.memory_space<vmem_shared>>) dst(%dma_wait3A_633 : memref<128x64xf32, #tpu.memory_space<vmem>>)
      %parallel_loop3A = arith.constant 0 : i32
      %parallel_loop3A_640 = arith.constant 256 : i32
      %parallel_loop3A_641 = arith.constant 1 : i32
      scf.for %parallel_loop3A_744 = %parallel_loop3A to %parallel_loop3A_640 step %parallel_loop3A_641  : i32 {
        %parallel_loop3A_745 = arith.constant 0 : i32
        %parallel_loop3A_746 = arith.index_cast %parallel_loop3A_745 : i32 to index
        %parallel_loop3A_747 = arith.index_cast %parallel_loop3A_744 : i32 to index
        %parallel_loop3A_748 = arith.constant 0 : index
        %parallel_loop3A_749 = tpu.vector_load %arg8[%parallel_loop3A_746, %parallel_loop3A_747, %parallel_loop3A_748] {strides = array<i32>} : memref<2x256x64xf32, #tpu.memory_space<vmem>>, vector<16xf32>,
        %parallel_loop3A_750 = arith.mulf %get3A_4, %parallel_loop3A_749 : vector<16xf32>
        %parallel_loop3A_751 = arith.constant 0 : i32
        %parallel_loop3A_752 = arith.index_cast %parallel_loop3A_751 : i32 to index
        %parallel_loop3A_753 = arith.index_cast %parallel_loop3A_744 : i32 to index
        %parallel_loop3A_754 = arith.constant 0 : index
        %parallel_loop3A_755 = tpu.vector_load %arg9[%parallel_loop3A_752, %parallel_loop3A_753, %parallel_loop3A_754] {strides = array<i32>} : memref<2x256x64xf32, #tpu.memory_space<vmem>>, vector<16xf32>,
        %parallel_loop3A_756 = arith.addf %parallel_loop3A_750, %parallel_loop3A_755 : vector<16xf32>
        %parallel_loop3A_757 = arith.constant 0.000000e+00 : f32
        %parallel_loop3A_758 = vector.broadcast %parallel_loop3A_757 : f32 to vector<16xf32>
        %parallel_loop3A_759 = arith.maximumf %parallel_loop3A_756, %parallel_loop3A_758 : vector<16xf32>
        %parallel_loop3A_760 = arith.constant 0 : i32
        %parallel_loop3A_761 = arith.index_cast %parallel_loop3A_760 : i32 to index
        %parallel_loop3A_762 = arith.index_cast %parallel_loop3A_744 : i32 to index
        %parallel_loop3A_763 = arith.constant 0 : index
        %parallel_loop3A_764 = tpu.vector_load %arg9[%parallel_loop3A_761, %parallel_loop3A_762, %parallel_loop3A_763] {strides = array<i32>} : memref<2x256x64xf32, #tpu.memory_space<vmem>>, vector<16xf32>,
        tpu.vector_store %arg9[%parallel_loop3A_761, %parallel_loop3A_762, %parallel_loop3A_763], %parallel_loop3A_759 {strides = array<i32>} : memref<2x256x64xf32, #tpu.memory_space<vmem>>, vector<16xf32>,
        %parallel_loop3A_765 = arith.constant 0 : i32
        %parallel_loop3A_766 = arith.index_cast %parallel_loop3A_765 : i32 to index
        %parallel_loop3A_767 = arith.index_cast %parallel_loop3A_744 : i32 to index
        %parallel_loop3A_768 = arith.constant 16 : index
        %parallel_loop3A_769 = tpu.vector_load %arg8[%parallel_loop3A_766, %parallel_loop3A_767, %parallel_loop3A_768] {strides = array<i32>} : memref<2x256x64xf32, #tpu.memory_space<vmem>>, vector<16xf32>,
        %parallel_loop3A_770 = arith.mulf %get3A_4, %parallel_loop3A_769 : vector<16xf32>
        %parallel_loop3A_771 = arith.constant 0 : i32
        %parallel_loop3A_772 = arith.index_cast %parallel_loop3A_771 : i32 to index
        %parallel_loop3A_773 = arith.index_cast %parallel_loop3A_744 : i32 to index
        %parallel_loop3A_774 = arith.constant 16 : index
        %parallel_loop3A_775 = tpu.vector_load %arg9[%parallel_loop3A_772, %parallel_loop3A_773, %parallel_loop3A_774] {strides = array<i32>} : memref<2x256x64xf32, #tpu.memory_space<vmem>>, vector<16xf32>,
        %parallel_loop3A_776 = arith.addf %parallel_loop3A_770, %parallel_loop3A_775 : vector<16xf32>
        %parallel_loop3A_777 = arith.constant 0.000000e+00 : f32
        %parallel_loop3A_778 = vector.broadcast %parallel_loop3A_777 : f32 to vector<16xf32>
        %parallel_loop3A_779 = arith.maximumf %parallel_loop3A_776, %parallel_loop3A_778 : vector<16xf32>
        %parallel_loop3A_780 = arith.constant 0 : i32
        %parallel_loop3A_781 = arith.index_cast %parallel_loop3A_780 : i32 to index
        %parallel_loop3A_782 = arith.index_cast %parallel_loop3A_744 : i32 to index
        %parallel_loop3A_783 = arith.constant 16 : index
        %parallel_loop3A_784 = tpu.vector_load %arg9[%parallel_loop3A_781, %parallel_loop3A_782, %parallel_loop3A_783] {strides = array<i32>} : memref<2x256x64xf32, #tpu.memory_space<vmem>>, vector<16xf32>,
        tpu.vector_store %arg9[%parallel_loop3A_781, %parallel_loop3A_782, %parallel_loop3A_783], %parallel_loop3A_779 {strides = array<i32>} : memref<2x256x64xf32, #tpu.memory_space<vmem>>, vector<16xf32>,
        %parallel_loop3A_785 = arith.constant 0 : i32
        %parallel_loop3A_786 = arith.index_cast %parallel_loop3A_785 : i32 to index
        %parallel_loop3A_787 = arith.index_cast %parallel_loop3A_744 : i32 to index
        %parallel_loop3A_788 = arith.constant 32 : index
        %parallel_loop3A_789 = tpu.vector_load %arg8[%parallel_loop3A_786, %parallel_loop3A_787, %parallel_loop3A_788] {strides = array<i32>} : memref<2x256x64xf32, #tpu.memory_space<vmem>>, vector<16xf32>,
        %parallel_loop3A_790 = arith.mulf %get3A_4, %parallel_loop3A_789 : vector<16xf32>
        %parallel_loop3A_791 = arith.constant 0 : i32
        %parallel_loop3A_792 = arith.index_cast %parallel_loop3A_791 : i32 to index
        %parallel_loop3A_793 = arith.index_cast %parallel_loop3A_744 : i32 to index
        %parallel_loop3A_794 = arith.constant 32 : index
        %parallel_loop3A_795 = tpu.vector_load %arg9[%parallel_loop3A_792, %parallel_loop3A_793, %parallel_loop3A_794] {strides = array<i32>} : memref<2x256x64xf32, #tpu.memory_space<vmem>>, vector<16xf32>,
        %parallel_loop3A_796 = arith.addf %parallel_loop3A_790, %parallel_loop3A_795 : vector<16xf32>
        %parallel_loop3A_797 = arith.constant 0.000000e+00 : f32
        %parallel_loop3A_798 = vector.broadcast %parallel_loop3A_797 : f32 to vector<16xf32>
        %parallel_loop3A_799 = arith.maximumf %parallel_loop3A_796, %parallel_loop3A_798 : vector<16xf32>
        %parallel_loop3A_800 = arith.constant 0 : i32
        %parallel_loop3A_801 = arith.index_cast %parallel_loop3A_800 : i32 to index
        %parallel_loop3A_802 = arith.index_cast %parallel_loop3A_744 : i32 to index
        %parallel_loop3A_803 = arith.constant 32 : index
        %parallel_loop3A_804 = tpu.vector_load %arg9[%parallel_loop3A_801, %parallel_loop3A_802, %parallel_loop3A_803] {strides = array<i32>} : memref<2x256x64xf32, #tpu.memory_space<vmem>>, vector<16xf32>,
        tpu.vector_store %arg9[%parallel_loop3A_801, %parallel_loop3A_802, %parallel_loop3A_803], %parallel_loop3A_799 {strides = array<i32>} : memref<2x256x64xf32, #tpu.memory_space<vmem>>, vector<16xf32>,
        %parallel_loop3A_805 = arith.constant 0 : i32
        %parallel_loop3A_806 = arith.index_cast %parallel_loop3A_805 : i32 to index
        %parallel_loop3A_807 = arith.index_cast %parallel_loop3A_744 : i32 to index
        %parallel_loop3A_808 = arith.constant 48 : index
        %parallel_loop3A_809 = tpu.vector_load %arg8[%parallel_loop3A_806, %parallel_loop3A_807, %parallel_loop3A_808] {strides = array<i32>} : memref<2x256x64xf32, #tpu.memory_space<vmem>>, vector<16xf32>,
        %parallel_loop3A_810 = arith.mulf %get3A_4, %parallel_loop3A_809 : vector<16xf32>
        %parallel_loop3A_811 = arith.constant 0 : i32
        %parallel_loop3A_812 = arith.index_cast %parallel_loop3A_811 : i32 to index
        %parallel_loop3A_813 = arith.index_cast %parallel_loop3A_744 : i32 to index
        %parallel_loop3A_814 = arith.constant 48 : index
        %parallel_loop3A_815 = tpu.vector_load %arg9[%parallel_loop3A_812, %parallel_loop3A_813, %parallel_loop3A_814] {strides = array<i32>} : memref<2x256x64xf32, #tpu.memory_space<vmem>>, vector<16xf32>,
        %parallel_loop3A_816 = arith.addf %parallel_loop3A_810, %parallel_loop3A_815 : vector<16xf32>
        %parallel_loop3A_817 = arith.constant 0.000000e+00 : f32
        %parallel_loop3A_818 = vector.broadcast %parallel_loop3A_817 : f32 to vector<16xf32>
        %parallel_loop3A_819 = arith.maximumf %parallel_loop3A_816, %parallel_loop3A_818 : vector<16xf32>
        %parallel_loop3A_820 = arith.constant 0 : i32
        %parallel_loop3A_821 = arith.index_cast %parallel_loop3A_820 : i32 to index
        %parallel_loop3A_822 = arith.index_cast %parallel_loop3A_744 : i32 to index
        %parallel_loop3A_823 = arith.constant 48 : index
        %parallel_loop3A_824 = tpu.vector_load %arg9[%parallel_loop3A_821, %parallel_loop3A_822, %parallel_loop3A_823] {strides = array<i32>} : memref<2x256x64xf32, #tpu.memory_space<vmem>>, vector<16xf32>,
        tpu.vector_store %arg9[%parallel_loop3A_821, %parallel_loop3A_822, %parallel_loop3A_823], %parallel_loop3A_819 {strides = array<i32>} : memref<2x256x64xf32, #tpu.memory_space<vmem>>, vector<16xf32>,
      } {sc.loop_unroll_factor = 2 : i64, sc.parallel_access}
      %mul3A_642 = arith.constant 2 : i32
      %mul3A_643 = arith.muli %mul3A_642, %add3A_590 : i32
      %add3A_644 = arith.addi %add3A, %mul3A_643 : i32
      %mul3A_645 = arith.constant 128 : i32
      %mul3A_646 = arith.muli %add3A_644, %mul3A_645 : i32
      %dma_start3A_647 = arith.constant 0 : i32
      %dma_start3A_648 = arith.constant 0 : i32
      %dma_start3A_649 = arith.constant 0 : i32
      %dma_start3A_650 = tpu.memref_slice %arg9[%dma_start3A_647, %dma_start3A_648, %dma_start3A_649] : memref<2x256x64xf32, #tpu.memory_space<vmem>> -> memref<1x256x64xf32, #tpu.memory_space<vmem>>
      %dma_start3A_651 = tpu.memref_squeeze %dma_start3A_650 : memref<1x256x64xf32, #tpu.memory_space<vmem>> -> memref<256x64xf32, #tpu.memory_space<vmem>>
      %dma_start3A_652 = tpu.memref_slice %arg5[%mul3A_646, %mul3A_0] : memref<320000x128xf32, #tpu.memory_space<hbm>> -> memref<256x64xf32, #tpu.memory_space<hbm>>
      %dma_start3A_653 = tpu.memref_slice %arg5[%mul3A_646, %mul3A_0] : memref<320000x128xf32, #tpu.memory_space<hbm>> -> memref<256x64xf32, #tpu.memory_space<hbm>>
      %dma_start3A_654 = arith.constant 0 : i32
      %dma_start3A_655 = arith.constant 0 : i32
      %dma_start3A_656 = tpu.memref_slice %arg9[%dma_start3A_647, %dma_start3A_654, %dma_start3A_655] : memref<2x256x64xf32, #tpu.memory_space<vmem>> -> memref<1x256x64xf32, #tpu.memory_space<vmem>>
      %dma_start3A_657 = tpu.memref_squeeze %dma_start3A_656 : memref<1x256x64xf32, #tpu.memory_space<vmem>> -> memref<256x64xf32, #tpu.memory_space<vmem>>
      tpu.enqueue_dma source(%dma_start3A_657 : memref<256x64xf32, #tpu.memory_space<vmem>>) target(%dma_start3A_653 : memref<256x64xf32, #tpu.memory_space<hbm>>) target_semaphore(%arg19 : memref<!tpu.dma_semaphore, #tpu.memory_space<semaphore_mem>>)
      %add3A_658 = arith.constant 1 : i32
      %add3A_659 = arith.addi %add3A_590, %add3A_658 : i32
      %lt3A_660 = arith.constant 78 : i32
      %lt3A_661 = arith.cmpi slt, %add3A_659, %lt3A_660 : i32
      %convert_element_type3A_662 = arith.extui %lt3A_661 : i1 to i32
      %cond3A_663 = arith.constant 0 : i32
      %cond3A_664 = arith.cmpi ne, %convert_element_type3A_662, %cond3A_663 : i32
      scf.if %cond3A_664 {
        %add3A_744 = arith.constant 1 : i32
        %add3A_745 = arith.addi %add3A_590, %add3A_744 : i32
        %mul3A_746 = arith.constant 2 : i32
        %mul3A_747 = arith.muli %mul3A_746, %add3A_745 : i32
        %add3A_748 = arith.addi %add3A, %mul3A_747 : i32
        %dma_wait3A_749 = arith.constant 1 : i32
        %dma_wait3A_750 = arith.constant 0 : i32
        %dma_wait3A_751 = arith.constant 0 : i32
        %dma_wait3A_752 = tpu.memref_slice %arg10[%dma_wait3A_749, %dma_wait3A_750, %dma_wait3A_751] : memref<2x2x128xi32, #tpu.memory_space<vmem>> -> memref<1x2x128xi32, #tpu.memory_space<vmem>>
        %dma_wait3A_753 = tpu.memref_squeeze %dma_wait3A_752 : memref<1x2x128xi32, #tpu.memory_space<vmem>> -> memref<2x128xi32, #tpu.memory_space<vmem>>
        %dma_wait3A_754 = arith.constant 0 : i32
        %dma_wait3A_755 = tpu.memref_slice %arg3[%add3A_748, %dma_wait3A_754] : memref<2500x128xi32, #tpu.memory_space<hbm>> -> memref<2x128xi32, #tpu.memory_space<hbm>>
        %dma_wait3A_756 = arith.constant 0 : i32
        %dma_wait3A_757 = arith.constant 0 : i32
        %dma_wait3A_758 = tpu.memref_slice %arg10[%dma_wait3A_749, %dma_wait3A_756, %dma_wait3A_757] : memref<2x2x128xi32, #tpu.memory_space<vmem>> -> memref<1x2x128xi32, #tpu.memory_space<vmem>>
        %dma_wait3A_759 = tpu.memref_squeeze %dma_wait3A_758 : memref<1x2x128xi32, #tpu.memory_space<vmem>> -> memref<2x128xi32, #tpu.memory_space<vmem>>
        %dma_wait3A_760 = arith.constant 0 : i32
        %dma_wait3A_761 = tpu.memref_slice %arg3[%add3A_748, %dma_wait3A_760] : memref<2500x128xi32, #tpu.memory_space<hbm>> -> memref<2x128xi32, #tpu.memory_space<hbm>>
        tpu.wait_dma2 semaphore(%arg18 : memref<!tpu.dma_semaphore, #tpu.memory_space<semaphore_mem>>) src(%dma_wait3A_761 : memref<2x128xi32, #tpu.memory_space<hbm>>) dst(%dma_wait3A_759 : memref<2x128xi32, #tpu.memory_space<vmem>>)
        %ge3A = arith.constant 1 : i32
        %ge3A_762 = arith.cmpi sge, %add3A_590, %ge3A : i32
        %convert_element_type3A_763 = arith.extui %ge3A_762 : i1 to i32
        %cond3A_764 = arith.constant 0 : i32
        %cond3A_765 = arith.cmpi ne, %convert_element_type3A_763, %cond3A_764 : i32
        scf.if %cond3A_765 {
          %add3A_792 = arith.constant 0 : i32
          %add3A_793 = arith.addi %add3A, %add3A_792 : i32
          %mul3A_794 = arith.constant 128 : i32
          %mul3A_795 = arith.muli %add3A_793, %mul3A_794 : i32
          %dma_wait3A_796 = arith.constant 1 : i32
          %dma_wait3A_797 = arith.constant 0 : i32
          %dma_wait3A_798 = arith.constant 0 : i32
          %dma_wait3A_799 = tpu.memref_slice %arg9[%dma_wait3A_796, %dma_wait3A_797, %dma_wait3A_798] : memref<2x256x64xf32, #tpu.memory_space<vmem>> -> memref<1x256x64xf32, #tpu.memory_space<vmem>>
          %dma_wait3A_800 = tpu.memref_squeeze %dma_wait3A_799 : memref<1x256x64xf32, #tpu.memory_space<vmem>> -> memref<256x64xf32, #tpu.memory_space<vmem>>
          %dma_wait3A_801 = tpu.memref_slice %arg5[%mul3A_795, %mul3A_0] : memref<320000x128xf32, #tpu.memory_space<hbm>> -> memref<256x64xf32, #tpu.memory_space<hbm>>
          %dma_wait3A_802 = tpu.memref_slice %arg5[%mul3A_795, %mul3A_0] : memref<320000x128xf32, #tpu.memory_space<hbm>> -> memref<256x64xf32, #tpu.memory_space<hbm>>
          %dma_wait3A_803 = arith.constant 0 : i32
          %dma_wait3A_804 = arith.constant 0 : i32
          %dma_wait3A_805 = tpu.memref_slice %arg9[%dma_wait3A_796, %dma_wait3A_803, %dma_wait3A_804] : memref<2x256x64xf32, #tpu.memory_space<vmem>> -> memref<1x256x64xf32, #tpu.memory_space<vmem>>
          %dma_wait3A_806 = tpu.memref_squeeze %dma_wait3A_805 : memref<1x256x64xf32, #tpu.memory_space<vmem>> -> memref<256x64xf32, #tpu.memory_space<vmem>>
          tpu.wait_dma2 semaphore(%arg20 : memref<!tpu.dma_semaphore, #tpu.memory_space<semaphore_mem>>) src(%dma_wait3A_806 : memref<256x64xf32, #tpu.memory_space<vmem>>) dst(%dma_wait3A_802 : memref<256x64xf32, #tpu.memory_space<hbm>>)
        } else {
        }
        %dma_start3A_766 = arith.constant 1 : i32
        %dma_start3A_767 = arith.constant 0 : i32
        %dma_start3A_768 = arith.constant 1 : i32
        %dma_start3A_769 = arith.constant 0 : i32
        %dma_start3A_770 = arith.constant 0 : i32
        %dma_start3A_771 = tpu.memref_slice %arg9[%dma_start3A_768, %dma_start3A_769, %dma_start3A_770] : memref<2x256x64xf32, #tpu.memory_space<vmem>> -> memref<1x128x64xf32, #tpu.memory_space<vmem>>
        %dma_start3A_772 = tpu.memref_squeeze %dma_start3A_771 : memref<1x128x64xf32, #tpu.memory_space<vmem>> -> memref<128x64xf32, #tpu.memory_space<vmem>>
        %dma_start3A_773 = arith.constant 0 : i32
        %dma_start3A_774 = tpu.memref_slice %arg10[%dma_start3A_766, %dma_start3A_767, %dma_start3A_773] : memref<2x2x128xi32, #tpu.memory_space<vmem>> -> memref<1x1x128xi32, #tpu.memory_space<vmem>>
        %dma_start3A_775 = tpu.memref_squeeze %dma_start3A_774 : memref<1x1x128xi32, #tpu.memory_space<vmem>> -> memref<128xi32, #tpu.memory_space<vmem>>
        %dma_start3A_776 = arith.constant 0 : i32
        %dma_start3A_777 = arith.constant 0 : i32
        %dma_start3A_778 = tpu.memref_slice %arg6[%dma_start3A_776, %dma_start3A_777] : memref<10000x64xf32, #tpu.memory_space<vmem_shared>> -> memref<10000x64xf32, #tpu.memory_space<vmem_shared>>
        tpu.enqueue_indirect_dma source(%dma_start3A_778 : memref<10000x64xf32, #tpu.memory_space<vmem_shared>>) target(%dma_start3A_772 : memref<128x64xf32, #tpu.memory_space<vmem>>) offsets(%dma_start3A_775 : memref<128xi32, #tpu.memory_space<vmem>>) semaphore(%arg22 : memref<!tpu.dma_semaphore, #tpu.memory_space<semaphore_mem>>)
        %dma_start3A_779 = arith.constant 1 : i32
        %dma_start3A_780 = arith.constant 1 : i32
        %dma_start3A_781 = arith.constant 1 : i32
        %dma_start3A_782 = arith.constant 128 : i32
        %dma_start3A_783 = arith.constant 0 : i32
        %dma_start3A_784 = tpu.memref_slice %arg9[%dma_start3A_781, %dma_start3A_782, %dma_start3A_783] : memref<2x256x64xf32, #tpu.memory_space<vmem>> -> memref<1x128x64xf32, #tpu.memory_space<vmem>>
        %dma_start3A_785 = tpu.memref_squeeze %dma_start3A_784 : memref<1x128x64xf32, #tpu.memory_space<vmem>> -> memref<128x64xf32, #tpu.memory_space<vmem>>
        %dma_start3A_786 = arith.constant 0 : i32
        %dma_start3A_787 = tpu.memref_slice %arg10[%dma_start3A_779, %dma_start3A_780, %dma_start3A_786] : memref<2x2x128xi32, #tpu.memory_space<vmem>> -> memref<1x1x128xi32, #tpu.memory_space<vmem>>
        %dma_start3A_788 = tpu.memref_squeeze %dma_start3A_787 : memref<1x1x128xi32, #tpu.memory_space<vmem>> -> memref<128xi32, #tpu.memory_space<vmem>>
        %dma_start3A_789 = arith.constant 0 : i32
        %dma_start3A_790 = arith.constant 0 : i32
        %dma_start3A_791 = tpu.memref_slice %arg6[%dma_start3A_789, %dma_start3A_790] : memref<10000x64xf32, #tpu.memory_space<vmem_shared>> -> memref<10000x64xf32, #tpu.memory_space<vmem_shared>>
        tpu.enqueue_indirect_dma source(%dma_start3A_791 : memref<10000x64xf32, #tpu.memory_space<vmem_shared>>) target(%dma_start3A_785 : memref<128x64xf32, #tpu.memory_space<vmem>>) offsets(%dma_start3A_788 : memref<128xi32, #tpu.memory_space<vmem>>) semaphore(%arg22 : memref<!tpu.dma_semaphore, #tpu.memory_space<semaphore_mem>>)
      } else {
      }
      %mul3A_665 = arith.constant 2 : i32
      %mul3A_666 = arith.muli %mul3A_665, %scan3A_586 : i32
      %add3A_667 = arith.constant 1 : i32
      %add3A_668 = arith.addi %mul3A_666, %add3A_667 : i32
      %add3A_669 = arith.constant 1 : i32
      %add3A_670 = arith.addi %add3A_668, %add3A_669 : i32
      %lt3A_671 = arith.constant 78 : i32
      %lt3A_672 = arith.cmpi slt, %add3A_670, %lt3A_671 : i32
      %convert_element_type3A_673 = arith.extui %lt3A_672 : i1 to i32
      %cond3A_674 = arith.constant 0 : i32
      %cond3A_675 = arith.cmpi ne, %convert_element_type3A_673, %cond3A_674 : i32
      scf.if %cond3A_675 {
        %add3A_744 = arith.constant 1 : i32
        %add3A_745 = arith.addi %add3A_668, %add3A_744 : i32
        %mul3A_746 = arith.constant 2 : i32
        %mul3A_747 = arith.muli %mul3A_746, %add3A_745 : i32
        %add3A_748 = arith.addi %add3A, %mul3A_747 : i32
        %mul3A_749 = arith.constant 128 : i32
        %mul3A_750 = arith.muli %add3A_748, %mul3A_749 : i32
        %dma_start3A_751 = arith.constant 0 : i32
        %dma_start3A_752 = arith.constant 0 : i32
        %dma_start3A_753 = arith.constant 0 : i32
        %dma_start3A_754 = tpu.memref_slice %arg8[%dma_start3A_751, %dma_start3A_752, %dma_start3A_753] : memref<2x256x64xf32, #tpu.memory_space<vmem>> -> memref<1x256x64xf32, #tpu.memory_space<vmem>>
        %dma_start3A_755 = tpu.memref_squeeze %dma_start3A_754 : memref<1x256x64xf32, #tpu.memory_space<vmem>> -> memref<256x64xf32, #tpu.memory_space<vmem>>
        %dma_start3A_756 = tpu.memref_slice %arg2[%mul3A_750, %mul3A_0] : memref<320000x128xf32, #tpu.memory_space<hbm>> -> memref<256x64xf32, #tpu.memory_space<hbm>>
        %dma_start3A_757 = arith.constant 0 : i32
        %dma_start3A_758 = arith.constant 0 : i32
        %dma_start3A_759 = tpu.memref_slice %arg8[%dma_start3A_751, %dma_start3A_757, %dma_start3A_758] : memref<2x256x64xf32, #tpu.memory_space<vmem>> -> memref<1x256x64xf32, #tpu.memory_space<vmem>>
        %dma_start3A_760 = tpu.memref_squeeze %dma_start3A_759 : memref<1x256x64xf32, #tpu.memory_space<vmem>> -> memref<256x64xf32, #tpu.memory_space<vmem>>
        %dma_start3A_761 = tpu.memref_slice %arg2[%mul3A_750, %mul3A_0] : memref<320000x128xf32, #tpu.memory_space<hbm>> -> memref<256x64xf32, #tpu.memory_space<hbm>>
        tpu.enqueue_dma source(%dma_start3A_761 : memref<256x64xf32, #tpu.memory_space<hbm>>) target(%dma_start3A_760 : memref<256x64xf32, #tpu.memory_space<vmem>>) target_semaphore(%arg15 : memref<!tpu.dma_semaphore, #tpu.memory_space<semaphore_mem>>)
        %add3A_762 = arith.constant 1 : i32
        %add3A_763 = arith.addi %add3A_668, %add3A_762 : i32
        %mul3A_764 = arith.constant 2 : i32
        %mul3A_765 = arith.muli %mul3A_764, %add3A_763 : i32
        %add3A_766 = arith.addi %add3A, %mul3A_765 : i32
        %dma_start3A_767 = arith.constant 0 : i32
        %dma_start3A_768 = arith.constant 0 : i32
        %dma_start3A_769 = arith.constant 0 : i32
        %dma_start3A_770 = tpu.memref_slice %arg10[%dma_start3A_767, %dma_start3A_768, %dma_start3A_769] : memref<2x2x128xi32, #tpu.memory_space<vmem>> -> memref<1x2x128xi32, #tpu.memory_space<vmem>>
        %dma_start3A_771 = tpu.memref_squeeze %dma_start3A_770 : memref<1x2x128xi32, #tpu.memory_space<vmem>> -> memref<2x128xi32, #tpu.memory_space<vmem>>
        %dma_start3A_772 = arith.constant 0 : i32
        %dma_start3A_773 = tpu.memref_slice %arg3[%add3A_766, %dma_start3A_772] : memref<2500x128xi32, #tpu.memory_space<hbm>> -> memref<2x128xi32, #tpu.memory_space<hbm>>
        %dma_start3A_774 = arith.constant 0 : i32
        %dma_start3A_775 = arith.constant 0 : i32
        %dma_start3A_776 = tpu.memref_slice %arg10[%dma_start3A_767, %dma_start3A_774, %dma_start3A_775] : memref<2x2x128xi32, #tpu.memory_space<vmem>> -> memref<1x2x128xi32, #tpu.memory_space<vmem>>
        %dma_start3A_777 = tpu.memref_squeeze %dma_start3A_776 : memref<1x2x128xi32, #tpu.memory_space<vmem>> -> memref<2x128xi32, #tpu.memory_space<vmem>>
        %dma_start3A_778 = arith.constant 0 : i32
        %dma_start3A_779 = tpu.memref_slice %arg3[%add3A_766, %dma_start3A_778] : memref<2500x128xi32, #tpu.memory_space<hbm>> -> memref<2x128xi32, #tpu.memory_space<hbm>>
        tpu.enqueue_dma source(%dma_start3A_779 : memref<2x128xi32, #tpu.memory_space<hbm>>) target(%dma_start3A_777 : memref<2x128xi32, #tpu.memory_space<vmem>>) target_semaphore(%arg17 : memref<!tpu.dma_semaphore, #tpu.memory_space<semaphore_mem>>)
      } else {
      }
      %mul3A_676 = arith.constant 2 : i32
      %mul3A_677 = arith.muli %mul3A_676, %add3A_668 : i32
      %add3A_678 = arith.addi %add3A, %mul3A_677 : i32
      %mul3A_679 = arith.constant 128 : i32
      %mul3A_680 = arith.muli %add3A_678, %mul3A_679 : i32
      %dma_wait3A_681 = arith.constant 1 : i32
      %dma_wait3A_682 = arith.constant 0 : i32
      %dma_wait3A_683 = arith.constant 0 : i32
      %dma_wait3A_684 = tpu.memref_slice %arg8[%dma_wait3A_681, %dma_wait3A_682, %dma_wait3A_683] : memref<2x256x64xf32, #tpu.memory_space<vmem>> -> memref<1x256x64xf32, #tpu.memory_space<vmem>>
      %dma_wait3A_685 = tpu.memref_squeeze %dma_wait3A_684 : memref<1x256x64xf32, #tpu.memory_space<vmem>> -> memref<256x64xf32, #tpu.memory_space<vmem>>
      %dma_wait3A_686 = tpu.memref_slice %arg2[%mul3A_680, %mul3A_0] : memref<320000x128xf32, #tpu.memory_space<hbm>> -> memref<256x64xf32, #tpu.memory_space<hbm>>
      %dma_wait3A_687 = arith.constant 0 : i32
      %dma_wait3A_688 = arith.constant 0 : i32
      %dma_wait3A_689 = tpu.memref_slice %arg8[%dma_wait3A_681, %dma_wait3A_687, %dma_wait3A_688] : memref<2x256x64xf32, #tpu.memory_space<vmem>> -> memref<1x256x64xf32, #tpu.memory_space<vmem>>
      %dma_wait3A_690 = tpu.memref_squeeze %dma_wait3A_689 : memref<1x256x64xf32, #tpu.memory_space<vmem>> -> memref<256x64xf32, #tpu.memory_space<vmem>>
      %dma_wait3A_691 = tpu.memref_slice %arg2[%mul3A_680, %mul3A_0] : memref<320000x128xf32, #tpu.memory_space<hbm>> -> memref<256x64xf32, #tpu.memory_space<hbm>>
      tpu.wait_dma2 semaphore(%arg16 : memref<!tpu.dma_semaphore, #tpu.memory_space<semaphore_mem>>) src(%dma_wait3A_691 : memref<256x64xf32, #tpu.memory_space<hbm>>) dst(%dma_wait3A_690 : memref<256x64xf32, #tpu.memory_space<vmem>>)
      %dma_wait3A_692 = arith.constant 1 : i32
      %dma_wait3A_693 = arith.constant 0 : i32
      %dma_wait3A_694 = arith.constant 1 : i32
      %dma_wait3A_695 = arith.constant 0 : i32
      %dma_wait3A_696 = arith.constant 0 : i32
      %dma_wait3A_697 = tpu.memref_slice %arg9[%dma_wait3A_694, %dma_wait3A_695, %dma_wait3A_696] : memref<2x256x64xf32, #tpu.memory_space<vmem>> -> memref<1x128x64xf32, #tpu.memory_space<vmem>>
      %dma_wait3A_698 = tpu.memref_squeeze %dma_wait3A_697 : memref<1x128x64xf32, #tpu.memory_space<vmem>> -> memref<128x64xf32, #tpu.memory_space<vmem>>
      %dma_wait3A_699 = arith.constant 0 : i32
      %dma_wait3A_700 = tpu.memref_slice %arg10[%dma_wait3A_692, %dma_wait3A_693, %dma_wait3A_699] : memref<2x2x128xi32, #tpu.memory_space<vmem>> -> memref<1x1x128xi32, #tpu.memory_space<vmem>>
      %dma_wait3A_701 = tpu.memref_squeeze %dma_wait3A_700 : memref<1x1x128xi32, #tpu.memory_space<vmem>> -> memref<128xi32, #tpu.memory_space<vmem>>
      %dma_wait3A_702 = arith.constant 0 : i32
      %dma_wait3A_703 = arith.constant 0 : i32
      %dma_wait3A_704 = tpu.memref_slice %arg6[%dma_wait3A_702, %dma_wait3A_703] : memref<10000x64xf32, #tpu.memory_space<vmem_shared>> -> memref<10000x64xf32, #tpu.memory_space<vmem_shared>>
      tpu.wait_indirect_dma semaphore(%arg22 : memref<!tpu.dma_semaphore, #tpu.memory_space<semaphore_mem>>) src(%dma_wait3A_704 : memref<10000x64xf32, #tpu.memory_space<vmem_shared>>) dst(%dma_wait3A_698 : memref<128x64xf32, #tpu.memory_space<vmem>>)
      %dma_wait3A_705 = arith.constant 1 : i32
      %dma_wait3A_706 = arith.constant 1 : i32
      %dma_wait3A_707 = arith.constant 1 : i32
      %dma_wait3A_708 = arith.constant 128 : i32
      %dma_wait3A_709 = arith.constant 0 : i32
      %dma_wait3A_710 = tpu.memref_slice %arg9[%dma_wait3A_707, %dma_wait3A_708, %dma_wait3A_709] : memref<2x256x64xf32, #tpu.memory_space<vmem>> -> memref<1x128x64xf32, #tpu.memory_space<vmem>>
      %dma_wait3A_711 = tpu.memref_squeeze %dma_wait3A_710 : memref<1x128x64xf32, #tpu.memory_space<vmem>> -> memref<128x64xf32, #tpu.memory_space<vmem>>
      %dma_wait3A_712 = arith.constant 0 : i32
      %dma_wait3A_713 = tpu.memref_slice %arg10[%dma_wait3A_705, %dma_wait3A_706, %dma_wait3A_712] : memref<2x2x128xi32, #tpu.memory_space<vmem>> -> memref<1x1x128xi32, #tpu.memory_space<vmem>>
      %dma_wait3A_714 = tpu.memref_squeeze %dma_wait3A_713 : memref<1x1x128xi32, #tpu.memory_space<vmem>> -> memref<128xi32, #tpu.memory_space<vmem>>
      %dma_wait3A_715 = arith.constant 0 : i32
      %dma_wait3A_716 = arith.constant 0 : i32
      %dma_wait3A_717 = tpu.memref_slice %arg6[%dma_wait3A_715, %dma_wait3A_716] : memref<10000x64xf32, #tpu.memory_space<vmem_shared>> -> memref<10000x64xf32, #tpu.memory_space<vmem_shared>>
      tpu.wait_indirect_dma semaphore(%arg22 : memref<!tpu.dma_semaphore, #tpu.memory_space<semaphore_mem>>) src(%dma_wait3A_717 : memref<10000x64xf32, #tpu.memory_space<vmem_shared>>) dst(%dma_wait3A_711 : memref<128x64xf32, #tpu.memory_space<vmem>>)
      %parallel_loop3A_718 = arith.constant 0 : i32
      %parallel_loop3A_719 = arith.constant 256 : i32
      %parallel_loop3A_720 = arith.constant 1 : i32
      scf.for %parallel_loop3A_744 = %parallel_loop3A_718 to %parallel_loop3A_719 step %parallel_loop3A_720  : i32 {
        %parallel_loop3A_745 = arith.constant 1 : i32
        %parallel_loop3A_746 = arith.index_cast %parallel_loop3A_745 : i32 to index
        %parallel_loop3A_747 = arith.index_cast %parallel_loop3A_744 : i32 to index
        %parallel_loop3A_748 = arith.constant 0 : index
        %parallel_loop3A_749 = tpu.vector_load %arg8[%parallel_loop3A_746, %parallel_loop3A_747, %parallel_loop3A_748] {strides = array<i32>} : memref<2x256x64xf32, #tpu.memory_space<vmem>>, vector<16xf32>,
        %parallel_loop3A_750 = arith.mulf %get3A_4, %parallel_loop3A_749 : vector<16xf32>
        %parallel_loop3A_751 = arith.constant 1 : i32
        %parallel_loop3A_752 = arith.index_cast %parallel_loop3A_751 : i32 to index
        %parallel_loop3A_753 = arith.index_cast %parallel_loop3A_744 : i32 to index
        %parallel_loop3A_754 = arith.constant 0 : index
        %parallel_loop3A_755 = tpu.vector_load %arg9[%parallel_loop3A_752, %parallel_loop3A_753, %parallel_loop3A_754] {strides = array<i32>} : memref<2x256x64xf32, #tpu.memory_space<vmem>>, vector<16xf32>,
        %parallel_loop3A_756 = arith.addf %parallel_loop3A_750, %parallel_loop3A_755 : vector<16xf32>
        %parallel_loop3A_757 = arith.constant 0.000000e+00 : f32
        %parallel_loop3A_758 = vector.broadcast %parallel_loop3A_757 : f32 to vector<16xf32>
        %parallel_loop3A_759 = arith.maximumf %parallel_loop3A_756, %parallel_loop3A_758 : vector<16xf32>
        %parallel_loop3A_760 = arith.constant 1 : i32
        %parallel_loop3A_761 = arith.index_cast %parallel_loop3A_760 : i32 to index
        %parallel_loop3A_762 = arith.index_cast %parallel_loop3A_744 : i32 to index
        %parallel_loop3A_763 = arith.constant 0 : index
        %parallel_loop3A_764 = tpu.vector_load %arg9[%parallel_loop3A_761, %parallel_loop3A_762, %parallel_loop3A_763] {strides = array<i32>} : memref<2x256x64xf32, #tpu.memory_space<vmem>>, vector<16xf32>,
        tpu.vector_store %arg9[%parallel_loop3A_761, %parallel_loop3A_762, %parallel_loop3A_763], %parallel_loop3A_759 {strides = array<i32>} : memref<2x256x64xf32, #tpu.memory_space<vmem>>, vector<16xf32>,
        %parallel_loop3A_765 = arith.constant 1 : i32
        %parallel_loop3A_766 = arith.index_cast %parallel_loop3A_765 : i32 to index
        %parallel_loop3A_767 = arith.index_cast %parallel_loop3A_744 : i32 to index
        %parallel_loop3A_768 = arith.constant 16 : index
        %parallel_loop3A_769 = tpu.vector_load %arg8[%parallel_loop3A_766, %parallel_loop3A_767, %parallel_loop3A_768] {strides = array<i32>} : memref<2x256x64xf32, #tpu.memory_space<vmem>>, vector<16xf32>,
        %parallel_loop3A_770 = arith.mulf %get3A_4, %parallel_loop3A_769 : vector<16xf32>
        %parallel_loop3A_771 = arith.constant 1 : i32
        %parallel_loop3A_772 = arith.index_cast %parallel_loop3A_771 : i32 to index
        %parallel_loop3A_773 = arith.index_cast %parallel_loop3A_744 : i32 to index
        %parallel_loop3A_774 = arith.constant 16 : index
        %parallel_loop3A_775 = tpu.vector_load %arg9[%parallel_loop3A_772, %parallel_loop3A_773, %parallel_loop3A_774] {strides = array<i32>} : memref<2x256x64xf32, #tpu.memory_space<vmem>>, vector<16xf32>,
        %parallel_loop3A_776 = arith.addf %parallel_loop3A_770, %parallel_loop3A_775 : vector<16xf32>
        %parallel_loop3A_777 = arith.constant 0.000000e+00 : f32
        %parallel_loop3A_778 = vector.broadcast %parallel_loop3A_777 : f32 to vector<16xf32>
        %parallel_loop3A_779 = arith.maximumf %parallel_loop3A_776, %parallel_loop3A_778 : vector<16xf32>
        %parallel_loop3A_780 = arith.constant 1 : i32
        %parallel_loop3A_781 = arith.index_cast %parallel_loop3A_780 : i32 to index
        %parallel_loop3A_782 = arith.index_cast %parallel_loop3A_744 : i32 to index
        %parallel_loop3A_783 = arith.constant 16 : index
        %parallel_loop3A_784 = tpu.vector_load %arg9[%parallel_loop3A_781, %parallel_loop3A_782, %parallel_loop3A_783] {strides = array<i32>} : memref<2x256x64xf32, #tpu.memory_space<vmem>>, vector<16xf32>,
        tpu.vector_store %arg9[%parallel_loop3A_781, %parallel_loop3A_782, %parallel_loop3A_783], %parallel_loop3A_779 {strides = array<i32>} : memref<2x256x64xf32, #tpu.memory_space<vmem>>, vector<16xf32>,
        %parallel_loop3A_785 = arith.constant 1 : i32
        %parallel_loop3A_786 = arith.index_cast %parallel_loop3A_785 : i32 to index
        %parallel_loop3A_787 = arith.index_cast %parallel_loop3A_744 : i32 to index
        %parallel_loop3A_788 = arith.constant 32 : index
        %parallel_loop3A_789 = tpu.vector_load %arg8[%parallel_loop3A_786, %parallel_loop3A_787, %parallel_loop3A_788] {strides = array<i32>} : memref<2x256x64xf32, #tpu.memory_space<vmem>>, vector<16xf32>,
        %parallel_loop3A_790 = arith.mulf %get3A_4, %parallel_loop3A_789 : vector<16xf32>
        %parallel_loop3A_791 = arith.constant 1 : i32
        %parallel_loop3A_792 = arith.index_cast %parallel_loop3A_791 : i32 to index
        %parallel_loop3A_793 = arith.index_cast %parallel_loop3A_744 : i32 to index
        %parallel_loop3A_794 = arith.constant 32 : index
        %parallel_loop3A_795 = tpu.vector_load %arg9[%parallel_loop3A_792, %parallel_loop3A_793, %parallel_loop3A_794] {strides = array<i32>} : memref<2x256x64xf32, #tpu.memory_space<vmem>>, vector<16xf32>,
        %parallel_loop3A_796 = arith.addf %parallel_loop3A_790, %parallel_loop3A_795 : vector<16xf32>
        %parallel_loop3A_797 = arith.constant 0.000000e+00 : f32
        %parallel_loop3A_798 = vector.broadcast %parallel_loop3A_797 : f32 to vector<16xf32>
        %parallel_loop3A_799 = arith.maximumf %parallel_loop3A_796, %parallel_loop3A_798 : vector<16xf32>
        %parallel_loop3A_800 = arith.constant 1 : i32
        %parallel_loop3A_801 = arith.index_cast %parallel_loop3A_800 : i32 to index
        %parallel_loop3A_802 = arith.index_cast %parallel_loop3A_744 : i32 to index
        %parallel_loop3A_803 = arith.constant 32 : index
        %parallel_loop3A_804 = tpu.vector_load %arg9[%parallel_loop3A_801, %parallel_loop3A_802, %parallel_loop3A_803] {strides = array<i32>} : memref<2x256x64xf32, #tpu.memory_space<vmem>>, vector<16xf32>,
        tpu.vector_store %arg9[%parallel_loop3A_801, %parallel_loop3A_802, %parallel_loop3A_803], %parallel_loop3A_799 {strides = array<i32>} : memref<2x256x64xf32, #tpu.memory_space<vmem>>, vector<16xf32>,
        %parallel_loop3A_805 = arith.constant 1 : i32
        %parallel_loop3A_806 = arith.index_cast %parallel_loop3A_805 : i32 to index
        %parallel_loop3A_807 = arith.index_cast %parallel_loop3A_744 : i32 to index
        %parallel_loop3A_808 = arith.constant 48 : index
        %parallel_loop3A_809 = tpu.vector_load %arg8[%parallel_loop3A_806, %parallel_loop3A_807, %parallel_loop3A_808] {strides = array<i32>} : memref<2x256x64xf32, #tpu.memory_space<vmem>>, vector<16xf32>,
        %parallel_loop3A_810 = arith.mulf %get3A_4, %parallel_loop3A_809 : vector<16xf32>
        %parallel_loop3A_811 = arith.constant 1 : i32
        %parallel_loop3A_812 = arith.index_cast %parallel_loop3A_811 : i32 to index
        %parallel_loop3A_813 = arith.index_cast %parallel_loop3A_744 : i32 to index
        %parallel_loop3A_814 = arith.constant 48 : index
        %parallel_loop3A_815 = tpu.vector_load %arg9[%parallel_loop3A_812, %parallel_loop3A_813, %parallel_loop3A_814] {strides = array<i32>} : memref<2x256x64xf32, #tpu.memory_space<vmem>>, vector<16xf32>,
        %parallel_loop3A_816 = arith.addf %parallel_loop3A_810, %parallel_loop3A_815 : vector<16xf32>
        %parallel_loop3A_817 = arith.constant 0.000000e+00 : f32
        %parallel_loop3A_818 = vector.broadcast %parallel_loop3A_817 : f32 to vector<16xf32>
        %parallel_loop3A_819 = arith.maximumf %parallel_loop3A_816, %parallel_loop3A_818 : vector<16xf32>
        %parallel_loop3A_820 = arith.constant 1 : i32
        %parallel_loop3A_821 = arith.index_cast %parallel_loop3A_820 : i32 to index
        %parallel_loop3A_822 = arith.index_cast %parallel_loop3A_744 : i32 to index
        %parallel_loop3A_823 = arith.constant 48 : index
        %parallel_loop3A_824 = tpu.vector_load %arg9[%parallel_loop3A_821, %parallel_loop3A_822, %parallel_loop3A_823] {strides = array<i32>} : memref<2x256x64xf32, #tpu.memory_space<vmem>>, vector<16xf32>,
        tpu.vector_store %arg9[%parallel_loop3A_821, %parallel_loop3A_822, %parallel_loop3A_823], %parallel_loop3A_819 {strides = array<i32>} : memref<2x256x64xf32, #tpu.memory_space<vmem>>, vector<16xf32>,
      } {sc.loop_unroll_factor = 2 : i64, sc.parallel_access}
      %mul3A_721 = arith.constant 2 : i32
      %mul3A_722 = arith.muli %mul3A_721, %add3A_668 : i32
      %add3A_723 = arith.addi %add3A, %mul3A_722 : i32
      %mul3A_724 = arith.constant 128 : i32
      %mul3A_725 = arith.muli %add3A_723, %mul3A_724 : i32
      %dma_start3A_726 = arith.constant 1 : i32
      %dma_start3A_727 = arith.constant 0 : i32
      %dma_start3A_728 = arith.constant 0 : i32
      %dma_start3A_729 = tpu.memref_slice %arg9[%dma_start3A_726, %dma_start3A_727, %dma_start3A_728] : memref<2x256x64xf32, #tpu.memory_space<vmem>> -> memref<1x256x64xf32, #tpu.memory_space<vmem>>
      %dma_start3A_730 = tpu.memref_squeeze %dma_start3A_729 : memref<1x256x64xf32, #tpu.memory_space<vmem>> -> memref<256x64xf32, #tpu.memory_space<vmem>>
      %dma_start3A_731 = tpu.memref_slice %arg5[%mul3A_725, %mul3A_0] : memref<320000x128xf32, #tpu.memory_space<hbm>> -> memref<256x64xf32, #tpu.memory_space<hbm>>
      %dma_start3A_732 = tpu.memref_slice %arg5[%mul3A_725, %mul3A_0] : memref<320000x128xf32, #tpu.memory_space<hbm>> -> memref<256x64xf32, #tpu.memory_space<hbm>>
      %dma_start3A_733 = arith.constant 0 : i32
      %dma_start3A_734 = arith.constant 0 : i32
      %dma_start3A_735 = tpu.memref_slice %arg9[%dma_start3A_726, %dma_start3A_733, %dma_start3A_734] : memref<2x256x64xf32, #tpu.memory_space<vmem>> -> memref<1x256x64xf32, #tpu.memory_space<vmem>>
      %dma_start3A_736 = tpu.memref_squeeze %dma_start3A_735 : memref<1x256x64xf32, #tpu.memory_space<vmem>> -> memref<256x64xf32, #tpu.memory_space<vmem>>
      tpu.enqueue_dma source(%dma_start3A_736 : memref<256x64xf32, #tpu.memory_space<vmem>>) target(%dma_start3A_732 : memref<256x64xf32, #tpu.memory_space<hbm>>) target_semaphore(%arg20 : memref<!tpu.dma_semaphore, #tpu.memory_space<semaphore_mem>>)
      %add3A_737 = arith.constant 1 : i32
      %add3A_738 = arith.addi %add3A_668, %add3A_737 : i32
      %lt3A_739 = arith.constant 78 : i32
      %lt3A_740 = arith.cmpi slt, %add3A_738, %lt3A_739 : i32
      %convert_element_type3A_741 = arith.extui %lt3A_740 : i1 to i32
      %cond3A_742 = arith.constant 0 : i32
      %cond3A_743 = arith.cmpi ne, %convert_element_type3A_741, %cond3A_742 : i32
      scf.if %cond3A_743 {
        %add3A_744 = arith.constant 1 : i32
        %add3A_745 = arith.addi %add3A_668, %add3A_744 : i32
        %mul3A_746 = arith.constant 2 : i32
        %mul3A_747 = arith.muli %mul3A_746, %add3A_745 : i32
        %add3A_748 = arith.addi %add3A, %mul3A_747 : i32
        %dma_wait3A_749 = arith.constant 0 : i32
        %dma_wait3A_750 = arith.constant 0 : i32
        %dma_wait3A_751 = arith.constant 0 : i32
        %dma_wait3A_752 = tpu.memref_slice %arg10[%dma_wait3A_749, %dma_wait3A_750, %dma_wait3A_751] : memref<2x2x128xi32, #tpu.memory_space<vmem>> -> memref<1x2x128xi32, #tpu.memory_space<vmem>>
        %dma_wait3A_753 = tpu.memref_squeeze %dma_wait3A_752 : memref<1x2x128xi32, #tpu.memory_space<vmem>> -> memref<2x128xi32, #tpu.memory_space<vmem>>
        %dma_wait3A_754 = arith.constant 0 : i32
        %dma_wait3A_755 = tpu.memref_slice %arg3[%add3A_748, %dma_wait3A_754] : memref<2500x128xi32, #tpu.memory_space<hbm>> -> memref<2x128xi32, #tpu.memory_space<hbm>>
        %dma_wait3A_756 = arith.constant 0 : i32
        %dma_wait3A_757 = arith.constant 0 : i32
        %dma_wait3A_758 = tpu.memref_slice %arg10[%dma_wait3A_749, %dma_wait3A_756, %dma_wait3A_757] : memref<2x2x128xi32, #tpu.memory_space<vmem>> -> memref<1x2x128xi32, #tpu.memory_space<vmem>>
        %dma_wait3A_759 = tpu.memref_squeeze %dma_wait3A_758 : memref<1x2x128xi32, #tpu.memory_space<vmem>> -> memref<2x128xi32, #tpu.memory_space<vmem>>
        %dma_wait3A_760 = arith.constant 0 : i32
        %dma_wait3A_761 = tpu.memref_slice %arg3[%add3A_748, %dma_wait3A_760] : memref<2500x128xi32, #tpu.memory_space<hbm>> -> memref<2x128xi32, #tpu.memory_space<hbm>>
        tpu.wait_dma2 semaphore(%arg17 : memref<!tpu.dma_semaphore, #tpu.memory_space<semaphore_mem>>) src(%dma_wait3A_761 : memref<2x128xi32, #tpu.memory_space<hbm>>) dst(%dma_wait3A_759 : memref<2x128xi32, #tpu.memory_space<vmem>>)
        %ge3A = arith.constant 1 : i32
        %ge3A_762 = arith.cmpi sge, %add3A_668, %ge3A : i32
        %convert_element_type3A_763 = arith.extui %ge3A_762 : i1 to i32
        %cond3A_764 = arith.constant 0 : i32
        %cond3A_765 = arith.cmpi ne, %convert_element_type3A_763, %cond3A_764 : i32
        scf.if %cond3A_765 {
          %add3A_792 = arith.constant 0 : i32
          %add3A_793 = arith.addi %add3A, %add3A_792 : i32
          %mul3A_794 = arith.constant 128 : i32
          %mul3A_795 = arith.muli %add3A_793, %mul3A_794 : i32
          %dma_wait3A_796 = arith.constant 0 : i32
          %dma_wait3A_797 = arith.constant 0 : i32
          %dma_wait3A_798 = arith.constant 0 : i32
          %dma_wait3A_799 = tpu.memref_slice %arg9[%dma_wait3A_796, %dma_wait3A_797, %dma_wait3A_798] : memref<2x256x64xf32, #tpu.memory_space<vmem>> -> memref<1x256x64xf32, #tpu.memory_space<vmem>>
          %dma_wait3A_800 = tpu.memref_squeeze %dma_wait3A_799 : memref<1x256x64xf32, #tpu.memory_space<vmem>> -> memref<256x64xf32, #tpu.memory_space<vmem>>
          %dma_wait3A_801 = tpu.memref_slice %arg5[%mul3A_795, %mul3A_0] : memref<320000x128xf32, #tpu.memory_space<hbm>> -> memref<256x64xf32, #tpu.memory_space<hbm>>
          %dma_wait3A_802 = tpu.memref_slice %arg5[%mul3A_795, %mul3A_0] : memref<320000x128xf32, #tpu.memory_space<hbm>> -> memref<256x64xf32, #tpu.memory_space<hbm>>
          %dma_wait3A_803 = arith.constant 0 : i32
          %dma_wait3A_804 = arith.constant 0 : i32
          %dma_wait3A_805 = tpu.memref_slice %arg9[%dma_wait3A_796, %dma_wait3A_803, %dma_wait3A_804] : memref<2x256x64xf32, #tpu.memory_space<vmem>> -> memref<1x256x64xf32, #tpu.memory_space<vmem>>
          %dma_wait3A_806 = tpu.memref_squeeze %dma_wait3A_805 : memref<1x256x64xf32, #tpu.memory_space<vmem>> -> memref<256x64xf32, #tpu.memory_space<vmem>>
          tpu.wait_dma2 semaphore(%arg19 : memref<!tpu.dma_semaphore, #tpu.memory_space<semaphore_mem>>) src(%dma_wait3A_806 : memref<256x64xf32, #tpu.memory_space<vmem>>) dst(%dma_wait3A_802 : memref<256x64xf32, #tpu.memory_space<hbm>>)
        } else {
        }
        %dma_start3A_766 = arith.constant 0 : i32
        %dma_start3A_767 = arith.constant 0 : i32
        %dma_start3A_768 = arith.constant 0 : i32
        %dma_start3A_769 = arith.constant 0 : i32
        %dma_start3A_770 = arith.constant 0 : i32
        %dma_start3A_771 = tpu.memref_slice %arg9[%dma_start3A_768, %dma_start3A_769, %dma_start3A_770] : memref<2x256x64xf32, #tpu.memory_space<vmem>> -> memref<1x128x64xf32, #tpu.memory_space<vmem>>
        %dma_start3A_772 = tpu.memref_squeeze %dma_start3A_771 : memref<1x128x64xf32, #tpu.memory_space<vmem>> -> memref<128x64xf32, #tpu.memory_space<vmem>>
        %dma_start3A_773 = arith.constant 0 : i32
        %dma_start3A_774 = tpu.memref_slice %arg10[%dma_start3A_766, %dma_start3A_767, %dma_start3A_773] : memref<2x2x128xi32, #tpu.memory_space<vmem>> -> memref<1x1x128xi32, #tpu.memory_space<vmem>>
        %dma_start3A_775 = tpu.memref_squeeze %dma_start3A_774 : memref<1x1x128xi32, #tpu.memory_space<vmem>> -> memref<128xi32, #tpu.memory_space<vmem>>
        %dma_start3A_776 = arith.constant 0 : i32
        %dma_start3A_777 = arith.constant 0 : i32
        %dma_start3A_778 = tpu.memref_slice %arg6[%dma_start3A_776, %dma_start3A_777] : memref<10000x64xf32, #tpu.memory_space<vmem_shared>> -> memref<10000x64xf32, #tpu.memory_space<vmem_shared>>
        tpu.enqueue_indirect_dma source(%dma_start3A_778 : memref<10000x64xf32, #tpu.memory_space<vmem_shared>>) target(%dma_start3A_772 : memref<128x64xf32, #tpu.memory_space<vmem>>) offsets(%dma_start3A_775 : memref<128xi32, #tpu.memory_space<vmem>>) semaphore(%arg21 : memref<!tpu.dma_semaphore, #tpu.memory_space<semaphore_mem>>)
        %dma_start3A_779 = arith.constant 0 : i32
        %dma_start3A_780 = arith.constant 1 : i32
        %dma_start3A_781 = arith.constant 0 : i32
        %dma_start3A_782 = arith.constant 128 : i32
        %dma_start3A_783 = arith.constant 0 : i32
        %dma_start3A_784 = tpu.memref_slice %arg9[%dma_start3A_781, %dma_start3A_782, %dma_start3A_783] : memref<2x256x64xf32, #tpu.memory_space<vmem>> -> memref<1x128x64xf32, #tpu.memory_space<vmem>>
        %dma_start3A_785 = tpu.memref_squeeze %dma_start3A_784 : memref<1x128x64xf32, #tpu.memory_space<vmem>> -> memref<128x64xf32, #tpu.memory_space<vmem>>
        %dma_start3A_786 = arith.constant 0 : i32
        %dma_start3A_787 = tpu.memref_slice %arg10[%dma_start3A_779, %dma_start3A_780, %dma_start3A_786] : memref<2x2x128xi32, #tpu.memory_space<vmem>> -> memref<1x1x128xi32, #tpu.memory_space<vmem>>
        %dma_start3A_788 = tpu.memref_squeeze %dma_start3A_787 : memref<1x1x128xi32, #tpu.memory_space<vmem>> -> memref<128xi32, #tpu.memory_space<vmem>>
        %dma_start3A_789 = arith.constant 0 : i32
        %dma_start3A_790 = arith.constant 0 : i32
        %dma_start3A_791 = tpu.memref_slice %arg6[%dma_start3A_789, %dma_start3A_790] : memref<10000x64xf32, #tpu.memory_space<vmem_shared>> -> memref<10000x64xf32, #tpu.memory_space<vmem_shared>>
        tpu.enqueue_indirect_dma source(%dma_start3A_791 : memref<10000x64xf32, #tpu.memory_space<vmem_shared>>) target(%dma_start3A_785 : memref<128x64xf32, #tpu.memory_space<vmem>>) offsets(%dma_start3A_788 : memref<128xi32, #tpu.memory_space<vmem>>) semaphore(%arg21 : memref<!tpu.dma_semaphore, #tpu.memory_space<semaphore_mem>>)
      } else {
      }
    }
    %scan3A_550 = arith.constant 39 : i32
    %add3A_551 = arith.constant 0 : i32
    %add3A_552 = arith.addi %add3A, %add3A_551 : i32
    %mul3A_553 = arith.constant 128 : i32
    %mul3A_554 = arith.muli %add3A_552, %mul3A_553 : i32
    %dma_wait3A_555 = arith.constant 0 : i32
    %dma_wait3A_556 = arith.constant 0 : i32
    %dma_wait3A_557 = arith.constant 0 : i32
    %dma_wait3A_558 = tpu.memref_slice %arg9[%dma_wait3A_555, %dma_wait3A_556, %dma_wait3A_557] : memref<2x256x64xf32, #tpu.memory_space<vmem>> -> memref<1x256x64xf32, #tpu.memory_space<vmem>>
    %dma_wait3A_559 = tpu.memref_squeeze %dma_wait3A_558 : memref<1x256x64xf32, #tpu.memory_space<vmem>> -> memref<256x64xf32, #tpu.memory_space<vmem>>
    %dma_wait3A_560 = tpu.memref_slice %arg5[%mul3A_554, %mul3A_0] : memref<320000x128xf32, #tpu.memory_space<hbm>> -> memref<256x64xf32, #tpu.memory_space<hbm>>
    %dma_wait3A_561 = tpu.memref_slice %arg5[%mul3A_554, %mul3A_0] : memref<320000x128xf32, #tpu.memory_space<hbm>> -> memref<256x64xf32, #tpu.memory_space<hbm>>
    %dma_wait3A_562 = arith.constant 0 : i32
    %dma_wait3A_563 = arith.constant 0 : i32
    %dma_wait3A_564 = tpu.memref_slice %arg9[%dma_wait3A_555, %dma_wait3A_562, %dma_wait3A_563] : memref<2x256x64xf32, #tpu.memory_space<vmem>> -> memref<1x256x64xf32, #tpu.memory_space<vmem>>
    %dma_wait3A_565 = tpu.memref_squeeze %dma_wait3A_564 : memref<1x256x64xf32, #tpu.memory_space<vmem>> -> memref<256x64xf32, #tpu.memory_space<vmem>>
    tpu.wait_dma2 semaphore(%arg19 : memref<!tpu.dma_semaphore, #tpu.memory_space<semaphore_mem>>) src(%dma_wait3A_565 : memref<256x64xf32, #tpu.memory_space<vmem>>) dst(%dma_wait3A_561 : memref<256x64xf32, #tpu.memory_space<hbm>>)
    %add3A_566 = arith.constant 0 : i32
    %add3A_567 = arith.addi %add3A, %add3A_566 : i32
    %mul3A_568 = arith.constant 128 : i32
    %mul3A_569 = arith.muli %add3A_567, %mul3A_568 : i32
    %dma_wait3A_570 = arith.constant 1 : i32
    %dma_wait3A_571 = arith.constant 0 : i32
    %dma_wait3A_572 = arith.constant 0 : i32
    %dma_wait3A_573 = tpu.memref_slice %arg9[%dma_wait3A_570, %dma_wait3A_571, %dma_wait3A_572] : memref<2x256x64xf32, #tpu.memory_space<vmem>> -> memref<1x256x64xf32, #tpu.memory_space<vmem>>
    %dma_wait3A_574 = tpu.memref_squeeze %dma_wait3A_573 : memref<1x256x64xf32, #tpu.memory_space<vmem>> -> memref<256x64xf32, #tpu.memory_space<vmem>>
    %dma_wait3A_575 = tpu.memref_slice %arg5[%mul3A_569, %mul3A_0] : memref<320000x128xf32, #tpu.memory_space<hbm>> -> memref<256x64xf32, #tpu.memory_space<hbm>>
    %dma_wait3A_576 = tpu.memref_slice %arg5[%mul3A_569, %mul3A_0] : memref<320000x128xf32, #tpu.memory_space<hbm>> -> memref<256x64xf32, #tpu.memory_space<hbm>>
    %dma_wait3A_577 = arith.constant 0 : i32
    %dma_wait3A_578 = arith.constant 0 : i32
    %dma_wait3A_579 = tpu.memref_slice %arg9[%dma_wait3A_570, %dma_wait3A_577, %dma_wait3A_578] : memref<2x256x64xf32, #tpu.memory_space<vmem>> -> memref<1x256x64xf32, #tpu.memory_space<vmem>>
    %dma_wait3A_580 = tpu.memref_squeeze %dma_wait3A_579 : memref<1x256x64xf32, #tpu.memory_space<vmem>> -> memref<256x64xf32, #tpu.memory_space<vmem>>
    tpu.wait_dma2 semaphore(%arg20 : memref<!tpu.dma_semaphore, #tpu.memory_space<semaphore_mem>>) src(%dma_wait3A_580 : memref<256x64xf32, #tpu.memory_space<vmem>>) dst(%dma_wait3A_576 : memref<256x64xf32, #tpu.memory_space<hbm>>)
    %lt3A_581 = arith.constant 4 : i32
    %lt3A_582 = arith.cmpi slt, %arg1, %lt3A_581 : i32
    %convert_element_type3A_583 = arith.extui %lt3A_582 : i1 to i32
    %cond3A_584 = arith.constant 0 : i32
    %cond3A_585 = arith.cmpi ne, %convert_element_type3A_583, %cond3A_584 : i32
    scf.if %cond3A_585 {
      %add3A_586 = arith.constant 156 : i32
      %add3A_587 = arith.addi %add3A, %add3A_586 : i32
      %mul3A_588 = arith.constant 128 : i32
      %mul3A_589 = arith.muli %add3A_587, %mul3A_588 : i32
      %run_scoped3A_590 = arith.constant 0 : i32
      "tpu.region"() ({
        %run_scoped3A_600 = tpu.sem_alloc : memref<!tpu.dma_semaphore, #tpu.memory_space<semaphore_mem>>
        %dma_start3A_601 = arith.constant 0 : i32
        %dma_start3A_602 = arith.constant 0 : i32
        %dma_start3A_603 = tpu.memref_slice %arg8[%run_scoped3A_590, %dma_start3A_601, %dma_start3A_602] : memref<2x256x64xf32, #tpu.memory_space<vmem>> -> memref<1x128x64xf32, #tpu.memory_space<vmem>>
        %dma_start3A_604 = tpu.memref_squeeze %dma_start3A_603 : memref<1x128x64xf32, #tpu.memory_space<vmem>> -> memref<128x64xf32, #tpu.memory_space<vmem>>
        %dma_start3A_605 = tpu.memref_slice %arg2[%mul3A_589, %mul3A_0] : memref<320000x128xf32, #tpu.memory_space<hbm>> -> memref<128x64xf32, #tpu.memory_space<hbm>>
        %dma_start3A_606 = arith.constant 0 : i32
        %dma_start3A_607 = arith.constant 0 : i32
        %dma_start3A_608 = tpu.memref_slice %arg8[%run_scoped3A_590, %dma_start3A_606, %dma_start3A_607] : memref<2x256x64xf32, #tpu.memory_space<vmem>> -> memref<1x128x64xf32, #tpu.memory_space<vmem>>
        %dma_start3A_609 = tpu.memref_squeeze %dma_start3A_608 : memref<1x128x64xf32, #tpu.memory_space<vmem>> -> memref<128x64xf32, #tpu.memory_space<vmem>>
        %dma_start3A_610 = tpu.memref_slice %arg2[%mul3A_589, %mul3A_0] : memref<320000x128xf32, #tpu.memory_space<hbm>> -> memref<128x64xf32, #tpu.memory_space<hbm>>
        tpu.enqueue_dma source(%dma_start3A_610 : memref<128x64xf32, #tpu.memory_space<hbm>>) target(%dma_start3A_609 : memref<128x64xf32, #tpu.memory_space<vmem>>) target_semaphore(%run_scoped3A_600 : memref<!tpu.dma_semaphore, #tpu.memory_space<semaphore_mem>>)
        %dma_wait3A_611 = arith.constant 0 : i32
        %dma_wait3A_612 = arith.constant 0 : i32
        %dma_wait3A_613 = tpu.memref_slice %arg8[%run_scoped3A_590, %dma_wait3A_611, %dma_wait3A_612] : memref<2x256x64xf32, #tpu.memory_space<vmem>> -> memref<1x128x64xf32, #tpu.memory_space<vmem>>
        %dma_wait3A_614 = tpu.memref_squeeze %dma_wait3A_613 : memref<1x128x64xf32, #tpu.memory_space<vmem>> -> memref<128x64xf32, #tpu.memory_space<vmem>>
        %dma_wait3A_615 = tpu.memref_slice %arg2[%mul3A_589, %mul3A_0] : memref<320000x128xf32, #tpu.memory_space<hbm>> -> memref<128x64xf32, #tpu.memory_space<hbm>>
        %dma_wait3A_616 = arith.constant 0 : i32
        %dma_wait3A_617 = arith.constant 0 : i32
        %dma_wait3A_618 = tpu.memref_slice %arg8[%run_scoped3A_590, %dma_wait3A_616, %dma_wait3A_617] : memref<2x256x64xf32, #tpu.memory_space<vmem>> -> memref<1x128x64xf32, #tpu.memory_space<vmem>>
        %dma_wait3A_619 = tpu.memref_squeeze %dma_wait3A_618 : memref<1x128x64xf32, #tpu.memory_space<vmem>> -> memref<128x64xf32, #tpu.memory_space<vmem>>
        %dma_wait3A_620 = tpu.memref_slice %arg2[%mul3A_589, %mul3A_0] : memref<320000x128xf32, #tpu.memory_space<hbm>> -> memref<128x64xf32, #tpu.memory_space<hbm>>
        tpu.wait_dma2 semaphore(%run_scoped3A_600 : memref<!tpu.dma_semaphore, #tpu.memory_space<semaphore_mem>>) src(%dma_wait3A_620 : memref<128x64xf32, #tpu.memory_space<hbm>>) dst(%dma_wait3A_619 : memref<128x64xf32, #tpu.memory_space<vmem>>)
        tpu.yield
      }) : () -> ()
      %add3A_591 = arith.constant 156 : i32
      %add3A_592 = arith.addi %add3A, %add3A_591 : i32
      %run_scoped3A_593 = arith.constant 0 : i32
      "tpu.region"() ({
        %run_scoped3A_600 = tpu.sem_alloc : memref<!tpu.dma_semaphore, #tpu.memory_space<semaphore_mem>>
        %dma_start3A_601 = arith.constant 0 : i32
        %dma_start3A_602 = arith.constant 0 : i32
        %dma_start3A_603 = tpu.memref_slice %arg10[%run_scoped3A_593, %dma_start3A_601, %dma_start3A_602] : memref<2x2x128xi32, #tpu.memory_space<vmem>> -> memref<1x1x128xi32, #tpu.memory_space<vmem>>
        %dma_start3A_604 = tpu.memref_squeeze %dma_start3A_603 : memref<1x1x128xi32, #tpu.memory_space<vmem>> -> memref<1x128xi32, #tpu.memory_space<vmem>>
        %dma_start3A_605 = arith.constant 0 : i32
        %dma_start3A_606 = tpu.memref_slice %arg3[%add3A_592, %dma_start3A_605] : memref<2500x128xi32, #tpu.memory_space<hbm>> -> memref<1x128xi32, #tpu.memory_space<hbm>>
        %dma_start3A_607 = arith.constant 0 : i32
        %dma_start3A_608 = arith.constant 0 : i32
        %dma_start3A_609 = tpu.memref_slice %arg10[%run_scoped3A_593, %dma_start3A_607, %dma_start3A_608] : memref<2x2x128xi32, #tpu.memory_space<vmem>> -> memref<1x1x128xi32, #tpu.memory_space<vmem>>
        %dma_start3A_610 = tpu.memref_squeeze %dma_start3A_609 : memref<1x1x128xi32, #tpu.memory_space<vmem>> -> memref<1x128xi32, #tpu.memory_space<vmem>>
        %dma_start3A_611 = arith.constant 0 : i32
        %dma_start3A_612 = tpu.memref_slice %arg3[%add3A_592, %dma_start3A_611] : memref<2500x128xi32, #tpu.memory_space<hbm>> -> memref<1x128xi32, #tpu.memory_space<hbm>>
        tpu.enqueue_dma source(%dma_start3A_612 : memref<1x128xi32, #tpu.memory_space<hbm>>) target(%dma_start3A_610 : memref<1x128xi32, #tpu.memory_space<vmem>>) target_semaphore(%run_scoped3A_600 : memref<!tpu.dma_semaphore, #tpu.memory_space<semaphore_mem>>)
        %dma_wait3A_613 = arith.constant 0 : i32
        %dma_wait3A_614 = arith.constant 0 : i32
        %dma_wait3A_615 = tpu.memref_slice %arg10[%run_scoped3A_593, %dma_wait3A_613, %dma_wait3A_614] : memref<2x2x128xi32, #tpu.memory_space<vmem>> -> memref<1x1x128xi32, #tpu.memory_space<vmem>>
        %dma_wait3A_616 = tpu.memref_squeeze %dma_wait3A_615 : memref<1x1x128xi32, #tpu.memory_space<vmem>> -> memref<1x128xi32, #tpu.memory_space<vmem>>
        %dma_wait3A_617 = arith.constant 0 : i32
        %dma_wait3A_618 = tpu.memref_slice %arg3[%add3A_592, %dma_wait3A_617] : memref<2500x128xi32, #tpu.memory_space<hbm>> -> memref<1x128xi32, #tpu.memory_space<hbm>>
        %dma_wait3A_619 = arith.constant 0 : i32
        %dma_wait3A_620 = arith.constant 0 : i32
        %dma_wait3A_621 = tpu.memref_slice %arg10[%run_scoped3A_593, %dma_wait3A_619, %dma_wait3A_620] : memref<2x2x128xi32, #tpu.memory_space<vmem>> -> memref<1x1x128xi32, #tpu.memory_space<vmem>>
        %dma_wait3A_622 = tpu.memref_squeeze %dma_wait3A_621 : memref<1x1x128xi32, #tpu.memory_space<vmem>> -> memref<1x128xi32, #tpu.memory_space<vmem>>
        %dma_wait3A_623 = arith.constant 0 : i32
        %dma_wait3A_624 = tpu.memref_slice %arg3[%add3A_592, %dma_wait3A_623] : memref<2500x128xi32, #tpu.memory_space<hbm>> -> memref<1x128xi32, #tpu.memory_space<hbm>>
        tpu.wait_dma2 semaphore(%run_scoped3A_600 : memref<!tpu.dma_semaphore, #tpu.memory_space<semaphore_mem>>) src(%dma_wait3A_624 : memref<1x128xi32, #tpu.memory_space<hbm>>) dst(%dma_wait3A_622 : memref<1x128xi32, #tpu.memory_space<vmem>>)
        tpu.yield
      }) : () -> ()
      %run_scoped3A_594 = arith.constant 0 : i32
      %run_scoped3A_595 = arith.constant 0 : i32
      %run_scoped3A_596 = arith.constant 0 : i32
      "tpu.region"() ({
        %run_scoped3A_600 = tpu.sem_alloc : memref<!tpu.dma_semaphore, #tpu.memory_space<semaphore_mem>>
        %dma_start3A_601 = arith.constant 0 : i32
        %dma_start3A_602 = arith.constant 0 : i32
        %dma_start3A_603 = tpu.memref_slice %arg9[%run_scoped3A_596, %dma_start3A_601, %dma_start3A_602] : memref<2x256x64xf32, #tpu.memory_space<vmem>> -> memref<1x128x64xf32, #tpu.memory_space<vmem>>
        %dma_start3A_604 = tpu.memref_squeeze %dma_start3A_603 : memref<1x128x64xf32, #tpu.memory_space<vmem>> -> memref<128x64xf32, #tpu.memory_space<vmem>>
        %dma_start3A_605 = arith.constant 0 : i32
        %dma_start3A_606 = tpu.memref_slice %arg10[%run_scoped3A_594, %run_scoped3A_595, %dma_start3A_605] : memref<2x2x128xi32, #tpu.memory_space<vmem>> -> memref<1x1x128xi32, #tpu.memory_space<vmem>>
        %dma_start3A_607 = tpu.memref_squeeze %dma_start3A_606 : memref<1x1x128xi32, #tpu.memory_space<vmem>> -> memref<128xi32, #tpu.memory_space<vmem>>
        %dma_start3A_608 = arith.constant 0 : i32
        %dma_start3A_609 = arith.constant 0 : i32
        %dma_start3A_610 = tpu.memref_slice %arg6[%dma_start3A_608, %dma_start3A_609] : memref<10000x64xf32, #tpu.memory_space<vmem_shared>> -> memref<10000x64xf32, #tpu.memory_space<vmem_shared>>
        tpu.enqueue_indirect_dma source(%dma_start3A_610 : memref<10000x64xf32, #tpu.memory_space<vmem_shared>>) target(%dma_start3A_604 : memref<128x64xf32, #tpu.memory_space<vmem>>) offsets(%dma_start3A_607 : memref<128xi32, #tpu.memory_space<vmem>>) semaphore(%run_scoped3A_600 : memref<!tpu.dma_semaphore, #tpu.memory_space<semaphore_mem>>)
        %dma_wait3A_611 = arith.constant 0 : i32
        %dma_wait3A_612 = arith.constant 0 : i32
        %dma_wait3A_613 = tpu.memref_slice %arg9[%run_scoped3A_596, %dma_wait3A_611, %dma_wait3A_612] : memref<2x256x64xf32, #tpu.memory_space<vmem>> -> memref<1x128x64xf32, #tpu.memory_space<vmem>>
        %dma_wait3A_614 = tpu.memref_squeeze %dma_wait3A_613 : memref<1x128x64xf32, #tpu.memory_space<vmem>> -> memref<128x64xf32, #tpu.memory_space<vmem>>
        %dma_wait3A_615 = arith.constant 0 : i32
        %dma_wait3A_616 = tpu.memref_slice %arg10[%run_scoped3A_594, %run_scoped3A_595, %dma_wait3A_615] : memref<2x2x128xi32, #tpu.memory_space<vmem>> -> memref<1x1x128xi32, #tpu.memory_space<vmem>>
        %dma_wait3A_617 = tpu.memref_squeeze %dma_wait3A_616 : memref<1x1x128xi32, #tpu.memory_space<vmem>> -> memref<128xi32, #tpu.memory_space<vmem>>
        %dma_wait3A_618 = arith.constant 0 : i32
        %dma_wait3A_619 = arith.constant 0 : i32
        %dma_wait3A_620 = tpu.memref_slice %arg6[%dma_wait3A_618, %dma_wait3A_619] : memref<10000x64xf32, #tpu.memory_space<vmem_shared>> -> memref<10000x64xf32, #tpu.memory_space<vmem_shared>>
        tpu.wait_indirect_dma semaphore(%run_scoped3A_600 : memref<!tpu.dma_semaphore, #tpu.memory_space<semaphore_mem>>) src(%dma_wait3A_620 : memref<10000x64xf32, #tpu.memory_space<vmem_shared>>) dst(%dma_wait3A_614 : memref<128x64xf32, #tpu.memory_space<vmem>>)
        tpu.yield
      }) : () -> ()
      %parallel_loop3A = arith.constant 0 : i32
      %parallel_loop3A_597 = arith.constant 128 : i32
      %parallel_loop3A_598 = arith.constant 1 : i32
      scf.for %parallel_loop3A_600 = %parallel_loop3A to %parallel_loop3A_597 step %parallel_loop3A_598  : i32 {
        %parallel_loop3A_601 = arith.constant 0 : i32
        %parallel_loop3A_602 = arith.index_cast %parallel_loop3A_601 : i32 to index
        %parallel_loop3A_603 = arith.index_cast %parallel_loop3A_600 : i32 to index
        %parallel_loop3A_604 = arith.constant 0 : index
        %parallel_loop3A_605 = tpu.vector_load %arg8[%parallel_loop3A_602, %parallel_loop3A_603, %parallel_loop3A_604] {strides = array<i32>} : memref<2x256x64xf32, #tpu.memory_space<vmem>>, vector<16xf32>,
        %parallel_loop3A_606 = arith.mulf %get3A_4, %parallel_loop3A_605 : vector<16xf32>
        %parallel_loop3A_607 = arith.constant 0 : i32
        %parallel_loop3A_608 = arith.index_cast %parallel_loop3A_607 : i32 to index
        %parallel_loop3A_609 = arith.index_cast %parallel_loop3A_600 : i32 to index
        %parallel_loop3A_610 = arith.constant 0 : index
        %parallel_loop3A_611 = tpu.vector_load %arg9[%parallel_loop3A_608, %parallel_loop3A_609, %parallel_loop3A_610] {strides = array<i32>} : memref<2x256x64xf32, #tpu.memory_space<vmem>>, vector<16xf32>,
        %parallel_loop3A_612 = arith.addf %parallel_loop3A_606, %parallel_loop3A_611 : vector<16xf32>
        %parallel_loop3A_613 = arith.constant 0.000000e+00 : f32
        %parallel_loop3A_614 = vector.broadcast %parallel_loop3A_613 : f32 to vector<16xf32>
        %parallel_loop3A_615 = arith.maximumf %parallel_loop3A_612, %parallel_loop3A_614 : vector<16xf32>
        %parallel_loop3A_616 = arith.constant 0 : i32
        %parallel_loop3A_617 = arith.index_cast %parallel_loop3A_616 : i32 to index
        %parallel_loop3A_618 = arith.index_cast %parallel_loop3A_600 : i32 to index
        %parallel_loop3A_619 = arith.constant 0 : index
        %parallel_loop3A_620 = tpu.vector_load %arg9[%parallel_loop3A_617, %parallel_loop3A_618, %parallel_loop3A_619] {strides = array<i32>} : memref<2x256x64xf32, #tpu.memory_space<vmem>>, vector<16xf32>,
        tpu.vector_store %arg9[%parallel_loop3A_617, %parallel_loop3A_618, %parallel_loop3A_619], %parallel_loop3A_615 {strides = array<i32>} : memref<2x256x64xf32, #tpu.memory_space<vmem>>, vector<16xf32>,
        %parallel_loop3A_621 = arith.constant 0 : i32
        %parallel_loop3A_622 = arith.index_cast %parallel_loop3A_621 : i32 to index
        %parallel_loop3A_623 = arith.index_cast %parallel_loop3A_600 : i32 to index
        %parallel_loop3A_624 = arith.constant 16 : index
        %parallel_loop3A_625 = tpu.vector_load %arg8[%parallel_loop3A_622, %parallel_loop3A_623, %parallel_loop3A_624] {strides = array<i32>} : memref<2x256x64xf32, #tpu.memory_space<vmem>>, vector<16xf32>,
        %parallel_loop3A_626 = arith.mulf %get3A_4, %parallel_loop3A_625 : vector<16xf32>
        %parallel_loop3A_627 = arith.constant 0 : i32
        %parallel_loop3A_628 = arith.index_cast %parallel_loop3A_627 : i32 to index
        %parallel_loop3A_629 = arith.index_cast %parallel_loop3A_600 : i32 to index
        %parallel_loop3A_630 = arith.constant 16 : index
        %parallel_loop3A_631 = tpu.vector_load %arg9[%parallel_loop3A_628, %parallel_loop3A_629, %parallel_loop3A_630] {strides = array<i32>} : memref<2x256x64xf32, #tpu.memory_space<vmem>>, vector<16xf32>,
        %parallel_loop3A_632 = arith.addf %parallel_loop3A_626, %parallel_loop3A_631 : vector<16xf32>
        %parallel_loop3A_633 = arith.constant 0.000000e+00 : f32
        %parallel_loop3A_634 = vector.broadcast %parallel_loop3A_633 : f32 to vector<16xf32>
        %parallel_loop3A_635 = arith.maximumf %parallel_loop3A_632, %parallel_loop3A_634 : vector<16xf32>
        %parallel_loop3A_636 = arith.constant 0 : i32
        %parallel_loop3A_637 = arith.index_cast %parallel_loop3A_636 : i32 to index
        %parallel_loop3A_638 = arith.index_cast %parallel_loop3A_600 : i32 to index
        %parallel_loop3A_639 = arith.constant 16 : index
        %parallel_loop3A_640 = tpu.vector_load %arg9[%parallel_loop3A_637, %parallel_loop3A_638, %parallel_loop3A_639] {strides = array<i32>} : memref<2x256x64xf32, #tpu.memory_space<vmem>>, vector<16xf32>,
        tpu.vector_store %arg9[%parallel_loop3A_637, %parallel_loop3A_638, %parallel_loop3A_639], %parallel_loop3A_635 {strides = array<i32>} : memref<2x256x64xf32, #tpu.memory_space<vmem>>, vector<16xf32>,
        %parallel_loop3A_641 = arith.constant 0 : i32
        %parallel_loop3A_642 = arith.index_cast %parallel_loop3A_641 : i32 to index
        %parallel_loop3A_643 = arith.index_cast %parallel_loop3A_600 : i32 to index
        %parallel_loop3A_644 = arith.constant 32 : index
        %parallel_loop3A_645 = tpu.vector_load %arg8[%parallel_loop3A_642, %parallel_loop3A_643, %parallel_loop3A_644] {strides = array<i32>} : memref<2x256x64xf32, #tpu.memory_space<vmem>>, vector<16xf32>,
        %parallel_loop3A_646 = arith.mulf %get3A_4, %parallel_loop3A_645 : vector<16xf32>
        %parallel_loop3A_647 = arith.constant 0 : i32
        %parallel_loop3A_648 = arith.index_cast %parallel_loop3A_647 : i32 to index
        %parallel_loop3A_649 = arith.index_cast %parallel_loop3A_600 : i32 to index
        %parallel_loop3A_650 = arith.constant 32 : index
        %parallel_loop3A_651 = tpu.vector_load %arg9[%parallel_loop3A_648, %parallel_loop3A_649, %parallel_loop3A_650] {strides = array<i32>} : memref<2x256x64xf32, #tpu.memory_space<vmem>>, vector<16xf32>,
        %parallel_loop3A_652 = arith.addf %parallel_loop3A_646, %parallel_loop3A_651 : vector<16xf32>
        %parallel_loop3A_653 = arith.constant 0.000000e+00 : f32
        %parallel_loop3A_654 = vector.broadcast %parallel_loop3A_653 : f32 to vector<16xf32>
        %parallel_loop3A_655 = arith.maximumf %parallel_loop3A_652, %parallel_loop3A_654 : vector<16xf32>
        %parallel_loop3A_656 = arith.constant 0 : i32
        %parallel_loop3A_657 = arith.index_cast %parallel_loop3A_656 : i32 to index
        %parallel_loop3A_658 = arith.index_cast %parallel_loop3A_600 : i32 to index
        %parallel_loop3A_659 = arith.constant 32 : index
        %parallel_loop3A_660 = tpu.vector_load %arg9[%parallel_loop3A_657, %parallel_loop3A_658, %parallel_loop3A_659] {strides = array<i32>} : memref<2x256x64xf32, #tpu.memory_space<vmem>>, vector<16xf32>,
        tpu.vector_store %arg9[%parallel_loop3A_657, %parallel_loop3A_658, %parallel_loop3A_659], %parallel_loop3A_655 {strides = array<i32>} : memref<2x256x64xf32, #tpu.memory_space<vmem>>, vector<16xf32>,
        %parallel_loop3A_661 = arith.constant 0 : i32
        %parallel_loop3A_662 = arith.index_cast %parallel_loop3A_661 : i32 to index
        %parallel_loop3A_663 = arith.index_cast %parallel_loop3A_600 : i32 to index
        %parallel_loop3A_664 = arith.constant 48 : index
        %parallel_loop3A_665 = tpu.vector_load %arg8[%parallel_loop3A_662, %parallel_loop3A_663, %parallel_loop3A_664] {strides = array<i32>} : memref<2x256x64xf32, #tpu.memory_space<vmem>>, vector<16xf32>,
        %parallel_loop3A_666 = arith.mulf %get3A_4, %parallel_loop3A_665 : vector<16xf32>
        %parallel_loop3A_667 = arith.constant 0 : i32
        %parallel_loop3A_668 = arith.index_cast %parallel_loop3A_667 : i32 to index
        %parallel_loop3A_669 = arith.index_cast %parallel_loop3A_600 : i32 to index
        %parallel_loop3A_670 = arith.constant 48 : index
        %parallel_loop3A_671 = tpu.vector_load %arg9[%parallel_loop3A_668, %parallel_loop3A_669, %parallel_loop3A_670] {strides = array<i32>} : memref<2x256x64xf32, #tpu.memory_space<vmem>>, vector<16xf32>,
        %parallel_loop3A_672 = arith.addf %parallel_loop3A_666, %parallel_loop3A_671 : vector<16xf32>
        %parallel_loop3A_673 = arith.constant 0.000000e+00 : f32
        %parallel_loop3A_674 = vector.broadcast %parallel_loop3A_673 : f32 to vector<16xf32>
        %parallel_loop3A_675 = arith.maximumf %parallel_loop3A_672, %parallel_loop3A_674 : vector<16xf32>
        %parallel_loop3A_676 = arith.constant 0 : i32
        %parallel_loop3A_677 = arith.index_cast %parallel_loop3A_676 : i32 to index
        %parallel_loop3A_678 = arith.index_cast %parallel_loop3A_600 : i32 to index
        %parallel_loop3A_679 = arith.constant 48 : index
        %parallel_loop3A_680 = tpu.vector_load %arg9[%parallel_loop3A_677, %parallel_loop3A_678, %parallel_loop3A_679] {strides = array<i32>} : memref<2x256x64xf32, #tpu.memory_space<vmem>>, vector<16xf32>,
        tpu.vector_store %arg9[%parallel_loop3A_677, %parallel_loop3A_678, %parallel_loop3A_679], %parallel_loop3A_675 {strides = array<i32>} : memref<2x256x64xf32, #tpu.memory_space<vmem>>, vector<16xf32>,
      } {sc.loop_unroll_factor = 2 : i64, sc.parallel_access}
      %run_scoped3A_599 = arith.constant 0 : i32
      "tpu.region"() ({
        %run_scoped3A_600 = tpu.sem_alloc : memref<!tpu.dma_semaphore, #tpu.memory_space<semaphore_mem>>
        %dma_start3A_601 = arith.constant 0 : i32
        %dma_start3A_602 = arith.constant 0 : i32
        %dma_start3A_603 = tpu.memref_slice %arg9[%run_scoped3A_599, %dma_start3A_601, %dma_start3A_602] : memref<2x256x64xf32, #tpu.memory_space<vmem>> -> memref<1x128x64xf32, #tpu.memory_space<vmem>>
        %dma_start3A_604 = tpu.memref_squeeze %dma_start3A_603 : memref<1x128x64xf32, #tpu.memory_space<vmem>> -> memref<128x64xf32, #tpu.memory_space<vmem>>
        %dma_start3A_605 = tpu.memref_slice %arg5[%mul3A_589, %mul3A_0] : memref<320000x128xf32, #tpu.memory_space<hbm>> -> memref<128x64xf32, #tpu.memory_space<hbm>>
        %dma_start3A_606 = tpu.memref_slice %arg5[%mul3A_589, %mul3A_0] : memref<320000x128xf32, #tpu.memory_space<hbm>> -> memref<128x64xf32, #tpu.memory_space<hbm>>
        %dma_start3A_607 = arith.constant 0 : i32
        %dma_start3A_608 = arith.constant 0 : i32
        %dma_start3A_609 = tpu.memref_slice %arg9[%run_scoped3A_599, %dma_start3A_607, %dma_start3A_608] : memref<2x256x64xf32, #tpu.memory_space<vmem>> -> memref<1x128x64xf32, #tpu.memory_space<vmem>>
        %dma_start3A_610 = tpu.memref_squeeze %dma_start3A_609 : memref<1x128x64xf32, #tpu.memory_space<vmem>> -> memref<128x64xf32, #tpu.memory_space<vmem>>
        tpu.enqueue_dma source(%dma_start3A_610 : memref<128x64xf32, #tpu.memory_space<vmem>>) target(%dma_start3A_606 : memref<128x64xf32, #tpu.memory_space<hbm>>) target_semaphore(%run_scoped3A_600 : memref<!tpu.dma_semaphore, #tpu.memory_space<semaphore_mem>>)
        %dma_wait3A_611 = arith.constant 0 : i32
        %dma_wait3A_612 = arith.constant 0 : i32
        %dma_wait3A_613 = tpu.memref_slice %arg9[%run_scoped3A_599, %dma_wait3A_611, %dma_wait3A_612] : memref<2x256x64xf32, #tpu.memory_space<vmem>> -> memref<1x128x64xf32, #tpu.memory_space<vmem>>
        %dma_wait3A_614 = tpu.memref_squeeze %dma_wait3A_613 : memref<1x128x64xf32, #tpu.memory_space<vmem>> -> memref<128x64xf32, #tpu.memory_space<vmem>>
        %dma_wait3A_615 = tpu.memref_slice %arg5[%mul3A_589, %mul3A_0] : memref<320000x128xf32, #tpu.memory_space<hbm>> -> memref<128x64xf32, #tpu.memory_space<hbm>>
        %dma_wait3A_616 = tpu.memref_slice %arg5[%mul3A_589, %mul3A_0] : memref<320000x128xf32, #tpu.memory_space<hbm>> -> memref<128x64xf32, #tpu.memory_space<hbm>>
        %dma_wait3A_617 = arith.constant 0 : i32
        %dma_wait3A_618 = arith.constant 0 : i32
        %dma_wait3A_619 = tpu.memref_slice %arg9[%run_scoped3A_599, %dma_wait3A_617, %dma_wait3A_618] : memref<2x256x64xf32, #tpu.memory_space<vmem>> -> memref<1x128x64xf32, #tpu.memory_space<vmem>>
        %dma_wait3A_620 = tpu.memref_squeeze %dma_wait3A_619 : memref<1x128x64xf32, #tpu.memory_space<vmem>> -> memref<128x64xf32, #tpu.memory_space<vmem>>
        tpu.wait_dma2 semaphore(%run_scoped3A_600 : memref<!tpu.dma_semaphore, #tpu.memory_space<semaphore_mem>>) src(%dma_wait3A_620 : memref<128x64xf32, #tpu.memory_space<vmem>>) dst(%dma_wait3A_616 : memref<128x64xf32, #tpu.memory_space<hbm>>)
        tpu.yield
      }) : () -> ()
    } else {
    }
    return
  }
}

</mosaic_0001>

<sc_bundles>
// kernel: kernel.3.cloned.1.call-start
scs
__scs_entry_jumppad:
0x0: {  	(pc) =	sbr.rel $0x88, $3  }
0x1: {  	(tag) =	ssettag $0x0;
	lr =	simm.s32 $0x1  }
0x2: {  	[smem:$0x3F9D] =	sst lr;
	_ =	strace $0xD0000000  }
0x3: {  	_ = 	snop  }
0x4: {  	_ = 	snop  }
0x5: {  	_ = 	snop  }
0x6: {  	_ = 	snop  }
0x7: {  	_ = 	snop  }
__scs_overlays_trampoline_lowered:
0x8: {  	[smem:$0x3FAC] =	sst s0  }
0x9: {  	[smem:$0x3FAD] =	sst s1  }
0xa: {  	[smem:$0x3FAE] =	sst s2  }
0xb: {  	[smem:$0x3FAF] =	sst s3  }
0xc: {  	[smem:$0x3FB0] =	sst s4  }
0xd: {  	[smem:$0x3FB1] =	sst s5  }
0xe: {  	[smem:$0x3FB2] =	sst s6  }
0xf: {  	[smem:$0x3FB3] =	sst s7  }
0x10: {  	[smem:$0x3FB4] =	sst s8  }
0x11: {  	[smem:$0x3FB5] =	sst s9;
	s0 =	simm.s32 @!p0 $0x0  }
0x12: {  	s1 =	sld [smem:$0x3F9B];
	s0 =	simm.s32 @p0 $0x1  }
0x13: {  	[smem:$0x3FB6] =	sst s0;
	s0 =	simm.s32 @!p1 $0x0  }
0x14: {  	s2 =	sld [smem:$0x3F9A];
	s0 =	simm.s32 @p1 $0x1  }
0x15: {  	[smem:$0x3FB7] =	sst s0;
	s0 =	simm.s32 @!p2 $0x0  }
0x16: {  	s3 =	sld [smem:$0x3FDB];
	s0 =	simm.s32 @p2 $0x1  }
0x17: {  	s4 =	simm.s32 $0x1BF5;
	[smem:$0x3FB9] =	sst s0  }
0x18: {  	s0 =	sld [smem:$0x3F9C];
	_ =	swait.ge [sflag:s4], $0x0  }
0x19: {  	s7 =	sld [smem:$0x3F9D]  }
0x1a: {  	s8 =	sadd.s32 $0xFFFFE003, lr  }
0x1b: {  	s9 =	sadd.s32 $0xFFFFFEF7, lr;
	s5 =	simm.s32 $0xFFFFFFFF;
	p2 =	slt.u32 s8, $0xFFFFF086  }
0x1c: {  	p1 =	slt.u32 s9, $0xF7A;
	s5 =	simm.s32 @!p2 $0x0  }
0x1d: {  	s5 =	simm.s32 @p1 $0x1;
	p0 =	seq.s32 s7, s2  }
0x1e: {  	s7 =	smul.u32 @!p0 $0xF7A, s2;
	p2 =	seq.s32 @!p0 s5, $0x0  }
0x1f: {  	s9 =	smul.u32 $0xF7A, s1;
	s8 =	simm.s32 @!p0 $0x1BF5;
	p2 =	por !p2, p0  }
0x20: {  	[sflag:s8] =	ssyncset.s32 @!p0 $0xFFFFF086;
	s6 =	sadd.s32 @!p0 s3, s7;
	s7 =	simm.s32 @!p0 $0x108  }
0x21: {  	s3 =	sadd.s32 s3, s9;
	s6 =	sadd.s32 @!p0 $0x88, s6;
	s7 =	simm.s32 @p2 $0x1082  }
0x22: {  	[simem:s7], [sflag:s8] =	dma.local @!p0 [hbm:s6], $0xF7A  }
0x23: {  	s9 =	sor.u32 $0xD0000000, s2;
	s6 =	simm.s32 $0x108;
	_ =	swait.ge @!p0 [sflag:s8], $0x0  }
0x24: {  	s3 =	sadd.s32 $0x88, s3;
	s6 =	simm.s32 @!p1 $0x1082;
	[sflag:s4] =	ssyncset.s32 $0xFFFFF086  }
0x25: {  	[simem:s6], [sflag:s4] =	dma.local [hbm:s3], $0xF7A  }
0x26: {  	[smem:$0x3F9D] =	sst s1;
	(tag) =	ssettag s2;
	_ =	strace s9  }
0x27: {  	s1 =	sld [smem:$0x3FAD]  }
0x28: {  	s2 =	sld [smem:$0x3FAE]  }
0x29: {  	s4 =	sld [smem:$0x3FB0]  }
0x2a: {  	p0 =	seq.s32 s5, $0x0;
	s5 =	sld [smem:$0x3FB1]  }
0x2b: {  	s6 =	sld [smem:$0x3FB2]  }
0x2c: {  	s7 =	sld [smem:$0x3FB3]  }
0x2d: {  	s3 =	simm.s32 $0x108;
	s8 =	sld [smem:$0x3FB4]  }
0x2e: {  	s3 =	simm.s32 @!p0 $0x1082;
	s9 =	sld [smem:$0x3FB5]  }
0x2f: {  	lr =	sadd.s32 s0, s3;
	s0 =	sld [smem:$0x3FAC]  }
0x30: {  	s3 =	sld [smem:$0x3FAF]  }
0x31: {  	[smem:$0x3FB8] =	sst s10  }
0x32: {  	s10 =	sld [smem:$0x3FB6];
	_ =	sdelay $0x3  }
0x33: {  	p0 =	seq.s32 s10, $0x1;
	s10 =	sld [smem:$0x3FB8];
	_ =	sdelay $0x3  }
0x34: {  	[smem:$0x3FB8] =	sst s10  }
0x35: {  	s10 =	sld [smem:$0x3FB7];
	_ =	sdelay $0x3  }
0x36: {  	p1 =	seq.s32 s10, $0x1;
	s10 =	sld [smem:$0x3FB8];
	_ =	sdelay $0x3  }
0x37: {  	[smem:$0x3FB8] =	sst s10  }
0x38: {  	s10 =	sld [smem:$0x3FB9]  }
0x39: {  	_ = 	snop;
	(pc) =	sbr.ind lr, $3  }
0x3a: {  	_ = 	snop  }
0x3b: {  	_ = 	snop  }
0x3c: {  	p2 =	seq.s32 s10, $0x1;
	s10 =	sld [smem:$0x3FB8]  }
0x3d: {  	_ =	shalt  }
0x3e: {  	_ =	shalt  }
0x3f: {  	_ =	shalt  }
0x40: {  	_ =	shalt  }
0x41: {  	_ =	shalt  }
0x42: {  	_ =	shalt  }
0x43: {  	_ =	shalt  }
0x44: {  	_ =	shalt  }
0x45: {  	_ =	shalt  }
0x46: {  	_ =	shalt  }
0x47: {  	_ =	shalt  }
0x48: {  	_ =	shalt  }
0x49: {  	_ =	shalt  }
0x4a: {  	_ =	shalt  }
0x4b: {  	_ =	shalt  }
0x4c: {  	_ =	shalt  }
0x4d: {  	_ =	shalt  }
0x4e: {  	_ =	shalt  }
0x4f: {  	_ =	shalt  }
0x50: {  	_ =	shalt  }
0x51: {  	_ =	shalt  }
0x52: {  	_ =	shalt  }
0x53: {  	_ =	shalt  }
0x54: {  	_ =	shalt  }
0x55: {  	_ =	shalt  }
0x56: {  	_ =	shalt  }
0x57: {  	_ =	shalt  }
0x58: {  	_ =	shalt  }
0x59: {  	_ =	shalt  }
0x5a: {  	_ =	shalt  }
0x5b: {  	_ =	shalt  }
0x5c: {  	_ =	shalt  }
0x5d: {  	_ =	shalt  }
0x5e: {  	_ =	shalt  }
0x5f: {  	_ =	shalt  }
0x60: {  	_ =	shalt  }
0x61: {  	_ =	shalt  }
0x62: {  	_ =	shalt  }
0x63: {  	_ =	shalt  }
0x64: {  	_ =	shalt  }
0x65: {  	_ =	shalt  }
0x66: {  	_ =	shalt  }
0x67: {  	_ =	shalt  }
0x68: {  	_ =	shalt  }
0x69: {  	_ =	shalt  }
0x6a: {  	_ =	shalt  }
0x6b: {  	_ =	shalt  }
0x6c: {  	_ =	shalt  }
0x6d: {  	_ =	shalt  }
0x6e: {  	_ =	shalt  }
0x6f: {  	_ =	shalt  }
0x70: {  	_ =	shalt  }
0x71: {  	_ =	shalt  }
0x72: {  	_ =	shalt  }
0x73: {  	_ =	shalt  }
0x74: {  	_ =	shalt  }
0x75: {  	_ =	shalt  }
0x76: {  	_ =	shalt  }
0x77: {  	_ =	shalt  }
0x78: {  	_ =	shalt  }
0x79: {  	_ =	shalt  }
0x7a: {  	_ =	shalt  }
0x7b: {  	_ =	shalt  }
0x7c: {  	_ =	shalt  }
0x7d: {  	_ =	shalt  }
0x7e: {  	_ =	shalt  }
0x7f: {  	_ =	shalt  }
0x80: {  	_ =	shalt  }
0x81: {  	_ =	shalt  }
0x82: {  	_ =	shalt  }
0x83: {  	_ =	shalt  }
0x84: {  	_ =	shalt  }
0x85: {  	_ =	shalt  }
0x86: {  	_ =	shalt  }
0x87: {  	_ =	shalt  }
.Lfunc_end0:
.L_simem_size_0:
called_computation_lowered:
.L_overlay_start_0:
0x88: {  	s2 =	sld [smem:$0x3FD9]  }
0x89: {  	s3 =	sld [smem:$0x3FFE];
	_ =	sdelay $0x1  }
0x8a: {  	s1 =	srdreg.scid  }
0x8b: {  	s0 =	sand.u32 $0x1, s1  }
0x8c: {  	s17 =	sshll.u32 s0, $0xA;
	s2 =	sadd.s32 s3, s2  }
0x8d: {  	s2 =	sadd.s32 s2, s17  }
0x8e: {  	[smem:$0x3FC4] =	sst s2  }
0x8f: {  	_ = 	snop  }
0x90: {  	s2 =	sld [smem:$0x3FC9]  }
0x91: {  	s18 =	sld [smem:$0x3FC8]  }
0x92: {  	s4 =	sld [smem:$0x3FD0];
	(tm) =	ssettm $0x1  }
0x93: {  	s5 =	sld [smem:$0x3FFB];
	_ =	sdelay $0x3  }
0x94: {  	_ =	strace s5  }
0x95: {  	s5 =	sld [smem:$0x3FFC];
	_ =	sdelay $0x3  }
0x96: {  	_ =	strace s5  }
0x97: {  	s5 =	sld [smem:$0x3FFD];
	_ =	sdelay $0x3  }
0x98: {  	_ =	strace s5  }
0x99: {  	_ =	strace $0x8FFFFFFF  }
0x9a: {  	s19 =	sld [smem:$0x3FDB];
	_ =	sdelay $0x1  }
0x9b: {  	s6 =	simm.s32 $_scs_section_size  }
0x9c: {  	s7 =	simm.s32 $_size__tile_overlayer_lowered;
	s8 =	simm.s32 $_tile_overlayer_lowered  }
0x9d: {  	s22 =	simm.s32 $0x1BFF;
	s21 =	sshll.u32 s8, $0x1;
	s5 =	sadd.s32 s6, s19  }
0x9e: {  	s9 =	simm.s32 $0x0;
	s20 =	sshll.u32 s7, $0x1;
	s7 =	sadd.s32 s21, s5  }
0x9f: {  	[timem:s9], [sflag:s22] =	dma.local [hbm:s7], s20  }
0xa0: {  	_ =	swait.ge [sflag:s22], s20  }
0xa1: {  	s6 =	ssub.s32 $0x0, s20;
	[sflag:s22] =	ssyncset.done $0x0  }
0xa2: {  	[sflag:s22] =	ssyncadd.s32 s6;
	_ =	sdelay $0x1  }
0xa3: {  	s23 =	simm.s32 $0x1B8B  }
0xa4: {  	_ =	swait.ge [sflag:s23], $0x1  }
0xa5: {  	[sflag:s23] =	ssyncset.done $0x0  }
0xa6: {  	s25 =	simm.s32 $0x1B8E;
	s24 =	sld [smem:$0x3FFE];
	[sflag:s23] =	ssyncadd.s32 $0xFFFFFFFF  }
0xa7: {  	s26 =	simm.s32 $execute0_lowered;
	[smem:$0x3FD2] =	sst s25  }
0xa8: {  	s7 =	sshll.u32 s26, $0x1;
	_ =	strace $0x80000046;
	[dreg:$0x1] =	wrdreg $0xFFFFFFFF  }
0xa9: {  	s28 =	simm.s32 $_size_execute0_lowered;
	s5 =	sadd.s32 s5, s7;
	[dreg:$0x0] =	wrdreg $0x0  }
0xaa: {  	s7 =	sshll.u32 s28, $0x1;
	[dreg:$0x2] =	wrdreg s5  }
0xab: {  	[dreg:$0x3] =	wrdreg s7  }
0xac: {  	[dreg:$0x4] =	wrdreg $0xC0  }
0xad: {  	_ =	task [dreg:s9], $0x5FFFF  }
0xae: {  	[dreg:$0x1] =	wrdreg $0xFFFFFFFF  }
0xaf: {  	[dreg:$0x0] =	wrdreg $0x60  }
0xb0: {  	[dreg:$0x2] =	wrdreg s2  }
0xb1: {  	[dreg:$0x3] =	wrdreg s18  }
0xb2: {  	[dreg:$0x4] =	wrdreg s24  }
0xb3: {  	[dreg:$0x5] =	wrdreg s4  }
0xb4: {  	[dreg:$0x6] =	wrdreg $0x0  }
0xb5: {  	[dreg:$0x7] =	wrdreg $0x9C400  }
0xb6: {  	[dreg:$0x8] =	wrdreg $0x9  }
0xb7: {  	_ =	task.clear_ibuf [dreg:s9], $0x9FFFF;
	_ =	strace $0x90000046  }
0xb8: {  	s29 =	simm.s32 $0x9;
	_ =	strace $0x80000048  }
0xb9: {  	_ =	swait.ge [sflag:s29], $0x1  }
0xba: {  	[sflag:s29] =	ssyncadd.s32 $0xFFFFFFFF  }
0xbb: {  	_ =	strace $0x90000048  }
0xbc: {  	_ =	sfence  }
0xbd: {  	s30 =	sld [smem:$0x0];
	_ =	sdelay $0x2  }
0xbe: {  	s31 =	sshll.u32 s1, $0xD;
	s1 =	sshrl.u32 s1, $0x2  }
0xbf: {  	s3 =	sand.u32 $0x4000, s31;
	s1 =	sadd.s32 s1, s30  }
0xc0: {  	s0 =	sor.u32 s3, s0;
	s1 =	sshll.u32 s1, $0x11  }
0xc1: {  	s0 =	sor.u32 s1, s0  }
0xc2: {  	s0 =	sadd.s32 $0x8F2B, s0  }
0xc3: {  	[sflag:s0] =	ssyncadd.remote.s32 $0x1  }
0xc4: {  	_ =	sfence.sel $0xFFFF  }
0xc5: {  	[dreg:$0x0] =	wrdreg $0xFFFFFFFF;
	(pc) =	sbr.abs _section_cstart, $3  }
0xc6: {  	[dreg:$0x1] =	wrdreg $0xFFFFFFFF  }
0xc7: {  	_ =	task.clear_ibuf [dreg:s9], $0x2FFFF;
	_ =	strace $0x9FFFFFFF  }
0xc8: {  	(tm) =	ssettm $0x7FFFFFFF  }
0xc9: {  	_ =	shalt  }
tec
execute0_lowered:
.L_overlay_start_1:
0x0: {  	(tag) =	ssettag $0x1  }
0x1: {  	s23 =	rddreg [dreg:$0x0]  }
0x2: {  	s1 =	rddreg [dreg:$0x1]  }
0x3: {  	s0 =	rddreg [dreg:$0x2]  }
0x4: {  	s29 =	rddreg [dreg:$0x3]  }
0x5: {  	s4 =	rddreg [dreg:$0x4]  }
0x6: {  	s12 =	rddreg [dreg:$0x5]  }
0x7: {  	s7 =	simm.s32 $0x0;
	s3 =	srdreg.scid;
	s14 =	stileid.u32  }
0x8: {  	s28 =	simm.s32 $0xB;
	s30 =	simm.s32 $0x9;
	s5 =	smul.u32 $0x27100, s14  }
0x9: {  	s31 =	simm.s32 $0x2;
	[smem:$0x7FF] =	sst s7;
	s6 =	smul.u32 $0x9C, s14  }
0xa: {  	s3 =	sand.u32 $0x1, s3;
	s0 =	sadd.s32 $0x600, s0;
	s16 =	smul.u32 $0xA00, s14  }
0xb: {  	s9 =	smin.u32 s14, $0x4;
	s11 =	smul.u32 $0x9C4, s14;
	p0 =	sgt.u32 s14, $0x3  }
0xc: {  	_ =	strace $0x80000047;
	[dreg:$0xa] =	wrdreg s0;
	s15 =	ssub.s32 $0x2, s3  }
0xd: {  	s10 =	sshll.u32 s3, $0x6;
	s8 =	sshrl.u32 s15, $0x1;
	s5 =	sshrl.u32 s5, $0x2  }
0xe: {  	s6 =	sadd.s32 s9, s6;
	s19 =	sshrl.u32 s16, $0x2;
	s0 =	ssub.s32 s15, s8  }
0xf: {  	s26 =	sadd.s32 s5, s4;
	s17 =	sshll.u32 s6, $0xE;
	s16 =	sshll.u32 s6, $0x7  }
0x10: {  	s15 =	sadd.s32 s19, s12;
	s24 =	sshll.u32 s6, $0x4;
	[dreg:$0xe] =	wrdreg s16  }
0x11: {  	s2 =	sadd.s32 $0x1F40, s26;
	s18 =	sadd.s32 $0x3E80, s26;
	[dreg:$0xb] =	wrdreg s26  }
0x12: {  	s13 =	sor.u32 s10, s17;
	s22 =	sadd.s32 $0x4E00, s16;
	[dreg:$0xc] =	wrdreg s2  }
0x13: {  	s5 =	sadd.s32 s1, s24;
	s0 =	smax.u32 s0, $0x1;
	[dreg:$0xd] =	wrdreg s18  }
0x14: {  	s20 =	sshrl.u32 s13, $0x3;
	s25 =	sshll.u32 s22, $0x7;
	s2 =	smul.u32 $0x270000, s14  }
0x15: {  	[dreg:$0x10] =	wrdreg s5;
	s18 =	sshll.u32 s9, $0xE;
	s3 =	sshrl.u32 s22, $0x3  }
0x16: {  	s22 =	smul.u32 $0x4E00, s14;
	[dreg:$0x15] =	wrdreg s0;
	s21 =	sadd.s32 s23, s20  }
0x17: {  	s17 =	sor.u32 s10, s25;
	s3 =	sadd.s32 s1, s3;
	s20 =	sand.u32 $0xFFC0, s11  }
0x18: {  	s25 =	sshll.u32 s9, $0x7;
	s9 =	simm.s32 $0xFEC0;
	[dreg:$0xf] =	wrdreg s21  }
0x19: {  	s5 =	sshrl.u32 s17, $0x3;
	s6 =	sadd.s32 s18, s2;
	[dreg:$0x12] =	wrdreg s3  }
0x1a: {  	s3 =	sshrl.u32 s20, $0x2;
	[dreg:$0x9] =	wrdreg s9;
	s18 =	sadd.s32 $0x5DC0, s26  }
0x1b: {  	s2 =	sadd.s32 s25, s22;
	s20 =	sadd.s32 $0x200, s16;
	[dreg:$0x19] =	wrdreg s18  }
0x1c: {  	s22 =	sadd.s32 $0xFA, s14;
	s25 =	sadd.s32 $0x1F4, s14;
	[dreg:$0x1b] =	wrdreg s20  }
0x1d: {  	v0 =	vlaneseq.u32;
	v1 =	vimm.f32 $0.0e+00;
	v41 =	vimm.f32 $1.000000000e+00;
	s9 =	simm.s32 $0x8;
	s19 =	sadd.s32 s23, s5;
	[dreg:$0x1d] =	wrdreg s22  }
0x1e: {  	v2 =	vor.u32 $0x10, v0;
	v3 =	vor.u32 $0x20, v0;
	v4 =	vor.u32 $0x30, v0;
	s6 =	sor.u32 s10, s6;
	s3 =	sadd.s32 s3, s12;
	[dreg:$0x1f] =	wrdreg s25  }
0x1f: {  	v5 =	vor.u32 $0x40, v0;
	v6 =	vor.u32 $0x50, v0;
	v7 =	vor.u32 $0x60, v0;
	s24 =	sadd.s32 s29, s5;
	s5 =	simm.s32 $0xBEC0;
	[dreg:$0x11] =	wrdreg s19  }
0x20: {  	v8 =	vor.u32 $0x70, v0;
	v9 =	vor.u32 $0x80, v0;
	v10 =	vor.u32 $0x90, v0;
	s11 =	sadd.s32 $0x100, s2;
	s0 =	sadd.s32 $0x200, s2;
	[dreg:$0x13] =	wrdreg s3  }
0x21: {  	v11 =	vor.u32 $0xA0, v0;
	v12 =	vor.u32 $0xB0, v0;
	v13 =	vor.u32 $0xC0, v0;
	s20 =	simm.s32 $0x80;
	s25 =	simm.s32 $0x19FC0;
	[dreg:$0x14] =	wrdreg s24  }
0x22: {  	v14 =	vor.u32 $0xD0, v0;
	v15 =	vor.u32 $0xE0, v0;
	v16 =	vor.u32 $0xF0, v0;
	s18 =	simm.s32 $0x1;
	s21 =	sadd.s32 $0x10000, s6;
	[dreg:$0x8] =	wrdreg s5  }
0x23: {  	v17 =	vor.u32 $0x100, v0;
	v18 =	vor.u32 $0x110, v0;
	v19 =	vor.u32 $0x120, v0;
	s8 =	sadd.s32 $0x8000, s6;
	[dreg:$0x16] =	wrdreg s0;
	s17 =	sshrl.u32 s11, $0x3  }
0x24: {  	v20 =	vor.u32 $0x130, v0;
	v21 =	vor.u32 $0x140, v0;
	v22 =	vor.u32 $0x150, v0;
	s19 =	sadd.s32 $0x7D00, s26;
	s24 =	sadd.s32 $0x177, s14;
	s6 =	simm.s32 $0x19EC0  }
0x25: {  	v23 =	vor.u32 $0x160, v0;
	v24 =	vor.u32 $0x170, v0;
	v25 =	vor.u32 $0x180, v0;
	[dreg:$0x7] =	wrdreg s21;
	s5 =	sshrl.u32 s8, $0x3;
	s0 =	sadd.s32 s17, s1  }
.Ltmp0:
0x26: {  	v26 =	vor.u32 $0x190, v0;
	v27 =	vor.u32 $0x1A0, v0;
	v28 =	vor.u32 $0x1B0, v0;
	[dreg:$0x1a] =	wrdreg s19;
	s21 =	sadd.s32 $0x7D, s14;
	(pc) =	sbr.rel .LBB2_1-.Ltmp0, $4  }
0x27: {  	v29 =	vor.u32 $0x1C0, v0;
	v30 =	vor.u32 $0x1D0, v0;
	v31 =	vor.u32 $0x1E0, v0;
	[dreg:$0x1e] =	wrdreg s24;
	s8 =	simm.s32 $0x40;
	s24 =	simm.s32 $0xDEC0  }
0x28: {  	v32 =	vor.u32 $0x1F0, v0;
	v33 =	vor.u32 $0x200, v0;
	v34 =	vor.u32 $0x210, v0;
	s19 =	simm.s32 $0x3;
	s17 =	simm.s32 $0x1A0C0;
	[dreg:$0x18] =	wrdreg s0  }
0x29: {  	v35 =	vor.u32 $0x220, v0;
	v36 =	vor.u32 $0x230, v0;
	v37 =	vor.u32 $0x240, v0;
	s1 =	simm.s32 $0x0;
	s12 =	sadd.s32 s5, s23;
	[dreg:$0x1c] =	wrdreg s21  }
0x2a: {  	v38 =	vor.u32 $0x250, v0;
	v39 =	vor.u32 $0x260, v0;
	v40 =	vor.u32 $0x270, v0;
	s0 =	simm.s32 $0x4;
	[dreg:$0x17] =	wrdreg s12;
	s12 =	simm.s32 $0x7  }
.LBB2_33:
0x2b: {  	s1 =	sadd.s32 $0x1, s1;
	s3 =	rddreg [dreg:$0x15]  }
0x2c: {  	p1 =	sne.s32 s1, s3  }
.Ltmp1:
0x2d: {  	_ = 	snop;
	(pc) =	sbr.rel @!p1 .LBB2_34-.Ltmp1, $2  }
0x2e: {  	_ =	sdelay $0x2  }
0x2f: {  	s6 =	simm.s32 $0x19EC0  }
.LBB2_1:
0x30: {  	s3 =	rddreg [dreg:$0xa];
	s5 =	simm.s32 $0x1CDC0  }
0x31: {  	[tilespmem:s5], [sflag:$0xB] =	stream.linear.gather [hbm4b:s3+s7], $0x20, $0x38;
	[tilespmem:$0x1CDE0] =	vst v63  }
0x32: {  	_ =	swait.ge [sflag:s28], $0x20  }
0x33: {  	[sflag:s28] =	ssyncset.done $0x0  }
0x34: {  	[sflag:s28] =	ssyncadd.s32 $0xFFFFFFE0  }
0x35: {  	v42 =	vld [tilespmem:$0x1CDC0];
	_ =	sdelay $0x3  }
0x36: {  	s3 =	simm.s32 $0x0;
	v43 =	vld [tilespmem:$0x1CDD0]  }
.LBB2_2:
0x37: {  	p1 =	sne.s32 s3, $0x7C00  }
.Ltmp2:
0x38: {  	s5 =	sshra.s32 s3, $0x2;
	(pc) =	sbr.rel @p1 .LBB2_2-.Ltmp2, $4  }
0x39: {  	[tilespmem:s5+$0x9EC0] =	vst v1  }
0x3a: {  	[tilespmem:s5+$0x9ED0] =	vst v1  }
0x3b: {  	[tilespmem:s5+$0x9EE0] =	vst v1  }
0x3c: {  	s3 =	sadd.s32 $0x100, s3;
	[tilespmem:s5+$0x9EF0] =	vst v1  }
0x3d: {  	s3 =	simm.s32 $0x40;
	s5 =	simm.s32 $0x0  }
.LBB2_4:
0x3e: {  	p1 =	sne.s32 s3, $0x9FC0;
	[tilespmem:s5+$0x1A0C0] =	vst v1;
	s5 =	smov.u32 s3;
	s3 =	sadd.s32 $0x40, s3  }
.Ltmp3:
0x3f: {  	(pc) =	sbr.rel @p1 .LBB2_4-.Ltmp3, $2  }
0x40: {  	_ =	sdelay $0x2  }
0x41: {  	s5 =	sshra.s32 s5, $0x2  }
0x42: {  	[tilespmem:s5+$0x1A0C0] =	vst v1  }
0x43: {  	[tilespmem:$0x1C8C0] =	vst v0  }
0x44: {  	[tilespmem:$0x1C8D0] =	vst v2  }
0x45: {  	[tilespmem:$0x1C8E0] =	vst v3  }
0x46: {  	[tilespmem:$0x1C8F0] =	vst v4  }
0x47: {  	[tilespmem:$0x1C900] =	vst v5  }
0x48: {  	[tilespmem:$0x1C910] =	vst v6  }
0x49: {  	[tilespmem:$0x1C920] =	vst v7  }
0x4a: {  	[tilespmem:$0x1C930] =	vst v8  }
0x4b: {  	[tilespmem:$0x1C940] =	vst v9  }
0x4c: {  	[tilespmem:$0x1C950] =	vst v10  }
0x4d: {  	[tilespmem:$0x1C960] =	vst v11  }
0x4e: {  	[tilespmem:$0x1C970] =	vst v12  }
0x4f: {  	[tilespmem:$0x1C980] =	vst v13  }
0x50: {  	[tilespmem:$0x1C990] =	vst v14  }
0x51: {  	[tilespmem:$0x1C9A0] =	vst v15  }
0x52: {  	[tilespmem:$0x1C9B0] =	vst v16  }
0x53: {  	[tilespmem:$0x1C9C0] =	vst v17  }
0x54: {  	[tilespmem:$0x1C9D0] =	vst v18  }
0x55: {  	[tilespmem:$0x1C9E0] =	vst v19  }
0x56: {  	[tilespmem:$0x1C9F0] =	vst v20  }
0x57: {  	[tilespmem:$0x1CA00] =	vst v21  }
0x58: {  	[tilespmem:$0x1CA10] =	vst v22  }
0x59: {  	[tilespmem:$0x1CA20] =	vst v23  }
0x5a: {  	[tilespmem:$0x1CA30] =	vst v24  }
0x5b: {  	[tilespmem:$0x1CA40] =	vst v25  }
0x5c: {  	[tilespmem:$0x1CA50] =	vst v26  }
0x5d: {  	[tilespmem:$0x1CA60] =	vst v27  }
0x5e: {  	[tilespmem:$0x1CA70] =	vst v28  }
0x5f: {  	[tilespmem:$0x1CA80] =	vst v29  }
0x60: {  	[tilespmem:$0x1CA90] =	vst v30  }
0x61: {  	[tilespmem:$0x1CAA0] =	vst v31  }
0x62: {  	[tilespmem:$0x1CAB0] =	vst v32  }
0x63: {  	[tilespmem:$0x1CAC0] =	vst v33  }
0x64: {  	[tilespmem:$0x1CAD0] =	vst v34  }
0x65: {  	[tilespmem:$0x1CAE0] =	vst v35  }
0x66: {  	[tilespmem:$0x1CAF0] =	vst v36  }
0x67: {  	[tilespmem:$0x1CB00] =	vst v37  }
0x68: {  	[tilespmem:$0x1CB10] =	vst v38  }
0x69: {  	[tilespmem:$0x1CB20] =	vst v39  }
0x6a: {  	[smem:$0x7FD] =	sst s1;
	s3 =	simm.s32 $0x9EC0;
	[tilespmem:$0x1CB30] =	vst v40  }
0x6b: {  	[spmem:s26] =	stream.linear.scatter [tilespmem:s3], [sflag:$0xB], $0x1F40, $0x38;
	[tilespmem:$0x1CDE0] =	vst v63  }
0x6c: {  	_ =	swait.ge [sflag:s28], $0x1F40  }
0x6d: {  	[sflag:s28] =	ssyncset.done $0x0  }
0x6e: {  	s14 =	rddreg [dreg:$0xc];
	[sflag:s28] =	ssyncadd.s32 $0xFFFFE0C0  }
0x6f: {  	[spmem:s14] =	stream.linear.scatter [tilespmem:s3], [sflag:$0xB], $0x1F40, $0x38;
	[tilespmem:$0x1CDE0] =	vst v63  }
0x70: {  	_ =	swait.ge [sflag:s28], $0x1F40  }
0x71: {  	[sflag:s28] =	ssyncset.done $0x0  }
0x72: {  	s16 =	rddreg [dreg:$0xd];
	[sflag:s28] =	ssyncadd.s32 $0xFFFFE0C0  }
0x73: {  	[spmem:s16] =	stream.linear.scatter [tilespmem:s3], [sflag:$0xB], $0x1F40, $0x38;
	[tilespmem:$0x1CDE0] =	vst v63  }
0x74: {  	_ =	swait.ge [sflag:s28], $0x1F40  }
0x75: {  	[sflag:s28] =	ssyncset.done $0x0  }
0x76: {  	s21 =	rddreg [dreg:$0x19];
	[sflag:s28] =	ssyncadd.s32 $0xFFFFE0C0  }
0x77: {  	[spmem:s21] =	stream.linear.scatter [tilespmem:s3], [sflag:$0xB], $0x1F40, $0x38;
	[tilespmem:$0x1CDE0] =	vst v63  }
0x78: {  	_ =	swait.ge [sflag:s28], $0x1F40  }
0x79: {  	[sflag:s28] =	ssyncset.done $0x0  }
0x7a: {  	s22 =	rddreg [dreg:$0x1a];
	[sflag:s28] =	ssyncadd.s32 $0xFFFFE0C0  }
0x7b: {  	[spmem:s22] =	stream.linear.scatter [tilespmem:s3], [sflag:$0xB], $0x1F40, $0x38;
	[tilespmem:$0x1CDE0] =	vst v63  }
0x7c: {  	_ =	swait.ge [sflag:s28], $0x1F40  }
0x7d: {  	[sflag:s28] =	ssyncset.done $0x0  }
0x7e: {  	s5 =	simm.s32 $0x40;
	s26 =	sadd.s32 $0x0, s15;
	[sflag:s28] =	ssyncadd.s32 $0xFFFFE0C0  }
0x7f: {  	[spmem:s26] =	stream.linear.scatter [tilespmem:s3], [sflag:$0xB], $0x10, $0x38;
	[tilespmem:$0x1CDE0] =	vst v63  }
.LBB2_6:
0x80: {  	p1 =	sne.s32 s5, $0x9C0  }
.Ltmp4:
0x81: {  	_ = 	snop;
	(pc) =	sbr.rel @p1 .LBB2_6-.Ltmp4, $4  }
0x82: {  	_ = 	snop  }
0x83: {  	s11 =	sshra.s32 s5, $0x2;
	s5 =	sadd.s32 $0x40, s5  }
0x84: {  	s3 =	sadd.s32 $0x40, s3;
	s11 =	sadd.s32 s11, s15  }
0x85: {  	[spmem:s11] =	stream.linear.scatter [tilespmem:s3], [sflag:$0xB], $0x10, $0x38;
	[tilespmem:$0x1CDE0] =	vst v63  }
0x86: {  	_ =	swait.ge [sflag:s28], $0x280  }
0x87: {  	[sflag:s28] =	ssyncset.done $0x0  }
0x88: {  	[sflag:s28] =	ssyncadd.s32 $0xFFFFFD80  }
0x89: {  	[bflag:$0x0] =	sbarrier.arrive $0xFFFF  }
0x8a: {  	s3 =	rddreg [dreg:$0xf]  }
0x8b: {  	s5 =	rddreg [dreg:$0x10]  }
0x8c: {  	s11 =	rddreg [dreg:$0x18]  }
0x8d: {  	s28 =	simm.s32 $0x9EC0;
	s14 =	rddreg [dreg:$0x17]  }
0x8e: {  	[tilespmem:s28], [sflag:$0x1] =	stream.strided.gather [hbm4b:s3+s8], $0x4000, s20, s8, $0x38;
	[tilespmem:$0x1CDE0] =	vst v63  }
0x8f: {  	s26 =	simm.s32 $0x19F40;
	s16 =	rddreg [dreg:$0x16];
	s3 =	simm.s32 $0x0  }
0x90: {  	[tilespmem:s6], [sflag:$0x3] =	stream.linear.gather [hbm4b:s5+s3], $0x100, $0x38;
	[tilespmem:$0x1CDE0] =	vst v63  }
0x91: {  	s1 =	simm.s32 $0x0;
	s7 =	rddreg [dreg:$0x1];
	s6 =	simm.s32 $0x19EC0  }
.LBB2_8:
0x92: {  	p1 =	seq.s32 s3, $0x0  }
0x93: {  	s5 =	simm.s32 @!p1 $0xA  }
0x94: {  	_ =	swait.ge @!p1 [sflag:s5], $0x2000  }
0x95: {  	[sflag:s5] =	ssyncset.done @!p1 $0x0  }
0x96: {  	[sflag:s5] =	ssyncadd.s32 @!p1 $0xFFFFE000  }
0x97: {  	_ =	swait.ge @!p1 [sflag:s5], $0x2000  }
0x98: {  	[sflag:s5] =	ssyncset.done @!p1 $0x0  }
0x99: {  	[sflag:s5] =	ssyncadd.s32 @!p1 $0xFFFFE000  }
0x9a: {  	[tilespmem:s24], [sflag:$0x2] =	stream.strided.gather [hbm4b:s14+s8], $0x4000, s20, s8, $0x38;
	[tilespmem:$0x1CDE0] =	vst v63  }
0x9b: {  	_ = 	snop  }
0x9c: {  	[tilespmem:s25], [sflag:$0x4] =	stream.linear.gather [hbm4b:s11+s1], $0x100, $0x38;
	[tilespmem:$0x1CDE0] =	vst v63  }
0x9d: {  	_ =	swait.ge [sflag:s18], $0x4000  }
0x9e: {  	[sflag:s18] =	ssyncset.done $0x0  }
0x9f: {  	[sflag:s18] =	ssyncadd.s32 $0xFFFFC000  }
0xa0: {  	_ =	swait.ge [sflag:s19], $0x100  }
0xa1: {  	[sflag:s19] =	ssyncset.done $0x0  }
0xa2: {  	[sflag:s19] =	ssyncadd.s32 $0xFFFFFF00  }
0xa3: {  	[spmem:s4] =	stream.indirect.scatter.add.f32 [tilespmem:s28], [sflag:$0x9], $0x40, s6, s20, $0xb8;
	[tilespmem:$0x1CDE0] =	vst v63  }
0xa4: {  	s21 =	rddreg [dreg:$0x8]  }
0xa5: {  	[spmem:s4] =	stream.indirect.scatter.add.f32 [tilespmem:s21], [sflag:$0x9], $0x40, s26, s20, $0xb8;
	[tilespmem:$0x1CDE0] =	vst v63  }
0xa6: {  	v44 =	vld [tilespmem:$0x19EC0];
	_ =	sdelay $0x7  }
0xa7: {  	[tilespmem:v44+s17+$0x0] =	vst.idx.add.f32.msk $0xffff, v41  }
0xa8: {  	v44 =	vld [tilespmem:$0x19ED0];
	_ =	sdelay $0x7  }
0xa9: {  	[tilespmem:v44+s17+$0x0] =	vst.idx.add.f32.msk $0xffff, v41  }
0xaa: {  	v44 =	vld [tilespmem:$0x19EE0];
	_ =	sdelay $0x7  }
0xab: {  	[tilespmem:v44+s17+$0x0] =	vst.idx.add.f32.msk $0xffff, v41  }
0xac: {  	v44 =	vld [tilespmem:$0x19EF0];
	_ =	sdelay $0x7  }
0xad: {  	[tilespmem:v44+s17+$0x0] =	vst.idx.add.f32.msk $0xffff, v41  }
0xae: {  	v44 =	vld [tilespmem:$0x19F00];
	_ =	sdelay $0x7  }
0xaf: {  	[tilespmem:v44+s17+$0x0] =	vst.idx.add.f32.msk $0xffff, v41  }
0xb0: {  	v44 =	vld [tilespmem:$0x19F10];
	_ =	sdelay $0x7  }
0xb1: {  	[tilespmem:v44+s17+$0x0] =	vst.idx.add.f32.msk $0xffff, v41  }
0xb2: {  	v44 =	vld [tilespmem:$0x19F20];
	_ =	sdelay $0x7  }
0xb3: {  	[tilespmem:v44+s17+$0x0] =	vst.idx.add.f32.msk $0xffff, v41  }
0xb4: {  	v44 =	vld [tilespmem:$0x19F30];
	_ =	sdelay $0x7  }
0xb5: {  	[tilespmem:v44+s17+$0x0] =	vst.idx.add.f32.msk $0xffff, v41  }
0xb6: {  	v44 =	vld [tilespmem:$0x19F40];
	_ =	sdelay $0x7  }
0xb7: {  	[tilespmem:v44+s17+$0x0] =	vst.idx.add.f32.msk $0xffff, v41  }
0xb8: {  	v44 =	vld [tilespmem:$0x19F50];
	_ =	sdelay $0x7  }
0xb9: {  	[tilespmem:v44+s17+$0x0] =	vst.idx.add.f32.msk $0xffff, v41  }
0xba: {  	v44 =	vld [tilespmem:$0x19F60];
	_ =	sdelay $0x7  }
0xbb: {  	[tilespmem:v44+s17+$0x0] =	vst.idx.add.f32.msk $0xffff, v41  }
0xbc: {  	v44 =	vld [tilespmem:$0x19F70];
	_ =	sdelay $0x7  }
0xbd: {  	[tilespmem:v44+s17+$0x0] =	vst.idx.add.f32.msk $0xffff, v41  }
0xbe: {  	v44 =	vld [tilespmem:$0x19F80];
	_ =	sdelay $0x7  }
0xbf: {  	[tilespmem:v44+s17+$0x0] =	vst.idx.add.f32.msk $0xffff, v41  }
0xc0: {  	v44 =	vld [tilespmem:$0x19F90];
	_ =	sdelay $0x7  }
0xc1: {  	[tilespmem:v44+s17+$0x0] =	vst.idx.add.f32.msk $0xffff, v41  }
0xc2: {  	v44 =	vld [tilespmem:$0x19FA0];
	_ =	sdelay $0x7  }
0xc3: {  	[tilespmem:v44+s17+$0x0] =	vst.idx.add.f32.msk $0xffff, v41  }
0xc4: {  	v44 =	vld [tilespmem:$0x19FB0];
	_ =	sdelay $0x7  }
0xc5: {  	[tilespmem:v44+s17+$0x0] =	vst.idx.add.f32.msk $0xffff, v41  }
0xc6: {  	_ =	swait.ge [sflag:s30], $0x2000  }
0xc7: {  	[sflag:s30] =	ssyncset.done $0x0  }
0xc8: {  	[sflag:s30] =	ssyncadd.s32 $0xFFFFE000  }
0xc9: {  	_ =	swait.ge [sflag:s30], $0x2000  }
0xca: {  	p1 =	seq.s32 s3, $0x260000;
	s5 =	rddreg [dreg:$0x7]  }
0xcb: {  	s2 =	smov.u32 s23;
	s22 =	simm.s32 @!p1 $0x80;
	s5 =	sadd.s32 @!p1 s3, s5  }
0xcc: {  	s21 =	simm.s32 @!p1 $0x40;
	[sflag:s30] =	ssyncset.done $0x0;
	s5 =	sshrl.u32 @!p1 s5, $0x3  }
0xcd: {  	[sflag:s30] =	ssyncadd.s32 $0xFFFFE000;
	s5 =	sadd.s32 @!p1 s23, s5;
	s23 =	simm.s32 @!p1 $0x9EC0  }
0xce: {  	[tilespmem:s23], [sflag:$0x1] =	stream.strided.gather @!p1 [hbm4b:s5+s21], $0x4000, s22, s21, $0x38;
	[tilespmem:$0x1CDE0] =	vst v63  }
0xcf: {  	s5 =	sshrl.u32 @!p1 s16, $0x3  }
0xd0: {  	s21 =	simm.s32 @!p1 $0x0;
	s22 =	simm.s32 @!p1 $0x19EC0;
	s5 =	sadd.s32 @!p1 s7, s5  }
0xd1: {  	[tilespmem:s22], [sflag:$0x3] =	stream.linear.gather @!p1 [hbm4b:s5+s21], $0x100, $0x38;
	[tilespmem:$0x1CDE0] =	vst v63  }
0xd2: {  	_ =	swait.ge [sflag:s31], $0x4000  }
0xd3: {  	[sflag:s31] =	ssyncset.done $0x0  }
0xd4: {  	[sflag:s31] =	ssyncadd.s32 $0xFFFFC000  }
0xd5: {  	_ =	swait.ge [sflag:s0], $0x100  }
0xd6: {  	[sflag:s0] =	ssyncset.done $0x0  }
0xd7: {  	[sflag:s0] =	ssyncadd.s32 $0xFFFFFF00  }
0xd8: {  	[spmem:s4] =	stream.indirect.scatter.add.f32 [tilespmem:s24], [sflag:$0xA], $0x40, s25, s20, $0xb8;
	[tilespmem:$0x1CDE0] =	vst v63  }
0xd9: {  	s23 =	simm.s32 $0x1A040;
	s22 =	rddreg [dreg:$0x9]  }
0xda: {  	[spmem:s4] =	stream.indirect.scatter.add.f32 [tilespmem:s22], [sflag:$0xA], $0x40, s23, s20, $0xb8;
	[tilespmem:$0x1CDE0] =	vst v63  }
0xdb: {  	v63 =	vld [tilespmem:$0x19FC0];
	_ =	sdelay $0x7  }
0xdc: {  	[tilespmem:v63+s17+$0x0] =	vst.idx.add.f32.msk $0xffff, v41  }
0xdd: {  	v44 =	vld [tilespmem:$0x19FD0];
	_ =	sdelay $0x7  }
0xde: {  	[tilespmem:v44+s17+$0x0] =	vst.idx.add.f32.msk $0xffff, v41  }
0xdf: {  	v44 =	vld [tilespmem:$0x19FE0];
	_ =	sdelay $0x7  }
0xe0: {  	[tilespmem:v44+s17+$0x0] =	vst.idx.add.f32.msk $0xffff, v41  }
0xe1: {  	v44 =	vld [tilespmem:$0x19FF0];
	_ =	sdelay $0x7  }
0xe2: {  	[tilespmem:v44+s17+$0x0] =	vst.idx.add.f32.msk $0xffff, v41  }
0xe3: {  	v44 =	vld [tilespmem:$0x1A000];
	_ =	sdelay $0x7  }
0xe4: {  	[tilespmem:v44+s17+$0x0] =	vst.idx.add.f32.msk $0xffff, v41  }
0xe5: {  	v44 =	vld [tilespmem:$0x1A010];
	_ =	sdelay $0x7  }
0xe6: {  	[tilespmem:v44+s17+$0x0] =	vst.idx.add.f32.msk $0xffff, v41  }
0xe7: {  	v44 =	vld [tilespmem:$0x1A020];
	_ =	sdelay $0x7  }
0xe8: {  	[tilespmem:v44+s17+$0x0] =	vst.idx.add.f32.msk $0xffff, v41  }
0xe9: {  	v44 =	vld [tilespmem:$0x1A030];
	_ =	sdelay $0x7  }
0xea: {  	[tilespmem:v44+s17+$0x0] =	vst.idx.add.f32.msk $0xffff, v41  }
0xeb: {  	v44 =	vld [tilespmem:$0x1A040];
	_ =	sdelay $0x7  }
0xec: {  	[tilespmem:v44+s17+$0x0] =	vst.idx.add.f32.msk $0xffff, v41  }
0xed: {  	v44 =	vld [tilespmem:$0x1A050];
	_ =	sdelay $0x7  }
0xee: {  	[tilespmem:v44+s17+$0x0] =	vst.idx.add.f32.msk $0xffff, v41  }
0xef: {  	v44 =	vld [tilespmem:$0x1A060];
	_ =	sdelay $0x7  }
0xf0: {  	[tilespmem:v44+s17+$0x0] =	vst.idx.add.f32.msk $0xffff, v41  }
0xf1: {  	v44 =	vld [tilespmem:$0x1A070];
	_ =	sdelay $0x7  }
0xf2: {  	[tilespmem:v44+s17+$0x0] =	vst.idx.add.f32.msk $0xffff, v41  }
0xf3: {  	v44 =	vld [tilespmem:$0x1A080];
	_ =	sdelay $0x7  }
0xf4: {  	[tilespmem:v44+s17+$0x0] =	vst.idx.add.f32.msk $0xffff, v41  }
0xf5: {  	v44 =	vld [tilespmem:$0x1A090];
	_ =	sdelay $0x7  }
0xf6: {  	[tilespmem:v44+s17+$0x0] =	vst.idx.add.f32.msk $0xffff, v41  }
0xf7: {  	v44 =	vld [tilespmem:$0x1A0A0];
	_ =	sdelay $0x7  }
0xf8: {  	[tilespmem:v44+s17+$0x0] =	vst.idx.add.f32.msk $0xffff, v41  }
0xf9: {  	v44 =	vld [tilespmem:$0x1A0B0];
	_ =	sdelay $0x1  }
0xfa: {  	s3 =	sadd.s32 $0x10000, s3  }
0xfb: {  	p1 =	sne.s32 s3, $0x270000  }
.Ltmp5:
0xfc: {  	_ = 	snop;
	(pc) =	sbr.rel @p1 .LBB2_8-.Ltmp5, $3  }
0xfd: {  	_ =	sdelay $0x1  }
0xfe: {  	s14 =	sadd.s32 $0x2000, s14  }
0xff: {  	s11 =	sadd.s32 $0x40, s11;
	s16 =	sadd.s32 $0x200, s16;
	s23 =	smov.u32 s2;
	[tilespmem:v44+s17+$0x0] =	vst.idx.add.f32.msk $0xffff, v41  }
0x100: {  	s3 =	simm.s32 $0xA  }
0x101: {  	_ =	swait.ge [sflag:s3], $0x2000  }
0x102: {  	[sflag:s3] =	ssyncset.done $0x0  }
0x103: {  	[sflag:s3] =	ssyncadd.s32 $0xFFFFE000  }
0x104: {  	_ =	swait.ge [sflag:s3], $0x2000  }
0x105: {  	s5 =	simm.s32 @!p0 $0x80;
	s11 =	simm.s32 @!p0 $0x9EC0;
	[sflag:s3] =	ssyncset.done $0x0  }
0x106: {  	s14 =	rddreg [dreg:$0x11];
	[sflag:s3] =	ssyncadd.s32 $0xFFFFE000;
	s3 =	simm.s32 @!p0 $0x40  }
0x107: {  	[tilespmem:s11], [sflag:$0xB] =	stream.strided.gather @!p0 [hbm4b:s14+s3], $0x2000, s5, s3, $0x38;
	[tilespmem:$0x1CDE0] =	vst v63  }
0x108: {  	s3 =	simm.s32 @!p0 $0xB  }
0x109: {  	_ =	swait.ge @!p0 [sflag:s3], $0x2000  }
0x10a: {  	s16 =	simm.s32 @!p0 $0x19EC0;
	[sflag:s3] =	ssyncset.done @!p0 $0x0  }
0x10b: {  	s14 =	simm.s32 @!p0 $0x0;
	s21 =	rddreg [dreg:$0x12];
	[sflag:s3] =	ssyncadd.s32 @!p0 $0xFFFFE000  }
0x10c: {  	[tilespmem:s16], [sflag:$0xB] =	stream.linear.gather @!p0 [hbm4b:s21+s14], $0x80, $0x38;
	[tilespmem:$0x1CDE0] =	vst v63  }
0x10d: {  	_ =	swait.ge @!p0 [sflag:s3], $0x80  }
0x10e: {  	[sflag:s3] =	ssyncset.done @!p0 $0x0  }
0x10f: {  	[sflag:s3] =	ssyncadd.s32 @!p0 $0xFFFFFF80  }
0x110: {  	[spmem:s4] =	stream.indirect.scatter.add.f32 @!p0 [tilespmem:s11], [sflag:$0xB], $0x40, s16, s5, $0xb8;
	[tilespmem:$0x1CDE0] =	vst v63  }
0x111: {  	_ =	swait.ge @!p0 [sflag:s3], $0x2000  }
0x112: {  	[sflag:s3] =	ssyncset.done @!p0 $0x0  }
0x113: {  	[sflag:s3] =	ssyncadd.s32 @!p0 $0xFFFFE000  }
0x114: {  	v44 =	vld @!p0 [tilespmem:$0x19EC0];
	_ =	sdelay $0x6  }
0x115: {  	v45 =	vimm.f32 @!p0 $1.000000000e+00;
	s3 =	simm.s32 @!p0 $0x1A0C0  }
0x116: {  	[tilespmem:v44+s3+$0x0] =	vst.idx.add.f32.msk @!p0 $0xffff, v45  }
0x117: {  	v44 =	vld @!p0 [tilespmem:$0x19ED0];
	_ =	sdelay $0x7  }
0x118: {  	[tilespmem:v44+s3+$0x0] =	vst.idx.add.f32.msk @!p0 $0xffff, v45  }
0x119: {  	v44 =	vld @!p0 [tilespmem:$0x19EE0];
	_ =	sdelay $0x7  }
0x11a: {  	[tilespmem:v44+s3+$0x0] =	vst.idx.add.f32.msk @!p0 $0xffff, v45  }
0x11b: {  	v44 =	vld @!p0 [tilespmem:$0x19EF0];
	_ =	sdelay $0x7  }
0x11c: {  	[tilespmem:v44+s3+$0x0] =	vst.idx.add.f32.msk @!p0 $0xffff, v45  }
0x11d: {  	v44 =	vld @!p0 [tilespmem:$0x19F00];
	_ =	sdelay $0x7  }
0x11e: {  	[tilespmem:v44+s3+$0x0] =	vst.idx.add.f32.msk @!p0 $0xffff, v45  }
0x11f: {  	v44 =	vld @!p0 [tilespmem:$0x19F10];
	_ =	sdelay $0x7  }
0x120: {  	[tilespmem:v44+s3+$0x0] =	vst.idx.add.f32.msk @!p0 $0xffff, v45  }
0x121: {  	v44 =	vld @!p0 [tilespmem:$0x19F20];
	_ =	sdelay $0x7  }
0x122: {  	[tilespmem:v44+s3+$0x0] =	vst.idx.add.f32.msk @!p0 $0xffff, v45  }
0x123: {  	v44 =	vld @!p0 [tilespmem:$0x19F30];
	_ =	sdelay $0x7  }
0x124: {  	s14 =	simm.s32 $0x1C8C0;
	s5 =	simm.s32 $0xB;
	[tilespmem:v44+s3+$0x0] =	vst.idx.add.f32.msk @!p0 $0xffff, v45;
	s3 =	rddreg [dreg:$0x5]  }
0x125: {  	[spmem:s3] =	stream.indirect.scatter.add.f32 [tilespmem:s17], [sflag:$0xB], $0x10, s14, s20, $0xb8;
	[tilespmem:$0x1CDE0] =	vst v63  }
0x126: {  	_ =	swait.ge [sflag:s5], $0x800  }
0x127: {  	[sflag:s5] =	ssyncset.done $0x0  }
0x128: {  	s6 =	simm.s32 $0x1C940;
	s16 =	simm.s32 $0x1A8C0;
	[sflag:s5] =	ssyncadd.s32 $0xFFFFF800  }
0x129: {  	[spmem:s3] =	stream.indirect.scatter.add.f32 [tilespmem:s16], [sflag:$0xB], $0x10, s6, s20, $0xb8;
	[tilespmem:$0x1CDE0] =	vst v63  }
0x12a: {  	_ =	swait.ge [sflag:s5], $0x800  }
0x12b: {  	[sflag:s5] =	ssyncset.done $0x0  }
0x12c: {  	s26 =	simm.s32 $0x1B0C0;
	s21 =	simm.s32 $0x1C9C0;
	[sflag:s5] =	ssyncadd.s32 $0xFFFFF800  }
0x12d: {  	[spmem:s3] =	stream.indirect.scatter.add.f32 [tilespmem:s26], [sflag:$0xB], $0x10, s21, s20, $0xb8;
	[tilespmem:$0x1CDE0] =	vst v63  }
0x12e: {  	_ =	swait.ge [sflag:s5], $0x800  }
0x12f: {  	[sflag:s5] =	ssyncset.done $0x0  }
0x130: {  	s1 =	simm.s32 $0x1CA40;
	s7 =	simm.s32 $0x1B8C0;
	[sflag:s5] =	ssyncadd.s32 $0xFFFFF800  }
0x131: {  	[spmem:s3] =	stream.indirect.scatter.add.f32 [tilespmem:s7], [sflag:$0xB], $0x10, s1, s20, $0xb8;
	[tilespmem:$0x1CDE0] =	vst v63  }
0x132: {  	_ =	swait.ge [sflag:s5], $0x800  }
0x133: {  	[sflag:s5] =	ssyncset.done $0x0  }
0x134: {  	s14 =	simm.s32 $0x1CAC0;
	s16 =	simm.s32 $0x1C0C0;
	[sflag:s5] =	ssyncadd.s32 $0xFFFFF800  }
0x135: {  	[spmem:s3] =	stream.indirect.scatter.add.f32 [tilespmem:s16], [sflag:$0xB], $0x10, s14, s20, $0xb8;
	[tilespmem:$0x1CDE0] =	vst v63  }
0x136: {  	_ =	swait.ge [sflag:s5], $0x800  }
0x137: {  	[sflag:s5] =	ssyncset.done $0x0  }
0x138: {  	[sflag:s5] =	ssyncadd.s32 $0xFFFFF800  }
0x139: {  	[bflag:$0x0] =	sbarrier.arrive $0xFFFF  }
0x13a: {  	s26 =	simm.s32 $0x1CB40;
	s21 =	rddreg [dreg:$0x13]  }
0x13b: {  	[tilespmem:s26], [sflag:$0xB] =	stream.linear.gather [spmem:s21], $0x280, $0x38;
	[tilespmem:$0x1CDE0] =	vst v63  }
0x13c: {  	_ =	swait.ge [sflag:s5], $0x280  }
0x13d: {  	s22 =	simm.s32 $0x19F40;
	[sflag:s5] =	ssyncset.done $0x0  }
0x13e: {  	s6 =	simm.s32 $0xB;
	s26 =	rddreg [dreg:$0xb];
	[sflag:s5] =	ssyncadd.s32 $0xFFFFFD80  }
0x13f: {  	[tilespmem:s28], [sflag:$0xB] =	stream.linear.gather [spmem:s26], $0x1F40, $0x38;
	[tilespmem:$0x1CDE0] =	vst v63  }
0x140: {  	s11 =	simm.s32 $0x100;
	s3 =	simm.s32 $0x0;
	_ =	swait.ge [sflag:s6], $0x1F40  }
0x141: {  	s21 =	simm.s32 $0x9EC0;
	s28 =	stileid.u32;
	[sflag:s6] =	ssyncset.done $0x0  }
0x142: {  	s5 =	stileid.u32;
	s14 =	sand.u32 $0xF0, s28;
	[sflag:s6] =	ssyncadd.s32 $0xFFFFE0C0  }
.LBB2_10:
0x143: {  	p1 =	sne.s32 s11, $0x7C00;
	v44 =	vld [tilespmem:s14+$0x1CB40];
	_ =	sdelay $0x3  }
0x144: {  	v45 =	vmov s5  }
0x145: {  	v44 =	vperm.xlane v44, v45;
	_ =	sdelay $0x1  }
0x146: {  	v44 =	vmax.f32 v44, $1.000000000e+00  }
0x147: {  	(erf) = vrcp.f32 v44;
	_ =	sdelay $0x3  }
0x148: {  	s16 =	sshra.s32 s3, $0x2;
	s3 =	smov.u32 s11  }
0x149: {  	v44 =	vld [tilespmem:s16+$0x9EC0]  }
0x14a: {  	v45 =	vld [tilespmem:s16+$0x9ED0]  }
0x14b: {  	v46 =	vld [tilespmem:s16+$0x9EE0]  }
0x14c: {  	v47 =	vld [tilespmem:s16+$0x9EF0]  }
0x14d: {  	v48 =	vpop (erf)  }
0x14e: {  	v48 =	vmul.f32 v48, v43;
	_ =	sdelay $0x1  }
0x14f: {  	v44 =	vmul.f32 v48, v44;
	v45 =	vmul.f32 v48, v45  }
.Ltmp6:
0x150: {  	v46 =	vmul.f32 v46, v48;
	v47 =	vmul.f32 v47, v48;
	(pc) =	sbr.rel @p1 .LBB2_10-.Ltmp6, $4  }
0x151: {  	[tilespmem:s16+$0x11EC0] =	vst v44  }
0x152: {  	[tilespmem:s16+$0x11ED0] =	vst v45  }
0x153: {  	s5 =	sadd.s32 $0x1, s5;
	[tilespmem:s16+$0x11EE0] =	vst v46  }
0x154: {  	s11 =	sadd.s32 $0x100, s11;
	s14 =	sand.u32 $0xF0, s5;
	[tilespmem:s16+$0x11EF0] =	vst v47  }
0x155: {  	v44 =	vld [tilespmem:s14+$0x1CB40];
	_ =	sdelay $0x3  }
0x156: {  	v45 =	vmov s5  }
0x157: {  	v44 =	vperm.xlane v44, v45;
	_ =	sdelay $0x1  }
0x158: {  	v44 =	vmax.f32 v44, $1.000000000e+00  }
0x159: {  	(erf) = vrcp.f32 v44;
	_ =	sdelay $0x5  }
0x15a: {  	s3 =	sshra.s32 s3, $0x2  }
0x15b: {  	v61 =	vld [tilespmem:s3+$0x9EC0]  }
0x15c: {  	v62 =	vld [tilespmem:s3+$0x9ED0]  }
0x15d: {  	v46 =	vld [tilespmem:s3+$0x9EE0];
	v47 =	vpop (erf)  }
0x15e: {  	v48 =	vld [tilespmem:s3+$0x9EF0];
	v47 =	vmul.f32 v47, v43;
	_ =	sdelay $0x1  }
0x15f: {  	v44 =	vmul.f32 v47, v61  }
0x160: {  	v45 =	vmul.f32 v47, v62  }
0x161: {  	v46 =	vmul.f32 v46, v47;
	[tilespmem:s3+$0x11EC0] =	vst v44  }
0x162: {  	v63 =	vmul.f32 v48, v47;
	[tilespmem:s3+$0x11ED0] =	vst v45  }
0x163: {  	[tilespmem:s3+$0x11EE0] =	vst v46  }
0x164: {  	s1 =	simm.s32 $0x11EC0;
	[tilespmem:s3+$0x11EF0] =	vst v63  }
0x165: {  	[spmem:s26] =	stream.linear.scatter [tilespmem:s1], [sflag:$0xB], $0x1F40, $0x38;
	[tilespmem:$0x1CDE0] =	vst v63  }
0x166: {  	_ =	swait.ge [sflag:s6], $0x1F40  }
0x167: {  	[sflag:s6] =	ssyncset.done $0x0  }
0x168: {  	s28 =	rddreg [dreg:$0xc];
	[sflag:s6] =	ssyncadd.s32 $0xFFFFE0C0  }
0x169: {  	[tilespmem:s21], [sflag:$0xB] =	stream.linear.gather [spmem:s28], $0x1F40, $0x38;
	[tilespmem:$0x1CDE0] =	vst v63  }
0x16a: {  	s11 =	simm.s32 $0x100;
	_ =	swait.ge [sflag:s6], $0x1F40  }
0x16b: {  	s7 =	simm.s32 $0x0;
	[sflag:s6] =	ssyncset.done $0x0;
	s5 =	rddreg [dreg:$0x1c]  }
0x16c: {  	s3 =	simm.s32 $0x0;
	[sflag:s6] =	ssyncadd.s32 $0xFFFFE0C0;
	s14 =	sand.u32 $0x1F0, s5  }
.LBB2_12:
0x16d: {  	p1 =	sne.s32 s11, $0x7C00;
	v44 =	vld [tilespmem:s14+$0x1CB40];
	_ =	sdelay $0x3  }
0x16e: {  	v45 =	vmov s5  }
0x16f: {  	v44 =	vperm.xlane v44, v45;
	_ =	sdelay $0x1  }
0x170: {  	v44 =	vmax.f32 v44, $1.000000000e+00  }
0x171: {  	(erf) = vrcp.f32 v44;
	_ =	sdelay $0x3  }
0x172: {  	s16 =	sshra.s32 s3, $0x2;
	s3 =	smov.u32 s11  }
0x173: {  	v44 =	vld [tilespmem:s16+$0x9EC0]  }
0x174: {  	v45 =	vld [tilespmem:s16+$0x9ED0]  }
0x175: {  	v46 =	vld [tilespmem:s16+$0x9EE0]  }
0x176: {  	v47 =	vld [tilespmem:s16+$0x9EF0]  }
0x177: {  	v48 =	vpop (erf)  }
0x178: {  	v48 =	vmul.f32 v48, v43;
	_ =	sdelay $0x1  }
0x179: {  	v44 =	vmul.f32 v48, v44;
	v45 =	vmul.f32 v48, v45  }
.Ltmp7:
0x17a: {  	v46 =	vmul.f32 v46, v48;
	v47 =	vmul.f32 v47, v48;
	(pc) =	sbr.rel @p1 .LBB2_12-.Ltmp7, $4  }
0x17b: {  	[tilespmem:s16+$0x11EC0] =	vst v44  }
0x17c: {  	[tilespmem:s16+$0x11ED0] =	vst v45  }
0x17d: {  	s5 =	sadd.s32 $0x1, s5;
	[tilespmem:s16+$0x11EE0] =	vst v46  }
0x17e: {  	s11 =	sadd.s32 $0x100, s11;
	s14 =	sand.u32 $0x1F0, s5;
	[tilespmem:s16+$0x11EF0] =	vst v47  }
0x17f: {  	v44 =	vld [tilespmem:s14+$0x1CB40];
	_ =	sdelay $0x3  }
0x180: {  	v45 =	vmov s5  }
0x181: {  	v44 =	vperm.xlane v44, v45;
	_ =	sdelay $0x1  }
0x182: {  	v44 =	vmax.f32 v44, $1.000000000e+00  }
0x183: {  	(erf) = vrcp.f32 v44;
	_ =	sdelay $0x5  }
0x184: {  	s3 =	sshra.s32 s3, $0x2  }
0x185: {  	v61 =	vld [tilespmem:s3+$0x9EC0]  }
0x186: {  	v62 =	vld [tilespmem:s3+$0x9ED0]  }
0x187: {  	v46 =	vld [tilespmem:s3+$0x9EE0];
	v47 =	vpop (erf)  }
0x188: {  	v48 =	vld [tilespmem:s3+$0x9EF0];
	v47 =	vmul.f32 v47, v43;
	_ =	sdelay $0x1  }
0x189: {  	v44 =	vmul.f32 v47, v61  }
0x18a: {  	v45 =	vmul.f32 v47, v62  }
0x18b: {  	v46 =	vmul.f32 v46, v47;
	[tilespmem:s3+$0x11EC0] =	vst v44  }
0x18c: {  	v63 =	vmul.f32 v48, v47;
	[tilespmem:s3+$0x11ED0] =	vst v45  }
0x18d: {  	[tilespmem:s3+$0x11EE0] =	vst v46  }
0x18e: {  	s1 =	simm.s32 $0x11EC0;
	[tilespmem:s3+$0x11EF0] =	vst v63  }
0x18f: {  	[spmem:s28] =	stream.linear.scatter [tilespmem:s1], [sflag:$0xB], $0x1F40, $0x38;
	[tilespmem:$0x1CDE0] =	vst v63  }
0x190: {  	_ =	swait.ge [sflag:s6], $0x1F40  }
0x191: {  	[sflag:s6] =	ssyncset.done $0x0  }
0x192: {  	s28 =	rddreg [dreg:$0xd];
	[sflag:s6] =	ssyncadd.s32 $0xFFFFE0C0  }
0x193: {  	[tilespmem:s21], [sflag:$0xB] =	stream.linear.gather [spmem:s28], $0x1F40, $0x38;
	[tilespmem:$0x1CDE0] =	vst v63  }
0x194: {  	_ =	swait.ge [sflag:s6], $0x1F40  }
0x195: {  	s11 =	simm.s32 $0x100;
	[sflag:s6] =	ssyncset.done $0x0;
	s5 =	rddreg [dreg:$0x1d]  }
0x196: {  	s3 =	simm.s32 $0x0;
	[sflag:s6] =	ssyncadd.s32 $0xFFFFE0C0;
	s14 =	sand.u32 $0x3F0, s5  }
.LBB2_14:
0x197: {  	p1 =	sne.s32 s11, $0x7C00;
	v44 =	vld [tilespmem:s14+$0x1CB40];
	_ =	sdelay $0x3  }
0x198: {  	v45 =	vmov s5  }
0x199: {  	v44 =	vperm.xlane v44, v45;
	_ =	sdelay $0x1  }
0x19a: {  	v44 =	vmax.f32 v44, $1.000000000e+00  }
0x19b: {  	(erf) = vrcp.f32 v44;
	_ =	sdelay $0x3  }
0x19c: {  	s16 =	sshra.s32 s3, $0x2;
	s3 =	smov.u32 s11  }
0x19d: {  	v44 =	vld [tilespmem:s16+$0x9EC0]  }
0x19e: {  	v45 =	vld [tilespmem:s16+$0x9ED0]  }
0x19f: {  	v46 =	vld [tilespmem:s16+$0x9EE0]  }
0x1a0: {  	v47 =	vld [tilespmem:s16+$0x9EF0]  }
0x1a1: {  	v48 =	vpop (erf)  }
0x1a2: {  	v48 =	vmul.f32 v48, v43;
	_ =	sdelay $0x1  }
0x1a3: {  	v44 =	vmul.f32 v48, v44;
	v45 =	vmul.f32 v48, v45  }
.Ltmp8:
0x1a4: {  	v46 =	vmul.f32 v46, v48;
	v47 =	vmul.f32 v47, v48;
	(pc) =	sbr.rel @p1 .LBB2_14-.Ltmp8, $4  }
0x1a5: {  	[tilespmem:s16+$0x11EC0] =	vst v44  }
0x1a6: {  	[tilespmem:s16+$0x11ED0] =	vst v45  }
0x1a7: {  	s5 =	sadd.s32 $0x1, s5;
	[tilespmem:s16+$0x11EE0] =	vst v46  }
0x1a8: {  	s11 =	sadd.s32 $0x100, s11;
	s14 =	sand.u32 $0x3F0, s5;
	[tilespmem:s16+$0x11EF0] =	vst v47  }
0x1a9: {  	v44 =	vld [tilespmem:s14+$0x1CB40];
	_ =	sdelay $0x3  }
0x1aa: {  	v45 =	vmov s5  }
0x1ab: {  	v44 =	vperm.xlane v44, v45;
	_ =	sdelay $0x1  }
0x1ac: {  	v44 =	vmax.f32 v44, $1.000000000e+00  }
0x1ad: {  	(erf) = vrcp.f32 v44;
	_ =	sdelay $0x5  }
0x1ae: {  	s3 =	sshra.s32 s3, $0x2  }
0x1af: {  	v61 =	vld [tilespmem:s3+$0x9EC0]  }
0x1b0: {  	v62 =	vld [tilespmem:s3+$0x9ED0]  }
0x1b1: {  	v46 =	vld [tilespmem:s3+$0x9EE0];
	v47 =	vpop (erf)  }
0x1b2: {  	v48 =	vld [tilespmem:s3+$0x9EF0];
	v47 =	vmul.f32 v47, v43;
	_ =	sdelay $0x1  }
0x1b3: {  	v44 =	vmul.f32 v47, v61  }
0x1b4: {  	v45 =	vmul.f32 v47, v62  }
0x1b5: {  	v46 =	vmul.f32 v46, v47;
	[tilespmem:s3+$0x11EC0] =	vst v44  }
0x1b6: {  	v63 =	vmul.f32 v48, v47;
	[tilespmem:s3+$0x11ED0] =	vst v45  }
0x1b7: {  	[tilespmem:s3+$0x11EE0] =	vst v46  }
0x1b8: {  	s26 =	rddreg [dreg:$0xd];
	s1 =	simm.s32 $0x11EC0;
	[tilespmem:s3+$0x11EF0] =	vst v63  }
0x1b9: {  	[spmem:s26] =	stream.linear.scatter [tilespmem:s1], [sflag:$0xB], $0x1F40, $0x38;
	[tilespmem:$0x1CDE0] =	vst v63  }
0x1ba: {  	_ =	swait.ge [sflag:s6], $0x1F40  }
0x1bb: {  	[sflag:s6] =	ssyncset.done $0x0  }
0x1bc: {  	s28 =	rddreg [dreg:$0x19];
	[sflag:s6] =	ssyncadd.s32 $0xFFFFE0C0  }
0x1bd: {  	[tilespmem:s21], [sflag:$0xB] =	stream.linear.gather [spmem:s28], $0x1F40, $0x38;
	[tilespmem:$0x1CDE0] =	vst v63  }
0x1be: {  	_ =	swait.ge [sflag:s6], $0x1F40  }
0x1bf: {  	s11 =	simm.s32 $0x100;
	[sflag:s6] =	ssyncset.done $0x0;
	s5 =	rddreg [dreg:$0x1e]  }
0x1c0: {  	s3 =	simm.s32 $0x0;
	[sflag:s6] =	ssyncadd.s32 $0xFFFFE0C0;
	s14 =	sand.u32 $0x3F0, s5  }
.LBB2_16:
0x1c1: {  	p1 =	sne.s32 s11, $0x7C00;
	v44 =	vld [tilespmem:s14+$0x1CB40];
	_ =	sdelay $0x3  }
0x1c2: {  	v45 =	vmov s5  }
0x1c3: {  	v44 =	vperm.xlane v44, v45;
	_ =	sdelay $0x1  }
0x1c4: {  	v44 =	vmax.f32 v44, $1.000000000e+00  }
0x1c5: {  	(erf) = vrcp.f32 v44;
	_ =	sdelay $0x3  }
0x1c6: {  	s16 =	sshra.s32 s3, $0x2;
	s3 =	smov.u32 s11  }
0x1c7: {  	v44 =	vld [tilespmem:s16+$0x9EC0]  }
0x1c8: {  	v45 =	vld [tilespmem:s16+$0x9ED0]  }
0x1c9: {  	v46 =	vld [tilespmem:s16+$0x9EE0]  }
0x1ca: {  	v47 =	vld [tilespmem:s16+$0x9EF0]  }
0x1cb: {  	v48 =	vpop (erf)  }
0x1cc: {  	v48 =	vmul.f32 v48, v43;
	_ =	sdelay $0x1  }
0x1cd: {  	v44 =	vmul.f32 v48, v44;
	v45 =	vmul.f32 v48, v45  }
.Ltmp9:
0x1ce: {  	v46 =	vmul.f32 v46, v48;
	v47 =	vmul.f32 v47, v48;
	(pc) =	sbr.rel @p1 .LBB2_16-.Ltmp9, $4  }
0x1cf: {  	[tilespmem:s16+$0x11EC0] =	vst v44  }
0x1d0: {  	[tilespmem:s16+$0x11ED0] =	vst v45  }
0x1d1: {  	s5 =	sadd.s32 $0x1, s5;
	[tilespmem:s16+$0x11EE0] =	vst v46  }
0x1d2: {  	s11 =	sadd.s32 $0x100, s11;
	s14 =	sand.u32 $0x3F0, s5;
	[tilespmem:s16+$0x11EF0] =	vst v47  }
0x1d3: {  	v44 =	vld [tilespmem:s14+$0x1CB40];
	_ =	sdelay $0x3  }
0x1d4: {  	v45 =	vmov s5  }
0x1d5: {  	v44 =	vperm.xlane v44, v45;
	_ =	sdelay $0x1  }
0x1d6: {  	v44 =	vmax.f32 v44, $1.000000000e+00  }
0x1d7: {  	(erf) = vrcp.f32 v44;
	_ =	sdelay $0x5  }
0x1d8: {  	s3 =	sshra.s32 s3, $0x2  }
0x1d9: {  	v61 =	vld [tilespmem:s3+$0x9EC0]  }
0x1da: {  	v62 =	vld [tilespmem:s3+$0x9ED0]  }
0x1db: {  	v46 =	vld [tilespmem:s3+$0x9EE0];
	v47 =	vpop (erf)  }
0x1dc: {  	v48 =	vld [tilespmem:s3+$0x9EF0];
	v47 =	vmul.f32 v47, v43;
	_ =	sdelay $0x1  }
0x1dd: {  	v44 =	vmul.f32 v47, v61  }
0x1de: {  	v45 =	vmul.f32 v47, v62  }
0x1df: {  	v46 =	vmul.f32 v46, v47;
	[tilespmem:s3+$0x11EC0] =	vst v44  }
0x1e0: {  	v63 =	vmul.f32 v48, v47;
	[tilespmem:s3+$0x11ED0] =	vst v45  }
0x1e1: {  	[tilespmem:s3+$0x11EE0] =	vst v46  }
0x1e2: {  	s26 =	rddreg [dreg:$0x19];
	s1 =	simm.s32 $0x11EC0;
	[tilespmem:s3+$0x11EF0] =	vst v63  }
0x1e3: {  	[spmem:s26] =	stream.linear.scatter [tilespmem:s1], [sflag:$0xB], $0x1F40, $0x38;
	[tilespmem:$0x1CDE0] =	vst v63  }
0x1e4: {  	_ =	swait.ge [sflag:s6], $0x1F40  }
0x1e5: {  	[sflag:s6] =	ssyncset.done $0x0  }
0x1e6: {  	s21 =	simm.s32 $0x9EC0;
	s28 =	rddreg [dreg:$0x1a];
	[sflag:s6] =	ssyncadd.s32 $0xFFFFE0C0  }
0x1e7: {  	[tilespmem:s21], [sflag:$0xB] =	stream.linear.gather [spmem:s28], $0x1F40, $0x38;
	[tilespmem:$0x1CDE0] =	vst v63  }
0x1e8: {  	_ =	swait.ge [sflag:s6], $0x1F40  }
0x1e9: {  	s11 =	simm.s32 $0x100;
	[sflag:s6] =	ssyncset.done $0x0;
	s5 =	rddreg [dreg:$0x1f]  }
0x1ea: {  	s3 =	simm.s32 $0x0;
	[sflag:s6] =	ssyncadd.s32 $0xFFFFE0C0;
	s14 =	sand.u32 $0x7F0, s5  }
.LBB2_18:
0x1eb: {  	p1 =	sne.s32 s11, $0x7C00;
	v44 =	vld [tilespmem:s14+$0x1CB40];
	_ =	sdelay $0x3  }
0x1ec: {  	v45 =	vmov s5  }
0x1ed: {  	v44 =	vperm.xlane v44, v45;
	_ =	sdelay $0x1  }
0x1ee: {  	v44 =	vmax.f32 v44, $1.000000000e+00  }
0x1ef: {  	(erf) = vrcp.f32 v44;
	_ =	sdelay $0x3  }
0x1f0: {  	s16 =	sshra.s32 s3, $0x2;
	s3 =	smov.u32 s11  }
0x1f1: {  	v44 =	vld [tilespmem:s16+$0x9EC0]  }
0x1f2: {  	v45 =	vld [tilespmem:s16+$0x9ED0]  }
0x1f3: {  	v46 =	vld [tilespmem:s16+$0x9EE0]  }
0x1f4: {  	v47 =	vld [tilespmem:s16+$0x9EF0]  }
0x1f5: {  	v48 =	vpop (erf)  }
0x1f6: {  	v48 =	vmul.f32 v48, v43;
	_ =	sdelay $0x1  }
0x1f7: {  	v44 =	vmul.f32 v48, v44;
	v45 =	vmul.f32 v48, v45  }
.Ltmp10:
0x1f8: {  	v46 =	vmul.f32 v46, v48;
	v47 =	vmul.f32 v47, v48;
	(pc) =	sbr.rel @p1 .LBB2_18-.Ltmp10, $4  }
0x1f9: {  	[tilespmem:s16+$0x11EC0] =	vst v44  }
0x1fa: {  	[tilespmem:s16+$0x11ED0] =	vst v45  }
0x1fb: {  	s5 =	sadd.s32 $0x1, s5;
	[tilespmem:s16+$0x11EE0] =	vst v46  }
0x1fc: {  	s11 =	sadd.s32 $0x100, s11;
	s14 =	sand.u32 $0x7F0, s5;
	[tilespmem:s16+$0x11EF0] =	vst v47  }
0x1fd: {  	v44 =	vld [tilespmem:s14+$0x1CB40];
	_ =	sdelay $0x3  }
0x1fe: {  	v45 =	vmov s5  }
0x1ff: {  	v44 =	vperm.xlane v44, v45;
	_ =	sdelay $0x1  }
0x200: {  	v44 =	vmax.f32 v44, $1.000000000e+00  }
0x201: {  	(erf) = vrcp.f32 v44;
	_ =	sdelay $0x5  }
0x202: {  	s3 =	sshra.s32 s3, $0x2  }
0x203: {  	v62 =	vld [tilespmem:s3+$0x9EC0]  }
0x204: {  	v63 =	vld [tilespmem:s3+$0x9ED0]  }
0x205: {  	v46 =	vld [tilespmem:s3+$0x9EE0];
	v47 =	vpop (erf)  }
0x206: {  	v48 =	vld [tilespmem:s3+$0x9EF0];
	v43 =	vmul.f32 v47, v43;
	_ =	sdelay $0x1  }
0x207: {  	v44 =	vmul.f32 v43, v62  }
0x208: {  	v45 =	vmul.f32 v43, v63  }
0x209: {  	v46 =	vmul.f32 v46, v43;
	[tilespmem:s3+$0x11EC0] =	vst v44  }
0x20a: {  	v43 =	vmul.f32 v48, v43;
	[tilespmem:s3+$0x11ED0] =	vst v45  }
0x20b: {  	[tilespmem:s3+$0x11EE0] =	vst v46  }
0x20c: {  	s14 =	rddreg [dreg:$0x1a];
	s11 =	simm.s32 $0x11EC0;
	[tilespmem:s3+$0x11EF0] =	vst v43  }
0x20d: {  	[spmem:s14] =	stream.linear.scatter [tilespmem:s11], [sflag:$0xB], $0x1F40, $0x38;
	[tilespmem:$0x1CDE0] =	vst v63  }
0x20e: {  	_ =	swait.ge [sflag:s6], $0x1F40  }
0x20f: {  	[sflag:s6] =	ssyncset.done $0x0  }
0x210: {  	[sflag:s6] =	ssyncadd.s32 $0xFFFFE0C0  }
0x211: {  	[bflag:$0x0] =	sbarrier.arrive $0xFFFF  }
0x212: {  	s16 =	rddreg [dreg:$0xf]  }
0x213: {  	[tilespmem:s21], [sflag:$0x1] =	stream.strided.gather [hbm4b:s16+s8], $0x4000, s20, s8, $0x38;
	[tilespmem:$0x1CDE0] =	vst v63  }
0x214: {  	s28 =	simm.s32 $0x0;
	s26 =	simm.s32 $0x19EC0;
	s21 =	rddreg [dreg:$0x10]  }
0x215: {  	[tilespmem:s26], [sflag:$0x3] =	stream.linear.gather [hbm4b:s21+s28], $0x100, $0x38;
	[tilespmem:$0x1CDE0] =	vst v63  }
0x216: {  	_ =	swait.ge [sflag:s19], $0x100  }
0x217: {  	[sflag:s19] =	ssyncset.done $0x0  }
0x218: {  	[sflag:s19] =	ssyncadd.s32 $0xFFFFFF00  }
0x219: {  	[tilespmem:s11], [sflag:$0x7] =	stream.indirect.gather [spmem:s4], $0x40, s26, s20, $0xb8;
	[tilespmem:$0x1CDE0] =	vst v63  }
0x21a: {  	s1 =	simm.s32 $0x13EC0;
	s6 =	simm.s32 $0x19EC0;
	s21 =	rddreg [dreg:$0x1]  }
0x21b: {  	[tilespmem:s1], [sflag:$0x7] =	stream.indirect.gather [spmem:s4], $0x40, s22, s20, $0xb8;
	[tilespmem:$0x1CDE0] =	vst v63  }
.LBB2_20:
0x21c: {  	s16 =	sshllo.u32 s28, $0x1  }
0x21d: {  	s5 =	rddreg [dreg:$0xe];
	s3 =	sshll.u32 s16, $0x8  }
0x21e: {  	s3 =	sadd.s32 s5, s3  }
0x21f: {  	s5 =	sshll.u32 s3, $0x7  }
0x220: {  	s5 =	sor.u32 s10, s5  }
0x221: {  	s5 =	sshrl.u32 s5, $0x3  }
0x222: {  	s3 =	sshrl.u32 s3, $0x3;
	s5 =	sadd.s32 s23, s5  }
0x223: {  	[tilespmem:s24], [sflag:$0x2] =	stream.strided.gather [hbm4b:s5+s8], $0x4000, s20, s8, $0x38;
	[tilespmem:$0x1CDE0] =	vst v63  }
0x224: {  	s3 =	sadd.s32 s21, s3  }
0x225: {  	[tilespmem:s25], [sflag:$0x4] =	stream.linear.gather [hbm4b:s3+s7], $0x100, $0x38;
	[tilespmem:$0x1CDE0] =	vst v63  }
0x226: {  	_ =	swait.ge [sflag:s18], $0x4000  }
0x227: {  	[sflag:s18] =	ssyncset.done $0x0  }
0x228: {  	[sflag:s18] =	ssyncadd.s32 $0xFFFFC000  }
0x229: {  	_ =	swait.ge [sflag:s12], $0x2000  }
0x22a: {  	[sflag:s12] =	ssyncset.done $0x0  }
0x22b: {  	[sflag:s12] =	ssyncadd.s32 $0xFFFFE000  }
0x22c: {  	_ =	swait.ge [sflag:s12], $0x2000  }
0x22d: {  	[sflag:s12] =	ssyncset.done $0x0  }
0x22e: {  	s22 =	simm.s32 $0x9F00;
	[sflag:s12] =	ssyncadd.s32 $0xFFFFE000  }
0x22f: {  	v43 =	vld [tilespmem:s22+$0x0]  }
0x230: {  	s11 =	simm.s32 $0x11F00  }
0x231: {  	v44 =	vld [tilespmem:s11+$0x0];
	_ =	sdelay $0x2  }
0x232: {  	v43 =	vmul.f32 v43, v42;
	_ =	sdelay $0x1  }
0x233: {  	v43 =	vadd.f32 v44, v43;
	_ =	sdelay $0x1  }
0x234: {  	v45 =	vld [tilespmem:s22+$0xFFFFFFC0];
	v43 =	vmax.f32 v43, $0.0e+00  }
0x235: {  	v54 =	vld [tilespmem:s11+$0xFFFFFFC0];
	[tilespmem:s11+$0x0] =	vst v43  }
0x236: {  	v56 =	vld [tilespmem:s22+$0x10]  }
0x237: {  	v57 =	vld [tilespmem:s11+$0x10]  }
0x238: {  	s23 =	simm.s32 $0x9F80;
	v46 =	vld [tilespmem:s11+$0xFFFFFFD0]  }
0x239: {  	v58 =	vld [tilespmem:s23+$0x0];
	v55 =	vmul.f32 v45, v42  }
0x23a: {  	s26 =	smov.u32 s29;
	s29 =	simm.s32 $0x11F80;
	v47 =	vld [tilespmem:s11+$0xFFFFFFE0]  }
0x23b: {  	v49 =	vld [tilespmem:s29+$0x0];
	v43 =	vadd.f32 v54, v55;
	v45 =	vmul.f32 v56, v42  }
0x23c: {  	v59 =	vld [tilespmem:s23+$0xFFFFFFC0]  }
0x23d: {  	v50 =	vld [tilespmem:s29+$0xFFFFFFC0];
	v43 =	vmax.f32 v43, $0.0e+00;
	v44 =	vadd.f32 v57, v45  }
0x23e: {  	v62 =	vld [tilespmem:s11+$0x20];
	v51 =	vmul.f32 v58, v42;
	[tilespmem:s11+$0xFFFFFFC0] =	vst v43  }
0x23f: {  	v48 =	vld [tilespmem:s22+$0xFFFFFFD0];
	v44 =	vmax.f32 v44, $0.0e+00  }
0x240: {  	v52 =	vld [tilespmem:s29+$0xFFFFFFD0];
	v49 =	vadd.f32 v49, v51;
	[tilespmem:s11+$0x10] =	vst v44  }
0x241: {  	s3 =	simm.s32 $0xA000;
	v61 =	vld [tilespmem:s22+$0x20]  }
0x242: {  	s14 =	simm.s32 $0x12000;
	v53 =	vld [tilespmem:s3+$0x0];
	v63 =	vmul.f32 v59, v42;
	v49 =	vmax.f32 v49, $0.0e+00  }
0x243: {  	v51 =	vld [tilespmem:s14+$0x10];
	[tilespmem:s29+$0x0] =	vst v49  }
0x244: {  	v56 =	vadd.f32 v50, v63;
	v57 =	vld [tilespmem:s23+$0x10];
	v60 =	vmul.f32 v48, v42  }
0x245: {  	v55 =	vld [tilespmem:s11+$0x30]  }
0x246: {  	v49 =	vmax.f32 v56, $0.0e+00;
	v44 =	vadd.f32 v46, v60;
	v58 =	vmul.f32 v61, v42;
	v61 =	vld [tilespmem:s29+$0x10]  }
0x247: {  	v43 =	vld [tilespmem:s11+$0xFFFFFFF0];
	[tilespmem:s29+$0xFFFFFFC0] =	vst v49  }
0x248: {  	v49 =	vld [tilespmem:s23+$0xFFFFFFD0];
	v44 =	vmax.f32 v44, $0.0e+00  }
0x249: {  	v63 =	vld [tilespmem:s3+$0xFFFFFFC0];
	v50 =	vmul.f32 v57, v42;
	[tilespmem:s11+$0xFFFFFFD0] =	vst v44  }
0x24a: {  	v59 =	vld [tilespmem:s22+$0xFFFFFFE0];
	v46 =	vadd.f32 v62, v58  }
0x24b: {  	v62 =	vld [tilespmem:s14+$0x0];
	v50 =	vadd.f32 v61, v50  }
0x24c: {  	v45 =	vld [tilespmem:s29+$0xFFFFFFE0];
	v46 =	vmax.f32 v46, $0.0e+00  }
0x24d: {  	v60 =	vld [tilespmem:s14+$0xFFFFFFC0];
	v49 =	vmul.f32 v49, v42;
	[tilespmem:s11+$0x20] =	vst v46;
	v50 =	vmax.f32 v50, $0.0e+00  }
0x24e: {  	v53 =	vmul.f32 v53, v42;
	v54 =	vld [tilespmem:s22+$0x30];
	[tilespmem:s29+$0x10] =	vst v50  }
0x24f: {  	v49 =	vadd.f32 v52, v49;
	v48 =	vmul.f32 v59, v42;
	v61 =	vld [tilespmem:s23+$0x20]  }
0x250: {  	v56 =	vld [tilespmem:s29+$0x20];
	v53 =	vadd.f32 v62, v53  }
0x251: {  	v63 =	vmul.f32 v63, v42;
	v44 =	vld [tilespmem:s29+$0xFFFFFFF0];
	v48 =	vadd.f32 v47, v48;
	v62 =	vmax.f32 v49, $0.0e+00  }
0x252: {  	v47 =	vld [tilespmem:s14+$0xFFFFFFE0];
	[tilespmem:s29+$0xFFFFFFD0] =	vst v62;
	v57 =	vmax.f32 v53, $0.0e+00  }
0x253: {  	v59 =	vadd.f32 v60, v63;
	v48 =	vmax.f32 v48, $0.0e+00;
	v60 =	vld [tilespmem:s23+$0xFFFFFFE0];
	[tilespmem:s14+$0x0] =	vst v57;
	v58 =	vmul.f32 v54, v42  }
0x254: {  	[tilespmem:s11+$0xFFFFFFE0] =	vst v48;
	v50 =	vld [tilespmem:s3+$0x10];
	v61 =	vmul.f32 v61, v42  }
0x255: {  	v49 =	vld [tilespmem:s22+$0xFFFFFFF0];
	v62 =	vadd.f32 v55, v58  }
0x256: {  	v46 =	vld [tilespmem:s14+$0xFFFFFFD0];
	v53 =	vmax.f32 v59, $0.0e+00;
	v63 =	vadd.f32 v56, v61  }
0x257: {  	v48 =	vld [tilespmem:s14+$0xFFFFFFF0];
	[tilespmem:s14+$0xFFFFFFC0] =	vst v53;
	v52 =	vmax.f32 v62, $0.0e+00  }
0x258: {  	s21 =	simm.s32 $0x4;
	s5 =	simm.s32 $0xA080;
	s22 =	simm.s32 $0x12000;
	v53 =	vmul.f32 v60, v42;
	[tilespmem:s11+$0x30] =	vst v52;
	v52 =	vld [tilespmem:s3+$0xFFFFFFD0];
	v54 =	vmax.f32 v63, $0.0e+00  }
.LBB2_21:
0x259: {  	v55 =	vld [tilespmem:s5+$0x0];
	s21 =	sadd.s32 $0x2, s21;
	v50 =	vmul.f32 v50, v42;
	[tilespmem:s29+$0x20] =	vst v54  }
0x25a: {  	s14 =	sadd.s32 $0x80, s14;
	p1 =	slt.u32 s21, $0xFE;
	v53 =	vadd.f32 v45, v53;
	v54 =	vld [tilespmem:s23+$0x30];
	v49 =	vmul.f32 v49, v42;
	v45 =	vmov v47  }
0x25b: {  	v47 =	vld [tilespmem:s14+$0x0];
	v50 =	vadd.f32 v51, v50  }
0x25c: {  	v51 =	vmax.f32 v53, $0.0e+00;
	v53 =	vld [tilespmem:s29+$0x30];
	v49 =	vadd.f32 v43, v49;
	v43 =	vmovc v44;
	v44 =	vmov v48  }
0x25d: {  	v48 =	vld [tilespmem:s5+$0xFFFFFFC0];
	v52 =	vmul.f32 v52, v42;
	v50 =	vmax.f32 v50, $0.0e+00;
	[tilespmem:s29+$0xFFFFFFE0] =	vst v51  }
0x25e: {  	v51 =	vld [tilespmem:s14+$0xFFFFFFC0];
	v55 =	vmul.f32 v55, v42;
	[tilespmem:s22+$0x10] =	vst v50;
	v49 =	vmax.f32 v49, $0.0e+00  }
0x25f: {  	v50 =	vadd.f32 v46, v52;
	v52 =	vld [tilespmem:s3+$0x20];
	v54 =	vmul.f32 v54, v42;
	[tilespmem:s11+$0xFFFFFFF0] =	vst v49;
	s11 =	smov.u32 s29;
	s29 =	smov.u32 s22;
	s22 =	smov.u32 s14  }
0x260: {  	v46 =	vld [tilespmem:s14+$0xFFFFFFD0];
	v49 =	vadd.f32 v47, v55  }
0x261: {  	v50 =	vmax.f32 v50, $0.0e+00;
	v55 =	vld [tilespmem:s29+$0x20];
	v53 =	vadd.f32 v53, v54  }
0x262: {  	v48 =	vmul.f32 v48, v42;
	v47 =	vld [tilespmem:s14+$0xFFFFFFE0];
	v49 =	vmax.f32 v49, $0.0e+00;
	[tilespmem:s29+$0xFFFFFFD0] =	vst v50  }
0x263: {  	[tilespmem:s14+$0x0] =	vst v49;
	v54 =	vld [tilespmem:s3+$0xFFFFFFE0];
	v49 =	vmax.f32 v53, $0.0e+00  }
.Ltmp11:
0x264: {  	v48 =	vadd.f32 v51, v48;
	v50 =	vld [tilespmem:s5+$0x10];
	v52 =	vmul.f32 v52, v42;
	[tilespmem:s11+$0x30] =	vst v49;
	(pc) =	sbr.rel @p1 .LBB2_21-.Ltmp11, $4  }
0x265: {  	v49 =	vld [tilespmem:s23+$0xFFFFFFF0];
	s23 =	smov.u32 s3;
	s3 =	smov.u32 s5  }
0x266: {  	v48 =	vmax.f32 v48, $0.0e+00;
	v51 =	vld [tilespmem:s14+$0x10];
	v55 =	vadd.f32 v55, v52  }
0x267: {  	[tilespmem:s14+$0xFFFFFFC0] =	vst v48;
	v48 =	vld [tilespmem:s14+$0xFFFFFFF0]  }
0x268: {  	s5 =	sadd.s32 $0x80, s5;
	v52 =	vld [tilespmem:s3+$0xFFFFFFD0];
	v53 =	vmul.f32 v54, v42;
	v54 =	vmax.f32 v55, $0.0e+00  }
0x269: {  	_ =	sdelay $0x2  }
0x26a: {  	v50 =	vmul.f32 v50, v42  }
0x26b: {  	v52 =	vmul.f32 v52, v42  }
0x26c: {  	v50 =	vadd.f32 v51, v50  }
0x26d: {  	v46 =	vadd.f32 v46, v52  }
0x26e: {  	v50 =	vmax.f32 v50, $0.0e+00  }
0x26f: {  	[tilespmem:s22+$0x10] =	vst v50;
	v46 =	vmax.f32 v46, $0.0e+00  }
0x270: {  	v50 =	vld [tilespmem:s3+$0x20];
	[tilespmem:s22+$0xFFFFFFD0] =	vst v46  }
0x271: {  	v46 =	vld [tilespmem:s3+$0xFFFFFFE0]  }
0x272: {  	v59 =	vld [tilespmem:s22+$0x20];
	_ =	sdelay $0x2  }
0x273: {  	v45 =	vadd.f32 v45, v53;
	v50 =	vmul.f32 v50, v42  }
0x274: {  	v46 =	vmul.f32 v46, v42  }
0x275: {  	v45 =	vmax.f32 v45, $0.0e+00;
	v50 =	vadd.f32 v59, v50  }
0x276: {  	v61 =	vld [tilespmem:s29+$0x30];
	[tilespmem:s29+$0xFFFFFFE0] =	vst v45;
	v46 =	vadd.f32 v47, v46  }
0x277: {  	[tilespmem:s29+$0x20] =	vst v54;
	v63 =	vld [tilespmem:s23+$0xFFFFFFF0];
	v62 =	vmax.f32 v50, $0.0e+00  }
0x278: {  	v60 =	vld [tilespmem:s23+$0x30];
	[tilespmem:s22+$0x20] =	vst v62;
	v55 =	vmax.f32 v46, $0.0e+00  }
0x279: {  	v56 =	vld [tilespmem:s3+$0x30];
	[tilespmem:s22+$0xFFFFFFE0] =	vst v55  }
0x27a: {  	v45 =	vld [tilespmem:s3+$0xFFFFFFF0]  }
0x27b: {  	v57 =	vld [tilespmem:s22+$0x30];
	v49 =	vmul.f32 v49, v42  }
0x27c: {  	v58 =	vmul.f32 v63, v42  }
0x27d: {  	v43 =	vadd.f32 v43, v49;
	v51 =	vmul.f32 v60, v42  }
0x27e: {  	v44 =	vadd.f32 v44, v58;
	v46 =	vmul.f32 v56, v42  }
0x27f: {  	v43 =	vmax.f32 v43, $0.0e+00;
	v47 =	vadd.f32 v61, v51;
	v45 =	vmul.f32 v45, v42  }
0x280: {  	[tilespmem:s11+$0xFFFFFFF0] =	vst v43;
	v60 =	vmax.f32 v44, $0.0e+00;
	v46 =	vadd.f32 v57, v46  }
0x281: {  	s23 =	sshll.u32 s28, $0x10;
	[tilespmem:s29+$0xFFFFFFF0] =	vst v60;
	v59 =	vmax.f32 v47, $0.0e+00;
	v61 =	vadd.f32 v48, v45  }
0x282: {  	[tilespmem:s29+$0x30] =	vst v59;
	s3 =	sadd.s32 s13, s23;
	v62 =	vmax.f32 v46, $0.0e+00  }
0x283: {  	p1 =	sne.s32 s28, $0x0;
	s3 =	sshrl.u32 s3, $0x3;
	[tilespmem:s22+$0x30] =	vst v62;
	v63 =	vmax.f32 v61, $0.0e+00  }
.Ltmp12:
0x284: {  	s1 =	simm.s32 $0x11EC0;
	s3 =	sadd.s32 s26, s3;
	[tilespmem:s22+$0xFFFFFFF0] =	vst v63;
	(pc) =	sbr.rel @!p1 .LBB2_23-.Ltmp12, $4  }
0x285: {  	[hbm4b:s3+s8] =	stream.strided.scatter [tilespmem:s1], [sflag:$0x5], $0x4000, s20, s8, $0x38;
	[tilespmem:$0x1CDE0] =	vst v63  }
0x286: {  	_ =	swait.ge [sflag:s0], $0x100  }
0x287: {  	[sflag:s0] =	ssyncset.done $0x0  }
0x288: {  	s29 =	smov.u32 s26;
	[sflag:s0] =	ssyncadd.s32 $0xFFFFFF00  }
0x289: {  	s1 =	simm.s32 $0x6  }
0x28a: {  	s23 =	simm.s32 $0x15EC0;
	p2 =	seq.s32 s28, $0x26;
	_ =	swait.ge [sflag:s1], $0x4000  }
.Ltmp13:
0x28b: {  	s3 =	simm.s32 $0x1A040;
	[sflag:s1] =	ssyncset.done $0x0;
	(pc) =	sbr.rel @p2 .LBB2_26-.Ltmp13, $4  }
.Ltmp14:
0x28c: {  	s26 =	simm.s32 $0x17EC0;
	[sflag:s1] =	ssyncadd.s32 $0xFFFFC000;
	(pc) =	sbr.rel @!p2 .LBB2_25-.Ltmp14, $4  }
0x28d: {  	[tilespmem:s23], [sflag:$0x8] =	stream.indirect.gather [spmem:s4], $0x40, s25, s20, $0xb8;
	[tilespmem:$0x1CDE0] =	vst v63  }
0x28e: {  	p1 =	por $0x1, $0x1;
	s23 =	smov.u32 s2;
	s21 =	rddreg [dreg:$0x1]  }
0x28f: {  	[tilespmem:s26], [sflag:$0x8] =	stream.indirect.gather [spmem:s4], $0x40, s3, s20, $0xb8;
	[tilespmem:$0x1CDE0] =	vst v63  }
0x290: {  	_ = 	snop  }
.LBB2_23:
0x291: {  	s1 =	simm.s32 $0x15EC0;
	s3 =	simm.s32 $0x1A040  }
0x292: {  	[tilespmem:s1], [sflag:$0x8] =	stream.indirect.gather [spmem:s4], $0x40, s25, s20, $0xb8;
	[tilespmem:$0x1CDE0] =	vst v63  }
0x293: {  	s26 =	simm.s32 $0x17EC0;
	s23 =	smov.u32 s2;
	s21 =	rddreg [dreg:$0x1]  }
0x294: {  	[tilespmem:s26], [sflag:$0x8] =	stream.indirect.gather [spmem:s4], $0x40, s3, s20, $0xb8;
	[tilespmem:$0x1CDE0] =	vst v63  }
.LBB2_25:
0x295: {  	s3 =	sshll.u32 s28, $0x9;
	s5 =	rddreg [dreg:$0x1b]  }
0x296: {  	s3 =	sadd.s32 s3, s5  }
0x297: {  	s5 =	sshll.u32 s3, $0x7  }
0x298: {  	s5 =	sor.u32 s10, s5  }
0x299: {  	s5 =	sshrl.u32 s5, $0x3  }
0x29a: {  	s11 =	simm.s32 $0x9EC0;
	s3 =	sshrl.u32 s3, $0x3;
	s5 =	sadd.s32 s23, s5  }
0x29b: {  	[tilespmem:s11], [sflag:$0x1] =	stream.strided.gather [hbm4b:s5+s8], $0x4000, s20, s8, $0x38;
	[tilespmem:$0x1CDE0] =	vst v63  }
0x29c: {  	p1 =	por $0x0, $0x0;
	s3 =	sadd.s32 s21, s3  }
0x29d: {  	[tilespmem:s6], [sflag:$0x3] =	stream.linear.gather [hbm4b:s3+s7], $0x100, $0x38;
	[tilespmem:$0x1CDE0] =	vst v63  }
.LBB2_26:
0x29e: {  	_ =	swait.ge [sflag:s31], $0x4000  }
0x29f: {  	[sflag:s31] =	ssyncset.done $0x0  }
0x2a0: {  	[sflag:s31] =	ssyncadd.s32 $0xFFFFC000  }
0x2a1: {  	_ =	swait.ge [sflag:s9], $0x2000  }
0x2a2: {  	[sflag:s9] =	ssyncset.done $0x0  }
0x2a3: {  	[sflag:s9] =	ssyncadd.s32 $0xFFFFE000  }
0x2a4: {  	_ =	swait.ge [sflag:s9], $0x2000  }
0x2a5: {  	[sflag:s9] =	ssyncset.done $0x0  }
0x2a6: {  	s3 =	simm.s32 $0x0;
	[sflag:s9] =	ssyncadd.s32 $0xFFFFE000  }
0x2a7: {  	v43 =	vld [tilespmem:s3+$0xDF30]  }
0x2a8: {  	v44 =	vld [tilespmem:s3+$0xDEC0]  }
0x2a9: {  	v45 =	vld [tilespmem:s3+$0x15F30]  }
0x2aa: {  	v46 =	vld [tilespmem:s3+$0xDED0]  }
0x2ab: {  	v47 =	vld [tilespmem:s3+$0xDEE0]  }
0x2ac: {  	v48 =	vld [tilespmem:s3+$0xDEF0]  }
0x2ad: {  	v49 =	vld [tilespmem:s3+$0xDF00]  }
0x2ae: {  	v54 =	vld [tilespmem:s3+$0xDF10]  }
0x2af: {  	v55 =	vld [tilespmem:s3+$0xDF20]  }
0x2b0: {  	v56 =	vld [tilespmem:s3+$0x15EC0];
	v43 =	vmul.f32 v43, v42  }
0x2b1: {  	v53 =	vld [tilespmem:s3+$0x15ED0]  }
0x2b2: {  	v52 =	vld [tilespmem:s3+$0x15EE0];
	v57 =	vmul.f32 v44, v42;
	v43 =	vadd.f32 v45, v43  }
0x2b3: {  	v51 =	vld [tilespmem:s3+$0x15EF0];
	v50 =	vmul.f32 v46, v42;
	v47 =	vmul.f32 v47, v42  }
0x2b4: {  	v46 =	vmul.f32 v48, v42;
	v48 =	vld [tilespmem:s3+$0x15F00];
	v44 =	vmul.f32 v54, v42;
	v43 =	vmax.f32 v43, $0.0e+00  }
0x2b5: {  	s5 =	simm.s32 $0x0;
	s11 =	simm.s32 $0x200;
	v45 =	vmul.f32 v49, v42;
	v54 =	vadd.f32 v56, v57;
	v49 =	vld [tilespmem:s3+$0x15F10];
	[tilespmem:s3+$0x15F30] =	vst v43;
	v43 =	vmul.f32 v55, v42  }
.LBB2_27:
0x2b6: {  	s14 =	sshra.s32 s11, $0x2;
	s5 =	sadd.s32 $0x2, s5;
	v50 =	vadd.f32 v53, v50;
	v53 =	vld [tilespmem:s3+$0x15F20]  }
0x2b7: {  	v55 =	vld [tilespmem:s14+$0xDF30];
	p2 =	slt.u32 s5, $0xFE;
	v54 =	vmax.f32 v54, $0.0e+00;
	v47 =	vadd.f32 v52, v47  }
0x2b8: {  	v52 =	vld [tilespmem:s14+$0xDEC0];
	[tilespmem:s3+$0x15EC0] =	vst v54;
	v50 =	vmax.f32 v50, $0.0e+00;
	v46 =	vadd.f32 v51, v46  }
0x2b9: {  	v51 =	vld [tilespmem:s14+$0x15F30];
	[tilespmem:s3+$0x15ED0] =	vst v50;
	v47 =	vmax.f32 v47, $0.0e+00;
	v45 =	vadd.f32 v48, v45  }
0x2ba: {  	v48 =	vld [tilespmem:s14+$0xDED0];
	[tilespmem:s3+$0x15EE0] =	vst v47;
	v46 =	vmax.f32 v46, $0.0e+00;
	v44 =	vadd.f32 v49, v44  }
0x2bb: {  	v47 =	vld [tilespmem:s14+$0xDEE0];
	[tilespmem:s3+$0x15EF0] =	vst v46;
	v45 =	vmax.f32 v45, $0.0e+00;
	v43 =	vadd.f32 v53, v43  }
0x2bc: {  	v46 =	vld [tilespmem:s14+$0xDEF0];
	v49 =	vmul.f32 v55, v42;
	[tilespmem:s3+$0x15F00] =	vst v45;
	v44 =	vmax.f32 v44, $0.0e+00  }
0x2bd: {  	v54 =	vmul.f32 v52, v42;
	v45 =	vld [tilespmem:s14+$0xDF00];
	[tilespmem:s3+$0x15F10] =	vst v44;
	v43 =	vmax.f32 v43, $0.0e+00  }
0x2be: {  	v44 =	vld [tilespmem:s14+$0xDF10];
	v49 =	vadd.f32 v51, v49;
	[tilespmem:s3+$0x15F20] =	vst v43;
	s3 =	smov.u32 s14  }
0x2bf: {  	v50 =	vmul.f32 v48, v42;
	v43 =	vld [tilespmem:s3+$0xDF20]  }
0x2c0: {  	v55 =	vld [tilespmem:s3+$0x15EC0];
	v47 =	vmul.f32 v47, v42;
	v48 =	vmax.f32 v49, $0.0e+00  }
.Ltmp15:
0x2c1: {  	v53 =	vld [tilespmem:s3+$0x15ED0];
	v46 =	vmul.f32 v46, v42;
	[tilespmem:s3+$0x15F30] =	vst v48;
	(pc) =	sbr.rel @p2 .LBB2_27-.Ltmp15, $4  }
0x2c2: {  	v52 =	vld [tilespmem:s3+$0x15EE0];
	v45 =	vmul.f32 v45, v42  }
0x2c3: {  	v51 =	vld [tilespmem:s3+$0x15EF0];
	v44 =	vmul.f32 v44, v42  }
0x2c4: {  	v48 =	vld [tilespmem:s3+$0x15F00];
	v43 =	vmul.f32 v43, v42  }
0x2c5: {  	s11 =	sadd.s32 $0x200, s11;
	v54 =	vadd.f32 v55, v54;
	v49 =	vld [tilespmem:s3+$0x15F10]  }
0x2c6: {  	v50 =	vadd.f32 v53, v50;
	v63 =	vld [tilespmem:s3+$0x15F20]  }
0x2c7: {  	v54 =	vmax.f32 v54, $0.0e+00;
	v47 =	vadd.f32 v52, v47  }
0x2c8: {  	[tilespmem:s3+$0x15EC0] =	vst v54;
	v50 =	vmax.f32 v50, $0.0e+00;
	v46 =	vadd.f32 v51, v46  }
0x2c9: {  	[tilespmem:s3+$0x15ED0] =	vst v50;
	v47 =	vmax.f32 v47, $0.0e+00;
	v45 =	vadd.f32 v48, v45  }
0x2ca: {  	[tilespmem:s3+$0x15EE0] =	vst v47;
	v46 =	vmax.f32 v46, $0.0e+00;
	v44 =	vadd.f32 v49, v44  }
0x2cb: {  	s5 =	sshll.u32 s16, $0xF;
	[tilespmem:s3+$0x15EF0] =	vst v46;
	v45 =	vmax.f32 v45, $0.0e+00;
	v43 =	vadd.f32 v63, v43  }
0x2cc: {  	s5 =	sadd.s32 s13, s5;
	[tilespmem:s3+$0x15F00] =	vst v45;
	v44 =	vmax.f32 v44, $0.0e+00  }
0x2cd: {  	s5 =	sshrl.u32 s5, $0x3;
	[tilespmem:s3+$0x15F10] =	vst v44;
	v43 =	vmax.f32 v43, $0.0e+00  }
0x2ce: {  	s1 =	simm.s32 $0x15EC0;
	s26 =	sadd.s32 s29, s5;
	[tilespmem:s3+$0x15F20] =	vst v43;
	s3 =	simm.s32 @!p1 $0x3  }
0x2cf: {  	[hbm4b:s26+s8] =	stream.strided.scatter [tilespmem:s1], [sflag:$0x6], $0x4000, s20, s8, $0x38;
	[tilespmem:$0x1CDE0] =	vst v63  }
0x2d0: {  	_ =	swait.ge @!p1 [sflag:s3], $0x100  }
0x2d1: {  	[sflag:s3] =	ssyncset.done @!p1 $0x0  }
0x2d2: {  	[sflag:s3] =	ssyncadd.s32 @!p1 $0xFFFFFF00;
	s3 =	simm.s32 @!p1 $0x5  }
0x2d3: {  	_ =	swait.ge @!p1 [sflag:s3], $0x4000  }
0x2d4: {  	s11 =	simm.s32 @!p1 $0x11EC0;
	[sflag:s3] =	ssyncset.done @!p1 $0x0  }
0x2d5: {  	s5 =	simm.s32 @!p1 $0x19EC0;
	[sflag:s3] =	ssyncadd.s32 @!p1 $0xFFFFC000;
	s3 =	simm.s32 @!p1 $0x80  }
0x2d6: {  	[tilespmem:s11], [sflag:$0x7] =	stream.indirect.gather @!p1 [spmem:s4], $0x40, s5, s3, $0xb8;
	[tilespmem:$0x1CDE0] =	vst v63  }
0x2d7: {  	s28 =	sadd.s32 $0x1, s28;
	s5 =	simm.s32 @!p1 $0x19F40;
	s11 =	simm.s32 @!p1 $0x13EC0  }
0x2d8: {  	[tilespmem:s11], [sflag:$0x7] =	stream.indirect.gather @!p1 [spmem:s4], $0x40, s5, s3, $0xb8;
	[tilespmem:$0x1CDE0] =	vst v63  }
0x2d9: {  	p1 =	sne.s32 s28, $0x27  }
.Ltmp16:
0x2da: {  	_ = 	snop;
	(pc) =	sbr.rel @p1 .LBB2_20-.Ltmp16, $1  }
0x2db: {  	_ =	sdelay $0x3  }
0x2dc: {  	s1 =	simm.s32 $0x5  }
0x2dd: {  	_ =	swait.ge [sflag:s1], $0x4000  }
0x2de: {  	[sflag:s1] =	ssyncset.done $0x0  }
.Ltmp17:
0x2df: {  	s26 =	simm.s32 $0x6;
	[sflag:s1] =	ssyncadd.s32 $0xFFFFC000;
	(pc) =	sbr.rel @p0 .LBB2_33-.Ltmp17, $4  }
0x2e0: {  	_ =	swait.ge [sflag:s26], $0x4000  }
0x2e1: {  	s1 =	sld [smem:$0x7FD]  }
0x2e2: {  	[sflag:s26] =	ssyncset.done $0x0  }
0x2e3: {  	s28 =	simm.s32 $0xB;
	[sflag:s26] =	ssyncadd.s32 $0xFFFFC000;
	s26 =	rddreg [dreg:$0xb]  }
0x2e4: {  	s3 =	rddreg [dreg:$0x11];
	s5 =	simm.s32 $0x9EC0  }
0x2e5: {  	[tilespmem:s5], [sflag:$0xB] =	stream.strided.gather [hbm4b:s3+s8], $0x2000, s20, s8, $0x38;
	[tilespmem:$0x1CDE0] =	vst v63  }
0x2e6: {  	_ =	swait.ge [sflag:s28], $0x2000  }
0x2e7: {  	[sflag:s28] =	ssyncset.done $0x0  }
0x2e8: {  	s23 =	simm.s32 $0x19EC0;
	s22 =	rddreg [dreg:$0x12];
	[sflag:s28] =	ssyncadd.s32 $0xFFFFE000  }
0x2e9: {  	[tilespmem:s23], [sflag:$0xB] =	stream.linear.gather [hbm4b:s22+s7], $0x80, $0x38;
	[tilespmem:$0x1CDE0] =	vst v63  }
0x2ea: {  	_ =	swait.ge [sflag:s28], $0x80  }
0x2eb: {  	[sflag:s28] =	ssyncset.done $0x0  }
0x2ec: {  	s1 =	simm.s32 $0x11EC0;
	[sflag:s28] =	ssyncadd.s32 $0xFFFFFF80  }
0x2ed: {  	[tilespmem:s1], [sflag:$0xB] =	stream.indirect.gather [spmem:s4], $0x40, s23, s20, $0xb8;
	[tilespmem:$0x1CDE0] =	vst v63  }
0x2ee: {  	_ =	swait.ge [sflag:s28], $0x2000  }
0x2ef: {  	[sflag:s28] =	ssyncset.done $0x0  }
0x2f0: {  	s22 =	simm.s32 $0x9F00;
	[sflag:s28] =	ssyncadd.s32 $0xFFFFE000  }
0x2f1: {  	v43 =	vld [tilespmem:s22+$0x0]  }
0x2f2: {  	s11 =	simm.s32 $0x11F00  }
0x2f3: {  	v44 =	vld [tilespmem:s11+$0x0];
	_ =	sdelay $0x2  }
0x2f4: {  	v43 =	vmul.f32 v43, v42;
	_ =	sdelay $0x1  }
0x2f5: {  	v43 =	vadd.f32 v44, v43;
	_ =	sdelay $0x1  }
0x2f6: {  	v45 =	vld [tilespmem:s22+$0xFFFFFFC0];
	v43 =	vmax.f32 v43, $0.0e+00  }
0x2f7: {  	v54 =	vld [tilespmem:s11+$0xFFFFFFC0];
	[tilespmem:s11+$0x0] =	vst v43  }
0x2f8: {  	v56 =	vld [tilespmem:s22+$0x10]  }
0x2f9: {  	v57 =	vld [tilespmem:s11+$0x10]  }
0x2fa: {  	s23 =	simm.s32 $0x9F80;
	v46 =	vld [tilespmem:s11+$0xFFFFFFD0]  }
0x2fb: {  	v58 =	vld [tilespmem:s23+$0x0];
	v55 =	vmul.f32 v45, v42  }
0x2fc: {  	s16 =	simm.s32 $0x11F80;
	v47 =	vld [tilespmem:s11+$0xFFFFFFE0]  }
0x2fd: {  	v49 =	vld [tilespmem:s16+$0x0];
	v43 =	vadd.f32 v54, v55;
	v45 =	vmul.f32 v56, v42  }
0x2fe: {  	v59 =	vld [tilespmem:s23+$0xFFFFFFC0]  }
0x2ff: {  	v50 =	vld [tilespmem:s16+$0xFFFFFFC0];
	v43 =	vmax.f32 v43, $0.0e+00;
	v44 =	vadd.f32 v57, v45  }
0x300: {  	v62 =	vld [tilespmem:s11+$0x20];
	v51 =	vmul.f32 v58, v42;
	[tilespmem:s11+$0xFFFFFFC0] =	vst v43  }
0x301: {  	v48 =	vld [tilespmem:s22+$0xFFFFFFD0];
	v44 =	vmax.f32 v44, $0.0e+00  }
0x302: {  	v52 =	vld [tilespmem:s16+$0xFFFFFFD0];
	v49 =	vadd.f32 v49, v51;
	[tilespmem:s11+$0x10] =	vst v44  }
0x303: {  	s3 =	simm.s32 $0xA000;
	v61 =	vld [tilespmem:s22+$0x20]  }
0x304: {  	s14 =	simm.s32 $0x12000;
	v53 =	vld [tilespmem:s3+$0x0];
	v63 =	vmul.f32 v59, v42;
	v49 =	vmax.f32 v49, $0.0e+00  }
0x305: {  	v51 =	vld [tilespmem:s14+$0x10];
	[tilespmem:s16+$0x0] =	vst v49  }
0x306: {  	v56 =	vadd.f32 v50, v63;
	v57 =	vld [tilespmem:s23+$0x10];
	v60 =	vmul.f32 v48, v42  }
0x307: {  	v55 =	vld [tilespmem:s11+$0x30]  }
0x308: {  	v49 =	vmax.f32 v56, $0.0e+00;
	v44 =	vadd.f32 v46, v60;
	v58 =	vmul.f32 v61, v42;
	v61 =	vld [tilespmem:s16+$0x10]  }
0x309: {  	v43 =	vld [tilespmem:s11+$0xFFFFFFF0];
	[tilespmem:s16+$0xFFFFFFC0] =	vst v49  }
0x30a: {  	v49 =	vld [tilespmem:s23+$0xFFFFFFD0];
	v44 =	vmax.f32 v44, $0.0e+00  }
0x30b: {  	v63 =	vld [tilespmem:s3+$0xFFFFFFC0];
	v50 =	vmul.f32 v57, v42;
	[tilespmem:s11+$0xFFFFFFD0] =	vst v44  }
0x30c: {  	v59 =	vld [tilespmem:s22+$0xFFFFFFE0];
	v46 =	vadd.f32 v62, v58  }
0x30d: {  	v62 =	vld [tilespmem:s14+$0x0];
	v50 =	vadd.f32 v61, v50  }
0x30e: {  	v45 =	vld [tilespmem:s16+$0xFFFFFFE0];
	v46 =	vmax.f32 v46, $0.0e+00  }
0x30f: {  	v60 =	vld [tilespmem:s14+$0xFFFFFFC0];
	v49 =	vmul.f32 v49, v42;
	[tilespmem:s11+$0x20] =	vst v46;
	v50 =	vmax.f32 v50, $0.0e+00  }
0x310: {  	v53 =	vmul.f32 v53, v42;
	v54 =	vld [tilespmem:s22+$0x30];
	[tilespmem:s16+$0x10] =	vst v50  }
0x311: {  	v49 =	vadd.f32 v52, v49;
	v48 =	vmul.f32 v59, v42;
	v61 =	vld [tilespmem:s23+$0x20]  }
0x312: {  	v56 =	vld [tilespmem:s16+$0x20];
	v53 =	vadd.f32 v62, v53  }
0x313: {  	v63 =	vmul.f32 v63, v42;
	v44 =	vld [tilespmem:s16+$0xFFFFFFF0];
	v48 =	vadd.f32 v47, v48;
	v62 =	vmax.f32 v49, $0.0e+00  }
0x314: {  	v47 =	vld [tilespmem:s14+$0xFFFFFFE0];
	[tilespmem:s16+$0xFFFFFFD0] =	vst v62;
	v57 =	vmax.f32 v53, $0.0e+00  }
0x315: {  	v59 =	vadd.f32 v60, v63;
	v48 =	vmax.f32 v48, $0.0e+00;
	v60 =	vld [tilespmem:s23+$0xFFFFFFE0];
	[tilespmem:s14+$0x0] =	vst v57;
	v58 =	vmul.f32 v54, v42  }
0x316: {  	[tilespmem:s11+$0xFFFFFFE0] =	vst v48;
	v50 =	vld [tilespmem:s3+$0x10];
	v61 =	vmul.f32 v61, v42  }
0x317: {  	v49 =	vld [tilespmem:s22+$0xFFFFFFF0];
	v62 =	vadd.f32 v55, v58  }
0x318: {  	v46 =	vld [tilespmem:s14+$0xFFFFFFD0];
	v53 =	vmax.f32 v59, $0.0e+00;
	v63 =	vadd.f32 v56, v61  }
0x319: {  	v48 =	vld [tilespmem:s14+$0xFFFFFFF0];
	[tilespmem:s14+$0xFFFFFFC0] =	vst v53;
	v52 =	vmax.f32 v62, $0.0e+00  }
0x31a: {  	s21 =	simm.s32 $0x4;
	s5 =	simm.s32 $0xA080;
	s22 =	simm.s32 $0x12000;
	v53 =	vmul.f32 v60, v42;
	[tilespmem:s11+$0x30] =	vst v52;
	v52 =	vld [tilespmem:s3+$0xFFFFFFD0];
	v54 =	vmax.f32 v63, $0.0e+00  }
.LBB2_31:
0x31b: {  	v55 =	vld [tilespmem:s5+$0x0];
	s21 =	sadd.s32 $0x2, s21;
	v50 =	vmul.f32 v50, v42;
	[tilespmem:s16+$0x20] =	vst v54  }
0x31c: {  	s14 =	sadd.s32 $0x80, s14;
	p1 =	slt.u32 s21, $0x7E;
	v53 =	vadd.f32 v45, v53;
	v54 =	vld [tilespmem:s23+$0x30];
	v49 =	vmul.f32 v49, v42;
	v45 =	vmov v47  }
0x31d: {  	v47 =	vld [tilespmem:s14+$0x0];
	v50 =	vadd.f32 v51, v50  }
0x31e: {  	v51 =	vmax.f32 v53, $0.0e+00;
	v53 =	vld [tilespmem:s16+$0x30];
	v49 =	vadd.f32 v43, v49;
	v43 =	vmovc v44;
	v44 =	vmov v48  }
0x31f: {  	v48 =	vld [tilespmem:s5+$0xFFFFFFC0];
	v52 =	vmul.f32 v52, v42;
	v50 =	vmax.f32 v50, $0.0e+00;
	[tilespmem:s16+$0xFFFFFFE0] =	vst v51  }
0x320: {  	v51 =	vld [tilespmem:s14+$0xFFFFFFC0];
	v55 =	vmul.f32 v55, v42;
	[tilespmem:s22+$0x10] =	vst v50;
	v49 =	vmax.f32 v49, $0.0e+00  }
0x321: {  	v50 =	vadd.f32 v46, v52;
	v52 =	vld [tilespmem:s3+$0x20];
	v54 =	vmul.f32 v54, v42;
	[tilespmem:s11+$0xFFFFFFF0] =	vst v49;
	s11 =	smov.u32 s16;
	s16 =	smov.u32 s22;
	s22 =	smov.u32 s14  }
0x322: {  	v46 =	vld [tilespmem:s14+$0xFFFFFFD0];
	v49 =	vadd.f32 v47, v55  }
0x323: {  	v50 =	vmax.f32 v50, $0.0e+00;
	v55 =	vld [tilespmem:s16+$0x20];
	v53 =	vadd.f32 v53, v54  }
0x324: {  	v48 =	vmul.f32 v48, v42;
	v47 =	vld [tilespmem:s14+$0xFFFFFFE0];
	v49 =	vmax.f32 v49, $0.0e+00;
	[tilespmem:s16+$0xFFFFFFD0] =	vst v50  }
0x325: {  	[tilespmem:s14+$0x0] =	vst v49;
	v54 =	vld [tilespmem:s3+$0xFFFFFFE0];
	v49 =	vmax.f32 v53, $0.0e+00  }
.Ltmp18:
0x326: {  	v48 =	vadd.f32 v51, v48;
	v50 =	vld [tilespmem:s5+$0x10];
	v52 =	vmul.f32 v52, v42;
	[tilespmem:s11+$0x30] =	vst v49;
	(pc) =	sbr.rel @p1 .LBB2_31-.Ltmp18, $4  }
0x327: {  	v49 =	vld [tilespmem:s23+$0xFFFFFFF0];
	s23 =	smov.u32 s3;
	s3 =	smov.u32 s5  }
0x328: {  	v48 =	vmax.f32 v48, $0.0e+00;
	v51 =	vld [tilespmem:s14+$0x10];
	v55 =	vadd.f32 v55, v52  }
0x329: {  	[tilespmem:s14+$0xFFFFFFC0] =	vst v48;
	v48 =	vld [tilespmem:s14+$0xFFFFFFF0]  }
0x32a: {  	s5 =	sadd.s32 $0x80, s5;
	v52 =	vld [tilespmem:s3+$0xFFFFFFD0];
	v53 =	vmul.f32 v54, v42;
	v54 =	vmax.f32 v55, $0.0e+00  }
0x32b: {  	_ =	sdelay $0x2  }
0x32c: {  	v50 =	vmul.f32 v50, v42  }
0x32d: {  	v52 =	vmul.f32 v52, v42  }
0x32e: {  	v50 =	vadd.f32 v51, v50  }
0x32f: {  	v46 =	vadd.f32 v46, v52  }
0x330: {  	v50 =	vmax.f32 v50, $0.0e+00  }
0x331: {  	[tilespmem:s22+$0x10] =	vst v50;
	v46 =	vmax.f32 v46, $0.0e+00  }
0x332: {  	v50 =	vld [tilespmem:s3+$0x20];
	[tilespmem:s22+$0xFFFFFFD0] =	vst v46  }
0x333: {  	v46 =	vld [tilespmem:s3+$0xFFFFFFE0]  }
0x334: {  	v59 =	vld [tilespmem:s22+$0x20];
	_ =	sdelay $0x2  }
0x335: {  	v45 =	vadd.f32 v45, v53;
	v50 =	vmul.f32 v50, v42  }
0x336: {  	v46 =	vmul.f32 v46, v42  }
0x337: {  	v45 =	vmax.f32 v45, $0.0e+00;
	v50 =	vadd.f32 v59, v50  }
0x338: {  	v61 =	vld [tilespmem:s16+$0x30];
	[tilespmem:s16+$0xFFFFFFE0] =	vst v45;
	v46 =	vadd.f32 v47, v46  }
0x339: {  	[tilespmem:s16+$0x20] =	vst v54;
	v63 =	vld [tilespmem:s23+$0xFFFFFFF0];
	v62 =	vmax.f32 v50, $0.0e+00  }
0x33a: {  	v60 =	vld [tilespmem:s23+$0x30];
	[tilespmem:s22+$0x20] =	vst v62;
	v55 =	vmax.f32 v46, $0.0e+00  }
0x33b: {  	v56 =	vld [tilespmem:s3+$0x30];
	[tilespmem:s22+$0xFFFFFFE0] =	vst v55  }
0x33c: {  	v45 =	vld [tilespmem:s3+$0xFFFFFFF0]  }
0x33d: {  	v57 =	vld [tilespmem:s22+$0x30];
	v49 =	vmul.f32 v49, v42  }
0x33e: {  	v58 =	vmul.f32 v63, v42  }
0x33f: {  	v43 =	vadd.f32 v43, v49;
	v51 =	vmul.f32 v60, v42  }
0x340: {  	v44 =	vadd.f32 v44, v58;
	v46 =	vmul.f32 v56, v42  }
0x341: {  	v43 =	vmax.f32 v43, $0.0e+00;
	v47 =	vadd.f32 v61, v51;
	v59 =	vmul.f32 v45, v42  }
0x342: {  	[tilespmem:s11+$0xFFFFFFF0] =	vst v43;
	v62 =	vmax.f32 v44, $0.0e+00;
	v61 =	vadd.f32 v57, v46  }
0x343: {  	[tilespmem:s16+$0xFFFFFFF0] =	vst v62;
	v60 =	vmax.f32 v47, $0.0e+00;
	v42 =	vadd.f32 v48, v59  }
0x344: {  	[tilespmem:s16+$0x30] =	vst v60;
	v63 =	vmax.f32 v61, $0.0e+00  }
0x345: {  	[tilespmem:s22+$0x30] =	vst v63;
	v42 =	vmax.f32 v42, $0.0e+00  }
0x346: {  	[tilespmem:s22+$0xFFFFFFF0] =	vst v42  }
0x347: {  	s1 =	simm.s32 $0x11EC0;
	s23 =	rddreg [dreg:$0x14]  }
0x348: {  	[hbm4b:s23+s8] =	stream.strided.scatter [tilespmem:s1], [sflag:$0xB], $0x2000, s20, s8, $0x38;
	[tilespmem:$0x1CDE0] =	vst v63  }
.Ltmp19:
0x349: {  	_ = 	snop;
	(pc) =	sbr.rel .LBB2_33-.Ltmp19, $4  }
0x34a: {  	_ =	swait.ge [sflag:s28], $0x2000  }
0x34b: {  	s1 =	sld [smem:$0x7FD]  }
0x34c: {  	[sflag:s28] =	ssyncset.done $0x0  }
0x34d: {  	s23 =	smov.u32 s2;
	[sflag:s28] =	ssyncadd.s32 $0xFFFFE000  }
.LBB2_34:
0x34e: {  	_ =	sfence.sel $0x180000  }
0x34f: {  	[bflag:$0x0] =	sbarrier.arrive $0xFFFF  }
0x350: {  	_ =	strace $0x90000047  }
0x351: {  	s0 =	stileid.u32;
	[bflag:$0x2] =	sbarrier.arrive $0xFFFF  }
0x352: {  	p0 =	sne.s32 s0, $0x0;
	s0 =	rddreg [dreg:$0x6]  }
0x353: {  	s0 =	sadd.s32 @!p0 $0x100000, s0  }
0x354: {  	[sflag:s0] =	ssyncadd.tile.s32 @!p0 $0x1;
	_ =	shalt  }
.Lfunc_end2:
_tile_overlayer_lowered:
.L_overlay_start_2:
0x355: {  	(tag) =	ssettag $0x2  }
0x356: {  	s0 =	rddreg [dreg:$0x0];
	s2 =	stileid.u32  }
0x357: {  	s1 =	rddreg [dreg:$0x1];
	p0 =	sne.s32 s2, $0x0  }
0x358: {  	s3 =	rddreg [dreg:$0x2];
	[bflag:$0x3] =	sbarrier.arrive $0xFFFF;
	s2 =	simm.s32 @!p0 $0x1C0B  }
0x359: {  	[timem:s3], [sflag:s2] =	dma.local @!p0 [hbm:s0], s1  }
0x35a: {  	s0 =	simm.s32 @!p0 $0xB  }
0x35b: {  	_ =	swait.ge @!p0 [sflag:s0], s1  }
0x35c: {  	s1 =	ssub.s32 @!p0 $0x0, s1;
	[sflag:s0] =	ssyncset.done @!p0 $0x0  }
0x35d: {  	[sflag:s0] =	ssyncadd.s32 @!p0 s1  }
0x35e: {  	[bflag:$0x3] =	sbarrier.arrive $0xFFFF  }
0x35f: {  	_ =	shalt  }

</sc_bundles>
